<compile_context>
chip_gen: v7x
topology: tpu7x:2x2x1
jax: 0.10.2.dev20260603
libtpu: 0.0.44.dev20260713+nightly
codegen_flags: <defaults>
</compile_context>

<pallas_src>
import functools

import jax
import jax.numpy as jnp
from jax import lax
from jax.experimental import pallas as pl
from jax.experimental.pallas import tpu as pltpu
from jax.experimental.pallas import tpu_sc as plsc

N = 10242
M = 40962
K = 8
B = 64

NC = 2
NS = 16
NW = NC * NS

RB = 16
RPT = M // NW
NBLK = RPT // RB
NH = NBLK // 2
TAIL = M - NW * RPT


def _weighted_rows(w_vec, gbuf, obuf, grow0, orow0):
    for r in range(2):
        acc = [jnp.zeros((16,), jnp.float32) for _ in range(B // 16)]
        for k in range(K):
            ws = w_vec[r * K + k]
            for bb in range(B // 16):
                acc[bb] = acc[bb] + gbuf[
                    grow0 + r * K + k, pl.ds(bb * 16, 16)
                ] * ws
        for bb in range(B // 16):
            obuf[pl.ds((orow0 + r) * B + bb * 16, 16)] = acc[bb]


def _sc_body(
    ft_hbm, idxf_hbm, wf_hbm, out_hbm, tbl_sh, idx_all, w_all, g0, g1, o_all,
    tail_v, sem0, sem1
):
    c = lax.axis_index("c")
    s = lax.axis_index("s")
    wid = s * NC + c
    base = wid * RPT

    shard = N // NS
    rem = N - shard * NS

    @pl.when(s < NS - 1)
    def _():
        pltpu.sync_copy(
            ft_hbm.at[pl.ds(s * shard, shard)], tbl_sh.at[pl.ds(s * shard, shard)]
        )

    @pl.when(s == NS - 1)
    def _():
        pltpu.sync_copy(
            ft_hbm.at[pl.ds((NS - 1) * shard, shard + rem)],
            tbl_sh.at[pl.ds((NS - 1) * shard, shard + rem)],
        )

    pltpu.sync_copy(idxf_hbm.at[pl.ds(base * K, RPT * K)], idx_all)
    pltpu.sync_copy(wf_hbm.at[pl.ds(base * K, RPT * K)], w_all)

    plsc.subcore_barrier()

    def gather(i, buf, sem):
        pltpu.async_copy(
            tbl_sh.at[idx_all.at[pl.ds(i * (RB * K), RB * K)]], buf, sem
        )

    def drain(i, buf, sem):
        pltpu.make_async_copy(
            tbl_sh.at[idx_all.at[pl.ds(i * (RB * K), RB * K)]], buf, sem
        ).wait()

    def compute(i, buf, half):
        def pair(p, carry2):
            wp = w_all[pl.ds(i * (RB * K) + p * 16, 16)]
            _weighted_rows(wp, buf, o_all, p * 16, (i - half * NH) * RB + p * 2)
            return carry2

        lax.fori_loop(0, RB // 2, pair, 0)

    for half in range(2):
        gather(half * NH, g0, sem0)

        def block2(j, carry, half=half):
            b0 = half * NH + j * 2
            gather(b0 + 1, g1, sem1)
            drain(b0, g0, sem0)
            compute(b0, g0, half)

            @pl.when(j < NH // 2 - 1)
            def _():
                gather(b0 + 2, g0, sem0)

            drain(b0 + 1, g1, sem1)
            compute(b0 + 1, g1, half)
            return carry

        lax.fori_loop(0, NH // 2, block2, 0)
        pltpu.sync_copy(
            o_all,
            out_hbm.at[pl.ds((base + half * (NH * RB)) * B, NH * RB * B)],
        )

    @pl.when(wid == NW - 1)
    def _():
        pltpu.sync_copy(idxf_hbm.at[pl.ds(NW * RPT * K, 16)], tail_v)
        pltpu.async_copy(
            tbl_sh.at[tail_v.at[pl.ds(0, TAIL * K)]],
            g0.at[pl.ds(0, TAIL * K)],
            sem0,
        ).wait()
        pltpu.sync_copy(wf_hbm.at[pl.ds(NW * RPT * K, 16)], w_all.at[pl.ds(0, 16)])
        wt = w_all[pl.ds(0, 16)]
        _weighted_rows(wt, g0, o_all, 0, 0)
        pltpu.sync_copy(
            o_all.at[pl.ds(0, TAIL * B)],
            out_hbm.at[pl.ds(NW * RPT * B, TAIL * B)],
        )


@jax.jit
def _sc_interp(ft, idx_flat, w_flat):
    mesh = plsc.VectorSubcoreMesh(core_axis_name="c", subcore_axis_name="s")
    return pl.kernel(
        _sc_body,
        out_type=jax.ShapeDtypeStruct((M * B,), jnp.float32),
        mesh=mesh,
        compiler_params=pltpu.CompilerParams(use_tc_tiling_on_sc=False),
        scratch_types=[
            pltpu.VMEM_SHARED((N, B), jnp.float32),
            pltpu.VMEM((RPT * K,), jnp.int32),
            pltpu.VMEM((RPT * K,), jnp.float32),
            pltpu.VMEM((RB * K, B), jnp.float32),
            pltpu.VMEM((RB * K, B), jnp.float32),
            pltpu.VMEM((NH * RB * B,), jnp.float32),
            pltpu.VMEM((16,), jnp.int32),
            pltpu.SemaphoreType.DMA,
            pltpu.SemaphoreType.DMA,
        ],
    )(ft, idx_flat, w_flat)


def kernel(f_values, indexes, weights):
    ft = f_values.T
    idx_flat = indexes.astype(jnp.int32).reshape(-1)
    w_flat = weights.reshape(-1)
    return _sc_interp(ft, idx_flat, w_flat).reshape(M, B)

# --- scband reference (transcript-rebuilt; emitter-appended) ---
"""Pipeline reference for scband-nearest-neighbors-interpolator-28724741275996 (READ-ONLY COPY).

The authoritative reference and input builder live on the scoring server;
editing this copy changes nothing except your own understanding.
"""

import jax, jax.numpy as jnp
import numpy as np

N = 10242
M = 40962
K = 8
B = 64

def setup_inputs(seed: int = 0) -> dict:
    key = jax.random.key(seed)
    k1, k2, k3 = jax.random.split(key, 3)
    f_values = jax.random.normal(k1, (B, N), dtype=jnp.float32)
    # BallTree kNN precompute abstracted: random neighbor indexes into the base mesh
    indexes = jax.random.randint(k2, (M, K), 0, N)
    # haversine distances, sorted ascending as a kNN query would return
    dists = jnp.sort(jax.random.uniform(k3, (M, K), minval=1e-4, maxval=0.2, dtype=jnp.float32), axis=-1)
    dists = jnp.clip(dists, 1e-9, None)
    # 'linear' RBF kernel: 1/(r + 1e-8*eps), eps=1, then normalize per row
    inv = 1.0 / (dists + 1e-8)
    weights = inv / inv.sum(axis=-1, keepdims=True)
    return {"f_values": f_values, "indexes": indexes, "weights": weights}

def reference(f_values, indexes, weights):
    # faithful to torch forward: gather k base values per extended vertex,
    # weight by normalized inverse distances, sum over k, then transpose(-1,-2)
    gathered = jnp.take(f_values, indexes, axis=-1)          # [B, M, K]
    out = (gathered * weights).sum(axis=-1)                  # [B, M]
    return jnp.swapaxes(out, -1, -2)                         # [M, B]

if __name__ == "__main__":
    import jax
    _d = setup_inputs()
    print(jax.jit(kernel)(*tuple(_d.values())))

</pallas_src>

<mosaic_0001>
#map = affine_map<(d0, d1) -> (0, 0)>
#map1 = affine_map<(d0, d1) -> (0)>
module attributes {stable_mosaic.version = 14 : i64} {
  func.func @_sc_body(%arg0: i32, %arg1: i32, %arg2: memref<10242x64xf32, #tpu.memory_space<hbm>>, %arg3: memref<327696xi32, #tpu.memory_space<hbm>>, %arg4: memref<327696xf32, #tpu.memory_space<hbm>>, %arg5: memref<2621568xf32, #tpu.memory_space<hbm>>, %arg6: memref<10242x64xf32, #tpu.memory_space<vmem_shared>>, %arg7: memref<10240xi32, #tpu.memory_space<vmem>>, %arg8: memref<10240xf32, #tpu.memory_space<vmem>>, %arg9: memref<128x64xf32, #tpu.memory_space<vmem>>, %arg10: memref<128x64xf32, #tpu.memory_space<vmem>>, %arg11: memref<40960xf32, #tpu.memory_space<vmem>>, %arg12: memref<16xi32, #tpu.memory_space<vmem>>, %arg13: memref<!tpu.dma_semaphore, #tpu.memory_space<semaphore_mem>>, %arg14: memref<!tpu.dma_semaphore, #tpu.memory_space<semaphore_mem>>) attributes {dimension_semantics = [#tpu.dimension_semantics<core_parallel>, #tpu.dimension_semantics<subcore_parallel>], iteration_bounds = array<i64: 2, 16>, scalar_prefetch = 0 : i64, scratch_operands = 9 : i64, tpu.core_type = #tpu.core_type<sc_vector_subcore>, window_params = [{transform_indices = #map}, {transform_indices = #map1}, {transform_indices = #map1}, {transform_indices = #map1}]} {
    %mul3A = arith.constant 2 : i32
    %mul3A_0 = arith.muli %arg1, %mul3A : i32
    %add3A = arith.addi %mul3A_0, %arg0 : i32
    %mul3A_1 = arith.constant 1280 : i32
    %mul3A_2 = arith.muli %add3A, %mul3A_1 : i32
    %lt3A = arith.constant 15 : i32
    %lt3A_3 = arith.cmpi slt, %arg1, %lt3A : i32
    %convert_element_type3A = arith.extui %lt3A_3 : i1 to i32
    %cond3A = arith.constant 0 : i32
    %cond3A_4 = arith.cmpi ne, %convert_element_type3A, %cond3A : i32
    scf.if %cond3A_4 {
      %mul3A_46 = arith.constant 640 : i32
      %mul3A_47 = arith.muli %arg1, %mul3A_46 : i32
      %mul3A_48 = arith.constant 640 : i32
      %mul3A_49 = arith.muli %arg1, %mul3A_48 : i32
      "tpu.region"() ({
        %run_scoped3A = tpu.sem_alloc : memref<!tpu.dma_semaphore, #tpu.memory_space<semaphore_mem>>
        %dma_start3A_50 = arith.constant 0 : i32
        %dma_start3A_51 = tpu.memref_slice %arg6[%mul3A_49, %dma_start3A_50] : memref<10242x64xf32, #tpu.memory_space<vmem_shared>> -> memref<640x64xf32, #tpu.memory_space<vmem_shared>>
        %dma_start3A_52 = arith.constant 0 : i32
        %dma_start3A_53 = tpu.memref_slice %arg2[%mul3A_47, %dma_start3A_52] : memref<10242x64xf32, #tpu.memory_space<hbm>> -> memref<640x64xf32, #tpu.memory_space<hbm>>
        tpu.enqueue_dma source(%dma_start3A_53 : memref<640x64xf32, #tpu.memory_space<hbm>>) target(%dma_start3A_51 : memref<640x64xf32, #tpu.memory_space<vmem_shared>>) target_semaphore(%run_scoped3A : memref<!tpu.dma_semaphore, #tpu.memory_space<semaphore_mem>>)
        %dma_wait3A = arith.constant 0 : i32
        %dma_wait3A_54 = tpu.memref_slice %arg6[%mul3A_49, %dma_wait3A] : memref<10242x64xf32, #tpu.memory_space<vmem_shared>> -> memref<640x64xf32, #tpu.memory_space<vmem_shared>>
        %dma_wait3A_55 = arith.constant 0 : i32
        %dma_wait3A_56 = tpu.memref_slice %arg2[%mul3A_47, %dma_wait3A_55] : memref<10242x64xf32, #tpu.memory_space<hbm>> -> memref<640x64xf32, #tpu.memory_space<hbm>>
        tpu.wait_dma2 semaphore(%run_scoped3A : memref<!tpu.dma_semaphore, #tpu.memory_space<semaphore_mem>>) src(%dma_wait3A_56 : memref<640x64xf32, #tpu.memory_space<hbm>>) dst(%dma_wait3A_54 : memref<640x64xf32, #tpu.memory_space<vmem_shared>>)
        tpu.yield
      }) : () -> ()
    } else {
    }
    %eq3A = arith.constant 15 : i32
    %eq3A_5 = arith.cmpi eq, %arg1, %eq3A : i32
    %convert_element_type3A_6 = arith.extui %eq3A_5 : i1 to i32
    %cond3A_7 = arith.constant 0 : i32
    %cond3A_8 = arith.cmpi ne, %convert_element_type3A_6, %cond3A_7 : i32
    scf.if %cond3A_8 {
      "tpu.region"() ({
        %run_scoped3A = tpu.sem_alloc : memref<!tpu.dma_semaphore, #tpu.memory_space<semaphore_mem>>
        %dma_start3A_46 = arith.constant 9600 : i32
        %dma_start3A_47 = arith.constant 0 : i32
        %dma_start3A_48 = tpu.memref_slice %arg6[%dma_start3A_46, %dma_start3A_47] : memref<10242x64xf32, #tpu.memory_space<vmem_shared>> -> memref<642x64xf32, #tpu.memory_space<vmem_shared>>
        %dma_start3A_49 = arith.constant 9600 : i32
        %dma_start3A_50 = arith.constant 0 : i32
        %dma_start3A_51 = tpu.memref_slice %arg2[%dma_start3A_49, %dma_start3A_50] : memref<10242x64xf32, #tpu.memory_space<hbm>> -> memref<642x64xf32, #tpu.memory_space<hbm>>
        tpu.enqueue_dma source(%dma_start3A_51 : memref<642x64xf32, #tpu.memory_space<hbm>>) target(%dma_start3A_48 : memref<642x64xf32, #tpu.memory_space<vmem_shared>>) target_semaphore(%run_scoped3A : memref<!tpu.dma_semaphore, #tpu.memory_space<semaphore_mem>>)
        %dma_wait3A = arith.constant 9600 : i32
        %dma_wait3A_52 = arith.constant 0 : i32
        %dma_wait3A_53 = tpu.memref_slice %arg6[%dma_wait3A, %dma_wait3A_52] : memref<10242x64xf32, #tpu.memory_space<vmem_shared>> -> memref<642x64xf32, #tpu.memory_space<vmem_shared>>
        %dma_wait3A_54 = arith.constant 9600 : i32
        %dma_wait3A_55 = arith.constant 0 : i32
        %dma_wait3A_56 = tpu.memref_slice %arg2[%dma_wait3A_54, %dma_wait3A_55] : memref<10242x64xf32, #tpu.memory_space<hbm>> -> memref<642x64xf32, #tpu.memory_space<hbm>>
        tpu.wait_dma2 semaphore(%run_scoped3A : memref<!tpu.dma_semaphore, #tpu.memory_space<semaphore_mem>>) src(%dma_wait3A_56 : memref<642x64xf32, #tpu.memory_space<hbm>>) dst(%dma_wait3A_53 : memref<642x64xf32, #tpu.memory_space<vmem_shared>>)
        tpu.yield
      }) : () -> ()
    } else {
    }
    %mul3A_9 = arith.constant 8 : i32
    %mul3A_10 = arith.muli %mul3A_2, %mul3A_9 : i32
    "tpu.region"() ({
      %run_scoped3A = tpu.sem_alloc : memref<!tpu.dma_semaphore, #tpu.memory_space<semaphore_mem>>
      %dma_start3A_46 = tpu.memref_slice %arg3[%mul3A_10] : memref<327696xi32, #tpu.memory_space<hbm>> -> memref<10240xi32, #tpu.memory_space<hbm>>
      %dma_start3A_47 = tpu.memref_slice %arg3[%mul3A_10] : memref<327696xi32, #tpu.memory_space<hbm>> -> memref<10240xi32, #tpu.memory_space<hbm>>
      tpu.enqueue_dma source(%dma_start3A_47 : memref<10240xi32, #tpu.memory_space<hbm>>) target(%arg7 : memref<10240xi32, #tpu.memory_space<vmem>>) target_semaphore(%run_scoped3A : memref<!tpu.dma_semaphore, #tpu.memory_space<semaphore_mem>>)
      %dma_wait3A = tpu.memref_slice %arg3[%mul3A_10] : memref<327696xi32, #tpu.memory_space<hbm>> -> memref<10240xi32, #tpu.memory_space<hbm>>
      %dma_wait3A_48 = tpu.memref_slice %arg3[%mul3A_10] : memref<327696xi32, #tpu.memory_space<hbm>> -> memref<10240xi32, #tpu.memory_space<hbm>>
      tpu.wait_dma2 semaphore(%run_scoped3A : memref<!tpu.dma_semaphore, #tpu.memory_space<semaphore_mem>>) src(%dma_wait3A_48 : memref<10240xi32, #tpu.memory_space<hbm>>) dst(%arg7 : memref<10240xi32, #tpu.memory_space<vmem>>)
      tpu.yield
    }) : () -> ()
    %mul3A_11 = arith.constant 8 : i32
    %mul3A_12 = arith.muli %mul3A_2, %mul3A_11 : i32
    "tpu.region"() ({
      %run_scoped3A = tpu.sem_alloc : memref<!tpu.dma_semaphore, #tpu.memory_space<semaphore_mem>>
      %dma_start3A_46 = tpu.memref_slice %arg4[%mul3A_12] : memref<327696xf32, #tpu.memory_space<hbm>> -> memref<10240xf32, #tpu.memory_space<hbm>>
      %dma_start3A_47 = tpu.memref_slice %arg4[%mul3A_12] : memref<327696xf32, #tpu.memory_space<hbm>> -> memref<10240xf32, #tpu.memory_space<hbm>>
      tpu.enqueue_dma source(%dma_start3A_47 : memref<10240xf32, #tpu.memory_space<hbm>>) target(%arg8 : memref<10240xf32, #tpu.memory_space<vmem>>) target_semaphore(%run_scoped3A : memref<!tpu.dma_semaphore, #tpu.memory_space<semaphore_mem>>)
      %dma_wait3A = tpu.memref_slice %arg4[%mul3A_12] : memref<327696xf32, #tpu.memory_space<hbm>> -> memref<10240xf32, #tpu.memory_space<hbm>>
      %dma_wait3A_48 = tpu.memref_slice %arg4[%mul3A_12] : memref<327696xf32, #tpu.memory_space<hbm>> -> memref<10240xf32, #tpu.memory_space<hbm>>
      tpu.wait_dma2 semaphore(%run_scoped3A : memref<!tpu.dma_semaphore, #tpu.memory_space<semaphore_mem>>) src(%dma_wait3A_48 : memref<10240xf32, #tpu.memory_space<hbm>>) dst(%arg8 : memref<10240xf32, #tpu.memory_space<vmem>>)
      tpu.yield
    }) : () -> ()
    %barrier3A = arith.constant 0 : index
    tpu.barrier barrier_id(%barrier3A)
    %dma_start3A = arith.constant 0 : i32
    %dma_start3A_13 = tpu.memref_slice %arg7[%dma_start3A] : memref<10240xi32, #tpu.memory_space<vmem>> -> memref<128xi32, #tpu.memory_space<vmem>>
    %dma_start3A_14 = arith.constant 0 : i32
    %dma_start3A_15 = arith.constant 0 : i32
    %dma_start3A_16 = tpu.memref_slice %arg6[%dma_start3A_14, %dma_start3A_15] : memref<10242x64xf32, #tpu.memory_space<vmem_shared>> -> memref<10242x64xf32, #tpu.memory_space<vmem_shared>>
    tpu.enqueue_indirect_dma source(%dma_start3A_16 : memref<10242x64xf32, #tpu.memory_space<vmem_shared>>) target(%arg9 : memref<128x64xf32, #tpu.memory_space<vmem>>) offsets(%dma_start3A_13 : memref<128xi32, #tpu.memory_space<vmem>>) semaphore(%arg13 : memref<!tpu.dma_semaphore, #tpu.memory_space<semaphore_mem>>)
    %scan3A = arith.constant 0 : i32
    %scan3A_17 = arith.constant 0 : i32
    %scan3A_18 = arith.constant 20 : i32
    %scan3A_19 = arith.addi %scan3A_17, %scan3A_18 : i32
    %scan3A_20 = arith.constant 1 : i32
    scf.for %scan3A_46 = %scan3A_17 to %scan3A_19 step %scan3A_20  : i32 {
      %mul3A_47 = arith.constant 2 : i32
      %mul3A_48 = arith.muli %scan3A_46, %mul3A_47 : i32
      %add3A_49 = arith.constant 0 : i32
      %add3A_50 = arith.addi %add3A_49, %mul3A_48 : i32
      %add3A_51 = arith.constant 1 : i32
      %add3A_52 = arith.addi %add3A_50, %add3A_51 : i32
      %mul3A_53 = arith.constant 128 : i32
      %mul3A_54 = arith.muli %add3A_52, %mul3A_53 : i32
      %dma_start3A_55 = tpu.memref_slice %arg7[%mul3A_54] : memref<10240xi32, #tpu.memory_space<vmem>> -> memref<128xi32, #tpu.memory_space<vmem>>
      %dma_start3A_56 = arith.constant 0 : i32
      %dma_start3A_57 = arith.constant 0 : i32
      %dma_start3A_58 = tpu.memref_slice %arg6[%dma_start3A_56, %dma_start3A_57] : memref<10242x64xf32, #tpu.memory_space<vmem_shared>> -> memref<10242x64xf32, #tpu.memory_space<vmem_shared>>
      tpu.enqueue_indirect_dma source(%dma_start3A_58 : memref<10242x64xf32, #tpu.memory_space<vmem_shared>>) target(%arg10 : memref<128x64xf32, #tpu.memory_space<vmem>>) offsets(%dma_start3A_55 : memref<128xi32, #tpu.memory_space<vmem>>) semaphore(%arg14 : memref<!tpu.dma_semaphore, #tpu.memory_space<semaphore_mem>>)
      %mul3A_59 = arith.constant 128 : i32
      %mul3A_60 = arith.muli %add3A_50, %mul3A_59 : i32
      %dma_wait3A = tpu.memref_slice %arg7[%mul3A_60] : memref<10240xi32, #tpu.memory_space<vmem>> -> memref<128xi32, #tpu.memory_space<vmem>>
      %dma_wait3A_61 = arith.constant 0 : i32
      %dma_wait3A_62 = arith.constant 0 : i32
      %dma_wait3A_63 = tpu.memref_slice %arg6[%dma_wait3A_61, %dma_wait3A_62] : memref<10242x64xf32, #tpu.memory_space<vmem_shared>> -> memref<10242x64xf32, #tpu.memory_space<vmem_shared>>
      tpu.wait_indirect_dma semaphore(%arg13 : memref<!tpu.dma_semaphore, #tpu.memory_space<semaphore_mem>>) src(%dma_wait3A_63 : memref<10242x64xf32, #tpu.memory_space<vmem_shared>>) dst(%arg9 : memref<128x64xf32, #tpu.memory_space<vmem>>)
      %scan3A_64 = arith.constant 0 : i32
      %scan3A_65 = arith.constant 0 : i32
      %scan3A_66 = arith.constant 8 : i32
      %scan3A_67 = arith.addi %scan3A_65, %scan3A_66 : i32
      %scan3A_68 = arith.constant 1 : i32
      scf.for %scan3A_91 = %scan3A_65 to %scan3A_67 step %scan3A_68  : i32 {
        %mul3A_92 = arith.constant 128 : i32
        %mul3A_93 = arith.muli %add3A_50, %mul3A_92 : i32
        %mul3A_94 = arith.constant 16 : i32
        %mul3A_95 = arith.muli %scan3A_91, %mul3A_94 : i32
        %add3A_96 = arith.addi %mul3A_93, %mul3A_95 : i32
        %get3A = arith.index_cast %add3A_96 : i32 to index
        %get3A_97 = tpu.vector_load %arg8[%get3A] {strides = array<i32>} : memref<10240xf32, #tpu.memory_space<vmem>>, vector<16xf32>,
        %get3A_98 = vector.shape_cast %get3A_97 : vector<16xf32> to vector<16xf32>
        %mul3A_99 = arith.constant 16 : i32
        %mul3A_100 = arith.muli %scan3A_91, %mul3A_99 : i32
        %sub3A = arith.constant 0 : i32
        %sub3A_101 = arith.subi %add3A_50, %sub3A : i32
        %mul3A_102 = arith.constant 16 : i32
        %mul3A_103 = arith.muli %sub3A_101, %mul3A_102 : i32
        %mul3A_104 = arith.constant 2 : i32
        %mul3A_105 = arith.muli %scan3A_91, %mul3A_104 : i32
        %add3A_106 = arith.addi %mul3A_103, %mul3A_105 : i32
        %broadcast_in_dim3A = arith.constant 0.000000e+00 : f32
        %broadcast_in_dim3A_107 = vector.broadcast %broadcast_in_dim3A : f32 to vector<16xf32>
        %broadcast_in_dim3A_108 = arith.constant 0.000000e+00 : f32
        %broadcast_in_dim3A_109 = vector.broadcast %broadcast_in_dim3A_108 : f32 to vector<16xf32>
        %broadcast_in_dim3A_110 = arith.constant 0.000000e+00 : f32
        %broadcast_in_dim3A_111 = vector.broadcast %broadcast_in_dim3A_110 : f32 to vector<16xf32>
        %broadcast_in_dim3A_112 = arith.constant 0.000000e+00 : f32
        %broadcast_in_dim3A_113 = vector.broadcast %broadcast_in_dim3A_112 : f32 to vector<16xf32>
        %slice3A = vector.extract_strided_slice %get3A_98 {offsets = [0], sizes = [1], strides = [1]} : vector<16xf32> to vector<1xf32>
        %squeeze3A = vector.extract %slice3A[0] : f32 from vector<1xf32>
        %add3A_114 = arith.constant 0 : i32
        %add3A_115 = arith.addi %mul3A_100, %add3A_114 : i32
        %add3A_116 = arith.constant 0 : i32
        %add3A_117 = arith.addi %add3A_115, %add3A_116 : i32
        %get3A_118 = arith.index_cast %add3A_117 : i32 to index
        %get3A_119 = arith.constant 0 : index
        %get3A_120 = tpu.vector_load %arg9[%get3A_118, %get3A_119] {strides = array<i32>} : memref<128x64xf32, #tpu.memory_space<vmem>>, vector<1x16xf32>,
        %get3A_121 = vector.shape_cast %get3A_120 : vector<1x16xf32> to vector<16xf32>
        %mul3A_122 = vector.broadcast %squeeze3A : f32 to vector<16xf32>
        %mul3A_123 = arith.mulf %get3A_121, %mul3A_122 : vector<16xf32>
        %add3A_124 = arith.addf %broadcast_in_dim3A_107, %mul3A_123 : vector<16xf32>
        %add3A_125 = arith.constant 0 : i32
        %add3A_126 = arith.addi %mul3A_100, %add3A_125 : i32
        %add3A_127 = arith.constant 0 : i32
        %add3A_128 = arith.addi %add3A_126, %add3A_127 : i32
        %get3A_129 = arith.index_cast %add3A_128 : i32 to index
        %get3A_130 = arith.constant 16 : index
        %get3A_131 = tpu.vector_load %arg9[%get3A_129, %get3A_130] {strides = array<i32>} : memref<128x64xf32, #tpu.memory_space<vmem>>, vector<1x16xf32>,
        %get3A_132 = vector.shape_cast %get3A_131 : vector<1x16xf32> to vector<16xf32>
        %mul3A_133 = vector.broadcast %squeeze3A : f32 to vector<16xf32>
        %mul3A_134 = arith.mulf %get3A_132, %mul3A_133 : vector<16xf32>
        %add3A_135 = arith.addf %broadcast_in_dim3A_109, %mul3A_134 : vector<16xf32>
        %add3A_136 = arith.constant 0 : i32
        %add3A_137 = arith.addi %mul3A_100, %add3A_136 : i32
        %add3A_138 = arith.constant 0 : i32
        %add3A_139 = arith.addi %add3A_137, %add3A_138 : i32
        %get3A_140 = arith.index_cast %add3A_139 : i32 to index
        %get3A_141 = arith.constant 32 : index
        %get3A_142 = tpu.vector_load %arg9[%get3A_140, %get3A_141] {strides = array<i32>} : memref<128x64xf32, #tpu.memory_space<vmem>>, vector<1x16xf32>,
        %get3A_143 = vector.shape_cast %get3A_142 : vector<1x16xf32> to vector<16xf32>
        %mul3A_144 = vector.broadcast %squeeze3A : f32 to vector<16xf32>
        %mul3A_145 = arith.mulf %get3A_143, %mul3A_144 : vector<16xf32>
        %add3A_146 = arith.addf %broadcast_in_dim3A_111, %mul3A_145 : vector<16xf32>
        %add3A_147 = arith.constant 0 : i32
        %add3A_148 = arith.addi %mul3A_100, %add3A_147 : i32
        %add3A_149 = arith.constant 0 : i32
        %add3A_150 = arith.addi %add3A_148, %add3A_149 : i32
        %get3A_151 = arith.index_cast %add3A_150 : i32 to index
        %get3A_152 = arith.constant 48 : index
        %get3A_153 = tpu.vector_load %arg9[%get3A_151, %get3A_152] {strides = array<i32>} : memref<128x64xf32, #tpu.memory_space<vmem>>, vector<1x16xf32>,
        %get3A_154 = vector.shape_cast %get3A_153 : vector<1x16xf32> to vector<16xf32>
        %mul3A_155 = vector.broadcast %squeeze3A : f32 to vector<16xf32>
        %mul3A_156 = arith.mulf %get3A_154, %mul3A_155 : vector<16xf32>
        %add3A_157 = arith.addf %broadcast_in_dim3A_113, %mul3A_156 : vector<16xf32>
        %slice3A_158 = vector.extract_strided_slice %get3A_98 {offsets = [1], sizes = [1], strides = [1]} : vector<16xf32> to vector<1xf32>
        %squeeze3A_159 = vector.extract %slice3A_158[0] : f32 from vector<1xf32>
        %add3A_160 = arith.constant 0 : i32
        %add3A_161 = arith.addi %mul3A_100, %add3A_160 : i32
        %add3A_162 = arith.constant 1 : i32
        %add3A_163 = arith.addi %add3A_161, %add3A_162 : i32
        %get3A_164 = arith.index_cast %add3A_163 : i32 to index
        %get3A_165 = arith.constant 0 : index
        %get3A_166 = tpu.vector_load %arg9[%get3A_164, %get3A_165] {strides = array<i32>} : memref<128x64xf32, #tpu.memory_space<vmem>>, vector<1x16xf32>,
        %get3A_167 = vector.shape_cast %get3A_166 : vector<1x16xf32> to vector<16xf32>
        %mul3A_168 = vector.broadcast %squeeze3A_159 : f32 to vector<16xf32>
        %mul3A_169 = arith.mulf %get3A_167, %mul3A_168 : vector<16xf32>
        %add3A_170 = arith.addf %add3A_124, %mul3A_169 : vector<16xf32>
        %add3A_171 = arith.constant 0 : i32
        %add3A_172 = arith.addi %mul3A_100, %add3A_171 : i32
        %add3A_173 = arith.constant 1 : i32
        %add3A_174 = arith.addi %add3A_172, %add3A_173 : i32
        %get3A_175 = arith.index_cast %add3A_174 : i32 to index
        %get3A_176 = arith.constant 16 : index
        %get3A_177 = tpu.vector_load %arg9[%get3A_175, %get3A_176] {strides = array<i32>} : memref<128x64xf32, #tpu.memory_space<vmem>>, vector<1x16xf32>,
        %get3A_178 = vector.shape_cast %get3A_177 : vector<1x16xf32> to vector<16xf32>
        %mul3A_179 = vector.broadcast %squeeze3A_159 : f32 to vector<16xf32>
        %mul3A_180 = arith.mulf %get3A_178, %mul3A_179 : vector<16xf32>
        %add3A_181 = arith.addf %add3A_135, %mul3A_180 : vector<16xf32>
        %add3A_182 = arith.constant 0 : i32
        %add3A_183 = arith.addi %mul3A_100, %add3A_182 : i32
        %add3A_184 = arith.constant 1 : i32
        %add3A_185 = arith.addi %add3A_183, %add3A_184 : i32
        %get3A_186 = arith.index_cast %add3A_185 : i32 to index
        %get3A_187 = arith.constant 32 : index
        %get3A_188 = tpu.vector_load %arg9[%get3A_186, %get3A_187] {strides = array<i32>} : memref<128x64xf32, #tpu.memory_space<vmem>>, vector<1x16xf32>,
        %get3A_189 = vector.shape_cast %get3A_188 : vector<1x16xf32> to vector<16xf32>
        %mul3A_190 = vector.broadcast %squeeze3A_159 : f32 to vector<16xf32>
        %mul3A_191 = arith.mulf %get3A_189, %mul3A_190 : vector<16xf32>
        %add3A_192 = arith.addf %add3A_146, %mul3A_191 : vector<16xf32>
        %add3A_193 = arith.constant 0 : i32
        %add3A_194 = arith.addi %mul3A_100, %add3A_193 : i32
        %add3A_195 = arith.constant 1 : i32
        %add3A_196 = arith.addi %add3A_194, %add3A_195 : i32
        %get3A_197 = arith.index_cast %add3A_196 : i32 to index
        %get3A_198 = arith.constant 48 : index
        %get3A_199 = tpu.vector_load %arg9[%get3A_197, %get3A_198] {strides = array<i32>} : memref<128x64xf32, #tpu.memory_space<vmem>>, vector<1x16xf32>,
        %get3A_200 = vector.shape_cast %get3A_199 : vector<1x16xf32> to vector<16xf32>
        %mul3A_201 = vector.broadcast %squeeze3A_159 : f32 to vector<16xf32>
        %mul3A_202 = arith.mulf %get3A_200, %mul3A_201 : vector<16xf32>
        %add3A_203 = arith.addf %add3A_157, %mul3A_202 : vector<16xf32>
        %slice3A_204 = vector.extract_strided_slice %get3A_98 {offsets = [2], sizes = [1], strides = [1]} : vector<16xf32> to vector<1xf32>
        %squeeze3A_205 = vector.extract %slice3A_204[0] : f32 from vector<1xf32>
        %add3A_206 = arith.constant 0 : i32
        %add3A_207 = arith.addi %mul3A_100, %add3A_206 : i32
        %add3A_208 = arith.constant 2 : i32
        %add3A_209 = arith.addi %add3A_207, %add3A_208 : i32
        %get3A_210 = arith.index_cast %add3A_209 : i32 to index
        %get3A_211 = arith.constant 0 : index
        %get3A_212 = tpu.vector_load %arg9[%get3A_210, %get3A_211] {strides = array<i32>} : memref<128x64xf32, #tpu.memory_space<vmem>>, vector<1x16xf32>,
        %get3A_213 = vector.shape_cast %get3A_212 : vector<1x16xf32> to vector<16xf32>
        %mul3A_214 = vector.broadcast %squeeze3A_205 : f32 to vector<16xf32>
        %mul3A_215 = arith.mulf %get3A_213, %mul3A_214 : vector<16xf32>
        %add3A_216 = arith.addf %add3A_170, %mul3A_215 : vector<16xf32>
        %add3A_217 = arith.constant 0 : i32
        %add3A_218 = arith.addi %mul3A_100, %add3A_217 : i32
        %add3A_219 = arith.constant 2 : i32
        %add3A_220 = arith.addi %add3A_218, %add3A_219 : i32
        %get3A_221 = arith.index_cast %add3A_220 : i32 to index
        %get3A_222 = arith.constant 16 : index
        %get3A_223 = tpu.vector_load %arg9[%get3A_221, %get3A_222] {strides = array<i32>} : memref<128x64xf32, #tpu.memory_space<vmem>>, vector<1x16xf32>,
        %get3A_224 = vector.shape_cast %get3A_223 : vector<1x16xf32> to vector<16xf32>
        %mul3A_225 = vector.broadcast %squeeze3A_205 : f32 to vector<16xf32>
        %mul3A_226 = arith.mulf %get3A_224, %mul3A_225 : vector<16xf32>
        %add3A_227 = arith.addf %add3A_181, %mul3A_226 : vector<16xf32>
        %add3A_228 = arith.constant 0 : i32
        %add3A_229 = arith.addi %mul3A_100, %add3A_228 : i32
        %add3A_230 = arith.constant 2 : i32
        %add3A_231 = arith.addi %add3A_229, %add3A_230 : i32
        %get3A_232 = arith.index_cast %add3A_231 : i32 to index
        %get3A_233 = arith.constant 32 : index
        %get3A_234 = tpu.vector_load %arg9[%get3A_232, %get3A_233] {strides = array<i32>} : memref<128x64xf32, #tpu.memory_space<vmem>>, vector<1x16xf32>,
        %get3A_235 = vector.shape_cast %get3A_234 : vector<1x16xf32> to vector<16xf32>
        %mul3A_236 = vector.broadcast %squeeze3A_205 : f32 to vector<16xf32>
        %mul3A_237 = arith.mulf %get3A_235, %mul3A_236 : vector<16xf32>
        %add3A_238 = arith.addf %add3A_192, %mul3A_237 : vector<16xf32>
        %add3A_239 = arith.constant 0 : i32
        %add3A_240 = arith.addi %mul3A_100, %add3A_239 : i32
        %add3A_241 = arith.constant 2 : i32
        %add3A_242 = arith.addi %add3A_240, %add3A_241 : i32
        %get3A_243 = arith.index_cast %add3A_242 : i32 to index
        %get3A_244 = arith.constant 48 : index
        %get3A_245 = tpu.vector_load %arg9[%get3A_243, %get3A_244] {strides = array<i32>} : memref<128x64xf32, #tpu.memory_space<vmem>>, vector<1x16xf32>,
        %get3A_246 = vector.shape_cast %get3A_245 : vector<1x16xf32> to vector<16xf32>
        %mul3A_247 = vector.broadcast %squeeze3A_205 : f32 to vector<16xf32>
        %mul3A_248 = arith.mulf %get3A_246, %mul3A_247 : vector<16xf32>
        %add3A_249 = arith.addf %add3A_203, %mul3A_248 : vector<16xf32>
        %slice3A_250 = vector.extract_strided_slice %get3A_98 {offsets = [3], sizes = [1], strides = [1]} : vector<16xf32> to vector<1xf32>
        %squeeze3A_251 = vector.extract %slice3A_250[0] : f32 from vector<1xf32>
        %add3A_252 = arith.constant 0 : i32
        %add3A_253 = arith.addi %mul3A_100, %add3A_252 : i32
        %add3A_254 = arith.constant 3 : i32
        %add3A_255 = arith.addi %add3A_253, %add3A_254 : i32
        %get3A_256 = arith.index_cast %add3A_255 : i32 to index
        %get3A_257 = arith.constant 0 : index
        %get3A_258 = tpu.vector_load %arg9[%get3A_256, %get3A_257] {strides = array<i32>} : memref<128x64xf32, #tpu.memory_space<vmem>>, vector<1x16xf32>,
        %get3A_259 = vector.shape_cast %get3A_258 : vector<1x16xf32> to vector<16xf32>
        %mul3A_260 = vector.broadcast %squeeze3A_251 : f32 to vector<16xf32>
        %mul3A_261 = arith.mulf %get3A_259, %mul3A_260 : vector<16xf32>
        %add3A_262 = arith.addf %add3A_216, %mul3A_261 : vector<16xf32>
        %add3A_263 = arith.constant 0 : i32
        %add3A_264 = arith.addi %mul3A_100, %add3A_263 : i32
        %add3A_265 = arith.constant 3 : i32
        %add3A_266 = arith.addi %add3A_264, %add3A_265 : i32
        %get3A_267 = arith.index_cast %add3A_266 : i32 to index
        %get3A_268 = arith.constant 16 : index
        %get3A_269 = tpu.vector_load %arg9[%get3A_267, %get3A_268] {strides = array<i32>} : memref<128x64xf32, #tpu.memory_space<vmem>>, vector<1x16xf32>,
        %get3A_270 = vector.shape_cast %get3A_269 : vector<1x16xf32> to vector<16xf32>
        %mul3A_271 = vector.broadcast %squeeze3A_251 : f32 to vector<16xf32>
        %mul3A_272 = arith.mulf %get3A_270, %mul3A_271 : vector<16xf32>
        %add3A_273 = arith.addf %add3A_227, %mul3A_272 : vector<16xf32>
        %add3A_274 = arith.constant 0 : i32
        %add3A_275 = arith.addi %mul3A_100, %add3A_274 : i32
        %add3A_276 = arith.constant 3 : i32
        %add3A_277 = arith.addi %add3A_275, %add3A_276 : i32
        %get3A_278 = arith.index_cast %add3A_277 : i32 to index
        %get3A_279 = arith.constant 32 : index
        %get3A_280 = tpu.vector_load %arg9[%get3A_278, %get3A_279] {strides = array<i32>} : memref<128x64xf32, #tpu.memory_space<vmem>>, vector<1x16xf32>,
        %get3A_281 = vector.shape_cast %get3A_280 : vector<1x16xf32> to vector<16xf32>
        %mul3A_282 = vector.broadcast %squeeze3A_251 : f32 to vector<16xf32>
        %mul3A_283 = arith.mulf %get3A_281, %mul3A_282 : vector<16xf32>
        %add3A_284 = arith.addf %add3A_238, %mul3A_283 : vector<16xf32>
        %add3A_285 = arith.constant 0 : i32
        %add3A_286 = arith.addi %mul3A_100, %add3A_285 : i32
        %add3A_287 = arith.constant 3 : i32
        %add3A_288 = arith.addi %add3A_286, %add3A_287 : i32
        %get3A_289 = arith.index_cast %add3A_288 : i32 to index
        %get3A_290 = arith.constant 48 : index
        %get3A_291 = tpu.vector_load %arg9[%get3A_289, %get3A_290] {strides = array<i32>} : memref<128x64xf32, #tpu.memory_space<vmem>>, vector<1x16xf32>,
        %get3A_292 = vector.shape_cast %get3A_291 : vector<1x16xf32> to vector<16xf32>
        %mul3A_293 = vector.broadcast %squeeze3A_251 : f32 to vector<16xf32>
        %mul3A_294 = arith.mulf %get3A_292, %mul3A_293 : vector<16xf32>
        %add3A_295 = arith.addf %add3A_249, %mul3A_294 : vector<16xf32>
        %slice3A_296 = vector.extract_strided_slice %get3A_98 {offsets = [4], sizes = [1], strides = [1]} : vector<16xf32> to vector<1xf32>
        %squeeze3A_297 = vector.extract %slice3A_296[0] : f32 from vector<1xf32>
        %add3A_298 = arith.constant 0 : i32
        %add3A_299 = arith.addi %mul3A_100, %add3A_298 : i32
        %add3A_300 = arith.constant 4 : i32
        %add3A_301 = arith.addi %add3A_299, %add3A_300 : i32
        %get3A_302 = arith.index_cast %add3A_301 : i32 to index
        %get3A_303 = arith.constant 0 : index
        %get3A_304 = tpu.vector_load %arg9[%get3A_302, %get3A_303] {strides = array<i32>} : memref<128x64xf32, #tpu.memory_space<vmem>>, vector<1x16xf32>,
        %get3A_305 = vector.shape_cast %get3A_304 : vector<1x16xf32> to vector<16xf32>
        %mul3A_306 = vector.broadcast %squeeze3A_297 : f32 to vector<16xf32>
        %mul3A_307 = arith.mulf %get3A_305, %mul3A_306 : vector<16xf32>
        %add3A_308 = arith.addf %add3A_262, %mul3A_307 : vector<16xf32>
        %add3A_309 = arith.constant 0 : i32
        %add3A_310 = arith.addi %mul3A_100, %add3A_309 : i32
        %add3A_311 = arith.constant 4 : i32
        %add3A_312 = arith.addi %add3A_310, %add3A_311 : i32
        %get3A_313 = arith.index_cast %add3A_312 : i32 to index
        %get3A_314 = arith.constant 16 : index
        %get3A_315 = tpu.vector_load %arg9[%get3A_313, %get3A_314] {strides = array<i32>} : memref<128x64xf32, #tpu.memory_space<vmem>>, vector<1x16xf32>,
        %get3A_316 = vector.shape_cast %get3A_315 : vector<1x16xf32> to vector<16xf32>
        %mul3A_317 = vector.broadcast %squeeze3A_297 : f32 to vector<16xf32>
        %mul3A_318 = arith.mulf %get3A_316, %mul3A_317 : vector<16xf32>
        %add3A_319 = arith.addf %add3A_273, %mul3A_318 : vector<16xf32>
        %add3A_320 = arith.constant 0 : i32
        %add3A_321 = arith.addi %mul3A_100, %add3A_320 : i32
        %add3A_322 = arith.constant 4 : i32
        %add3A_323 = arith.addi %add3A_321, %add3A_322 : i32
        %get3A_324 = arith.index_cast %add3A_323 : i32 to index
        %get3A_325 = arith.constant 32 : index
        %get3A_326 = tpu.vector_load %arg9[%get3A_324, %get3A_325] {strides = array<i32>} : memref<128x64xf32, #tpu.memory_space<vmem>>, vector<1x16xf32>,
        %get3A_327 = vector.shape_cast %get3A_326 : vector<1x16xf32> to vector<16xf32>
        %mul3A_328 = vector.broadcast %squeeze3A_297 : f32 to vector<16xf32>
        %mul3A_329 = arith.mulf %get3A_327, %mul3A_328 : vector<16xf32>
        %add3A_330 = arith.addf %add3A_284, %mul3A_329 : vector<16xf32>
        %add3A_331 = arith.constant 0 : i32
        %add3A_332 = arith.addi %mul3A_100, %add3A_331 : i32
        %add3A_333 = arith.constant 4 : i32
        %add3A_334 = arith.addi %add3A_332, %add3A_333 : i32
        %get3A_335 = arith.index_cast %add3A_334 : i32 to index
        %get3A_336 = arith.constant 48 : index
        %get3A_337 = tpu.vector_load %arg9[%get3A_335, %get3A_336] {strides = array<i32>} : memref<128x64xf32, #tpu.memory_space<vmem>>, vector<1x16xf32>,
        %get3A_338 = vector.shape_cast %get3A_337 : vector<1x16xf32> to vector<16xf32>
        %mul3A_339 = vector.broadcast %squeeze3A_297 : f32 to vector<16xf32>
        %mul3A_340 = arith.mulf %get3A_338, %mul3A_339 : vector<16xf32>
        %add3A_341 = arith.addf %add3A_295, %mul3A_340 : vector<16xf32>
        %slice3A_342 = vector.extract_strided_slice %get3A_98 {offsets = [5], sizes = [1], strides = [1]} : vector<16xf32> to vector<1xf32>
        %squeeze3A_343 = vector.extract %slice3A_342[0] : f32 from vector<1xf32>
        %add3A_344 = arith.constant 0 : i32
        %add3A_345 = arith.addi %mul3A_100, %add3A_344 : i32
        %add3A_346 = arith.constant 5 : i32
        %add3A_347 = arith.addi %add3A_345, %add3A_346 : i32
        %get3A_348 = arith.index_cast %add3A_347 : i32 to index
        %get3A_349 = arith.constant 0 : index
        %get3A_350 = tpu.vector_load %arg9[%get3A_348, %get3A_349] {strides = array<i32>} : memref<128x64xf32, #tpu.memory_space<vmem>>, vector<1x16xf32>,
        %get3A_351 = vector.shape_cast %get3A_350 : vector<1x16xf32> to vector<16xf32>
        %mul3A_352 = vector.broadcast %squeeze3A_343 : f32 to vector<16xf32>
        %mul3A_353 = arith.mulf %get3A_351, %mul3A_352 : vector<16xf32>
        %add3A_354 = arith.addf %add3A_308, %mul3A_353 : vector<16xf32>
        %add3A_355 = arith.constant 0 : i32
        %add3A_356 = arith.addi %mul3A_100, %add3A_355 : i32
        %add3A_357 = arith.constant 5 : i32
        %add3A_358 = arith.addi %add3A_356, %add3A_357 : i32
        %get3A_359 = arith.index_cast %add3A_358 : i32 to index
        %get3A_360 = arith.constant 16 : index
        %get3A_361 = tpu.vector_load %arg9[%get3A_359, %get3A_360] {strides = array<i32>} : memref<128x64xf32, #tpu.memory_space<vmem>>, vector<1x16xf32>,
        %get3A_362 = vector.shape_cast %get3A_361 : vector<1x16xf32> to vector<16xf32>
        %mul3A_363 = vector.broadcast %squeeze3A_343 : f32 to vector<16xf32>
        %mul3A_364 = arith.mulf %get3A_362, %mul3A_363 : vector<16xf32>
        %add3A_365 = arith.addf %add3A_319, %mul3A_364 : vector<16xf32>
        %add3A_366 = arith.constant 0 : i32
        %add3A_367 = arith.addi %mul3A_100, %add3A_366 : i32
        %add3A_368 = arith.constant 5 : i32
        %add3A_369 = arith.addi %add3A_367, %add3A_368 : i32
        %get3A_370 = arith.index_cast %add3A_369 : i32 to index
        %get3A_371 = arith.constant 32 : index
        %get3A_372 = tpu.vector_load %arg9[%get3A_370, %get3A_371] {strides = array<i32>} : memref<128x64xf32, #tpu.memory_space<vmem>>, vector<1x16xf32>,
        %get3A_373 = vector.shape_cast %get3A_372 : vector<1x16xf32> to vector<16xf32>
        %mul3A_374 = vector.broadcast %squeeze3A_343 : f32 to vector<16xf32>
        %mul3A_375 = arith.mulf %get3A_373, %mul3A_374 : vector<16xf32>
        %add3A_376 = arith.addf %add3A_330, %mul3A_375 : vector<16xf32>
        %add3A_377 = arith.constant 0 : i32
        %add3A_378 = arith.addi %mul3A_100, %add3A_377 : i32
        %add3A_379 = arith.constant 5 : i32
        %add3A_380 = arith.addi %add3A_378, %add3A_379 : i32
        %get3A_381 = arith.index_cast %add3A_380 : i32 to index
        %get3A_382 = arith.constant 48 : index
        %get3A_383 = tpu.vector_load %arg9[%get3A_381, %get3A_382] {strides = array<i32>} : memref<128x64xf32, #tpu.memory_space<vmem>>, vector<1x16xf32>,
        %get3A_384 = vector.shape_cast %get3A_383 : vector<1x16xf32> to vector<16xf32>
        %mul3A_385 = vector.broadcast %squeeze3A_343 : f32 to vector<16xf32>
        %mul3A_386 = arith.mulf %get3A_384, %mul3A_385 : vector<16xf32>
        %add3A_387 = arith.addf %add3A_341, %mul3A_386 : vector<16xf32>
        %slice3A_388 = vector.extract_strided_slice %get3A_98 {offsets = [6], sizes = [1], strides = [1]} : vector<16xf32> to vector<1xf32>
        %squeeze3A_389 = vector.extract %slice3A_388[0] : f32 from vector<1xf32>
        %add3A_390 = arith.constant 0 : i32
        %add3A_391 = arith.addi %mul3A_100, %add3A_390 : i32
        %add3A_392 = arith.constant 6 : i32
        %add3A_393 = arith.addi %add3A_391, %add3A_392 : i32
        %get3A_394 = arith.index_cast %add3A_393 : i32 to index
        %get3A_395 = arith.constant 0 : index
        %get3A_396 = tpu.vector_load %arg9[%get3A_394, %get3A_395] {strides = array<i32>} : memref<128x64xf32, #tpu.memory_space<vmem>>, vector<1x16xf32>,
        %get3A_397 = vector.shape_cast %get3A_396 : vector<1x16xf32> to vector<16xf32>
        %mul3A_398 = vector.broadcast %squeeze3A_389 : f32 to vector<16xf32>
        %mul3A_399 = arith.mulf %get3A_397, %mul3A_398 : vector<16xf32>
        %add3A_400 = arith.addf %add3A_354, %mul3A_399 : vector<16xf32>
        %add3A_401 = arith.constant 0 : i32
        %add3A_402 = arith.addi %mul3A_100, %add3A_401 : i32
        %add3A_403 = arith.constant 6 : i32
        %add3A_404 = arith.addi %add3A_402, %add3A_403 : i32
        %get3A_405 = arith.index_cast %add3A_404 : i32 to index
        %get3A_406 = arith.constant 16 : index
        %get3A_407 = tpu.vector_load %arg9[%get3A_405, %get3A_406] {strides = array<i32>} : memref<128x64xf32, #tpu.memory_space<vmem>>, vector<1x16xf32>,
        %get3A_408 = vector.shape_cast %get3A_407 : vector<1x16xf32> to vector<16xf32>
        %mul3A_409 = vector.broadcast %squeeze3A_389 : f32 to vector<16xf32>
        %mul3A_410 = arith.mulf %get3A_408, %mul3A_409 : vector<16xf32>
        %add3A_411 = arith.addf %add3A_365, %mul3A_410 : vector<16xf32>
        %add3A_412 = arith.constant 0 : i32
        %add3A_413 = arith.addi %mul3A_100, %add3A_412 : i32
        %add3A_414 = arith.constant 6 : i32
        %add3A_415 = arith.addi %add3A_413, %add3A_414 : i32
        %get3A_416 = arith.index_cast %add3A_415 : i32 to index
        %get3A_417 = arith.constant 32 : index
        %get3A_418 = tpu.vector_load %arg9[%get3A_416, %get3A_417] {strides = array<i32>} : memref<128x64xf32, #tpu.memory_space<vmem>>, vector<1x16xf32>,
        %get3A_419 = vector.shape_cast %get3A_418 : vector<1x16xf32> to vector<16xf32>
        %mul3A_420 = vector.broadcast %squeeze3A_389 : f32 to vector<16xf32>
        %mul3A_421 = arith.mulf %get3A_419, %mul3A_420 : vector<16xf32>
        %add3A_422 = arith.addf %add3A_376, %mul3A_421 : vector<16xf32>
        %add3A_423 = arith.constant 0 : i32
        %add3A_424 = arith.addi %mul3A_100, %add3A_423 : i32
        %add3A_425 = arith.constant 6 : i32
        %add3A_426 = arith.addi %add3A_424, %add3A_425 : i32
        %get3A_427 = arith.index_cast %add3A_426 : i32 to index
        %get3A_428 = arith.constant 48 : index
        %get3A_429 = tpu.vector_load %arg9[%get3A_427, %get3A_428] {strides = array<i32>} : memref<128x64xf32, #tpu.memory_space<vmem>>, vector<1x16xf32>,
        %get3A_430 = vector.shape_cast %get3A_429 : vector<1x16xf32> to vector<16xf32>
        %mul3A_431 = vector.broadcast %squeeze3A_389 : f32 to vector<16xf32>
        %mul3A_432 = arith.mulf %get3A_430, %mul3A_431 : vector<16xf32>
        %add3A_433 = arith.addf %add3A_387, %mul3A_432 : vector<16xf32>
        %slice3A_434 = vector.extract_strided_slice %get3A_98 {offsets = [7], sizes = [1], strides = [1]} : vector<16xf32> to vector<1xf32>
        %squeeze3A_435 = vector.extract %slice3A_434[0] : f32 from vector<1xf32>
        %add3A_436 = arith.constant 0 : i32
        %add3A_437 = arith.addi %mul3A_100, %add3A_436 : i32
        %add3A_438 = arith.constant 7 : i32
        %add3A_439 = arith.addi %add3A_437, %add3A_438 : i32
        %get3A_440 = arith.index_cast %add3A_439 : i32 to index
        %get3A_441 = arith.constant 0 : index
        %get3A_442 = tpu.vector_load %arg9[%get3A_440, %get3A_441] {strides = array<i32>} : memref<128x64xf32, #tpu.memory_space<vmem>>, vector<1x16xf32>,
        %get3A_443 = vector.shape_cast %get3A_442 : vector<1x16xf32> to vector<16xf32>
        %mul3A_444 = vector.broadcast %squeeze3A_435 : f32 to vector<16xf32>
        %mul3A_445 = arith.mulf %get3A_443, %mul3A_444 : vector<16xf32>
        %add3A_446 = arith.addf %add3A_400, %mul3A_445 : vector<16xf32>
        %add3A_447 = arith.constant 0 : i32
        %add3A_448 = arith.addi %mul3A_100, %add3A_447 : i32
        %add3A_449 = arith.constant 7 : i32
        %add3A_450 = arith.addi %add3A_448, %add3A_449 : i32
        %get3A_451 = arith.index_cast %add3A_450 : i32 to index
        %get3A_452 = arith.constant 16 : index
        %get3A_453 = tpu.vector_load %arg9[%get3A_451, %get3A_452] {strides = array<i32>} : memref<128x64xf32, #tpu.memory_space<vmem>>, vector<1x16xf32>,
        %get3A_454 = vector.shape_cast %get3A_453 : vector<1x16xf32> to vector<16xf32>
        %mul3A_455 = vector.broadcast %squeeze3A_435 : f32 to vector<16xf32>
        %mul3A_456 = arith.mulf %get3A_454, %mul3A_455 : vector<16xf32>
        %add3A_457 = arith.addf %add3A_411, %mul3A_456 : vector<16xf32>
        %add3A_458 = arith.constant 0 : i32
        %add3A_459 = arith.addi %mul3A_100, %add3A_458 : i32
        %add3A_460 = arith.constant 7 : i32
        %add3A_461 = arith.addi %add3A_459, %add3A_460 : i32
        %get3A_462 = arith.index_cast %add3A_461 : i32 to index
        %get3A_463 = arith.constant 32 : index
        %get3A_464 = tpu.vector_load %arg9[%get3A_462, %get3A_463] {strides = array<i32>} : memref<128x64xf32, #tpu.memory_space<vmem>>, vector<1x16xf32>,
        %get3A_465 = vector.shape_cast %get3A_464 : vector<1x16xf32> to vector<16xf32>
        %mul3A_466 = vector.broadcast %squeeze3A_435 : f32 to vector<16xf32>
        %mul3A_467 = arith.mulf %get3A_465, %mul3A_466 : vector<16xf32>
        %add3A_468 = arith.addf %add3A_422, %mul3A_467 : vector<16xf32>
        %add3A_469 = arith.constant 0 : i32
        %add3A_470 = arith.addi %mul3A_100, %add3A_469 : i32
        %add3A_471 = arith.constant 7 : i32
        %add3A_472 = arith.addi %add3A_470, %add3A_471 : i32
        %get3A_473 = arith.index_cast %add3A_472 : i32 to index
        %get3A_474 = arith.constant 48 : index
        %get3A_475 = tpu.vector_load %arg9[%get3A_473, %get3A_474] {strides = array<i32>} : memref<128x64xf32, #tpu.memory_space<vmem>>, vector<1x16xf32>,
        %get3A_476 = vector.shape_cast %get3A_475 : vector<1x16xf32> to vector<16xf32>
        %mul3A_477 = vector.broadcast %squeeze3A_435 : f32 to vector<16xf32>
        %mul3A_478 = arith.mulf %get3A_476, %mul3A_477 : vector<16xf32>
        %add3A_479 = arith.addf %add3A_433, %mul3A_478 : vector<16xf32>
        %add3A_480 = arith.constant 0 : i32
        %add3A_481 = arith.addi %add3A_106, %add3A_480 : i32
        %mul3A_482 = arith.constant 64 : i32
        %mul3A_483 = arith.muli %add3A_481, %mul3A_482 : i32
        %add3A_484 = arith.constant 0 : i32
        %add3A_485 = arith.addi %mul3A_483, %add3A_484 : i32
        %swap3A = arith.index_cast %add3A_485 : i32 to index
        %swap3A_486 = tpu.vector_load %arg11[%swap3A] {strides = array<i32>} : memref<40960xf32, #tpu.memory_space<vmem>>, vector<16xf32>,
        %swap3A_487 = vector.shape_cast %swap3A_486 : vector<16xf32> to vector<16xf32>
        %swap3A_488 = vector.shape_cast %add3A_446 : vector<16xf32> to vector<16xf32>
        tpu.vector_store %arg11[%swap3A], %swap3A_488 {strides = array<i32>} : memref<40960xf32, #tpu.memory_space<vmem>>, vector<16xf32>,
        %add3A_489 = arith.constant 0 : i32
        %add3A_490 = arith.addi %add3A_106, %add3A_489 : i32
        %mul3A_491 = arith.constant 64 : i32
        %mul3A_492 = arith.muli %add3A_490, %mul3A_491 : i32
        %add3A_493 = arith.constant 16 : i32
        %add3A_494 = arith.addi %mul3A_492, %add3A_493 : i32
        %swap3A_495 = arith.index_cast %add3A_494 : i32 to index
        %swap3A_496 = tpu.vector_load %arg11[%swap3A_495] {strides = array<i32>} : memref<40960xf32, #tpu.memory_space<vmem>>, vector<16xf32>,
        %swap3A_497 = vector.shape_cast %swap3A_496 : vector<16xf32> to vector<16xf32>
        %swap3A_498 = vector.shape_cast %add3A_457 : vector<16xf32> to vector<16xf32>
        tpu.vector_store %arg11[%swap3A_495], %swap3A_498 {strides = array<i32>} : memref<40960xf32, #tpu.memory_space<vmem>>, vector<16xf32>,
        %add3A_499 = arith.constant 0 : i32
        %add3A_500 = arith.addi %add3A_106, %add3A_499 : i32
        %mul3A_501 = arith.constant 64 : i32
        %mul3A_502 = arith.muli %add3A_500, %mul3A_501 : i32
        %add3A_503 = arith.constant 32 : i32
        %add3A_504 = arith.addi %mul3A_502, %add3A_503 : i32
        %swap3A_505 = arith.index_cast %add3A_504 : i32 to index
        %swap3A_506 = tpu.vector_load %arg11[%swap3A_505] {strides = array<i32>} : memref<40960xf32, #tpu.memory_space<vmem>>, vector<16xf32>,
        %swap3A_507 = vector.shape_cast %swap3A_506 : vector<16xf32> to vector<16xf32>
        %swap3A_508 = vector.shape_cast %add3A_468 : vector<16xf32> to vector<16xf32>
        tpu.vector_store %arg11[%swap3A_505], %swap3A_508 {strides = array<i32>} : memref<40960xf32, #tpu.memory_space<vmem>>, vector<16xf32>,
        %add3A_509 = arith.constant 0 : i32
        %add3A_510 = arith.addi %add3A_106, %add3A_509 : i32
        %mul3A_511 = arith.constant 64 : i32
        %mul3A_512 = arith.muli %add3A_510, %mul3A_511 : i32
        %add3A_513 = arith.constant 48 : i32
        %add3A_514 = arith.addi %mul3A_512, %add3A_513 : i32
        %swap3A_515 = arith.index_cast %add3A_514 : i32 to index
        %swap3A_516 = tpu.vector_load %arg11[%swap3A_515] {strides = array<i32>} : memref<40960xf32, #tpu.memory_space<vmem>>, vector<16xf32>,
        %swap3A_517 = vector.shape_cast %swap3A_516 : vector<16xf32> to vector<16xf32>
        %swap3A_518 = vector.shape_cast %add3A_479 : vector<16xf32> to vector<16xf32>
        tpu.vector_store %arg11[%swap3A_515], %swap3A_518 {strides = array<i32>} : memref<40960xf32, #tpu.memory_space<vmem>>, vector<16xf32>,
        %broadcast_in_dim3A_519 = arith.constant 0.000000e+00 : f32
        %broadcast_in_dim3A_520 = vector.broadcast %broadcast_in_dim3A_519 : f32 to vector<16xf32>
        %broadcast_in_dim3A_521 = arith.constant 0.000000e+00 : f32
        %broadcast_in_dim3A_522 = vector.broadcast %broadcast_in_dim3A_521 : f32 to vector<16xf32>
        %broadcast_in_dim3A_523 = arith.constant 0.000000e+00 : f32
        %broadcast_in_dim3A_524 = vector.broadcast %broadcast_in_dim3A_523 : f32 to vector<16xf32>
        %broadcast_in_dim3A_525 = arith.constant 0.000000e+00 : f32
        %broadcast_in_dim3A_526 = vector.broadcast %broadcast_in_dim3A_525 : f32 to vector<16xf32>
        %slice3A_527 = vector.extract_strided_slice %get3A_98 {offsets = [8], sizes = [1], strides = [1]} : vector<16xf32> to vector<1xf32>
        %squeeze3A_528 = vector.extract %slice3A_527[0] : f32 from vector<1xf32>
        %add3A_529 = arith.constant 8 : i32
        %add3A_530 = arith.addi %mul3A_100, %add3A_529 : i32
        %add3A_531 = arith.constant 0 : i32
        %add3A_532 = arith.addi %add3A_530, %add3A_531 : i32
        %get3A_533 = arith.index_cast %add3A_532 : i32 to index
        %get3A_534 = arith.constant 0 : index
        %get3A_535 = tpu.vector_load %arg9[%get3A_533, %get3A_534] {strides = array<i32>} : memref<128x64xf32, #tpu.memory_space<vmem>>, vector<1x16xf32>,
        %get3A_536 = vector.shape_cast %get3A_535 : vector<1x16xf32> to vector<16xf32>
        %mul3A_537 = vector.broadcast %squeeze3A_528 : f32 to vector<16xf32>
        %mul3A_538 = arith.mulf %get3A_536, %mul3A_537 : vector<16xf32>
        %add3A_539 = arith.addf %broadcast_in_dim3A_520, %mul3A_538 : vector<16xf32>
        %add3A_540 = arith.constant 8 : i32
        %add3A_541 = arith.addi %mul3A_100, %add3A_540 : i32
        %add3A_542 = arith.constant 0 : i32
        %add3A_543 = arith.addi %add3A_541, %add3A_542 : i32
        %get3A_544 = arith.index_cast %add3A_543 : i32 to index
        %get3A_545 = arith.constant 16 : index
        %get3A_546 = tpu.vector_load %arg9[%get3A_544, %get3A_545] {strides = array<i32>} : memref<128x64xf32, #tpu.memory_space<vmem>>, vector<1x16xf32>,
        %get3A_547 = vector.shape_cast %get3A_546 : vector<1x16xf32> to vector<16xf32>
        %mul3A_548 = vector.broadcast %squeeze3A_528 : f32 to vector<16xf32>
        %mul3A_549 = arith.mulf %get3A_547, %mul3A_548 : vector<16xf32>
        %add3A_550 = arith.addf %broadcast_in_dim3A_522, %mul3A_549 : vector<16xf32>
        %add3A_551 = arith.constant 8 : i32
        %add3A_552 = arith.addi %mul3A_100, %add3A_551 : i32
        %add3A_553 = arith.constant 0 : i32
        %add3A_554 = arith.addi %add3A_552, %add3A_553 : i32
        %get3A_555 = arith.index_cast %add3A_554 : i32 to index
        %get3A_556 = arith.constant 32 : index
        %get3A_557 = tpu.vector_load %arg9[%get3A_555, %get3A_556] {strides = array<i32>} : memref<128x64xf32, #tpu.memory_space<vmem>>, vector<1x16xf32>,
        %get3A_558 = vector.shape_cast %get3A_557 : vector<1x16xf32> to vector<16xf32>
        %mul3A_559 = vector.broadcast %squeeze3A_528 : f32 to vector<16xf32>
        %mul3A_560 = arith.mulf %get3A_558, %mul3A_559 : vector<16xf32>
        %add3A_561 = arith.addf %broadcast_in_dim3A_524, %mul3A_560 : vector<16xf32>
        %add3A_562 = arith.constant 8 : i32
        %add3A_563 = arith.addi %mul3A_100, %add3A_562 : i32
        %add3A_564 = arith.constant 0 : i32
        %add3A_565 = arith.addi %add3A_563, %add3A_564 : i32
        %get3A_566 = arith.index_cast %add3A_565 : i32 to index
        %get3A_567 = arith.constant 48 : index
        %get3A_568 = tpu.vector_load %arg9[%get3A_566, %get3A_567] {strides = array<i32>} : memref<128x64xf32, #tpu.memory_space<vmem>>, vector<1x16xf32>,
        %get3A_569 = vector.shape_cast %get3A_568 : vector<1x16xf32> to vector<16xf32>
        %mul3A_570 = vector.broadcast %squeeze3A_528 : f32 to vector<16xf32>
        %mul3A_571 = arith.mulf %get3A_569, %mul3A_570 : vector<16xf32>
        %add3A_572 = arith.addf %broadcast_in_dim3A_526, %mul3A_571 : vector<16xf32>
        %slice3A_573 = vector.extract_strided_slice %get3A_98 {offsets = [9], sizes = [1], strides = [1]} : vector<16xf32> to vector<1xf32>
        %squeeze3A_574 = vector.extract %slice3A_573[0] : f32 from vector<1xf32>
        %add3A_575 = arith.constant 8 : i32
        %add3A_576 = arith.addi %mul3A_100, %add3A_575 : i32
        %add3A_577 = arith.constant 1 : i32
        %add3A_578 = arith.addi %add3A_576, %add3A_577 : i32
        %get3A_579 = arith.index_cast %add3A_578 : i32 to index
        %get3A_580 = arith.constant 0 : index
        %get3A_581 = tpu.vector_load %arg9[%get3A_579, %get3A_580] {strides = array<i32>} : memref<128x64xf32, #tpu.memory_space<vmem>>, vector<1x16xf32>,
        %get3A_582 = vector.shape_cast %get3A_581 : vector<1x16xf32> to vector<16xf32>
        %mul3A_583 = vector.broadcast %squeeze3A_574 : f32 to vector<16xf32>
        %mul3A_584 = arith.mulf %get3A_582, %mul3A_583 : vector<16xf32>
        %add3A_585 = arith.addf %add3A_539, %mul3A_584 : vector<16xf32>
        %add3A_586 = arith.constant 8 : i32
        %add3A_587 = arith.addi %mul3A_100, %add3A_586 : i32
        %add3A_588 = arith.constant 1 : i32
        %add3A_589 = arith.addi %add3A_587, %add3A_588 : i32
        %get3A_590 = arith.index_cast %add3A_589 : i32 to index
        %get3A_591 = arith.constant 16 : index
        %get3A_592 = tpu.vector_load %arg9[%get3A_590, %get3A_591] {strides = array<i32>} : memref<128x64xf32, #tpu.memory_space<vmem>>, vector<1x16xf32>,
        %get3A_593 = vector.shape_cast %get3A_592 : vector<1x16xf32> to vector<16xf32>
        %mul3A_594 = vector.broadcast %squeeze3A_574 : f32 to vector<16xf32>
        %mul3A_595 = arith.mulf %get3A_593, %mul3A_594 : vector<16xf32>
        %add3A_596 = arith.addf %add3A_550, %mul3A_595 : vector<16xf32>
        %add3A_597 = arith.constant 8 : i32
        %add3A_598 = arith.addi %mul3A_100, %add3A_597 : i32
        %add3A_599 = arith.constant 1 : i32
        %add3A_600 = arith.addi %add3A_598, %add3A_599 : i32
        %get3A_601 = arith.index_cast %add3A_600 : i32 to index
        %get3A_602 = arith.constant 32 : index
        %get3A_603 = tpu.vector_load %arg9[%get3A_601, %get3A_602] {strides = array<i32>} : memref<128x64xf32, #tpu.memory_space<vmem>>, vector<1x16xf32>,
        %get3A_604 = vector.shape_cast %get3A_603 : vector<1x16xf32> to vector<16xf32>
        %mul3A_605 = vector.broadcast %squeeze3A_574 : f32 to vector<16xf32>
        %mul3A_606 = arith.mulf %get3A_604, %mul3A_605 : vector<16xf32>
        %add3A_607 = arith.addf %add3A_561, %mul3A_606 : vector<16xf32>
        %add3A_608 = arith.constant 8 : i32
        %add3A_609 = arith.addi %mul3A_100, %add3A_608 : i32
        %add3A_610 = arith.constant 1 : i32
        %add3A_611 = arith.addi %add3A_609, %add3A_610 : i32
        %get3A_612 = arith.index_cast %add3A_611 : i32 to index
        %get3A_613 = arith.constant 48 : index
        %get3A_614 = tpu.vector_load %arg9[%get3A_612, %get3A_613] {strides = array<i32>} : memref<128x64xf32, #tpu.memory_space<vmem>>, vector<1x16xf32>,
        %get3A_615 = vector.shape_cast %get3A_614 : vector<1x16xf32> to vector<16xf32>
        %mul3A_616 = vector.broadcast %squeeze3A_574 : f32 to vector<16xf32>
        %mul3A_617 = arith.mulf %get3A_615, %mul3A_616 : vector<16xf32>
        %add3A_618 = arith.addf %add3A_572, %mul3A_617 : vector<16xf32>
        %slice3A_619 = vector.extract_strided_slice %get3A_98 {offsets = [10], sizes = [1], strides = [1]} : vector<16xf32> to vector<1xf32>
        %squeeze3A_620 = vector.extract %slice3A_619[0] : f32 from vector<1xf32>
        %add3A_621 = arith.constant 8 : i32
        %add3A_622 = arith.addi %mul3A_100, %add3A_621 : i32
        %add3A_623 = arith.constant 2 : i32
        %add3A_624 = arith.addi %add3A_622, %add3A_623 : i32
        %get3A_625 = arith.index_cast %add3A_624 : i32 to index
        %get3A_626 = arith.constant 0 : index
        %get3A_627 = tpu.vector_load %arg9[%get3A_625, %get3A_626] {strides = array<i32>} : memref<128x64xf32, #tpu.memory_space<vmem>>, vector<1x16xf32>,
        %get3A_628 = vector.shape_cast %get3A_627 : vector<1x16xf32> to vector<16xf32>
        %mul3A_629 = vector.broadcast %squeeze3A_620 : f32 to vector<16xf32>
        %mul3A_630 = arith.mulf %get3A_628, %mul3A_629 : vector<16xf32>
        %add3A_631 = arith.addf %add3A_585, %mul3A_630 : vector<16xf32>
        %add3A_632 = arith.constant 8 : i32
        %add3A_633 = arith.addi %mul3A_100, %add3A_632 : i32
        %add3A_634 = arith.constant 2 : i32
        %add3A_635 = arith.addi %add3A_633, %add3A_634 : i32
        %get3A_636 = arith.index_cast %add3A_635 : i32 to index
        %get3A_637 = arith.constant 16 : index
        %get3A_638 = tpu.vector_load %arg9[%get3A_636, %get3A_637] {strides = array<i32>} : memref<128x64xf32, #tpu.memory_space<vmem>>, vector<1x16xf32>,
        %get3A_639 = vector.shape_cast %get3A_638 : vector<1x16xf32> to vector<16xf32>
        %mul3A_640 = vector.broadcast %squeeze3A_620 : f32 to vector<16xf32>
        %mul3A_641 = arith.mulf %get3A_639, %mul3A_640 : vector<16xf32>
        %add3A_642 = arith.addf %add3A_596, %mul3A_641 : vector<16xf32>
        %add3A_643 = arith.constant 8 : i32
        %add3A_644 = arith.addi %mul3A_100, %add3A_643 : i32
        %add3A_645 = arith.constant 2 : i32
        %add3A_646 = arith.addi %add3A_644, %add3A_645 : i32
        %get3A_647 = arith.index_cast %add3A_646 : i32 to index
        %get3A_648 = arith.constant 32 : index
        %get3A_649 = tpu.vector_load %arg9[%get3A_647, %get3A_648] {strides = array<i32>} : memref<128x64xf32, #tpu.memory_space<vmem>>, vector<1x16xf32>,
        %get3A_650 = vector.shape_cast %get3A_649 : vector<1x16xf32> to vector<16xf32>
        %mul3A_651 = vector.broadcast %squeeze3A_620 : f32 to vector<16xf32>
        %mul3A_652 = arith.mulf %get3A_650, %mul3A_651 : vector<16xf32>
        %add3A_653 = arith.addf %add3A_607, %mul3A_652 : vector<16xf32>
        %add3A_654 = arith.constant 8 : i32
        %add3A_655 = arith.addi %mul3A_100, %add3A_654 : i32
        %add3A_656 = arith.constant 2 : i32
        %add3A_657 = arith.addi %add3A_655, %add3A_656 : i32
        %get3A_658 = arith.index_cast %add3A_657 : i32 to index
        %get3A_659 = arith.constant 48 : index
        %get3A_660 = tpu.vector_load %arg9[%get3A_658, %get3A_659] {strides = array<i32>} : memref<128x64xf32, #tpu.memory_space<vmem>>, vector<1x16xf32>,
        %get3A_661 = vector.shape_cast %get3A_660 : vector<1x16xf32> to vector<16xf32>
        %mul3A_662 = vector.broadcast %squeeze3A_620 : f32 to vector<16xf32>
        %mul3A_663 = arith.mulf %get3A_661, %mul3A_662 : vector<16xf32>
        %add3A_664 = arith.addf %add3A_618, %mul3A_663 : vector<16xf32>
        %slice3A_665 = vector.extract_strided_slice %get3A_98 {offsets = [11], sizes = [1], strides = [1]} : vector<16xf32> to vector<1xf32>
        %squeeze3A_666 = vector.extract %slice3A_665[0] : f32 from vector<1xf32>
        %add3A_667 = arith.constant 8 : i32
        %add3A_668 = arith.addi %mul3A_100, %add3A_667 : i32
        %add3A_669 = arith.constant 3 : i32
        %add3A_670 = arith.addi %add3A_668, %add3A_669 : i32
        %get3A_671 = arith.index_cast %add3A_670 : i32 to index
        %get3A_672 = arith.constant 0 : index
        %get3A_673 = tpu.vector_load %arg9[%get3A_671, %get3A_672] {strides = array<i32>} : memref<128x64xf32, #tpu.memory_space<vmem>>, vector<1x16xf32>,
        %get3A_674 = vector.shape_cast %get3A_673 : vector<1x16xf32> to vector<16xf32>
        %mul3A_675 = vector.broadcast %squeeze3A_666 : f32 to vector<16xf32>
        %mul3A_676 = arith.mulf %get3A_674, %mul3A_675 : vector<16xf32>
        %add3A_677 = arith.addf %add3A_631, %mul3A_676 : vector<16xf32>
        %add3A_678 = arith.constant 8 : i32
        %add3A_679 = arith.addi %mul3A_100, %add3A_678 : i32
        %add3A_680 = arith.constant 3 : i32
        %add3A_681 = arith.addi %add3A_679, %add3A_680 : i32
        %get3A_682 = arith.index_cast %add3A_681 : i32 to index
        %get3A_683 = arith.constant 16 : index
        %get3A_684 = tpu.vector_load %arg9[%get3A_682, %get3A_683] {strides = array<i32>} : memref<128x64xf32, #tpu.memory_space<vmem>>, vector<1x16xf32>,
        %get3A_685 = vector.shape_cast %get3A_684 : vector<1x16xf32> to vector<16xf32>
        %mul3A_686 = vector.broadcast %squeeze3A_666 : f32 to vector<16xf32>
        %mul3A_687 = arith.mulf %get3A_685, %mul3A_686 : vector<16xf32>
        %add3A_688 = arith.addf %add3A_642, %mul3A_687 : vector<16xf32>
        %add3A_689 = arith.constant 8 : i32
        %add3A_690 = arith.addi %mul3A_100, %add3A_689 : i32
        %add3A_691 = arith.constant 3 : i32
        %add3A_692 = arith.addi %add3A_690, %add3A_691 : i32
        %get3A_693 = arith.index_cast %add3A_692 : i32 to index
        %get3A_694 = arith.constant 32 : index
        %get3A_695 = tpu.vector_load %arg9[%get3A_693, %get3A_694] {strides = array<i32>} : memref<128x64xf32, #tpu.memory_space<vmem>>, vector<1x16xf32>,
        %get3A_696 = vector.shape_cast %get3A_695 : vector<1x16xf32> to vector<16xf32>
        %mul3A_697 = vector.broadcast %squeeze3A_666 : f32 to vector<16xf32>
        %mul3A_698 = arith.mulf %get3A_696, %mul3A_697 : vector<16xf32>
        %add3A_699 = arith.addf %add3A_653, %mul3A_698 : vector<16xf32>
        %add3A_700 = arith.constant 8 : i32
        %add3A_701 = arith.addi %mul3A_100, %add3A_700 : i32
        %add3A_702 = arith.constant 3 : i32
        %add3A_703 = arith.addi %add3A_701, %add3A_702 : i32
        %get3A_704 = arith.index_cast %add3A_703 : i32 to index
        %get3A_705 = arith.constant 48 : index
        %get3A_706 = tpu.vector_load %arg9[%get3A_704, %get3A_705] {strides = array<i32>} : memref<128x64xf32, #tpu.memory_space<vmem>>, vector<1x16xf32>,
        %get3A_707 = vector.shape_cast %get3A_706 : vector<1x16xf32> to vector<16xf32>
        %mul3A_708 = vector.broadcast %squeeze3A_666 : f32 to vector<16xf32>
        %mul3A_709 = arith.mulf %get3A_707, %mul3A_708 : vector<16xf32>
        %add3A_710 = arith.addf %add3A_664, %mul3A_709 : vector<16xf32>
        %slice3A_711 = vector.extract_strided_slice %get3A_98 {offsets = [12], sizes = [1], strides = [1]} : vector<16xf32> to vector<1xf32>
        %squeeze3A_712 = vector.extract %slice3A_711[0] : f32 from vector<1xf32>
        %add3A_713 = arith.constant 8 : i32
        %add3A_714 = arith.addi %mul3A_100, %add3A_713 : i32
        %add3A_715 = arith.constant 4 : i32
        %add3A_716 = arith.addi %add3A_714, %add3A_715 : i32
        %get3A_717 = arith.index_cast %add3A_716 : i32 to index
        %get3A_718 = arith.constant 0 : index
        %get3A_719 = tpu.vector_load %arg9[%get3A_717, %get3A_718] {strides = array<i32>} : memref<128x64xf32, #tpu.memory_space<vmem>>, vector<1x16xf32>,
        %get3A_720 = vector.shape_cast %get3A_719 : vector<1x16xf32> to vector<16xf32>
        %mul3A_721 = vector.broadcast %squeeze3A_712 : f32 to vector<16xf32>
        %mul3A_722 = arith.mulf %get3A_720, %mul3A_721 : vector<16xf32>
        %add3A_723 = arith.addf %add3A_677, %mul3A_722 : vector<16xf32>
        %add3A_724 = arith.constant 8 : i32
        %add3A_725 = arith.addi %mul3A_100, %add3A_724 : i32
        %add3A_726 = arith.constant 4 : i32
        %add3A_727 = arith.addi %add3A_725, %add3A_726 : i32
        %get3A_728 = arith.index_cast %add3A_727 : i32 to index
        %get3A_729 = arith.constant 16 : index
        %get3A_730 = tpu.vector_load %arg9[%get3A_728, %get3A_729] {strides = array<i32>} : memref<128x64xf32, #tpu.memory_space<vmem>>, vector<1x16xf32>,
        %get3A_731 = vector.shape_cast %get3A_730 : vector<1x16xf32> to vector<16xf32>
        %mul3A_732 = vector.broadcast %squeeze3A_712 : f32 to vector<16xf32>
        %mul3A_733 = arith.mulf %get3A_731, %mul3A_732 : vector<16xf32>
        %add3A_734 = arith.addf %add3A_688, %mul3A_733 : vector<16xf32>
        %add3A_735 = arith.constant 8 : i32
        %add3A_736 = arith.addi %mul3A_100, %add3A_735 : i32
        %add3A_737 = arith.constant 4 : i32
        %add3A_738 = arith.addi %add3A_736, %add3A_737 : i32
        %get3A_739 = arith.index_cast %add3A_738 : i32 to index
        %get3A_740 = arith.constant 32 : index
        %get3A_741 = tpu.vector_load %arg9[%get3A_739, %get3A_740] {strides = array<i32>} : memref<128x64xf32, #tpu.memory_space<vmem>>, vector<1x16xf32>,
        %get3A_742 = vector.shape_cast %get3A_741 : vector<1x16xf32> to vector<16xf32>
        %mul3A_743 = vector.broadcast %squeeze3A_712 : f32 to vector<16xf32>
        %mul3A_744 = arith.mulf %get3A_742, %mul3A_743 : vector<16xf32>
        %add3A_745 = arith.addf %add3A_699, %mul3A_744 : vector<16xf32>
        %add3A_746 = arith.constant 8 : i32
        %add3A_747 = arith.addi %mul3A_100, %add3A_746 : i32
        %add3A_748 = arith.constant 4 : i32
        %add3A_749 = arith.addi %add3A_747, %add3A_748 : i32
        %get3A_750 = arith.index_cast %add3A_749 : i32 to index
        %get3A_751 = arith.constant 48 : index
        %get3A_752 = tpu.vector_load %arg9[%get3A_750, %get3A_751] {strides = array<i32>} : memref<128x64xf32, #tpu.memory_space<vmem>>, vector<1x16xf32>,
        %get3A_753 = vector.shape_cast %get3A_752 : vector<1x16xf32> to vector<16xf32>
        %mul3A_754 = vector.broadcast %squeeze3A_712 : f32 to vector<16xf32>
        %mul3A_755 = arith.mulf %get3A_753, %mul3A_754 : vector<16xf32>
        %add3A_756 = arith.addf %add3A_710, %mul3A_755 : vector<16xf32>
        %slice3A_757 = vector.extract_strided_slice %get3A_98 {offsets = [13], sizes = [1], strides = [1]} : vector<16xf32> to vector<1xf32>
        %squeeze3A_758 = vector.extract %slice3A_757[0] : f32 from vector<1xf32>
        %add3A_759 = arith.constant 8 : i32
        %add3A_760 = arith.addi %mul3A_100, %add3A_759 : i32
        %add3A_761 = arith.constant 5 : i32
        %add3A_762 = arith.addi %add3A_760, %add3A_761 : i32
        %get3A_763 = arith.index_cast %add3A_762 : i32 to index
        %get3A_764 = arith.constant 0 : index
        %get3A_765 = tpu.vector_load %arg9[%get3A_763, %get3A_764] {strides = array<i32>} : memref<128x64xf32, #tpu.memory_space<vmem>>, vector<1x16xf32>,
        %get3A_766 = vector.shape_cast %get3A_765 : vector<1x16xf32> to vector<16xf32>
        %mul3A_767 = vector.broadcast %squeeze3A_758 : f32 to vector<16xf32>
        %mul3A_768 = arith.mulf %get3A_766, %mul3A_767 : vector<16xf32>
        %add3A_769 = arith.addf %add3A_723, %mul3A_768 : vector<16xf32>
        %add3A_770 = arith.constant 8 : i32
        %add3A_771 = arith.addi %mul3A_100, %add3A_770 : i32
        %add3A_772 = arith.constant 5 : i32
        %add3A_773 = arith.addi %add3A_771, %add3A_772 : i32
        %get3A_774 = arith.index_cast %add3A_773 : i32 to index
        %get3A_775 = arith.constant 16 : index
        %get3A_776 = tpu.vector_load %arg9[%get3A_774, %get3A_775] {strides = array<i32>} : memref<128x64xf32, #tpu.memory_space<vmem>>, vector<1x16xf32>,
        %get3A_777 = vector.shape_cast %get3A_776 : vector<1x16xf32> to vector<16xf32>
        %mul3A_778 = vector.broadcast %squeeze3A_758 : f32 to vector<16xf32>
        %mul3A_779 = arith.mulf %get3A_777, %mul3A_778 : vector<16xf32>
        %add3A_780 = arith.addf %add3A_734, %mul3A_779 : vector<16xf32>
        %add3A_781 = arith.constant 8 : i32
        %add3A_782 = arith.addi %mul3A_100, %add3A_781 : i32
        %add3A_783 = arith.constant 5 : i32
        %add3A_784 = arith.addi %add3A_782, %add3A_783 : i32
        %get3A_785 = arith.index_cast %add3A_784 : i32 to index
        %get3A_786 = arith.constant 32 : index
        %get3A_787 = tpu.vector_load %arg9[%get3A_785, %get3A_786] {strides = array<i32>} : memref<128x64xf32, #tpu.memory_space<vmem>>, vector<1x16xf32>,
        %get3A_788 = vector.shape_cast %get3A_787 : vector<1x16xf32> to vector<16xf32>
        %mul3A_789 = vector.broadcast %squeeze3A_758 : f32 to vector<16xf32>
        %mul3A_790 = arith.mulf %get3A_788, %mul3A_789 : vector<16xf32>
        %add3A_791 = arith.addf %add3A_745, %mul3A_790 : vector<16xf32>
        %add3A_792 = arith.constant 8 : i32
        %add3A_793 = arith.addi %mul3A_100, %add3A_792 : i32
        %add3A_794 = arith.constant 5 : i32
        %add3A_795 = arith.addi %add3A_793, %add3A_794 : i32
        %get3A_796 = arith.index_cast %add3A_795 : i32 to index
        %get3A_797 = arith.constant 48 : index
        %get3A_798 = tpu.vector_load %arg9[%get3A_796, %get3A_797] {strides = array<i32>} : memref<128x64xf32, #tpu.memory_space<vmem>>, vector<1x16xf32>,
        %get3A_799 = vector.shape_cast %get3A_798 : vector<1x16xf32> to vector<16xf32>
        %mul3A_800 = vector.broadcast %squeeze3A_758 : f32 to vector<16xf32>
        %mul3A_801 = arith.mulf %get3A_799, %mul3A_800 : vector<16xf32>
        %add3A_802 = arith.addf %add3A_756, %mul3A_801 : vector<16xf32>
        %slice3A_803 = vector.extract_strided_slice %get3A_98 {offsets = [14], sizes = [1], strides = [1]} : vector<16xf32> to vector<1xf32>
        %squeeze3A_804 = vector.extract %slice3A_803[0] : f32 from vector<1xf32>
        %add3A_805 = arith.constant 8 : i32
        %add3A_806 = arith.addi %mul3A_100, %add3A_805 : i32
        %add3A_807 = arith.constant 6 : i32
        %add3A_808 = arith.addi %add3A_806, %add3A_807 : i32
        %get3A_809 = arith.index_cast %add3A_808 : i32 to index
        %get3A_810 = arith.constant 0 : index
        %get3A_811 = tpu.vector_load %arg9[%get3A_809, %get3A_810] {strides = array<i32>} : memref<128x64xf32, #tpu.memory_space<vmem>>, vector<1x16xf32>,
        %get3A_812 = vector.shape_cast %get3A_811 : vector<1x16xf32> to vector<16xf32>
        %mul3A_813 = vector.broadcast %squeeze3A_804 : f32 to vector<16xf32>
        %mul3A_814 = arith.mulf %get3A_812, %mul3A_813 : vector<16xf32>
        %add3A_815 = arith.addf %add3A_769, %mul3A_814 : vector<16xf32>
        %add3A_816 = arith.constant 8 : i32
        %add3A_817 = arith.addi %mul3A_100, %add3A_816 : i32
        %add3A_818 = arith.constant 6 : i32
        %add3A_819 = arith.addi %add3A_817, %add3A_818 : i32
        %get3A_820 = arith.index_cast %add3A_819 : i32 to index
        %get3A_821 = arith.constant 16 : index
        %get3A_822 = tpu.vector_load %arg9[%get3A_820, %get3A_821] {strides = array<i32>} : memref<128x64xf32, #tpu.memory_space<vmem>>, vector<1x16xf32>,
        %get3A_823 = vector.shape_cast %get3A_822 : vector<1x16xf32> to vector<16xf32>
        %mul3A_824 = vector.broadcast %squeeze3A_804 : f32 to vector<16xf32>
        %mul3A_825 = arith.mulf %get3A_823, %mul3A_824 : vector<16xf32>
        %add3A_826 = arith.addf %add3A_780, %mul3A_825 : vector<16xf32>
        %add3A_827 = arith.constant 8 : i32
        %add3A_828 = arith.addi %mul3A_100, %add3A_827 : i32
        %add3A_829 = arith.constant 6 : i32
        %add3A_830 = arith.addi %add3A_828, %add3A_829 : i32
        %get3A_831 = arith.index_cast %add3A_830 : i32 to index
        %get3A_832 = arith.constant 32 : index
        %get3A_833 = tpu.vector_load %arg9[%get3A_831, %get3A_832] {strides = array<i32>} : memref<128x64xf32, #tpu.memory_space<vmem>>, vector<1x16xf32>,
        %get3A_834 = vector.shape_cast %get3A_833 : vector<1x16xf32> to vector<16xf32>
        %mul3A_835 = vector.broadcast %squeeze3A_804 : f32 to vector<16xf32>
        %mul3A_836 = arith.mulf %get3A_834, %mul3A_835 : vector<16xf32>
        %add3A_837 = arith.addf %add3A_791, %mul3A_836 : vector<16xf32>
        %add3A_838 = arith.constant 8 : i32
        %add3A_839 = arith.addi %mul3A_100, %add3A_838 : i32
        %add3A_840 = arith.constant 6 : i32
        %add3A_841 = arith.addi %add3A_839, %add3A_840 : i32
        %get3A_842 = arith.index_cast %add3A_841 : i32 to index
        %get3A_843 = arith.constant 48 : index
        %get3A_844 = tpu.vector_load %arg9[%get3A_842, %get3A_843] {strides = array<i32>} : memref<128x64xf32, #tpu.memory_space<vmem>>, vector<1x16xf32>,
        %get3A_845 = vector.shape_cast %get3A_844 : vector<1x16xf32> to vector<16xf32>
        %mul3A_846 = vector.broadcast %squeeze3A_804 : f32 to vector<16xf32>
        %mul3A_847 = arith.mulf %get3A_845, %mul3A_846 : vector<16xf32>
        %add3A_848 = arith.addf %add3A_802, %mul3A_847 : vector<16xf32>
        %slice3A_849 = vector.extract_strided_slice %get3A_98 {offsets = [15], sizes = [1], strides = [1]} : vector<16xf32> to vector<1xf32>
        %squeeze3A_850 = vector.extract %slice3A_849[0] : f32 from vector<1xf32>
        %add3A_851 = arith.constant 8 : i32
        %add3A_852 = arith.addi %mul3A_100, %add3A_851 : i32
        %add3A_853 = arith.constant 7 : i32
        %add3A_854 = arith.addi %add3A_852, %add3A_853 : i32
        %get3A_855 = arith.index_cast %add3A_854 : i32 to index
        %get3A_856 = arith.constant 0 : index
        %get3A_857 = tpu.vector_load %arg9[%get3A_855, %get3A_856] {strides = array<i32>} : memref<128x64xf32, #tpu.memory_space<vmem>>, vector<1x16xf32>,
        %get3A_858 = vector.shape_cast %get3A_857 : vector<1x16xf32> to vector<16xf32>
        %mul3A_859 = vector.broadcast %squeeze3A_850 : f32 to vector<16xf32>
        %mul3A_860 = arith.mulf %get3A_858, %mul3A_859 : vector<16xf32>
        %add3A_861 = arith.addf %add3A_815, %mul3A_860 : vector<16xf32>
        %add3A_862 = arith.constant 8 : i32
        %add3A_863 = arith.addi %mul3A_100, %add3A_862 : i32
        %add3A_864 = arith.constant 7 : i32
        %add3A_865 = arith.addi %add3A_863, %add3A_864 : i32
        %get3A_866 = arith.index_cast %add3A_865 : i32 to index
        %get3A_867 = arith.constant 16 : index
        %get3A_868 = tpu.vector_load %arg9[%get3A_866, %get3A_867] {strides = array<i32>} : memref<128x64xf32, #tpu.memory_space<vmem>>, vector<1x16xf32>,
        %get3A_869 = vector.shape_cast %get3A_868 : vector<1x16xf32> to vector<16xf32>
        %mul3A_870 = vector.broadcast %squeeze3A_850 : f32 to vector<16xf32>
        %mul3A_871 = arith.mulf %get3A_869, %mul3A_870 : vector<16xf32>
        %add3A_872 = arith.addf %add3A_826, %mul3A_871 : vector<16xf32>
        %add3A_873 = arith.constant 8 : i32
        %add3A_874 = arith.addi %mul3A_100, %add3A_873 : i32
        %add3A_875 = arith.constant 7 : i32
        %add3A_876 = arith.addi %add3A_874, %add3A_875 : i32
        %get3A_877 = arith.index_cast %add3A_876 : i32 to index
        %get3A_878 = arith.constant 32 : index
        %get3A_879 = tpu.vector_load %arg9[%get3A_877, %get3A_878] {strides = array<i32>} : memref<128x64xf32, #tpu.memory_space<vmem>>, vector<1x16xf32>,
        %get3A_880 = vector.shape_cast %get3A_879 : vector<1x16xf32> to vector<16xf32>
        %mul3A_881 = vector.broadcast %squeeze3A_850 : f32 to vector<16xf32>
        %mul3A_882 = arith.mulf %get3A_880, %mul3A_881 : vector<16xf32>
        %add3A_883 = arith.addf %add3A_837, %mul3A_882 : vector<16xf32>
        %add3A_884 = arith.constant 8 : i32
        %add3A_885 = arith.addi %mul3A_100, %add3A_884 : i32
        %add3A_886 = arith.constant 7 : i32
        %add3A_887 = arith.addi %add3A_885, %add3A_886 : i32
        %get3A_888 = arith.index_cast %add3A_887 : i32 to index
        %get3A_889 = arith.constant 48 : index
        %get3A_890 = tpu.vector_load %arg9[%get3A_888, %get3A_889] {strides = array<i32>} : memref<128x64xf32, #tpu.memory_space<vmem>>, vector<1x16xf32>,
        %get3A_891 = vector.shape_cast %get3A_890 : vector<1x16xf32> to vector<16xf32>
        %mul3A_892 = vector.broadcast %squeeze3A_850 : f32 to vector<16xf32>
        %mul3A_893 = arith.mulf %get3A_891, %mul3A_892 : vector<16xf32>
        %add3A_894 = arith.addf %add3A_848, %mul3A_893 : vector<16xf32>
        %add3A_895 = arith.constant 1 : i32
        %add3A_896 = arith.addi %add3A_106, %add3A_895 : i32
        %mul3A_897 = arith.constant 64 : i32
        %mul3A_898 = arith.muli %add3A_896, %mul3A_897 : i32
        %add3A_899 = arith.constant 0 : i32
        %add3A_900 = arith.addi %mul3A_898, %add3A_899 : i32
        %swap3A_901 = arith.index_cast %add3A_900 : i32 to index
        %swap3A_902 = tpu.vector_load %arg11[%swap3A_901] {strides = array<i32>} : memref<40960xf32, #tpu.memory_space<vmem>>, vector<16xf32>,
        %swap3A_903 = vector.shape_cast %swap3A_902 : vector<16xf32> to vector<16xf32>
        %swap3A_904 = vector.shape_cast %add3A_861 : vector<16xf32> to vector<16xf32>
        tpu.vector_store %arg11[%swap3A_901], %swap3A_904 {strides = array<i32>} : memref<40960xf32, #tpu.memory_space<vmem>>, vector<16xf32>,
        %add3A_905 = arith.constant 1 : i32
        %add3A_906 = arith.addi %add3A_106, %add3A_905 : i32
        %mul3A_907 = arith.constant 64 : i32
        %mul3A_908 = arith.muli %add3A_906, %mul3A_907 : i32
        %add3A_909 = arith.constant 16 : i32
        %add3A_910 = arith.addi %mul3A_908, %add3A_909 : i32
        %swap3A_911 = arith.index_cast %add3A_910 : i32 to index
        %swap3A_912 = tpu.vector_load %arg11[%swap3A_911] {strides = array<i32>} : memref<40960xf32, #tpu.memory_space<vmem>>, vector<16xf32>,
        %swap3A_913 = vector.shape_cast %swap3A_912 : vector<16xf32> to vector<16xf32>
        %swap3A_914 = vector.shape_cast %add3A_872 : vector<16xf32> to vector<16xf32>
        tpu.vector_store %arg11[%swap3A_911], %swap3A_914 {strides = array<i32>} : memref<40960xf32, #tpu.memory_space<vmem>>, vector<16xf32>,
        %add3A_915 = arith.constant 1 : i32
        %add3A_916 = arith.addi %add3A_106, %add3A_915 : i32
        %mul3A_917 = arith.constant 64 : i32
        %mul3A_918 = arith.muli %add3A_916, %mul3A_917 : i32
        %add3A_919 = arith.constant 32 : i32
        %add3A_920 = arith.addi %mul3A_918, %add3A_919 : i32
        %swap3A_921 = arith.index_cast %add3A_920 : i32 to index
        %swap3A_922 = tpu.vector_load %arg11[%swap3A_921] {strides = array<i32>} : memref<40960xf32, #tpu.memory_space<vmem>>, vector<16xf32>,
        %swap3A_923 = vector.shape_cast %swap3A_922 : vector<16xf32> to vector<16xf32>
        %swap3A_924 = vector.shape_cast %add3A_883 : vector<16xf32> to vector<16xf32>
        tpu.vector_store %arg11[%swap3A_921], %swap3A_924 {strides = array<i32>} : memref<40960xf32, #tpu.memory_space<vmem>>, vector<16xf32>,
        %add3A_925 = arith.constant 1 : i32
        %add3A_926 = arith.addi %add3A_106, %add3A_925 : i32
        %mul3A_927 = arith.constant 64 : i32
        %mul3A_928 = arith.muli %add3A_926, %mul3A_927 : i32
        %add3A_929 = arith.constant 48 : i32
        %add3A_930 = arith.addi %mul3A_928, %add3A_929 : i32
        %swap3A_931 = arith.index_cast %add3A_930 : i32 to index
        %swap3A_932 = tpu.vector_load %arg11[%swap3A_931] {strides = array<i32>} : memref<40960xf32, #tpu.memory_space<vmem>>, vector<16xf32>,
        %swap3A_933 = vector.shape_cast %swap3A_932 : vector<16xf32> to vector<16xf32>
        %swap3A_934 = vector.shape_cast %add3A_894 : vector<16xf32> to vector<16xf32>
        tpu.vector_store %arg11[%swap3A_931], %swap3A_934 {strides = array<i32>} : memref<40960xf32, #tpu.memory_space<vmem>>, vector<16xf32>,
      }
      %scan3A_69 = arith.constant 8 : i32
      %lt3A_70 = arith.constant 19 : i32
      %lt3A_71 = arith.cmpi slt, %scan3A_46, %lt3A_70 : i32
      %convert_element_type3A_72 = arith.extui %lt3A_71 : i1 to i32
      %cond3A_73 = arith.constant 0 : i32
      %cond3A_74 = arith.cmpi ne, %convert_element_type3A_72, %cond3A_73 : i32
      scf.if %cond3A_74 {
        %add3A_91 = arith.constant 2 : i32
        %add3A_92 = arith.addi %add3A_50, %add3A_91 : i32
        %mul3A_93 = arith.constant 128 : i32
        %mul3A_94 = arith.muli %add3A_92, %mul3A_93 : i32
        %dma_start3A_95 = tpu.memref_slice %arg7[%mul3A_94] : memref<10240xi32, #tpu.memory_space<vmem>> -> memref<128xi32, #tpu.memory_space<vmem>>
        %dma_start3A_96 = arith.constant 0 : i32
        %dma_start3A_97 = arith.constant 0 : i32
        %dma_start3A_98 = tpu.memref_slice %arg6[%dma_start3A_96, %dma_start3A_97] : memref<10242x64xf32, #tpu.memory_space<vmem_shared>> -> memref<10242x64xf32, #tpu.memory_space<vmem_shared>>
        tpu.enqueue_indirect_dma source(%dma_start3A_98 : memref<10242x64xf32, #tpu.memory_space<vmem_shared>>) target(%arg9 : memref<128x64xf32, #tpu.memory_space<vmem>>) offsets(%dma_start3A_95 : memref<128xi32, #tpu.memory_space<vmem>>) semaphore(%arg13 : memref<!tpu.dma_semaphore, #tpu.memory_space<semaphore_mem>>)
      } else {
      }
      %add3A_75 = arith.constant 1 : i32
      %add3A_76 = arith.addi %add3A_50, %add3A_75 : i32
      %mul3A_77 = arith.constant 128 : i32
      %mul3A_78 = arith.muli %add3A_76, %mul3A_77 : i32
      %dma_wait3A_79 = tpu.memref_slice %arg7[%mul3A_78] : memref<10240xi32, #tpu.memory_space<vmem>> -> memref<128xi32, #tpu.memory_space<vmem>>
      %dma_wait3A_80 = arith.constant 0 : i32
      %dma_wait3A_81 = arith.constant 0 : i32
      %dma_wait3A_82 = tpu.memref_slice %arg6[%dma_wait3A_80, %dma_wait3A_81] : memref<10242x64xf32, #tpu.memory_space<vmem_shared>> -> memref<10242x64xf32, #tpu.memory_space<vmem_shared>>
      tpu.wait_indirect_dma semaphore(%arg14 : memref<!tpu.dma_semaphore, #tpu.memory_space<semaphore_mem>>) src(%dma_wait3A_82 : memref<10242x64xf32, #tpu.memory_space<vmem_shared>>) dst(%arg10 : memref<128x64xf32, #tpu.memory_space<vmem>>)
      %add3A_83 = arith.constant 1 : i32
      %add3A_84 = arith.addi %add3A_50, %add3A_83 : i32
      %scan3A_85 = arith.constant 0 : i32
      %scan3A_86 = arith.constant 0 : i32
      %scan3A_87 = arith.constant 8 : i32
      %scan3A_88 = arith.addi %scan3A_86, %scan3A_87 : i32
      %scan3A_89 = arith.constant 1 : i32
      scf.for %scan3A_91 = %scan3A_86 to %scan3A_88 step %scan3A_89  : i32 {
        %mul3A_92 = arith.constant 128 : i32
        %mul3A_93 = arith.muli %add3A_84, %mul3A_92 : i32
        %mul3A_94 = arith.constant 16 : i32
        %mul3A_95 = arith.muli %scan3A_91, %mul3A_94 : i32
        %add3A_96 = arith.addi %mul3A_93, %mul3A_95 : i32
        %get3A = arith.index_cast %add3A_96 : i32 to index
        %get3A_97 = tpu.vector_load %arg8[%get3A] {strides = array<i32>} : memref<10240xf32, #tpu.memory_space<vmem>>, vector<16xf32>,
        %get3A_98 = vector.shape_cast %get3A_97 : vector<16xf32> to vector<16xf32>
        %mul3A_99 = arith.constant 16 : i32
        %mul3A_100 = arith.muli %scan3A_91, %mul3A_99 : i32
        %sub3A = arith.constant 0 : i32
        %sub3A_101 = arith.subi %add3A_84, %sub3A : i32
        %mul3A_102 = arith.constant 16 : i32
        %mul3A_103 = arith.muli %sub3A_101, %mul3A_102 : i32
        %mul3A_104 = arith.constant 2 : i32
        %mul3A_105 = arith.muli %scan3A_91, %mul3A_104 : i32
        %add3A_106 = arith.addi %mul3A_103, %mul3A_105 : i32
        %broadcast_in_dim3A = arith.constant 0.000000e+00 : f32
        %broadcast_in_dim3A_107 = vector.broadcast %broadcast_in_dim3A : f32 to vector<16xf32>
        %broadcast_in_dim3A_108 = arith.constant 0.000000e+00 : f32
        %broadcast_in_dim3A_109 = vector.broadcast %broadcast_in_dim3A_108 : f32 to vector<16xf32>
        %broadcast_in_dim3A_110 = arith.constant 0.000000e+00 : f32
        %broadcast_in_dim3A_111 = vector.broadcast %broadcast_in_dim3A_110 : f32 to vector<16xf32>
        %broadcast_in_dim3A_112 = arith.constant 0.000000e+00 : f32
        %broadcast_in_dim3A_113 = vector.broadcast %broadcast_in_dim3A_112 : f32 to vector<16xf32>
        %slice3A = vector.extract_strided_slice %get3A_98 {offsets = [0], sizes = [1], strides = [1]} : vector<16xf32> to vector<1xf32>
        %squeeze3A = vector.extract %slice3A[0] : f32 from vector<1xf32>
        %add3A_114 = arith.constant 0 : i32
        %add3A_115 = arith.addi %mul3A_100, %add3A_114 : i32
        %add3A_116 = arith.constant 0 : i32
        %add3A_117 = arith.addi %add3A_115, %add3A_116 : i32
        %get3A_118 = arith.index_cast %add3A_117 : i32 to index
        %get3A_119 = arith.constant 0 : index
        %get3A_120 = tpu.vector_load %arg10[%get3A_118, %get3A_119] {strides = array<i32>} : memref<128x64xf32, #tpu.memory_space<vmem>>, vector<1x16xf32>,
        %get3A_121 = vector.shape_cast %get3A_120 : vector<1x16xf32> to vector<16xf32>
        %mul3A_122 = vector.broadcast %squeeze3A : f32 to vector<16xf32>
        %mul3A_123 = arith.mulf %get3A_121, %mul3A_122 : vector<16xf32>
        %add3A_124 = arith.addf %broadcast_in_dim3A_107, %mul3A_123 : vector<16xf32>
        %add3A_125 = arith.constant 0 : i32
        %add3A_126 = arith.addi %mul3A_100, %add3A_125 : i32
        %add3A_127 = arith.constant 0 : i32
        %add3A_128 = arith.addi %add3A_126, %add3A_127 : i32
        %get3A_129 = arith.index_cast %add3A_128 : i32 to index
        %get3A_130 = arith.constant 16 : index
        %get3A_131 = tpu.vector_load %arg10[%get3A_129, %get3A_130] {strides = array<i32>} : memref<128x64xf32, #tpu.memory_space<vmem>>, vector<1x16xf32>,
        %get3A_132 = vector.shape_cast %get3A_131 : vector<1x16xf32> to vector<16xf32>
        %mul3A_133 = vector.broadcast %squeeze3A : f32 to vector<16xf32>
        %mul3A_134 = arith.mulf %get3A_132, %mul3A_133 : vector<16xf32>
        %add3A_135 = arith.addf %broadcast_in_dim3A_109, %mul3A_134 : vector<16xf32>
        %add3A_136 = arith.constant 0 : i32
        %add3A_137 = arith.addi %mul3A_100, %add3A_136 : i32
        %add3A_138 = arith.constant 0 : i32
        %add3A_139 = arith.addi %add3A_137, %add3A_138 : i32
        %get3A_140 = arith.index_cast %add3A_139 : i32 to index
        %get3A_141 = arith.constant 32 : index
        %get3A_142 = tpu.vector_load %arg10[%get3A_140, %get3A_141] {strides = array<i32>} : memref<128x64xf32, #tpu.memory_space<vmem>>, vector<1x16xf32>,
        %get3A_143 = vector.shape_cast %get3A_142 : vector<1x16xf32> to vector<16xf32>
        %mul3A_144 = vector.broadcast %squeeze3A : f32 to vector<16xf32>
        %mul3A_145 = arith.mulf %get3A_143, %mul3A_144 : vector<16xf32>
        %add3A_146 = arith.addf %broadcast_in_dim3A_111, %mul3A_145 : vector<16xf32>
        %add3A_147 = arith.constant 0 : i32
        %add3A_148 = arith.addi %mul3A_100, %add3A_147 : i32
        %add3A_149 = arith.constant 0 : i32
        %add3A_150 = arith.addi %add3A_148, %add3A_149 : i32
        %get3A_151 = arith.index_cast %add3A_150 : i32 to index
        %get3A_152 = arith.constant 48 : index
        %get3A_153 = tpu.vector_load %arg10[%get3A_151, %get3A_152] {strides = array<i32>} : memref<128x64xf32, #tpu.memory_space<vmem>>, vector<1x16xf32>,
        %get3A_154 = vector.shape_cast %get3A_153 : vector<1x16xf32> to vector<16xf32>
        %mul3A_155 = vector.broadcast %squeeze3A : f32 to vector<16xf32>
        %mul3A_156 = arith.mulf %get3A_154, %mul3A_155 : vector<16xf32>
        %add3A_157 = arith.addf %broadcast_in_dim3A_113, %mul3A_156 : vector<16xf32>
        %slice3A_158 = vector.extract_strided_slice %get3A_98 {offsets = [1], sizes = [1], strides = [1]} : vector<16xf32> to vector<1xf32>
        %squeeze3A_159 = vector.extract %slice3A_158[0] : f32 from vector<1xf32>
        %add3A_160 = arith.constant 0 : i32
        %add3A_161 = arith.addi %mul3A_100, %add3A_160 : i32
        %add3A_162 = arith.constant 1 : i32
        %add3A_163 = arith.addi %add3A_161, %add3A_162 : i32
        %get3A_164 = arith.index_cast %add3A_163 : i32 to index
        %get3A_165 = arith.constant 0 : index
        %get3A_166 = tpu.vector_load %arg10[%get3A_164, %get3A_165] {strides = array<i32>} : memref<128x64xf32, #tpu.memory_space<vmem>>, vector<1x16xf32>,
        %get3A_167 = vector.shape_cast %get3A_166 : vector<1x16xf32> to vector<16xf32>
        %mul3A_168 = vector.broadcast %squeeze3A_159 : f32 to vector<16xf32>
        %mul3A_169 = arith.mulf %get3A_167, %mul3A_168 : vector<16xf32>
        %add3A_170 = arith.addf %add3A_124, %mul3A_169 : vector<16xf32>
        %add3A_171 = arith.constant 0 : i32
        %add3A_172 = arith.addi %mul3A_100, %add3A_171 : i32
        %add3A_173 = arith.constant 1 : i32
        %add3A_174 = arith.addi %add3A_172, %add3A_173 : i32
        %get3A_175 = arith.index_cast %add3A_174 : i32 to index
        %get3A_176 = arith.constant 16 : index
        %get3A_177 = tpu.vector_load %arg10[%get3A_175, %get3A_176] {strides = array<i32>} : memref<128x64xf32, #tpu.memory_space<vmem>>, vector<1x16xf32>,
        %get3A_178 = vector.shape_cast %get3A_177 : vector<1x16xf32> to vector<16xf32>
        %mul3A_179 = vector.broadcast %squeeze3A_159 : f32 to vector<16xf32>
        %mul3A_180 = arith.mulf %get3A_178, %mul3A_179 : vector<16xf32>
        %add3A_181 = arith.addf %add3A_135, %mul3A_180 : vector<16xf32>
        %add3A_182 = arith.constant 0 : i32
        %add3A_183 = arith.addi %mul3A_100, %add3A_182 : i32
        %add3A_184 = arith.constant 1 : i32
        %add3A_185 = arith.addi %add3A_183, %add3A_184 : i32
        %get3A_186 = arith.index_cast %add3A_185 : i32 to index
        %get3A_187 = arith.constant 32 : index
        %get3A_188 = tpu.vector_load %arg10[%get3A_186, %get3A_187] {strides = array<i32>} : memref<128x64xf32, #tpu.memory_space<vmem>>, vector<1x16xf32>,
        %get3A_189 = vector.shape_cast %get3A_188 : vector<1x16xf32> to vector<16xf32>
        %mul3A_190 = vector.broadcast %squeeze3A_159 : f32 to vector<16xf32>
        %mul3A_191 = arith.mulf %get3A_189, %mul3A_190 : vector<16xf32>
        %add3A_192 = arith.addf %add3A_146, %mul3A_191 : vector<16xf32>
        %add3A_193 = arith.constant 0 : i32
        %add3A_194 = arith.addi %mul3A_100, %add3A_193 : i32
        %add3A_195 = arith.constant 1 : i32
        %add3A_196 = arith.addi %add3A_194, %add3A_195 : i32
        %get3A_197 = arith.index_cast %add3A_196 : i32 to index
        %get3A_198 = arith.constant 48 : index
        %get3A_199 = tpu.vector_load %arg10[%get3A_197, %get3A_198] {strides = array<i32>} : memref<128x64xf32, #tpu.memory_space<vmem>>, vector<1x16xf32>,
        %get3A_200 = vector.shape_cast %get3A_199 : vector<1x16xf32> to vector<16xf32>
        %mul3A_201 = vector.broadcast %squeeze3A_159 : f32 to vector<16xf32>
        %mul3A_202 = arith.mulf %get3A_200, %mul3A_201 : vector<16xf32>
        %add3A_203 = arith.addf %add3A_157, %mul3A_202 : vector<16xf32>
        %slice3A_204 = vector.extract_strided_slice %get3A_98 {offsets = [2], sizes = [1], strides = [1]} : vector<16xf32> to vector<1xf32>
        %squeeze3A_205 = vector.extract %slice3A_204[0] : f32 from vector<1xf32>
        %add3A_206 = arith.constant 0 : i32
        %add3A_207 = arith.addi %mul3A_100, %add3A_206 : i32
        %add3A_208 = arith.constant 2 : i32
        %add3A_209 = arith.addi %add3A_207, %add3A_208 : i32
        %get3A_210 = arith.index_cast %add3A_209 : i32 to index
        %get3A_211 = arith.constant 0 : index
        %get3A_212 = tpu.vector_load %arg10[%get3A_210, %get3A_211] {strides = array<i32>} : memref<128x64xf32, #tpu.memory_space<vmem>>, vector<1x16xf32>,
        %get3A_213 = vector.shape_cast %get3A_212 : vector<1x16xf32> to vector<16xf32>
        %mul3A_214 = vector.broadcast %squeeze3A_205 : f32 to vector<16xf32>
        %mul3A_215 = arith.mulf %get3A_213, %mul3A_214 : vector<16xf32>
        %add3A_216 = arith.addf %add3A_170, %mul3A_215 : vector<16xf32>
        %add3A_217 = arith.constant 0 : i32
        %add3A_218 = arith.addi %mul3A_100, %add3A_217 : i32
        %add3A_219 = arith.constant 2 : i32
        %add3A_220 = arith.addi %add3A_218, %add3A_219 : i32
        %get3A_221 = arith.index_cast %add3A_220 : i32 to index
        %get3A_222 = arith.constant 16 : index
        %get3A_223 = tpu.vector_load %arg10[%get3A_221, %get3A_222] {strides = array<i32>} : memref<128x64xf32, #tpu.memory_space<vmem>>, vector<1x16xf32>,
        %get3A_224 = vector.shape_cast %get3A_223 : vector<1x16xf32> to vector<16xf32>
        %mul3A_225 = vector.broadcast %squeeze3A_205 : f32 to vector<16xf32>
        %mul3A_226 = arith.mulf %get3A_224, %mul3A_225 : vector<16xf32>
        %add3A_227 = arith.addf %add3A_181, %mul3A_226 : vector<16xf32>
        %add3A_228 = arith.constant 0 : i32
        %add3A_229 = arith.addi %mul3A_100, %add3A_228 : i32
        %add3A_230 = arith.constant 2 : i32
        %add3A_231 = arith.addi %add3A_229, %add3A_230 : i32
        %get3A_232 = arith.index_cast %add3A_231 : i32 to index
        %get3A_233 = arith.constant 32 : index
        %get3A_234 = tpu.vector_load %arg10[%get3A_232, %get3A_233] {strides = array<i32>} : memref<128x64xf32, #tpu.memory_space<vmem>>, vector<1x16xf32>,
        %get3A_235 = vector.shape_cast %get3A_234 : vector<1x16xf32> to vector<16xf32>
        %mul3A_236 = vector.broadcast %squeeze3A_205 : f32 to vector<16xf32>
        %mul3A_237 = arith.mulf %get3A_235, %mul3A_236 : vector<16xf32>
        %add3A_238 = arith.addf %add3A_192, %mul3A_237 : vector<16xf32>
        %add3A_239 = arith.constant 0 : i32
        %add3A_240 = arith.addi %mul3A_100, %add3A_239 : i32
        %add3A_241 = arith.constant 2 : i32
        %add3A_242 = arith.addi %add3A_240, %add3A_241 : i32
        %get3A_243 = arith.index_cast %add3A_242 : i32 to index
        %get3A_244 = arith.constant 48 : index
        %get3A_245 = tpu.vector_load %arg10[%get3A_243, %get3A_244] {strides = array<i32>} : memref<128x64xf32, #tpu.memory_space<vmem>>, vector<1x16xf32>,
        %get3A_246 = vector.shape_cast %get3A_245 : vector<1x16xf32> to vector<16xf32>
        %mul3A_247 = vector.broadcast %squeeze3A_205 : f32 to vector<16xf32>
        %mul3A_248 = arith.mulf %get3A_246, %mul3A_247 : vector<16xf32>
        %add3A_249 = arith.addf %add3A_203, %mul3A_248 : vector<16xf32>
        %slice3A_250 = vector.extract_strided_slice %get3A_98 {offsets = [3], sizes = [1], strides = [1]} : vector<16xf32> to vector<1xf32>
        %squeeze3A_251 = vector.extract %slice3A_250[0] : f32 from vector<1xf32>
        %add3A_252 = arith.constant 0 : i32
        %add3A_253 = arith.addi %mul3A_100, %add3A_252 : i32
        %add3A_254 = arith.constant 3 : i32
        %add3A_255 = arith.addi %add3A_253, %add3A_254 : i32
        %get3A_256 = arith.index_cast %add3A_255 : i32 to index
        %get3A_257 = arith.constant 0 : index
        %get3A_258 = tpu.vector_load %arg10[%get3A_256, %get3A_257] {strides = array<i32>} : memref<128x64xf32, #tpu.memory_space<vmem>>, vector<1x16xf32>,
        %get3A_259 = vector.shape_cast %get3A_258 : vector<1x16xf32> to vector<16xf32>
        %mul3A_260 = vector.broadcast %squeeze3A_251 : f32 to vector<16xf32>
        %mul3A_261 = arith.mulf %get3A_259, %mul3A_260 : vector<16xf32>
        %add3A_262 = arith.addf %add3A_216, %mul3A_261 : vector<16xf32>
        %add3A_263 = arith.constant 0 : i32
        %add3A_264 = arith.addi %mul3A_100, %add3A_263 : i32
        %add3A_265 = arith.constant 3 : i32
        %add3A_266 = arith.addi %add3A_264, %add3A_265 : i32
        %get3A_267 = arith.index_cast %add3A_266 : i32 to index
        %get3A_268 = arith.constant 16 : index
        %get3A_269 = tpu.vector_load %arg10[%get3A_267, %get3A_268] {strides = array<i32>} : memref<128x64xf32, #tpu.memory_space<vmem>>, vector<1x16xf32>,
        %get3A_270 = vector.shape_cast %get3A_269 : vector<1x16xf32> to vector<16xf32>
        %mul3A_271 = vector.broadcast %squeeze3A_251 : f32 to vector<16xf32>
        %mul3A_272 = arith.mulf %get3A_270, %mul3A_271 : vector<16xf32>
        %add3A_273 = arith.addf %add3A_227, %mul3A_272 : vector<16xf32>
        %add3A_274 = arith.constant 0 : i32
        %add3A_275 = arith.addi %mul3A_100, %add3A_274 : i32
        %add3A_276 = arith.constant 3 : i32
        %add3A_277 = arith.addi %add3A_275, %add3A_276 : i32
        %get3A_278 = arith.index_cast %add3A_277 : i32 to index
        %get3A_279 = arith.constant 32 : index
        %get3A_280 = tpu.vector_load %arg10[%get3A_278, %get3A_279] {strides = array<i32>} : memref<128x64xf32, #tpu.memory_space<vmem>>, vector<1x16xf32>,
        %get3A_281 = vector.shape_cast %get3A_280 : vector<1x16xf32> to vector<16xf32>
        %mul3A_282 = vector.broadcast %squeeze3A_251 : f32 to vector<16xf32>
        %mul3A_283 = arith.mulf %get3A_281, %mul3A_282 : vector<16xf32>
        %add3A_284 = arith.addf %add3A_238, %mul3A_283 : vector<16xf32>
        %add3A_285 = arith.constant 0 : i32
        %add3A_286 = arith.addi %mul3A_100, %add3A_285 : i32
        %add3A_287 = arith.constant 3 : i32
        %add3A_288 = arith.addi %add3A_286, %add3A_287 : i32
        %get3A_289 = arith.index_cast %add3A_288 : i32 to index
        %get3A_290 = arith.constant 48 : index
        %get3A_291 = tpu.vector_load %arg10[%get3A_289, %get3A_290] {strides = array<i32>} : memref<128x64xf32, #tpu.memory_space<vmem>>, vector<1x16xf32>,
        %get3A_292 = vector.shape_cast %get3A_291 : vector<1x16xf32> to vector<16xf32>
        %mul3A_293 = vector.broadcast %squeeze3A_251 : f32 to vector<16xf32>
        %mul3A_294 = arith.mulf %get3A_292, %mul3A_293 : vector<16xf32>
        %add3A_295 = arith.addf %add3A_249, %mul3A_294 : vector<16xf32>
        %slice3A_296 = vector.extract_strided_slice %get3A_98 {offsets = [4], sizes = [1], strides = [1]} : vector<16xf32> to vector<1xf32>
        %squeeze3A_297 = vector.extract %slice3A_296[0] : f32 from vector<1xf32>
        %add3A_298 = arith.constant 0 : i32
        %add3A_299 = arith.addi %mul3A_100, %add3A_298 : i32
        %add3A_300 = arith.constant 4 : i32
        %add3A_301 = arith.addi %add3A_299, %add3A_300 : i32
        %get3A_302 = arith.index_cast %add3A_301 : i32 to index
        %get3A_303 = arith.constant 0 : index
        %get3A_304 = tpu.vector_load %arg10[%get3A_302, %get3A_303] {strides = array<i32>} : memref<128x64xf32, #tpu.memory_space<vmem>>, vector<1x16xf32>,
        %get3A_305 = vector.shape_cast %get3A_304 : vector<1x16xf32> to vector<16xf32>
        %mul3A_306 = vector.broadcast %squeeze3A_297 : f32 to vector<16xf32>
        %mul3A_307 = arith.mulf %get3A_305, %mul3A_306 : vector<16xf32>
        %add3A_308 = arith.addf %add3A_262, %mul3A_307 : vector<16xf32>
        %add3A_309 = arith.constant 0 : i32
        %add3A_310 = arith.addi %mul3A_100, %add3A_309 : i32
        %add3A_311 = arith.constant 4 : i32
        %add3A_312 = arith.addi %add3A_310, %add3A_311 : i32
        %get3A_313 = arith.index_cast %add3A_312 : i32 to index
        %get3A_314 = arith.constant 16 : index
        %get3A_315 = tpu.vector_load %arg10[%get3A_313, %get3A_314] {strides = array<i32>} : memref<128x64xf32, #tpu.memory_space<vmem>>, vector<1x16xf32>,
        %get3A_316 = vector.shape_cast %get3A_315 : vector<1x16xf32> to vector<16xf32>
        %mul3A_317 = vector.broadcast %squeeze3A_297 : f32 to vector<16xf32>
        %mul3A_318 = arith.mulf %get3A_316, %mul3A_317 : vector<16xf32>
        %add3A_319 = arith.addf %add3A_273, %mul3A_318 : vector<16xf32>
        %add3A_320 = arith.constant 0 : i32
        %add3A_321 = arith.addi %mul3A_100, %add3A_320 : i32
        %add3A_322 = arith.constant 4 : i32
        %add3A_323 = arith.addi %add3A_321, %add3A_322 : i32
        %get3A_324 = arith.index_cast %add3A_323 : i32 to index
        %get3A_325 = arith.constant 32 : index
        %get3A_326 = tpu.vector_load %arg10[%get3A_324, %get3A_325] {strides = array<i32>} : memref<128x64xf32, #tpu.memory_space<vmem>>, vector<1x16xf32>,
        %get3A_327 = vector.shape_cast %get3A_326 : vector<1x16xf32> to vector<16xf32>
        %mul3A_328 = vector.broadcast %squeeze3A_297 : f32 to vector<16xf32>
        %mul3A_329 = arith.mulf %get3A_327, %mul3A_328 : vector<16xf32>
        %add3A_330 = arith.addf %add3A_284, %mul3A_329 : vector<16xf32>
        %add3A_331 = arith.constant 0 : i32
        %add3A_332 = arith.addi %mul3A_100, %add3A_331 : i32
        %add3A_333 = arith.constant 4 : i32
        %add3A_334 = arith.addi %add3A_332, %add3A_333 : i32
        %get3A_335 = arith.index_cast %add3A_334 : i32 to index
        %get3A_336 = arith.constant 48 : index
        %get3A_337 = tpu.vector_load %arg10[%get3A_335, %get3A_336] {strides = array<i32>} : memref<128x64xf32, #tpu.memory_space<vmem>>, vector<1x16xf32>,
        %get3A_338 = vector.shape_cast %get3A_337 : vector<1x16xf32> to vector<16xf32>
        %mul3A_339 = vector.broadcast %squeeze3A_297 : f32 to vector<16xf32>
        %mul3A_340 = arith.mulf %get3A_338, %mul3A_339 : vector<16xf32>
        %add3A_341 = arith.addf %add3A_295, %mul3A_340 : vector<16xf32>
        %slice3A_342 = vector.extract_strided_slice %get3A_98 {offsets = [5], sizes = [1], strides = [1]} : vector<16xf32> to vector<1xf32>
        %squeeze3A_343 = vector.extract %slice3A_342[0] : f32 from vector<1xf32>
        %add3A_344 = arith.constant 0 : i32
        %add3A_345 = arith.addi %mul3A_100, %add3A_344 : i32
        %add3A_346 = arith.constant 5 : i32
        %add3A_347 = arith.addi %add3A_345, %add3A_346 : i32
        %get3A_348 = arith.index_cast %add3A_347 : i32 to index
        %get3A_349 = arith.constant 0 : index
        %get3A_350 = tpu.vector_load %arg10[%get3A_348, %get3A_349] {strides = array<i32>} : memref<128x64xf32, #tpu.memory_space<vmem>>, vector<1x16xf32>,
        %get3A_351 = vector.shape_cast %get3A_350 : vector<1x16xf32> to vector<16xf32>
        %mul3A_352 = vector.broadcast %squeeze3A_343 : f32 to vector<16xf32>
        %mul3A_353 = arith.mulf %get3A_351, %mul3A_352 : vector<16xf32>
        %add3A_354 = arith.addf %add3A_308, %mul3A_353 : vector<16xf32>
        %add3A_355 = arith.constant 0 : i32
        %add3A_356 = arith.addi %mul3A_100, %add3A_355 : i32
        %add3A_357 = arith.constant 5 : i32
        %add3A_358 = arith.addi %add3A_356, %add3A_357 : i32
        %get3A_359 = arith.index_cast %add3A_358 : i32 to index
        %get3A_360 = arith.constant 16 : index
        %get3A_361 = tpu.vector_load %arg10[%get3A_359, %get3A_360] {strides = array<i32>} : memref<128x64xf32, #tpu.memory_space<vmem>>, vector<1x16xf32>,
        %get3A_362 = vector.shape_cast %get3A_361 : vector<1x16xf32> to vector<16xf32>
        %mul3A_363 = vector.broadcast %squeeze3A_343 : f32 to vector<16xf32>
        %mul3A_364 = arith.mulf %get3A_362, %mul3A_363 : vector<16xf32>
        %add3A_365 = arith.addf %add3A_319, %mul3A_364 : vector<16xf32>
        %add3A_366 = arith.constant 0 : i32
        %add3A_367 = arith.addi %mul3A_100, %add3A_366 : i32
        %add3A_368 = arith.constant 5 : i32
        %add3A_369 = arith.addi %add3A_367, %add3A_368 : i32
        %get3A_370 = arith.index_cast %add3A_369 : i32 to index
        %get3A_371 = arith.constant 32 : index
        %get3A_372 = tpu.vector_load %arg10[%get3A_370, %get3A_371] {strides = array<i32>} : memref<128x64xf32, #tpu.memory_space<vmem>>, vector<1x16xf32>,
        %get3A_373 = vector.shape_cast %get3A_372 : vector<1x16xf32> to vector<16xf32>
        %mul3A_374 = vector.broadcast %squeeze3A_343 : f32 to vector<16xf32>
        %mul3A_375 = arith.mulf %get3A_373, %mul3A_374 : vector<16xf32>
        %add3A_376 = arith.addf %add3A_330, %mul3A_375 : vector<16xf32>
        %add3A_377 = arith.constant 0 : i32
        %add3A_378 = arith.addi %mul3A_100, %add3A_377 : i32
        %add3A_379 = arith.constant 5 : i32
        %add3A_380 = arith.addi %add3A_378, %add3A_379 : i32
        %get3A_381 = arith.index_cast %add3A_380 : i32 to index
        %get3A_382 = arith.constant 48 : index
        %get3A_383 = tpu.vector_load %arg10[%get3A_381, %get3A_382] {strides = array<i32>} : memref<128x64xf32, #tpu.memory_space<vmem>>, vector<1x16xf32>,
        %get3A_384 = vector.shape_cast %get3A_383 : vector<1x16xf32> to vector<16xf32>
        %mul3A_385 = vector.broadcast %squeeze3A_343 : f32 to vector<16xf32>
        %mul3A_386 = arith.mulf %get3A_384, %mul3A_385 : vector<16xf32>
        %add3A_387 = arith.addf %add3A_341, %mul3A_386 : vector<16xf32>
        %slice3A_388 = vector.extract_strided_slice %get3A_98 {offsets = [6], sizes = [1], strides = [1]} : vector<16xf32> to vector<1xf32>
        %squeeze3A_389 = vector.extract %slice3A_388[0] : f32 from vector<1xf32>
        %add3A_390 = arith.constant 0 : i32
        %add3A_391 = arith.addi %mul3A_100, %add3A_390 : i32
        %add3A_392 = arith.constant 6 : i32
        %add3A_393 = arith.addi %add3A_391, %add3A_392 : i32
        %get3A_394 = arith.index_cast %add3A_393 : i32 to index
        %get3A_395 = arith.constant 0 : index
        %get3A_396 = tpu.vector_load %arg10[%get3A_394, %get3A_395] {strides = array<i32>} : memref<128x64xf32, #tpu.memory_space<vmem>>, vector<1x16xf32>,
        %get3A_397 = vector.shape_cast %get3A_396 : vector<1x16xf32> to vector<16xf32>
        %mul3A_398 = vector.broadcast %squeeze3A_389 : f32 to vector<16xf32>
        %mul3A_399 = arith.mulf %get3A_397, %mul3A_398 : vector<16xf32>
        %add3A_400 = arith.addf %add3A_354, %mul3A_399 : vector<16xf32>
        %add3A_401 = arith.constant 0 : i32
        %add3A_402 = arith.addi %mul3A_100, %add3A_401 : i32
        %add3A_403 = arith.constant 6 : i32
        %add3A_404 = arith.addi %add3A_402, %add3A_403 : i32
        %get3A_405 = arith.index_cast %add3A_404 : i32 to index
        %get3A_406 = arith.constant 16 : index
        %get3A_407 = tpu.vector_load %arg10[%get3A_405, %get3A_406] {strides = array<i32>} : memref<128x64xf32, #tpu.memory_space<vmem>>, vector<1x16xf32>,
        %get3A_408 = vector.shape_cast %get3A_407 : vector<1x16xf32> to vector<16xf32>
        %mul3A_409 = vector.broadcast %squeeze3A_389 : f32 to vector<16xf32>
        %mul3A_410 = arith.mulf %get3A_408, %mul3A_409 : vector<16xf32>
        %add3A_411 = arith.addf %add3A_365, %mul3A_410 : vector<16xf32>
        %add3A_412 = arith.constant 0 : i32
        %add3A_413 = arith.addi %mul3A_100, %add3A_412 : i32
        %add3A_414 = arith.constant 6 : i32
        %add3A_415 = arith.addi %add3A_413, %add3A_414 : i32
        %get3A_416 = arith.index_cast %add3A_415 : i32 to index
        %get3A_417 = arith.constant 32 : index
        %get3A_418 = tpu.vector_load %arg10[%get3A_416, %get3A_417] {strides = array<i32>} : memref<128x64xf32, #tpu.memory_space<vmem>>, vector<1x16xf32>,
        %get3A_419 = vector.shape_cast %get3A_418 : vector<1x16xf32> to vector<16xf32>
        %mul3A_420 = vector.broadcast %squeeze3A_389 : f32 to vector<16xf32>
        %mul3A_421 = arith.mulf %get3A_419, %mul3A_420 : vector<16xf32>
        %add3A_422 = arith.addf %add3A_376, %mul3A_421 : vector<16xf32>
        %add3A_423 = arith.constant 0 : i32
        %add3A_424 = arith.addi %mul3A_100, %add3A_423 : i32
        %add3A_425 = arith.constant 6 : i32
        %add3A_426 = arith.addi %add3A_424, %add3A_425 : i32
        %get3A_427 = arith.index_cast %add3A_426 : i32 to index
        %get3A_428 = arith.constant 48 : index
        %get3A_429 = tpu.vector_load %arg10[%get3A_427, %get3A_428] {strides = array<i32>} : memref<128x64xf32, #tpu.memory_space<vmem>>, vector<1x16xf32>,
        %get3A_430 = vector.shape_cast %get3A_429 : vector<1x16xf32> to vector<16xf32>
        %mul3A_431 = vector.broadcast %squeeze3A_389 : f32 to vector<16xf32>
        %mul3A_432 = arith.mulf %get3A_430, %mul3A_431 : vector<16xf32>
        %add3A_433 = arith.addf %add3A_387, %mul3A_432 : vector<16xf32>
        %slice3A_434 = vector.extract_strided_slice %get3A_98 {offsets = [7], sizes = [1], strides = [1]} : vector<16xf32> to vector<1xf32>
        %squeeze3A_435 = vector.extract %slice3A_434[0] : f32 from vector<1xf32>
        %add3A_436 = arith.constant 0 : i32
        %add3A_437 = arith.addi %mul3A_100, %add3A_436 : i32
        %add3A_438 = arith.constant 7 : i32
        %add3A_439 = arith.addi %add3A_437, %add3A_438 : i32
        %get3A_440 = arith.index_cast %add3A_439 : i32 to index
        %get3A_441 = arith.constant 0 : index
        %get3A_442 = tpu.vector_load %arg10[%get3A_440, %get3A_441] {strides = array<i32>} : memref<128x64xf32, #tpu.memory_space<vmem>>, vector<1x16xf32>,
        %get3A_443 = vector.shape_cast %get3A_442 : vector<1x16xf32> to vector<16xf32>
        %mul3A_444 = vector.broadcast %squeeze3A_435 : f32 to vector<16xf32>
        %mul3A_445 = arith.mulf %get3A_443, %mul3A_444 : vector<16xf32>
        %add3A_446 = arith.addf %add3A_400, %mul3A_445 : vector<16xf32>
        %add3A_447 = arith.constant 0 : i32
        %add3A_448 = arith.addi %mul3A_100, %add3A_447 : i32
        %add3A_449 = arith.constant 7 : i32
        %add3A_450 = arith.addi %add3A_448, %add3A_449 : i32
        %get3A_451 = arith.index_cast %add3A_450 : i32 to index
        %get3A_452 = arith.constant 16 : index
        %get3A_453 = tpu.vector_load %arg10[%get3A_451, %get3A_452] {strides = array<i32>} : memref<128x64xf32, #tpu.memory_space<vmem>>, vector<1x16xf32>,
        %get3A_454 = vector.shape_cast %get3A_453 : vector<1x16xf32> to vector<16xf32>
        %mul3A_455 = vector.broadcast %squeeze3A_435 : f32 to vector<16xf32>
        %mul3A_456 = arith.mulf %get3A_454, %mul3A_455 : vector<16xf32>
        %add3A_457 = arith.addf %add3A_411, %mul3A_456 : vector<16xf32>
        %add3A_458 = arith.constant 0 : i32
        %add3A_459 = arith.addi %mul3A_100, %add3A_458 : i32
        %add3A_460 = arith.constant 7 : i32
        %add3A_461 = arith.addi %add3A_459, %add3A_460 : i32
        %get3A_462 = arith.index_cast %add3A_461 : i32 to index
        %get3A_463 = arith.constant 32 : index
        %get3A_464 = tpu.vector_load %arg10[%get3A_462, %get3A_463] {strides = array<i32>} : memref<128x64xf32, #tpu.memory_space<vmem>>, vector<1x16xf32>,
        %get3A_465 = vector.shape_cast %get3A_464 : vector<1x16xf32> to vector<16xf32>
        %mul3A_466 = vector.broadcast %squeeze3A_435 : f32 to vector<16xf32>
        %mul3A_467 = arith.mulf %get3A_465, %mul3A_466 : vector<16xf32>
        %add3A_468 = arith.addf %add3A_422, %mul3A_467 : vector<16xf32>
        %add3A_469 = arith.constant 0 : i32
        %add3A_470 = arith.addi %mul3A_100, %add3A_469 : i32
        %add3A_471 = arith.constant 7 : i32
        %add3A_472 = arith.addi %add3A_470, %add3A_471 : i32
        %get3A_473 = arith.index_cast %add3A_472 : i32 to index
        %get3A_474 = arith.constant 48 : index
        %get3A_475 = tpu.vector_load %arg10[%get3A_473, %get3A_474] {strides = array<i32>} : memref<128x64xf32, #tpu.memory_space<vmem>>, vector<1x16xf32>,
        %get3A_476 = vector.shape_cast %get3A_475 : vector<1x16xf32> to vector<16xf32>
        %mul3A_477 = vector.broadcast %squeeze3A_435 : f32 to vector<16xf32>
        %mul3A_478 = arith.mulf %get3A_476, %mul3A_477 : vector<16xf32>
        %add3A_479 = arith.addf %add3A_433, %mul3A_478 : vector<16xf32>
        %add3A_480 = arith.constant 0 : i32
        %add3A_481 = arith.addi %add3A_106, %add3A_480 : i32
        %mul3A_482 = arith.constant 64 : i32
        %mul3A_483 = arith.muli %add3A_481, %mul3A_482 : i32
        %add3A_484 = arith.constant 0 : i32
        %add3A_485 = arith.addi %mul3A_483, %add3A_484 : i32
        %swap3A = arith.index_cast %add3A_485 : i32 to index
        %swap3A_486 = tpu.vector_load %arg11[%swap3A] {strides = array<i32>} : memref<40960xf32, #tpu.memory_space<vmem>>, vector<16xf32>,
        %swap3A_487 = vector.shape_cast %swap3A_486 : vector<16xf32> to vector<16xf32>
        %swap3A_488 = vector.shape_cast %add3A_446 : vector<16xf32> to vector<16xf32>
        tpu.vector_store %arg11[%swap3A], %swap3A_488 {strides = array<i32>} : memref<40960xf32, #tpu.memory_space<vmem>>, vector<16xf32>,
        %add3A_489 = arith.constant 0 : i32
        %add3A_490 = arith.addi %add3A_106, %add3A_489 : i32
        %mul3A_491 = arith.constant 64 : i32
        %mul3A_492 = arith.muli %add3A_490, %mul3A_491 : i32
        %add3A_493 = arith.constant 16 : i32
        %add3A_494 = arith.addi %mul3A_492, %add3A_493 : i32
        %swap3A_495 = arith.index_cast %add3A_494 : i32 to index
        %swap3A_496 = tpu.vector_load %arg11[%swap3A_495] {strides = array<i32>} : memref<40960xf32, #tpu.memory_space<vmem>>, vector<16xf32>,
        %swap3A_497 = vector.shape_cast %swap3A_496 : vector<16xf32> to vector<16xf32>
        %swap3A_498 = vector.shape_cast %add3A_457 : vector<16xf32> to vector<16xf32>
        tpu.vector_store %arg11[%swap3A_495], %swap3A_498 {strides = array<i32>} : memref<40960xf32, #tpu.memory_space<vmem>>, vector<16xf32>,
        %add3A_499 = arith.constant 0 : i32
        %add3A_500 = arith.addi %add3A_106, %add3A_499 : i32
        %mul3A_501 = arith.constant 64 : i32
        %mul3A_502 = arith.muli %add3A_500, %mul3A_501 : i32
        %add3A_503 = arith.constant 32 : i32
        %add3A_504 = arith.addi %mul3A_502, %add3A_503 : i32
        %swap3A_505 = arith.index_cast %add3A_504 : i32 to index
        %swap3A_506 = tpu.vector_load %arg11[%swap3A_505] {strides = array<i32>} : memref<40960xf32, #tpu.memory_space<vmem>>, vector<16xf32>,
        %swap3A_507 = vector.shape_cast %swap3A_506 : vector<16xf32> to vector<16xf32>
        %swap3A_508 = vector.shape_cast %add3A_468 : vector<16xf32> to vector<16xf32>
        tpu.vector_store %arg11[%swap3A_505], %swap3A_508 {strides = array<i32>} : memref<40960xf32, #tpu.memory_space<vmem>>, vector<16xf32>,
        %add3A_509 = arith.constant 0 : i32
        %add3A_510 = arith.addi %add3A_106, %add3A_509 : i32
        %mul3A_511 = arith.constant 64 : i32
        %mul3A_512 = arith.muli %add3A_510, %mul3A_511 : i32
        %add3A_513 = arith.constant 48 : i32
        %add3A_514 = arith.addi %mul3A_512, %add3A_513 : i32
        %swap3A_515 = arith.index_cast %add3A_514 : i32 to index
        %swap3A_516 = tpu.vector_load %arg11[%swap3A_515] {strides = array<i32>} : memref<40960xf32, #tpu.memory_space<vmem>>, vector<16xf32>,
        %swap3A_517 = vector.shape_cast %swap3A_516 : vector<16xf32> to vector<16xf32>
        %swap3A_518 = vector.shape_cast %add3A_479 : vector<16xf32> to vector<16xf32>
        tpu.vector_store %arg11[%swap3A_515], %swap3A_518 {strides = array<i32>} : memref<40960xf32, #tpu.memory_space<vmem>>, vector<16xf32>,
        %broadcast_in_dim3A_519 = arith.constant 0.000000e+00 : f32
        %broadcast_in_dim3A_520 = vector.broadcast %broadcast_in_dim3A_519 : f32 to vector<16xf32>
        %broadcast_in_dim3A_521 = arith.constant 0.000000e+00 : f32
        %broadcast_in_dim3A_522 = vector.broadcast %broadcast_in_dim3A_521 : f32 to vector<16xf32>
        %broadcast_in_dim3A_523 = arith.constant 0.000000e+00 : f32
        %broadcast_in_dim3A_524 = vector.broadcast %broadcast_in_dim3A_523 : f32 to vector<16xf32>
        %broadcast_in_dim3A_525 = arith.constant 0.000000e+00 : f32
        %broadcast_in_dim3A_526 = vector.broadcast %broadcast_in_dim3A_525 : f32 to vector<16xf32>
        %slice3A_527 = vector.extract_strided_slice %get3A_98 {offsets = [8], sizes = [1], strides = [1]} : vector<16xf32> to vector<1xf32>
        %squeeze3A_528 = vector.extract %slice3A_527[0] : f32 from vector<1xf32>
        %add3A_529 = arith.constant 8 : i32
        %add3A_530 = arith.addi %mul3A_100, %add3A_529 : i32
        %add3A_531 = arith.constant 0 : i32
        %add3A_532 = arith.addi %add3A_530, %add3A_531 : i32
        %get3A_533 = arith.index_cast %add3A_532 : i32 to index
        %get3A_534 = arith.constant 0 : index
        %get3A_535 = tpu.vector_load %arg10[%get3A_533, %get3A_534] {strides = array<i32>} : memref<128x64xf32, #tpu.memory_space<vmem>>, vector<1x16xf32>,
        %get3A_536 = vector.shape_cast %get3A_535 : vector<1x16xf32> to vector<16xf32>
        %mul3A_537 = vector.broadcast %squeeze3A_528 : f32 to vector<16xf32>
        %mul3A_538 = arith.mulf %get3A_536, %mul3A_537 : vector<16xf32>
        %add3A_539 = arith.addf %broadcast_in_dim3A_520, %mul3A_538 : vector<16xf32>
        %add3A_540 = arith.constant 8 : i32
        %add3A_541 = arith.addi %mul3A_100, %add3A_540 : i32
        %add3A_542 = arith.constant 0 : i32
        %add3A_543 = arith.addi %add3A_541, %add3A_542 : i32
        %get3A_544 = arith.index_cast %add3A_543 : i32 to index
        %get3A_545 = arith.constant 16 : index
        %get3A_546 = tpu.vector_load %arg10[%get3A_544, %get3A_545] {strides = array<i32>} : memref<128x64xf32, #tpu.memory_space<vmem>>, vector<1x16xf32>,
        %get3A_547 = vector.shape_cast %get3A_546 : vector<1x16xf32> to vector<16xf32>
        %mul3A_548 = vector.broadcast %squeeze3A_528 : f32 to vector<16xf32>
        %mul3A_549 = arith.mulf %get3A_547, %mul3A_548 : vector<16xf32>
        %add3A_550 = arith.addf %broadcast_in_dim3A_522, %mul3A_549 : vector<16xf32>
        %add3A_551 = arith.constant 8 : i32
        %add3A_552 = arith.addi %mul3A_100, %add3A_551 : i32
        %add3A_553 = arith.constant 0 : i32
        %add3A_554 = arith.addi %add3A_552, %add3A_553 : i32
        %get3A_555 = arith.index_cast %add3A_554 : i32 to index
        %get3A_556 = arith.constant 32 : index
        %get3A_557 = tpu.vector_load %arg10[%get3A_555, %get3A_556] {strides = array<i32>} : memref<128x64xf32, #tpu.memory_space<vmem>>, vector<1x16xf32>,
        %get3A_558 = vector.shape_cast %get3A_557 : vector<1x16xf32> to vector<16xf32>
        %mul3A_559 = vector.broadcast %squeeze3A_528 : f32 to vector<16xf32>
        %mul3A_560 = arith.mulf %get3A_558, %mul3A_559 : vector<16xf32>
        %add3A_561 = arith.addf %broadcast_in_dim3A_524, %mul3A_560 : vector<16xf32>
        %add3A_562 = arith.constant 8 : i32
        %add3A_563 = arith.addi %mul3A_100, %add3A_562 : i32
        %add3A_564 = arith.constant 0 : i32
        %add3A_565 = arith.addi %add3A_563, %add3A_564 : i32
        %get3A_566 = arith.index_cast %add3A_565 : i32 to index
        %get3A_567 = arith.constant 48 : index
        %get3A_568 = tpu.vector_load %arg10[%get3A_566, %get3A_567] {strides = array<i32>} : memref<128x64xf32, #tpu.memory_space<vmem>>, vector<1x16xf32>,
        %get3A_569 = vector.shape_cast %get3A_568 : vector<1x16xf32> to vector<16xf32>
        %mul3A_570 = vector.broadcast %squeeze3A_528 : f32 to vector<16xf32>
        %mul3A_571 = arith.mulf %get3A_569, %mul3A_570 : vector<16xf32>
        %add3A_572 = arith.addf %broadcast_in_dim3A_526, %mul3A_571 : vector<16xf32>
        %slice3A_573 = vector.extract_strided_slice %get3A_98 {offsets = [9], sizes = [1], strides = [1]} : vector<16xf32> to vector<1xf32>
        %squeeze3A_574 = vector.extract %slice3A_573[0] : f32 from vector<1xf32>
        %add3A_575 = arith.constant 8 : i32
        %add3A_576 = arith.addi %mul3A_100, %add3A_575 : i32
        %add3A_577 = arith.constant 1 : i32
        %add3A_578 = arith.addi %add3A_576, %add3A_577 : i32
        %get3A_579 = arith.index_cast %add3A_578 : i32 to index
        %get3A_580 = arith.constant 0 : index
        %get3A_581 = tpu.vector_load %arg10[%get3A_579, %get3A_580] {strides = array<i32>} : memref<128x64xf32, #tpu.memory_space<vmem>>, vector<1x16xf32>,
        %get3A_582 = vector.shape_cast %get3A_581 : vector<1x16xf32> to vector<16xf32>
        %mul3A_583 = vector.broadcast %squeeze3A_574 : f32 to vector<16xf32>
        %mul3A_584 = arith.mulf %get3A_582, %mul3A_583 : vector<16xf32>
        %add3A_585 = arith.addf %add3A_539, %mul3A_584 : vector<16xf32>
        %add3A_586 = arith.constant 8 : i32
        %add3A_587 = arith.addi %mul3A_100, %add3A_586 : i32
        %add3A_588 = arith.constant 1 : i32
        %add3A_589 = arith.addi %add3A_587, %add3A_588 : i32
        %get3A_590 = arith.index_cast %add3A_589 : i32 to index
        %get3A_591 = arith.constant 16 : index
        %get3A_592 = tpu.vector_load %arg10[%get3A_590, %get3A_591] {strides = array<i32>} : memref<128x64xf32, #tpu.memory_space<vmem>>, vector<1x16xf32>,
        %get3A_593 = vector.shape_cast %get3A_592 : vector<1x16xf32> to vector<16xf32>
        %mul3A_594 = vector.broadcast %squeeze3A_574 : f32 to vector<16xf32>
        %mul3A_595 = arith.mulf %get3A_593, %mul3A_594 : vector<16xf32>
        %add3A_596 = arith.addf %add3A_550, %mul3A_595 : vector<16xf32>
        %add3A_597 = arith.constant 8 : i32
        %add3A_598 = arith.addi %mul3A_100, %add3A_597 : i32
        %add3A_599 = arith.constant 1 : i32
        %add3A_600 = arith.addi %add3A_598, %add3A_599 : i32
        %get3A_601 = arith.index_cast %add3A_600 : i32 to index
        %get3A_602 = arith.constant 32 : index
        %get3A_603 = tpu.vector_load %arg10[%get3A_601, %get3A_602] {strides = array<i32>} : memref<128x64xf32, #tpu.memory_space<vmem>>, vector<1x16xf32>,
        %get3A_604 = vector.shape_cast %get3A_603 : vector<1x16xf32> to vector<16xf32>
        %mul3A_605 = vector.broadcast %squeeze3A_574 : f32 to vector<16xf32>
        %mul3A_606 = arith.mulf %get3A_604, %mul3A_605 : vector<16xf32>
        %add3A_607 = arith.addf %add3A_561, %mul3A_606 : vector<16xf32>
        %add3A_608 = arith.constant 8 : i32
        %add3A_609 = arith.addi %mul3A_100, %add3A_608 : i32
        %add3A_610 = arith.constant 1 : i32
        %add3A_611 = arith.addi %add3A_609, %add3A_610 : i32
        %get3A_612 = arith.index_cast %add3A_611 : i32 to index
        %get3A_613 = arith.constant 48 : index
        %get3A_614 = tpu.vector_load %arg10[%get3A_612, %get3A_613] {strides = array<i32>} : memref<128x64xf32, #tpu.memory_space<vmem>>, vector<1x16xf32>,
        %get3A_615 = vector.shape_cast %get3A_614 : vector<1x16xf32> to vector<16xf32>
        %mul3A_616 = vector.broadcast %squeeze3A_574 : f32 to vector<16xf32>
        %mul3A_617 = arith.mulf %get3A_615, %mul3A_616 : vector<16xf32>
        %add3A_618 = arith.addf %add3A_572, %mul3A_617 : vector<16xf32>
        %slice3A_619 = vector.extract_strided_slice %get3A_98 {offsets = [10], sizes = [1], strides = [1]} : vector<16xf32> to vector<1xf32>
        %squeeze3A_620 = vector.extract %slice3A_619[0] : f32 from vector<1xf32>
        %add3A_621 = arith.constant 8 : i32
        %add3A_622 = arith.addi %mul3A_100, %add3A_621 : i32
        %add3A_623 = arith.constant 2 : i32
        %add3A_624 = arith.addi %add3A_622, %add3A_623 : i32
        %get3A_625 = arith.index_cast %add3A_624 : i32 to index
        %get3A_626 = arith.constant 0 : index
        %get3A_627 = tpu.vector_load %arg10[%get3A_625, %get3A_626] {strides = array<i32>} : memref<128x64xf32, #tpu.memory_space<vmem>>, vector<1x16xf32>,
        %get3A_628 = vector.shape_cast %get3A_627 : vector<1x16xf32> to vector<16xf32>
        %mul3A_629 = vector.broadcast %squeeze3A_620 : f32 to vector<16xf32>
        %mul3A_630 = arith.mulf %get3A_628, %mul3A_629 : vector<16xf32>
        %add3A_631 = arith.addf %add3A_585, %mul3A_630 : vector<16xf32>
        %add3A_632 = arith.constant 8 : i32
        %add3A_633 = arith.addi %mul3A_100, %add3A_632 : i32
        %add3A_634 = arith.constant 2 : i32
        %add3A_635 = arith.addi %add3A_633, %add3A_634 : i32
        %get3A_636 = arith.index_cast %add3A_635 : i32 to index
        %get3A_637 = arith.constant 16 : index
        %get3A_638 = tpu.vector_load %arg10[%get3A_636, %get3A_637] {strides = array<i32>} : memref<128x64xf32, #tpu.memory_space<vmem>>, vector<1x16xf32>,
        %get3A_639 = vector.shape_cast %get3A_638 : vector<1x16xf32> to vector<16xf32>
        %mul3A_640 = vector.broadcast %squeeze3A_620 : f32 to vector<16xf32>
        %mul3A_641 = arith.mulf %get3A_639, %mul3A_640 : vector<16xf32>
        %add3A_642 = arith.addf %add3A_596, %mul3A_641 : vector<16xf32>
        %add3A_643 = arith.constant 8 : i32
        %add3A_644 = arith.addi %mul3A_100, %add3A_643 : i32
        %add3A_645 = arith.constant 2 : i32
        %add3A_646 = arith.addi %add3A_644, %add3A_645 : i32
        %get3A_647 = arith.index_cast %add3A_646 : i32 to index
        %get3A_648 = arith.constant 32 : index
        %get3A_649 = tpu.vector_load %arg10[%get3A_647, %get3A_648] {strides = array<i32>} : memref<128x64xf32, #tpu.memory_space<vmem>>, vector<1x16xf32>,
        %get3A_650 = vector.shape_cast %get3A_649 : vector<1x16xf32> to vector<16xf32>
        %mul3A_651 = vector.broadcast %squeeze3A_620 : f32 to vector<16xf32>
        %mul3A_652 = arith.mulf %get3A_650, %mul3A_651 : vector<16xf32>
        %add3A_653 = arith.addf %add3A_607, %mul3A_652 : vector<16xf32>
        %add3A_654 = arith.constant 8 : i32
        %add3A_655 = arith.addi %mul3A_100, %add3A_654 : i32
        %add3A_656 = arith.constant 2 : i32
        %add3A_657 = arith.addi %add3A_655, %add3A_656 : i32
        %get3A_658 = arith.index_cast %add3A_657 : i32 to index
        %get3A_659 = arith.constant 48 : index
        %get3A_660 = tpu.vector_load %arg10[%get3A_658, %get3A_659] {strides = array<i32>} : memref<128x64xf32, #tpu.memory_space<vmem>>, vector<1x16xf32>,
        %get3A_661 = vector.shape_cast %get3A_660 : vector<1x16xf32> to vector<16xf32>
        %mul3A_662 = vector.broadcast %squeeze3A_620 : f32 to vector<16xf32>
        %mul3A_663 = arith.mulf %get3A_661, %mul3A_662 : vector<16xf32>
        %add3A_664 = arith.addf %add3A_618, %mul3A_663 : vector<16xf32>
        %slice3A_665 = vector.extract_strided_slice %get3A_98 {offsets = [11], sizes = [1], strides = [1]} : vector<16xf32> to vector<1xf32>
        %squeeze3A_666 = vector.extract %slice3A_665[0] : f32 from vector<1xf32>
        %add3A_667 = arith.constant 8 : i32
        %add3A_668 = arith.addi %mul3A_100, %add3A_667 : i32
        %add3A_669 = arith.constant 3 : i32
        %add3A_670 = arith.addi %add3A_668, %add3A_669 : i32
        %get3A_671 = arith.index_cast %add3A_670 : i32 to index
        %get3A_672 = arith.constant 0 : index
        %get3A_673 = tpu.vector_load %arg10[%get3A_671, %get3A_672] {strides = array<i32>} : memref<128x64xf32, #tpu.memory_space<vmem>>, vector<1x16xf32>,
        %get3A_674 = vector.shape_cast %get3A_673 : vector<1x16xf32> to vector<16xf32>
        %mul3A_675 = vector.broadcast %squeeze3A_666 : f32 to vector<16xf32>
        %mul3A_676 = arith.mulf %get3A_674, %mul3A_675 : vector<16xf32>
        %add3A_677 = arith.addf %add3A_631, %mul3A_676 : vector<16xf32>
        %add3A_678 = arith.constant 8 : i32
        %add3A_679 = arith.addi %mul3A_100, %add3A_678 : i32
        %add3A_680 = arith.constant 3 : i32
        %add3A_681 = arith.addi %add3A_679, %add3A_680 : i32
        %get3A_682 = arith.index_cast %add3A_681 : i32 to index
        %get3A_683 = arith.constant 16 : index
        %get3A_684 = tpu.vector_load %arg10[%get3A_682, %get3A_683] {strides = array<i32>} : memref<128x64xf32, #tpu.memory_space<vmem>>, vector<1x16xf32>,
        %get3A_685 = vector.shape_cast %get3A_684 : vector<1x16xf32> to vector<16xf32>
        %mul3A_686 = vector.broadcast %squeeze3A_666 : f32 to vector<16xf32>
        %mul3A_687 = arith.mulf %get3A_685, %mul3A_686 : vector<16xf32>
        %add3A_688 = arith.addf %add3A_642, %mul3A_687 : vector<16xf32>
        %add3A_689 = arith.constant 8 : i32
        %add3A_690 = arith.addi %mul3A_100, %add3A_689 : i32
        %add3A_691 = arith.constant 3 : i32
        %add3A_692 = arith.addi %add3A_690, %add3A_691 : i32
        %get3A_693 = arith.index_cast %add3A_692 : i32 to index
        %get3A_694 = arith.constant 32 : index
        %get3A_695 = tpu.vector_load %arg10[%get3A_693, %get3A_694] {strides = array<i32>} : memref<128x64xf32, #tpu.memory_space<vmem>>, vector<1x16xf32>,
        %get3A_696 = vector.shape_cast %get3A_695 : vector<1x16xf32> to vector<16xf32>
        %mul3A_697 = vector.broadcast %squeeze3A_666 : f32 to vector<16xf32>
        %mul3A_698 = arith.mulf %get3A_696, %mul3A_697 : vector<16xf32>
        %add3A_699 = arith.addf %add3A_653, %mul3A_698 : vector<16xf32>
        %add3A_700 = arith.constant 8 : i32
        %add3A_701 = arith.addi %mul3A_100, %add3A_700 : i32
        %add3A_702 = arith.constant 3 : i32
        %add3A_703 = arith.addi %add3A_701, %add3A_702 : i32
        %get3A_704 = arith.index_cast %add3A_703 : i32 to index
        %get3A_705 = arith.constant 48 : index
        %get3A_706 = tpu.vector_load %arg10[%get3A_704, %get3A_705] {strides = array<i32>} : memref<128x64xf32, #tpu.memory_space<vmem>>, vector<1x16xf32>,
        %get3A_707 = vector.shape_cast %get3A_706 : vector<1x16xf32> to vector<16xf32>
        %mul3A_708 = vector.broadcast %squeeze3A_666 : f32 to vector<16xf32>
        %mul3A_709 = arith.mulf %get3A_707, %mul3A_708 : vector<16xf32>
        %add3A_710 = arith.addf %add3A_664, %mul3A_709 : vector<16xf32>
        %slice3A_711 = vector.extract_strided_slice %get3A_98 {offsets = [12], sizes = [1], strides = [1]} : vector<16xf32> to vector<1xf32>
        %squeeze3A_712 = vector.extract %slice3A_711[0] : f32 from vector<1xf32>
        %add3A_713 = arith.constant 8 : i32
        %add3A_714 = arith.addi %mul3A_100, %add3A_713 : i32
        %add3A_715 = arith.constant 4 : i32
        %add3A_716 = arith.addi %add3A_714, %add3A_715 : i32
        %get3A_717 = arith.index_cast %add3A_716 : i32 to index
        %get3A_718 = arith.constant 0 : index
        %get3A_719 = tpu.vector_load %arg10[%get3A_717, %get3A_718] {strides = array<i32>} : memref<128x64xf32, #tpu.memory_space<vmem>>, vector<1x16xf32>,
        %get3A_720 = vector.shape_cast %get3A_719 : vector<1x16xf32> to vector<16xf32>
        %mul3A_721 = vector.broadcast %squeeze3A_712 : f32 to vector<16xf32>
        %mul3A_722 = arith.mulf %get3A_720, %mul3A_721 : vector<16xf32>
        %add3A_723 = arith.addf %add3A_677, %mul3A_722 : vector<16xf32>
        %add3A_724 = arith.constant 8 : i32
        %add3A_725 = arith.addi %mul3A_100, %add3A_724 : i32
        %add3A_726 = arith.constant 4 : i32
        %add3A_727 = arith.addi %add3A_725, %add3A_726 : i32
        %get3A_728 = arith.index_cast %add3A_727 : i32 to index
        %get3A_729 = arith.constant 16 : index
        %get3A_730 = tpu.vector_load %arg10[%get3A_728, %get3A_729] {strides = array<i32>} : memref<128x64xf32, #tpu.memory_space<vmem>>, vector<1x16xf32>,
        %get3A_731 = vector.shape_cast %get3A_730 : vector<1x16xf32> to vector<16xf32>
        %mul3A_732 = vector.broadcast %squeeze3A_712 : f32 to vector<16xf32>
        %mul3A_733 = arith.mulf %get3A_731, %mul3A_732 : vector<16xf32>
        %add3A_734 = arith.addf %add3A_688, %mul3A_733 : vector<16xf32>
        %add3A_735 = arith.constant 8 : i32
        %add3A_736 = arith.addi %mul3A_100, %add3A_735 : i32
        %add3A_737 = arith.constant 4 : i32
        %add3A_738 = arith.addi %add3A_736, %add3A_737 : i32
        %get3A_739 = arith.index_cast %add3A_738 : i32 to index
        %get3A_740 = arith.constant 32 : index
        %get3A_741 = tpu.vector_load %arg10[%get3A_739, %get3A_740] {strides = array<i32>} : memref<128x64xf32, #tpu.memory_space<vmem>>, vector<1x16xf32>,
        %get3A_742 = vector.shape_cast %get3A_741 : vector<1x16xf32> to vector<16xf32>
        %mul3A_743 = vector.broadcast %squeeze3A_712 : f32 to vector<16xf32>
        %mul3A_744 = arith.mulf %get3A_742, %mul3A_743 : vector<16xf32>
        %add3A_745 = arith.addf %add3A_699, %mul3A_744 : vector<16xf32>
        %add3A_746 = arith.constant 8 : i32
        %add3A_747 = arith.addi %mul3A_100, %add3A_746 : i32
        %add3A_748 = arith.constant 4 : i32
        %add3A_749 = arith.addi %add3A_747, %add3A_748 : i32
        %get3A_750 = arith.index_cast %add3A_749 : i32 to index
        %get3A_751 = arith.constant 48 : index
        %get3A_752 = tpu.vector_load %arg10[%get3A_750, %get3A_751] {strides = array<i32>} : memref<128x64xf32, #tpu.memory_space<vmem>>, vector<1x16xf32>,
        %get3A_753 = vector.shape_cast %get3A_752 : vector<1x16xf32> to vector<16xf32>
        %mul3A_754 = vector.broadcast %squeeze3A_712 : f32 to vector<16xf32>
        %mul3A_755 = arith.mulf %get3A_753, %mul3A_754 : vector<16xf32>
        %add3A_756 = arith.addf %add3A_710, %mul3A_755 : vector<16xf32>
        %slice3A_757 = vector.extract_strided_slice %get3A_98 {offsets = [13], sizes = [1], strides = [1]} : vector<16xf32> to vector<1xf32>
        %squeeze3A_758 = vector.extract %slice3A_757[0] : f32 from vector<1xf32>
        %add3A_759 = arith.constant 8 : i32
        %add3A_760 = arith.addi %mul3A_100, %add3A_759 : i32
        %add3A_761 = arith.constant 5 : i32
        %add3A_762 = arith.addi %add3A_760, %add3A_761 : i32
        %get3A_763 = arith.index_cast %add3A_762 : i32 to index
        %get3A_764 = arith.constant 0 : index
        %get3A_765 = tpu.vector_load %arg10[%get3A_763, %get3A_764] {strides = array<i32>} : memref<128x64xf32, #tpu.memory_space<vmem>>, vector<1x16xf32>,
        %get3A_766 = vector.shape_cast %get3A_765 : vector<1x16xf32> to vector<16xf32>
        %mul3A_767 = vector.broadcast %squeeze3A_758 : f32 to vector<16xf32>
        %mul3A_768 = arith.mulf %get3A_766, %mul3A_767 : vector<16xf32>
        %add3A_769 = arith.addf %add3A_723, %mul3A_768 : vector<16xf32>
        %add3A_770 = arith.constant 8 : i32
        %add3A_771 = arith.addi %mul3A_100, %add3A_770 : i32
        %add3A_772 = arith.constant 5 : i32
        %add3A_773 = arith.addi %add3A_771, %add3A_772 : i32
        %get3A_774 = arith.index_cast %add3A_773 : i32 to index
        %get3A_775 = arith.constant 16 : index
        %get3A_776 = tpu.vector_load %arg10[%get3A_774, %get3A_775] {strides = array<i32>} : memref<128x64xf32, #tpu.memory_space<vmem>>, vector<1x16xf32>,
        %get3A_777 = vector.shape_cast %get3A_776 : vector<1x16xf32> to vector<16xf32>
        %mul3A_778 = vector.broadcast %squeeze3A_758 : f32 to vector<16xf32>
        %mul3A_779 = arith.mulf %get3A_777, %mul3A_778 : vector<16xf32>
        %add3A_780 = arith.addf %add3A_734, %mul3A_779 : vector<16xf32>
        %add3A_781 = arith.constant 8 : i32
        %add3A_782 = arith.addi %mul3A_100, %add3A_781 : i32
        %add3A_783 = arith.constant 5 : i32
        %add3A_784 = arith.addi %add3A_782, %add3A_783 : i32
        %get3A_785 = arith.index_cast %add3A_784 : i32 to index
        %get3A_786 = arith.constant 32 : index
        %get3A_787 = tpu.vector_load %arg10[%get3A_785, %get3A_786] {strides = array<i32>} : memref<128x64xf32, #tpu.memory_space<vmem>>, vector<1x16xf32>,
        %get3A_788 = vector.shape_cast %get3A_787 : vector<1x16xf32> to vector<16xf32>
        %mul3A_789 = vector.broadcast %squeeze3A_758 : f32 to vector<16xf32>
        %mul3A_790 = arith.mulf %get3A_788, %mul3A_789 : vector<16xf32>
        %add3A_791 = arith.addf %add3A_745, %mul3A_790 : vector<16xf32>
        %add3A_792 = arith.constant 8 : i32
        %add3A_793 = arith.addi %mul3A_100, %add3A_792 : i32
        %add3A_794 = arith.constant 5 : i32
        %add3A_795 = arith.addi %add3A_793, %add3A_794 : i32
        %get3A_796 = arith.index_cast %add3A_795 : i32 to index
        %get3A_797 = arith.constant 48 : index
        %get3A_798 = tpu.vector_load %arg10[%get3A_796, %get3A_797] {strides = array<i32>} : memref<128x64xf32, #tpu.memory_space<vmem>>, vector<1x16xf32>,
        %get3A_799 = vector.shape_cast %get3A_798 : vector<1x16xf32> to vector<16xf32>
        %mul3A_800 = vector.broadcast %squeeze3A_758 : f32 to vector<16xf32>
        %mul3A_801 = arith.mulf %get3A_799, %mul3A_800 : vector<16xf32>
        %add3A_802 = arith.addf %add3A_756, %mul3A_801 : vector<16xf32>
        %slice3A_803 = vector.extract_strided_slice %get3A_98 {offsets = [14], sizes = [1], strides = [1]} : vector<16xf32> to vector<1xf32>
        %squeeze3A_804 = vector.extract %slice3A_803[0] : f32 from vector<1xf32>
        %add3A_805 = arith.constant 8 : i32
        %add3A_806 = arith.addi %mul3A_100, %add3A_805 : i32
        %add3A_807 = arith.constant 6 : i32
        %add3A_808 = arith.addi %add3A_806, %add3A_807 : i32
        %get3A_809 = arith.index_cast %add3A_808 : i32 to index
        %get3A_810 = arith.constant 0 : index
        %get3A_811 = tpu.vector_load %arg10[%get3A_809, %get3A_810] {strides = array<i32>} : memref<128x64xf32, #tpu.memory_space<vmem>>, vector<1x16xf32>,
        %get3A_812 = vector.shape_cast %get3A_811 : vector<1x16xf32> to vector<16xf32>
        %mul3A_813 = vector.broadcast %squeeze3A_804 : f32 to vector<16xf32>
        %mul3A_814 = arith.mulf %get3A_812, %mul3A_813 : vector<16xf32>
        %add3A_815 = arith.addf %add3A_769, %mul3A_814 : vector<16xf32>
        %add3A_816 = arith.constant 8 : i32
        %add3A_817 = arith.addi %mul3A_100, %add3A_816 : i32
        %add3A_818 = arith.constant 6 : i32
        %add3A_819 = arith.addi %add3A_817, %add3A_818 : i32
        %get3A_820 = arith.index_cast %add3A_819 : i32 to index
        %get3A_821 = arith.constant 16 : index
        %get3A_822 = tpu.vector_load %arg10[%get3A_820, %get3A_821] {strides = array<i32>} : memref<128x64xf32, #tpu.memory_space<vmem>>, vector<1x16xf32>,
        %get3A_823 = vector.shape_cast %get3A_822 : vector<1x16xf32> to vector<16xf32>
        %mul3A_824 = vector.broadcast %squeeze3A_804 : f32 to vector<16xf32>
        %mul3A_825 = arith.mulf %get3A_823, %mul3A_824 : vector<16xf32>
        %add3A_826 = arith.addf %add3A_780, %mul3A_825 : vector<16xf32>
        %add3A_827 = arith.constant 8 : i32
        %add3A_828 = arith.addi %mul3A_100, %add3A_827 : i32
        %add3A_829 = arith.constant 6 : i32
        %add3A_830 = arith.addi %add3A_828, %add3A_829 : i32
        %get3A_831 = arith.index_cast %add3A_830 : i32 to index
        %get3A_832 = arith.constant 32 : index
        %get3A_833 = tpu.vector_load %arg10[%get3A_831, %get3A_832] {strides = array<i32>} : memref<128x64xf32, #tpu.memory_space<vmem>>, vector<1x16xf32>,
        %get3A_834 = vector.shape_cast %get3A_833 : vector<1x16xf32> to vector<16xf32>
        %mul3A_835 = vector.broadcast %squeeze3A_804 : f32 to vector<16xf32>
        %mul3A_836 = arith.mulf %get3A_834, %mul3A_835 : vector<16xf32>
        %add3A_837 = arith.addf %add3A_791, %mul3A_836 : vector<16xf32>
        %add3A_838 = arith.constant 8 : i32
        %add3A_839 = arith.addi %mul3A_100, %add3A_838 : i32
        %add3A_840 = arith.constant 6 : i32
        %add3A_841 = arith.addi %add3A_839, %add3A_840 : i32
        %get3A_842 = arith.index_cast %add3A_841 : i32 to index
        %get3A_843 = arith.constant 48 : index
        %get3A_844 = tpu.vector_load %arg10[%get3A_842, %get3A_843] {strides = array<i32>} : memref<128x64xf32, #tpu.memory_space<vmem>>, vector<1x16xf32>,
        %get3A_845 = vector.shape_cast %get3A_844 : vector<1x16xf32> to vector<16xf32>
        %mul3A_846 = vector.broadcast %squeeze3A_804 : f32 to vector<16xf32>
        %mul3A_847 = arith.mulf %get3A_845, %mul3A_846 : vector<16xf32>
        %add3A_848 = arith.addf %add3A_802, %mul3A_847 : vector<16xf32>
        %slice3A_849 = vector.extract_strided_slice %get3A_98 {offsets = [15], sizes = [1], strides = [1]} : vector<16xf32> to vector<1xf32>
        %squeeze3A_850 = vector.extract %slice3A_849[0] : f32 from vector<1xf32>
        %add3A_851 = arith.constant 8 : i32
        %add3A_852 = arith.addi %mul3A_100, %add3A_851 : i32
        %add3A_853 = arith.constant 7 : i32
        %add3A_854 = arith.addi %add3A_852, %add3A_853 : i32
        %get3A_855 = arith.index_cast %add3A_854 : i32 to index
        %get3A_856 = arith.constant 0 : index
        %get3A_857 = tpu.vector_load %arg10[%get3A_855, %get3A_856] {strides = array<i32>} : memref<128x64xf32, #tpu.memory_space<vmem>>, vector<1x16xf32>,
        %get3A_858 = vector.shape_cast %get3A_857 : vector<1x16xf32> to vector<16xf32>
        %mul3A_859 = vector.broadcast %squeeze3A_850 : f32 to vector<16xf32>
        %mul3A_860 = arith.mulf %get3A_858, %mul3A_859 : vector<16xf32>
        %add3A_861 = arith.addf %add3A_815, %mul3A_860 : vector<16xf32>
        %add3A_862 = arith.constant 8 : i32
        %add3A_863 = arith.addi %mul3A_100, %add3A_862 : i32
        %add3A_864 = arith.constant 7 : i32
        %add3A_865 = arith.addi %add3A_863, %add3A_864 : i32
        %get3A_866 = arith.index_cast %add3A_865 : i32 to index
        %get3A_867 = arith.constant 16 : index
        %get3A_868 = tpu.vector_load %arg10[%get3A_866, %get3A_867] {strides = array<i32>} : memref<128x64xf32, #tpu.memory_space<vmem>>, vector<1x16xf32>,
        %get3A_869 = vector.shape_cast %get3A_868 : vector<1x16xf32> to vector<16xf32>
        %mul3A_870 = vector.broadcast %squeeze3A_850 : f32 to vector<16xf32>
        %mul3A_871 = arith.mulf %get3A_869, %mul3A_870 : vector<16xf32>
        %add3A_872 = arith.addf %add3A_826, %mul3A_871 : vector<16xf32>
        %add3A_873 = arith.constant 8 : i32
        %add3A_874 = arith.addi %mul3A_100, %add3A_873 : i32
        %add3A_875 = arith.constant 7 : i32
        %add3A_876 = arith.addi %add3A_874, %add3A_875 : i32
        %get3A_877 = arith.index_cast %add3A_876 : i32 to index
        %get3A_878 = arith.constant 32 : index
        %get3A_879 = tpu.vector_load %arg10[%get3A_877, %get3A_878] {strides = array<i32>} : memref<128x64xf32, #tpu.memory_space<vmem>>, vector<1x16xf32>,
        %get3A_880 = vector.shape_cast %get3A_879 : vector<1x16xf32> to vector<16xf32>
        %mul3A_881 = vector.broadcast %squeeze3A_850 : f32 to vector<16xf32>
        %mul3A_882 = arith.mulf %get3A_880, %mul3A_881 : vector<16xf32>
        %add3A_883 = arith.addf %add3A_837, %mul3A_882 : vector<16xf32>
        %add3A_884 = arith.constant 8 : i32
        %add3A_885 = arith.addi %mul3A_100, %add3A_884 : i32
        %add3A_886 = arith.constant 7 : i32
        %add3A_887 = arith.addi %add3A_885, %add3A_886 : i32
        %get3A_888 = arith.index_cast %add3A_887 : i32 to index
        %get3A_889 = arith.constant 48 : index
        %get3A_890 = tpu.vector_load %arg10[%get3A_888, %get3A_889] {strides = array<i32>} : memref<128x64xf32, #tpu.memory_space<vmem>>, vector<1x16xf32>,
        %get3A_891 = vector.shape_cast %get3A_890 : vector<1x16xf32> to vector<16xf32>
        %mul3A_892 = vector.broadcast %squeeze3A_850 : f32 to vector<16xf32>
        %mul3A_893 = arith.mulf %get3A_891, %mul3A_892 : vector<16xf32>
        %add3A_894 = arith.addf %add3A_848, %mul3A_893 : vector<16xf32>
        %add3A_895 = arith.constant 1 : i32
        %add3A_896 = arith.addi %add3A_106, %add3A_895 : i32
        %mul3A_897 = arith.constant 64 : i32
        %mul3A_898 = arith.muli %add3A_896, %mul3A_897 : i32
        %add3A_899 = arith.constant 0 : i32
        %add3A_900 = arith.addi %mul3A_898, %add3A_899 : i32
        %swap3A_901 = arith.index_cast %add3A_900 : i32 to index
        %swap3A_902 = tpu.vector_load %arg11[%swap3A_901] {strides = array<i32>} : memref<40960xf32, #tpu.memory_space<vmem>>, vector<16xf32>,
        %swap3A_903 = vector.shape_cast %swap3A_902 : vector<16xf32> to vector<16xf32>
        %swap3A_904 = vector.shape_cast %add3A_861 : vector<16xf32> to vector<16xf32>
        tpu.vector_store %arg11[%swap3A_901], %swap3A_904 {strides = array<i32>} : memref<40960xf32, #tpu.memory_space<vmem>>, vector<16xf32>,
        %add3A_905 = arith.constant 1 : i32
        %add3A_906 = arith.addi %add3A_106, %add3A_905 : i32
        %mul3A_907 = arith.constant 64 : i32
        %mul3A_908 = arith.muli %add3A_906, %mul3A_907 : i32
        %add3A_909 = arith.constant 16 : i32
        %add3A_910 = arith.addi %mul3A_908, %add3A_909 : i32
        %swap3A_911 = arith.index_cast %add3A_910 : i32 to index
        %swap3A_912 = tpu.vector_load %arg11[%swap3A_911] {strides = array<i32>} : memref<40960xf32, #tpu.memory_space<vmem>>, vector<16xf32>,
        %swap3A_913 = vector.shape_cast %swap3A_912 : vector<16xf32> to vector<16xf32>
        %swap3A_914 = vector.shape_cast %add3A_872 : vector<16xf32> to vector<16xf32>
        tpu.vector_store %arg11[%swap3A_911], %swap3A_914 {strides = array<i32>} : memref<40960xf32, #tpu.memory_space<vmem>>, vector<16xf32>,
        %add3A_915 = arith.constant 1 : i32
        %add3A_916 = arith.addi %add3A_106, %add3A_915 : i32
        %mul3A_917 = arith.constant 64 : i32
        %mul3A_918 = arith.muli %add3A_916, %mul3A_917 : i32
        %add3A_919 = arith.constant 32 : i32
        %add3A_920 = arith.addi %mul3A_918, %add3A_919 : i32
        %swap3A_921 = arith.index_cast %add3A_920 : i32 to index
        %swap3A_922 = tpu.vector_load %arg11[%swap3A_921] {strides = array<i32>} : memref<40960xf32, #tpu.memory_space<vmem>>, vector<16xf32>,
        %swap3A_923 = vector.shape_cast %swap3A_922 : vector<16xf32> to vector<16xf32>
        %swap3A_924 = vector.shape_cast %add3A_883 : vector<16xf32> to vector<16xf32>
        tpu.vector_store %arg11[%swap3A_921], %swap3A_924 {strides = array<i32>} : memref<40960xf32, #tpu.memory_space<vmem>>, vector<16xf32>,
        %add3A_925 = arith.constant 1 : i32
        %add3A_926 = arith.addi %add3A_106, %add3A_925 : i32
        %mul3A_927 = arith.constant 64 : i32
        %mul3A_928 = arith.muli %add3A_926, %mul3A_927 : i32
        %add3A_929 = arith.constant 48 : i32
        %add3A_930 = arith.addi %mul3A_928, %add3A_929 : i32
        %swap3A_931 = arith.index_cast %add3A_930 : i32 to index
        %swap3A_932 = tpu.vector_load %arg11[%swap3A_931] {strides = array<i32>} : memref<40960xf32, #tpu.memory_space<vmem>>, vector<16xf32>,
        %swap3A_933 = vector.shape_cast %swap3A_932 : vector<16xf32> to vector<16xf32>
        %swap3A_934 = vector.shape_cast %add3A_894 : vector<16xf32> to vector<16xf32>
        tpu.vector_store %arg11[%swap3A_931], %swap3A_934 {strides = array<i32>} : memref<40960xf32, #tpu.memory_space<vmem>>, vector<16xf32>,
      }
      %scan3A_90 = arith.constant 8 : i32
    }
    %scan3A_21 = arith.constant 20 : i32
    %add3A_22 = arith.constant 0 : i32
    %add3A_23 = arith.addi %mul3A_2, %add3A_22 : i32
    %mul3A_24 = arith.constant 64 : i32
    %mul3A_25 = arith.muli %add3A_23, %mul3A_24 : i32
    "tpu.region"() ({
      %run_scoped3A = tpu.sem_alloc : memref<!tpu.dma_semaphore, #tpu.memory_space<semaphore_mem>>
      %dma_start3A_46 = tpu.memref_slice %arg5[%mul3A_25] : memref<2621568xf32, #tpu.memory_space<hbm>> -> memref<40960xf32, #tpu.memory_space<hbm>>
      %dma_start3A_47 = tpu.memref_slice %arg5[%mul3A_25] : memref<2621568xf32, #tpu.memory_space<hbm>> -> memref<40960xf32, #tpu.memory_space<hbm>>
      tpu.enqueue_dma source(%arg11 : memref<40960xf32, #tpu.memory_space<vmem>>) target(%dma_start3A_47 : memref<40960xf32, #tpu.memory_space<hbm>>) target_semaphore(%run_scoped3A : memref<!tpu.dma_semaphore, #tpu.memory_space<semaphore_mem>>)
      %dma_wait3A = tpu.memref_slice %arg5[%mul3A_25] : memref<2621568xf32, #tpu.memory_space<hbm>> -> memref<40960xf32, #tpu.memory_space<hbm>>
      %dma_wait3A_48 = tpu.memref_slice %arg5[%mul3A_25] : memref<2621568xf32, #tpu.memory_space<hbm>> -> memref<40960xf32, #tpu.memory_space<hbm>>
      tpu.wait_dma2 semaphore(%run_scoped3A : memref<!tpu.dma_semaphore, #tpu.memory_space<semaphore_mem>>) src(%arg11 : memref<40960xf32, #tpu.memory_space<vmem>>) dst(%dma_wait3A_48 : memref<40960xf32, #tpu.memory_space<hbm>>)
      tpu.yield
    }) : () -> ()
    %dma_start3A_26 = arith.constant 5120 : i32
    %dma_start3A_27 = tpu.memref_slice %arg7[%dma_start3A_26] : memref<10240xi32, #tpu.memory_space<vmem>> -> memref<128xi32, #tpu.memory_space<vmem>>
    %dma_start3A_28 = arith.constant 0 : i32
    %dma_start3A_29 = arith.constant 0 : i32
    %dma_start3A_30 = tpu.memref_slice %arg6[%dma_start3A_28, %dma_start3A_29] : memref<10242x64xf32, #tpu.memory_space<vmem_shared>> -> memref<10242x64xf32, #tpu.memory_space<vmem_shared>>
    tpu.enqueue_indirect_dma source(%dma_start3A_30 : memref<10242x64xf32, #tpu.memory_space<vmem_shared>>) target(%arg9 : memref<128x64xf32, #tpu.memory_space<vmem>>) offsets(%dma_start3A_27 : memref<128xi32, #tpu.memory_space<vmem>>) semaphore(%arg13 : memref<!tpu.dma_semaphore, #tpu.memory_space<semaphore_mem>>)
    %scan3A_31 = arith.constant 0 : i32
    %scan3A_32 = arith.constant 0 : i32
    %scan3A_33 = arith.constant 20 : i32
    %scan3A_34 = arith.addi %scan3A_32, %scan3A_33 : i32
    %scan3A_35 = arith.constant 1 : i32
    scf.for %scan3A_46 = %scan3A_32 to %scan3A_34 step %scan3A_35  : i32 {
      %mul3A_47 = arith.constant 2 : i32
      %mul3A_48 = arith.muli %scan3A_46, %mul3A_47 : i32
      %add3A_49 = arith.constant 40 : i32
      %add3A_50 = arith.addi %add3A_49, %mul3A_48 : i32
      %add3A_51 = arith.constant 1 : i32
      %add3A_52 = arith.addi %add3A_50, %add3A_51 : i32
      %mul3A_53 = arith.constant 128 : i32
      %mul3A_54 = arith.muli %add3A_52, %mul3A_53 : i32
      %dma_start3A_55 = tpu.memref_slice %arg7[%mul3A_54] : memref<10240xi32, #tpu.memory_space<vmem>> -> memref<128xi32, #tpu.memory_space<vmem>>
      %dma_start3A_56 = arith.constant 0 : i32
      %dma_start3A_57 = arith.constant 0 : i32
      %dma_start3A_58 = tpu.memref_slice %arg6[%dma_start3A_56, %dma_start3A_57] : memref<10242x64xf32, #tpu.memory_space<vmem_shared>> -> memref<10242x64xf32, #tpu.memory_space<vmem_shared>>
      tpu.enqueue_indirect_dma source(%dma_start3A_58 : memref<10242x64xf32, #tpu.memory_space<vmem_shared>>) target(%arg10 : memref<128x64xf32, #tpu.memory_space<vmem>>) offsets(%dma_start3A_55 : memref<128xi32, #tpu.memory_space<vmem>>) semaphore(%arg14 : memref<!tpu.dma_semaphore, #tpu.memory_space<semaphore_mem>>)
      %mul3A_59 = arith.constant 128 : i32
      %mul3A_60 = arith.muli %add3A_50, %mul3A_59 : i32
      %dma_wait3A = tpu.memref_slice %arg7[%mul3A_60] : memref<10240xi32, #tpu.memory_space<vmem>> -> memref<128xi32, #tpu.memory_space<vmem>>
      %dma_wait3A_61 = arith.constant 0 : i32
      %dma_wait3A_62 = arith.constant 0 : i32
      %dma_wait3A_63 = tpu.memref_slice %arg6[%dma_wait3A_61, %dma_wait3A_62] : memref<10242x64xf32, #tpu.memory_space<vmem_shared>> -> memref<10242x64xf32, #tpu.memory_space<vmem_shared>>
      tpu.wait_indirect_dma semaphore(%arg13 : memref<!tpu.dma_semaphore, #tpu.memory_space<semaphore_mem>>) src(%dma_wait3A_63 : memref<10242x64xf32, #tpu.memory_space<vmem_shared>>) dst(%arg9 : memref<128x64xf32, #tpu.memory_space<vmem>>)
      %scan3A_64 = arith.constant 0 : i32
      %scan3A_65 = arith.constant 0 : i32
      %scan3A_66 = arith.constant 8 : i32
      %scan3A_67 = arith.addi %scan3A_65, %scan3A_66 : i32
      %scan3A_68 = arith.constant 1 : i32
      scf.for %scan3A_91 = %scan3A_65 to %scan3A_67 step %scan3A_68  : i32 {
        %mul3A_92 = arith.constant 128 : i32
        %mul3A_93 = arith.muli %add3A_50, %mul3A_92 : i32
        %mul3A_94 = arith.constant 16 : i32
        %mul3A_95 = arith.muli %scan3A_91, %mul3A_94 : i32
        %add3A_96 = arith.addi %mul3A_93, %mul3A_95 : i32
        %get3A = arith.index_cast %add3A_96 : i32 to index
        %get3A_97 = tpu.vector_load %arg8[%get3A] {strides = array<i32>} : memref<10240xf32, #tpu.memory_space<vmem>>, vector<16xf32>,
        %get3A_98 = vector.shape_cast %get3A_97 : vector<16xf32> to vector<16xf32>
        %mul3A_99 = arith.constant 16 : i32
        %mul3A_100 = arith.muli %scan3A_91, %mul3A_99 : i32
        %sub3A = arith.constant 40 : i32
        %sub3A_101 = arith.subi %add3A_50, %sub3A : i32
        %mul3A_102 = arith.constant 16 : i32
        %mul3A_103 = arith.muli %sub3A_101, %mul3A_102 : i32
        %mul3A_104 = arith.constant 2 : i32
        %mul3A_105 = arith.muli %scan3A_91, %mul3A_104 : i32
        %add3A_106 = arith.addi %mul3A_103, %mul3A_105 : i32
        %broadcast_in_dim3A = arith.constant 0.000000e+00 : f32
        %broadcast_in_dim3A_107 = vector.broadcast %broadcast_in_dim3A : f32 to vector<16xf32>
        %broadcast_in_dim3A_108 = arith.constant 0.000000e+00 : f32
        %broadcast_in_dim3A_109 = vector.broadcast %broadcast_in_dim3A_108 : f32 to vector<16xf32>
        %broadcast_in_dim3A_110 = arith.constant 0.000000e+00 : f32
        %broadcast_in_dim3A_111 = vector.broadcast %broadcast_in_dim3A_110 : f32 to vector<16xf32>
        %broadcast_in_dim3A_112 = arith.constant 0.000000e+00 : f32
        %broadcast_in_dim3A_113 = vector.broadcast %broadcast_in_dim3A_112 : f32 to vector<16xf32>
        %slice3A = vector.extract_strided_slice %get3A_98 {offsets = [0], sizes = [1], strides = [1]} : vector<16xf32> to vector<1xf32>
        %squeeze3A = vector.extract %slice3A[0] : f32 from vector<1xf32>
        %add3A_114 = arith.constant 0 : i32
        %add3A_115 = arith.addi %mul3A_100, %add3A_114 : i32
        %add3A_116 = arith.constant 0 : i32
        %add3A_117 = arith.addi %add3A_115, %add3A_116 : i32
        %get3A_118 = arith.index_cast %add3A_117 : i32 to index
        %get3A_119 = arith.constant 0 : index
        %get3A_120 = tpu.vector_load %arg9[%get3A_118, %get3A_119] {strides = array<i32>} : memref<128x64xf32, #tpu.memory_space<vmem>>, vector<1x16xf32>,
        %get3A_121 = vector.shape_cast %get3A_120 : vector<1x16xf32> to vector<16xf32>
        %mul3A_122 = vector.broadcast %squeeze3A : f32 to vector<16xf32>
        %mul3A_123 = arith.mulf %get3A_121, %mul3A_122 : vector<16xf32>
        %add3A_124 = arith.addf %broadcast_in_dim3A_107, %mul3A_123 : vector<16xf32>
        %add3A_125 = arith.constant 0 : i32
        %add3A_126 = arith.addi %mul3A_100, %add3A_125 : i32
        %add3A_127 = arith.constant 0 : i32
        %add3A_128 = arith.addi %add3A_126, %add3A_127 : i32
        %get3A_129 = arith.index_cast %add3A_128 : i32 to index
        %get3A_130 = arith.constant 16 : index
        %get3A_131 = tpu.vector_load %arg9[%get3A_129, %get3A_130] {strides = array<i32>} : memref<128x64xf32, #tpu.memory_space<vmem>>, vector<1x16xf32>,
        %get3A_132 = vector.shape_cast %get3A_131 : vector<1x16xf32> to vector<16xf32>
        %mul3A_133 = vector.broadcast %squeeze3A : f32 to vector<16xf32>
        %mul3A_134 = arith.mulf %get3A_132, %mul3A_133 : vector<16xf32>
        %add3A_135 = arith.addf %broadcast_in_dim3A_109, %mul3A_134 : vector<16xf32>
        %add3A_136 = arith.constant 0 : i32
        %add3A_137 = arith.addi %mul3A_100, %add3A_136 : i32
        %add3A_138 = arith.constant 0 : i32
        %add3A_139 = arith.addi %add3A_137, %add3A_138 : i32
        %get3A_140 = arith.index_cast %add3A_139 : i32 to index
        %get3A_141 = arith.constant 32 : index
        %get3A_142 = tpu.vector_load %arg9[%get3A_140, %get3A_141] {strides = array<i32>} : memref<128x64xf32, #tpu.memory_space<vmem>>, vector<1x16xf32>,
        %get3A_143 = vector.shape_cast %get3A_142 : vector<1x16xf32> to vector<16xf32>
        %mul3A_144 = vector.broadcast %squeeze3A : f32 to vector<16xf32>
        %mul3A_145 = arith.mulf %get3A_143, %mul3A_144 : vector<16xf32>
        %add3A_146 = arith.addf %broadcast_in_dim3A_111, %mul3A_145 : vector<16xf32>
        %add3A_147 = arith.constant 0 : i32
        %add3A_148 = arith.addi %mul3A_100, %add3A_147 : i32
        %add3A_149 = arith.constant 0 : i32
        %add3A_150 = arith.addi %add3A_148, %add3A_149 : i32
        %get3A_151 = arith.index_cast %add3A_150 : i32 to index
        %get3A_152 = arith.constant 48 : index
        %get3A_153 = tpu.vector_load %arg9[%get3A_151, %get3A_152] {strides = array<i32>} : memref<128x64xf32, #tpu.memory_space<vmem>>, vector<1x16xf32>,
        %get3A_154 = vector.shape_cast %get3A_153 : vector<1x16xf32> to vector<16xf32>
        %mul3A_155 = vector.broadcast %squeeze3A : f32 to vector<16xf32>
        %mul3A_156 = arith.mulf %get3A_154, %mul3A_155 : vector<16xf32>
        %add3A_157 = arith.addf %broadcast_in_dim3A_113, %mul3A_156 : vector<16xf32>
        %slice3A_158 = vector.extract_strided_slice %get3A_98 {offsets = [1], sizes = [1], strides = [1]} : vector<16xf32> to vector<1xf32>
        %squeeze3A_159 = vector.extract %slice3A_158[0] : f32 from vector<1xf32>
        %add3A_160 = arith.constant 0 : i32
        %add3A_161 = arith.addi %mul3A_100, %add3A_160 : i32
        %add3A_162 = arith.constant 1 : i32
        %add3A_163 = arith.addi %add3A_161, %add3A_162 : i32
        %get3A_164 = arith.index_cast %add3A_163 : i32 to index
        %get3A_165 = arith.constant 0 : index
        %get3A_166 = tpu.vector_load %arg9[%get3A_164, %get3A_165] {strides = array<i32>} : memref<128x64xf32, #tpu.memory_space<vmem>>, vector<1x16xf32>,
        %get3A_167 = vector.shape_cast %get3A_166 : vector<1x16xf32> to vector<16xf32>
        %mul3A_168 = vector.broadcast %squeeze3A_159 : f32 to vector<16xf32>
        %mul3A_169 = arith.mulf %get3A_167, %mul3A_168 : vector<16xf32>
        %add3A_170 = arith.addf %add3A_124, %mul3A_169 : vector<16xf32>
        %add3A_171 = arith.constant 0 : i32
        %add3A_172 = arith.addi %mul3A_100, %add3A_171 : i32
        %add3A_173 = arith.constant 1 : i32
        %add3A_174 = arith.addi %add3A_172, %add3A_173 : i32
        %get3A_175 = arith.index_cast %add3A_174 : i32 to index
        %get3A_176 = arith.constant 16 : index
        %get3A_177 = tpu.vector_load %arg9[%get3A_175, %get3A_176] {strides = array<i32>} : memref<128x64xf32, #tpu.memory_space<vmem>>, vector<1x16xf32>,
        %get3A_178 = vector.shape_cast %get3A_177 : vector<1x16xf32> to vector<16xf32>
        %mul3A_179 = vector.broadcast %squeeze3A_159 : f32 to vector<16xf32>
        %mul3A_180 = arith.mulf %get3A_178, %mul3A_179 : vector<16xf32>
        %add3A_181 = arith.addf %add3A_135, %mul3A_180 : vector<16xf32>
        %add3A_182 = arith.constant 0 : i32
        %add3A_183 = arith.addi %mul3A_100, %add3A_182 : i32
        %add3A_184 = arith.constant 1 : i32
        %add3A_185 = arith.addi %add3A_183, %add3A_184 : i32
        %get3A_186 = arith.index_cast %add3A_185 : i32 to index
        %get3A_187 = arith.constant 32 : index
        %get3A_188 = tpu.vector_load %arg9[%get3A_186, %get3A_187] {strides = array<i32>} : memref<128x64xf32, #tpu.memory_space<vmem>>, vector<1x16xf32>,
        %get3A_189 = vector.shape_cast %get3A_188 : vector<1x16xf32> to vector<16xf32>
        %mul3A_190 = vector.broadcast %squeeze3A_159 : f32 to vector<16xf32>
        %mul3A_191 = arith.mulf %get3A_189, %mul3A_190 : vector<16xf32>
        %add3A_192 = arith.addf %add3A_146, %mul3A_191 : vector<16xf32>
        %add3A_193 = arith.constant 0 : i32
        %add3A_194 = arith.addi %mul3A_100, %add3A_193 : i32
        %add3A_195 = arith.constant 1 : i32
        %add3A_196 = arith.addi %add3A_194, %add3A_195 : i32
        %get3A_197 = arith.index_cast %add3A_196 : i32 to index
        %get3A_198 = arith.constant 48 : index
        %get3A_199 = tpu.vector_load %arg9[%get3A_197, %get3A_198] {strides = array<i32>} : memref<128x64xf32, #tpu.memory_space<vmem>>, vector<1x16xf32>,
        %get3A_200 = vector.shape_cast %get3A_199 : vector<1x16xf32> to vector<16xf32>
        %mul3A_201 = vector.broadcast %squeeze3A_159 : f32 to vector<16xf32>
        %mul3A_202 = arith.mulf %get3A_200, %mul3A_201 : vector<16xf32>
        %add3A_203 = arith.addf %add3A_157, %mul3A_202 : vector<16xf32>
        %slice3A_204 = vector.extract_strided_slice %get3A_98 {offsets = [2], sizes = [1], strides = [1]} : vector<16xf32> to vector<1xf32>
        %squeeze3A_205 = vector.extract %slice3A_204[0] : f32 from vector<1xf32>
        %add3A_206 = arith.constant 0 : i32
        %add3A_207 = arith.addi %mul3A_100, %add3A_206 : i32
        %add3A_208 = arith.constant 2 : i32
        %add3A_209 = arith.addi %add3A_207, %add3A_208 : i32
        %get3A_210 = arith.index_cast %add3A_209 : i32 to index
        %get3A_211 = arith.constant 0 : index
        %get3A_212 = tpu.vector_load %arg9[%get3A_210, %get3A_211] {strides = array<i32>} : memref<128x64xf32, #tpu.memory_space<vmem>>, vector<1x16xf32>,
        %get3A_213 = vector.shape_cast %get3A_212 : vector<1x16xf32> to vector<16xf32>
        %mul3A_214 = vector.broadcast %squeeze3A_205 : f32 to vector<16xf32>
        %mul3A_215 = arith.mulf %get3A_213, %mul3A_214 : vector<16xf32>
        %add3A_216 = arith.addf %add3A_170, %mul3A_215 : vector<16xf32>
        %add3A_217 = arith.constant 0 : i32
        %add3A_218 = arith.addi %mul3A_100, %add3A_217 : i32
        %add3A_219 = arith.constant 2 : i32
        %add3A_220 = arith.addi %add3A_218, %add3A_219 : i32
        %get3A_221 = arith.index_cast %add3A_220 : i32 to index
        %get3A_222 = arith.constant 16 : index
        %get3A_223 = tpu.vector_load %arg9[%get3A_221, %get3A_222] {strides = array<i32>} : memref<128x64xf32, #tpu.memory_space<vmem>>, vector<1x16xf32>,
        %get3A_224 = vector.shape_cast %get3A_223 : vector<1x16xf32> to vector<16xf32>
        %mul3A_225 = vector.broadcast %squeeze3A_205 : f32 to vector<16xf32>
        %mul3A_226 = arith.mulf %get3A_224, %mul3A_225 : vector<16xf32>
        %add3A_227 = arith.addf %add3A_181, %mul3A_226 : vector<16xf32>
        %add3A_228 = arith.constant 0 : i32
        %add3A_229 = arith.addi %mul3A_100, %add3A_228 : i32
        %add3A_230 = arith.constant 2 : i32
        %add3A_231 = arith.addi %add3A_229, %add3A_230 : i32
        %get3A_232 = arith.index_cast %add3A_231 : i32 to index
        %get3A_233 = arith.constant 32 : index
        %get3A_234 = tpu.vector_load %arg9[%get3A_232, %get3A_233] {strides = array<i32>} : memref<128x64xf32, #tpu.memory_space<vmem>>, vector<1x16xf32>,
        %get3A_235 = vector.shape_cast %get3A_234 : vector<1x16xf32> to vector<16xf32>
        %mul3A_236 = vector.broadcast %squeeze3A_205 : f32 to vector<16xf32>
        %mul3A_237 = arith.mulf %get3A_235, %mul3A_236 : vector<16xf32>
        %add3A_238 = arith.addf %add3A_192, %mul3A_237 : vector<16xf32>
        %add3A_239 = arith.constant 0 : i32
        %add3A_240 = arith.addi %mul3A_100, %add3A_239 : i32
        %add3A_241 = arith.constant 2 : i32
        %add3A_242 = arith.addi %add3A_240, %add3A_241 : i32
        %get3A_243 = arith.index_cast %add3A_242 : i32 to index
        %get3A_244 = arith.constant 48 : index
        %get3A_245 = tpu.vector_load %arg9[%get3A_243, %get3A_244] {strides = array<i32>} : memref<128x64xf32, #tpu.memory_space<vmem>>, vector<1x16xf32>,
        %get3A_246 = vector.shape_cast %get3A_245 : vector<1x16xf32> to vector<16xf32>
        %mul3A_247 = vector.broadcast %squeeze3A_205 : f32 to vector<16xf32>
        %mul3A_248 = arith.mulf %get3A_246, %mul3A_247 : vector<16xf32>
        %add3A_249 = arith.addf %add3A_203, %mul3A_248 : vector<16xf32>
        %slice3A_250 = vector.extract_strided_slice %get3A_98 {offsets = [3], sizes = [1], strides = [1]} : vector<16xf32> to vector<1xf32>
        %squeeze3A_251 = vector.extract %slice3A_250[0] : f32 from vector<1xf32>
        %add3A_252 = arith.constant 0 : i32
        %add3A_253 = arith.addi %mul3A_100, %add3A_252 : i32
        %add3A_254 = arith.constant 3 : i32
        %add3A_255 = arith.addi %add3A_253, %add3A_254 : i32
        %get3A_256 = arith.index_cast %add3A_255 : i32 to index
        %get3A_257 = arith.constant 0 : index
        %get3A_258 = tpu.vector_load %arg9[%get3A_256, %get3A_257] {strides = array<i32>} : memref<128x64xf32, #tpu.memory_space<vmem>>, vector<1x16xf32>,
        %get3A_259 = vector.shape_cast %get3A_258 : vector<1x16xf32> to vector<16xf32>
        %mul3A_260 = vector.broadcast %squeeze3A_251 : f32 to vector<16xf32>
        %mul3A_261 = arith.mulf %get3A_259, %mul3A_260 : vector<16xf32>
        %add3A_262 = arith.addf %add3A_216, %mul3A_261 : vector<16xf32>
        %add3A_263 = arith.constant 0 : i32
        %add3A_264 = arith.addi %mul3A_100, %add3A_263 : i32
        %add3A_265 = arith.constant 3 : i32
        %add3A_266 = arith.addi %add3A_264, %add3A_265 : i32
        %get3A_267 = arith.index_cast %add3A_266 : i32 to index
        %get3A_268 = arith.constant 16 : index
        %get3A_269 = tpu.vector_load %arg9[%get3A_267, %get3A_268] {strides = array<i32>} : memref<128x64xf32, #tpu.memory_space<vmem>>, vector<1x16xf32>,
        %get3A_270 = vector.shape_cast %get3A_269 : vector<1x16xf32> to vector<16xf32>
        %mul3A_271 = vector.broadcast %squeeze3A_251 : f32 to vector<16xf32>
        %mul3A_272 = arith.mulf %get3A_270, %mul3A_271 : vector<16xf32>
        %add3A_273 = arith.addf %add3A_227, %mul3A_272 : vector<16xf32>
        %add3A_274 = arith.constant 0 : i32
        %add3A_275 = arith.addi %mul3A_100, %add3A_274 : i32
        %add3A_276 = arith.constant 3 : i32
        %add3A_277 = arith.addi %add3A_275, %add3A_276 : i32
        %get3A_278 = arith.index_cast %add3A_277 : i32 to index
        %get3A_279 = arith.constant 32 : index
        %get3A_280 = tpu.vector_load %arg9[%get3A_278, %get3A_279] {strides = array<i32>} : memref<128x64xf32, #tpu.memory_space<vmem>>, vector<1x16xf32>,
        %get3A_281 = vector.shape_cast %get3A_280 : vector<1x16xf32> to vector<16xf32>
        %mul3A_282 = vector.broadcast %squeeze3A_251 : f32 to vector<16xf32>
        %mul3A_283 = arith.mulf %get3A_281, %mul3A_282 : vector<16xf32>
        %add3A_284 = arith.addf %add3A_238, %mul3A_283 : vector<16xf32>
        %add3A_285 = arith.constant 0 : i32
        %add3A_286 = arith.addi %mul3A_100, %add3A_285 : i32
        %add3A_287 = arith.constant 3 : i32
        %add3A_288 = arith.addi %add3A_286, %add3A_287 : i32
        %get3A_289 = arith.index_cast %add3A_288 : i32 to index
        %get3A_290 = arith.constant 48 : index
        %get3A_291 = tpu.vector_load %arg9[%get3A_289, %get3A_290] {strides = array<i32>} : memref<128x64xf32, #tpu.memory_space<vmem>>, vector<1x16xf32>,
        %get3A_292 = vector.shape_cast %get3A_291 : vector<1x16xf32> to vector<16xf32>
        %mul3A_293 = vector.broadcast %squeeze3A_251 : f32 to vector<16xf32>
        %mul3A_294 = arith.mulf %get3A_292, %mul3A_293 : vector<16xf32>
        %add3A_295 = arith.addf %add3A_249, %mul3A_294 : vector<16xf32>
        %slice3A_296 = vector.extract_strided_slice %get3A_98 {offsets = [4], sizes = [1], strides = [1]} : vector<16xf32> to vector<1xf32>
        %squeeze3A_297 = vector.extract %slice3A_296[0] : f32 from vector<1xf32>
        %add3A_298 = arith.constant 0 : i32
        %add3A_299 = arith.addi %mul3A_100, %add3A_298 : i32
        %add3A_300 = arith.constant 4 : i32
        %add3A_301 = arith.addi %add3A_299, %add3A_300 : i32
        %get3A_302 = arith.index_cast %add3A_301 : i32 to index
        %get3A_303 = arith.constant 0 : index
        %get3A_304 = tpu.vector_load %arg9[%get3A_302, %get3A_303] {strides = array<i32>} : memref<128x64xf32, #tpu.memory_space<vmem>>, vector<1x16xf32>,
        %get3A_305 = vector.shape_cast %get3A_304 : vector<1x16xf32> to vector<16xf32>
        %mul3A_306 = vector.broadcast %squeeze3A_297 : f32 to vector<16xf32>
        %mul3A_307 = arith.mulf %get3A_305, %mul3A_306 : vector<16xf32>
        %add3A_308 = arith.addf %add3A_262, %mul3A_307 : vector<16xf32>
        %add3A_309 = arith.constant 0 : i32
        %add3A_310 = arith.addi %mul3A_100, %add3A_309 : i32
        %add3A_311 = arith.constant 4 : i32
        %add3A_312 = arith.addi %add3A_310, %add3A_311 : i32
        %get3A_313 = arith.index_cast %add3A_312 : i32 to index
        %get3A_314 = arith.constant 16 : index
        %get3A_315 = tpu.vector_load %arg9[%get3A_313, %get3A_314] {strides = array<i32>} : memref<128x64xf32, #tpu.memory_space<vmem>>, vector<1x16xf32>,
        %get3A_316 = vector.shape_cast %get3A_315 : vector<1x16xf32> to vector<16xf32>
        %mul3A_317 = vector.broadcast %squeeze3A_297 : f32 to vector<16xf32>
        %mul3A_318 = arith.mulf %get3A_316, %mul3A_317 : vector<16xf32>
        %add3A_319 = arith.addf %add3A_273, %mul3A_318 : vector<16xf32>
        %add3A_320 = arith.constant 0 : i32
        %add3A_321 = arith.addi %mul3A_100, %add3A_320 : i32
        %add3A_322 = arith.constant 4 : i32
        %add3A_323 = arith.addi %add3A_321, %add3A_322 : i32
        %get3A_324 = arith.index_cast %add3A_323 : i32 to index
        %get3A_325 = arith.constant 32 : index
        %get3A_326 = tpu.vector_load %arg9[%get3A_324, %get3A_325] {strides = array<i32>} : memref<128x64xf32, #tpu.memory_space<vmem>>, vector<1x16xf32>,
        %get3A_327 = vector.shape_cast %get3A_326 : vector<1x16xf32> to vector<16xf32>
        %mul3A_328 = vector.broadcast %squeeze3A_297 : f32 to vector<16xf32>
        %mul3A_329 = arith.mulf %get3A_327, %mul3A_328 : vector<16xf32>
        %add3A_330 = arith.addf %add3A_284, %mul3A_329 : vector<16xf32>
        %add3A_331 = arith.constant 0 : i32
        %add3A_332 = arith.addi %mul3A_100, %add3A_331 : i32
        %add3A_333 = arith.constant 4 : i32
        %add3A_334 = arith.addi %add3A_332, %add3A_333 : i32
        %get3A_335 = arith.index_cast %add3A_334 : i32 to index
        %get3A_336 = arith.constant 48 : index
        %get3A_337 = tpu.vector_load %arg9[%get3A_335, %get3A_336] {strides = array<i32>} : memref<128x64xf32, #tpu.memory_space<vmem>>, vector<1x16xf32>,
        %get3A_338 = vector.shape_cast %get3A_337 : vector<1x16xf32> to vector<16xf32>
        %mul3A_339 = vector.broadcast %squeeze3A_297 : f32 to vector<16xf32>
        %mul3A_340 = arith.mulf %get3A_338, %mul3A_339 : vector<16xf32>
        %add3A_341 = arith.addf %add3A_295, %mul3A_340 : vector<16xf32>
        %slice3A_342 = vector.extract_strided_slice %get3A_98 {offsets = [5], sizes = [1], strides = [1]} : vector<16xf32> to vector<1xf32>
        %squeeze3A_343 = vector.extract %slice3A_342[0] : f32 from vector<1xf32>
        %add3A_344 = arith.constant 0 : i32
        %add3A_345 = arith.addi %mul3A_100, %add3A_344 : i32
        %add3A_346 = arith.constant 5 : i32
        %add3A_347 = arith.addi %add3A_345, %add3A_346 : i32
        %get3A_348 = arith.index_cast %add3A_347 : i32 to index
        %get3A_349 = arith.constant 0 : index
        %get3A_350 = tpu.vector_load %arg9[%get3A_348, %get3A_349] {strides = array<i32>} : memref<128x64xf32, #tpu.memory_space<vmem>>, vector<1x16xf32>,
        %get3A_351 = vector.shape_cast %get3A_350 : vector<1x16xf32> to vector<16xf32>
        %mul3A_352 = vector.broadcast %squeeze3A_343 : f32 to vector<16xf32>
        %mul3A_353 = arith.mulf %get3A_351, %mul3A_352 : vector<16xf32>
        %add3A_354 = arith.addf %add3A_308, %mul3A_353 : vector<16xf32>
        %add3A_355 = arith.constant 0 : i32
        %add3A_356 = arith.addi %mul3A_100, %add3A_355 : i32
        %add3A_357 = arith.constant 5 : i32
        %add3A_358 = arith.addi %add3A_356, %add3A_357 : i32
        %get3A_359 = arith.index_cast %add3A_358 : i32 to index
        %get3A_360 = arith.constant 16 : index
        %get3A_361 = tpu.vector_load %arg9[%get3A_359, %get3A_360] {strides = array<i32>} : memref<128x64xf32, #tpu.memory_space<vmem>>, vector<1x16xf32>,
        %get3A_362 = vector.shape_cast %get3A_361 : vector<1x16xf32> to vector<16xf32>
        %mul3A_363 = vector.broadcast %squeeze3A_343 : f32 to vector<16xf32>
        %mul3A_364 = arith.mulf %get3A_362, %mul3A_363 : vector<16xf32>
        %add3A_365 = arith.addf %add3A_319, %mul3A_364 : vector<16xf32>
        %add3A_366 = arith.constant 0 : i32
        %add3A_367 = arith.addi %mul3A_100, %add3A_366 : i32
        %add3A_368 = arith.constant 5 : i32
        %add3A_369 = arith.addi %add3A_367, %add3A_368 : i32
        %get3A_370 = arith.index_cast %add3A_369 : i32 to index
        %get3A_371 = arith.constant 32 : index
        %get3A_372 = tpu.vector_load %arg9[%get3A_370, %get3A_371] {strides = array<i32>} : memref<128x64xf32, #tpu.memory_space<vmem>>, vector<1x16xf32>,
        %get3A_373 = vector.shape_cast %get3A_372 : vector<1x16xf32> to vector<16xf32>
        %mul3A_374 = vector.broadcast %squeeze3A_343 : f32 to vector<16xf32>
        %mul3A_375 = arith.mulf %get3A_373, %mul3A_374 : vector<16xf32>
        %add3A_376 = arith.addf %add3A_330, %mul3A_375 : vector<16xf32>
        %add3A_377 = arith.constant 0 : i32
        %add3A_378 = arith.addi %mul3A_100, %add3A_377 : i32
        %add3A_379 = arith.constant 5 : i32
        %add3A_380 = arith.addi %add3A_378, %add3A_379 : i32
        %get3A_381 = arith.index_cast %add3A_380 : i32 to index
        %get3A_382 = arith.constant 48 : index
        %get3A_383 = tpu.vector_load %arg9[%get3A_381, %get3A_382] {strides = array<i32>} : memref<128x64xf32, #tpu.memory_space<vmem>>, vector<1x16xf32>,
        %get3A_384 = vector.shape_cast %get3A_383 : vector<1x16xf32> to vector<16xf32>
        %mul3A_385 = vector.broadcast %squeeze3A_343 : f32 to vector<16xf32>
        %mul3A_386 = arith.mulf %get3A_384, %mul3A_385 : vector<16xf32>
        %add3A_387 = arith.addf %add3A_341, %mul3A_386 : vector<16xf32>
        %slice3A_388 = vector.extract_strided_slice %get3A_98 {offsets = [6], sizes = [1], strides = [1]} : vector<16xf32> to vector<1xf32>
        %squeeze3A_389 = vector.extract %slice3A_388[0] : f32 from vector<1xf32>
        %add3A_390 = arith.constant 0 : i32
        %add3A_391 = arith.addi %mul3A_100, %add3A_390 : i32
        %add3A_392 = arith.constant 6 : i32
        %add3A_393 = arith.addi %add3A_391, %add3A_392 : i32
        %get3A_394 = arith.index_cast %add3A_393 : i32 to index
        %get3A_395 = arith.constant 0 : index
        %get3A_396 = tpu.vector_load %arg9[%get3A_394, %get3A_395] {strides = array<i32>} : memref<128x64xf32, #tpu.memory_space<vmem>>, vector<1x16xf32>,
        %get3A_397 = vector.shape_cast %get3A_396 : vector<1x16xf32> to vector<16xf32>
        %mul3A_398 = vector.broadcast %squeeze3A_389 : f32 to vector<16xf32>
        %mul3A_399 = arith.mulf %get3A_397, %mul3A_398 : vector<16xf32>
        %add3A_400 = arith.addf %add3A_354, %mul3A_399 : vector<16xf32>
        %add3A_401 = arith.constant 0 : i32
        %add3A_402 = arith.addi %mul3A_100, %add3A_401 : i32
        %add3A_403 = arith.constant 6 : i32
        %add3A_404 = arith.addi %add3A_402, %add3A_403 : i32
        %get3A_405 = arith.index_cast %add3A_404 : i32 to index
        %get3A_406 = arith.constant 16 : index
        %get3A_407 = tpu.vector_load %arg9[%get3A_405, %get3A_406] {strides = array<i32>} : memref<128x64xf32, #tpu.memory_space<vmem>>, vector<1x16xf32>,
        %get3A_408 = vector.shape_cast %get3A_407 : vector<1x16xf32> to vector<16xf32>
        %mul3A_409 = vector.broadcast %squeeze3A_389 : f32 to vector<16xf32>
        %mul3A_410 = arith.mulf %get3A_408, %mul3A_409 : vector<16xf32>
        %add3A_411 = arith.addf %add3A_365, %mul3A_410 : vector<16xf32>
        %add3A_412 = arith.constant 0 : i32
        %add3A_413 = arith.addi %mul3A_100, %add3A_412 : i32
        %add3A_414 = arith.constant 6 : i32
        %add3A_415 = arith.addi %add3A_413, %add3A_414 : i32
        %get3A_416 = arith.index_cast %add3A_415 : i32 to index
        %get3A_417 = arith.constant 32 : index
        %get3A_418 = tpu.vector_load %arg9[%get3A_416, %get3A_417] {strides = array<i32>} : memref<128x64xf32, #tpu.memory_space<vmem>>, vector<1x16xf32>,
        %get3A_419 = vector.shape_cast %get3A_418 : vector<1x16xf32> to vector<16xf32>
        %mul3A_420 = vector.broadcast %squeeze3A_389 : f32 to vector<16xf32>
        %mul3A_421 = arith.mulf %get3A_419, %mul3A_420 : vector<16xf32>
        %add3A_422 = arith.addf %add3A_376, %mul3A_421 : vector<16xf32>
        %add3A_423 = arith.constant 0 : i32
        %add3A_424 = arith.addi %mul3A_100, %add3A_423 : i32
        %add3A_425 = arith.constant 6 : i32
        %add3A_426 = arith.addi %add3A_424, %add3A_425 : i32
        %get3A_427 = arith.index_cast %add3A_426 : i32 to index
        %get3A_428 = arith.constant 48 : index
        %get3A_429 = tpu.vector_load %arg9[%get3A_427, %get3A_428] {strides = array<i32>} : memref<128x64xf32, #tpu.memory_space<vmem>>, vector<1x16xf32>,
        %get3A_430 = vector.shape_cast %get3A_429 : vector<1x16xf32> to vector<16xf32>
        %mul3A_431 = vector.broadcast %squeeze3A_389 : f32 to vector<16xf32>
        %mul3A_432 = arith.mulf %get3A_430, %mul3A_431 : vector<16xf32>
        %add3A_433 = arith.addf %add3A_387, %mul3A_432 : vector<16xf32>
        %slice3A_434 = vector.extract_strided_slice %get3A_98 {offsets = [7], sizes = [1], strides = [1]} : vector<16xf32> to vector<1xf32>
        %squeeze3A_435 = vector.extract %slice3A_434[0] : f32 from vector<1xf32>
        %add3A_436 = arith.constant 0 : i32
        %add3A_437 = arith.addi %mul3A_100, %add3A_436 : i32
        %add3A_438 = arith.constant 7 : i32
        %add3A_439 = arith.addi %add3A_437, %add3A_438 : i32
        %get3A_440 = arith.index_cast %add3A_439 : i32 to index
        %get3A_441 = arith.constant 0 : index
        %get3A_442 = tpu.vector_load %arg9[%get3A_440, %get3A_441] {strides = array<i32>} : memref<128x64xf32, #tpu.memory_space<vmem>>, vector<1x16xf32>,
        %get3A_443 = vector.shape_cast %get3A_442 : vector<1x16xf32> to vector<16xf32>
        %mul3A_444 = vector.broadcast %squeeze3A_435 : f32 to vector<16xf32>
        %mul3A_445 = arith.mulf %get3A_443, %mul3A_444 : vector<16xf32>
        %add3A_446 = arith.addf %add3A_400, %mul3A_445 : vector<16xf32>
        %add3A_447 = arith.constant 0 : i32
        %add3A_448 = arith.addi %mul3A_100, %add3A_447 : i32
        %add3A_449 = arith.constant 7 : i32
        %add3A_450 = arith.addi %add3A_448, %add3A_449 : i32
        %get3A_451 = arith.index_cast %add3A_450 : i32 to index
        %get3A_452 = arith.constant 16 : index
        %get3A_453 = tpu.vector_load %arg9[%get3A_451, %get3A_452] {strides = array<i32>} : memref<128x64xf32, #tpu.memory_space<vmem>>, vector<1x16xf32>,
        %get3A_454 = vector.shape_cast %get3A_453 : vector<1x16xf32> to vector<16xf32>
        %mul3A_455 = vector.broadcast %squeeze3A_435 : f32 to vector<16xf32>
        %mul3A_456 = arith.mulf %get3A_454, %mul3A_455 : vector<16xf32>
        %add3A_457 = arith.addf %add3A_411, %mul3A_456 : vector<16xf32>
        %add3A_458 = arith.constant 0 : i32
        %add3A_459 = arith.addi %mul3A_100, %add3A_458 : i32
        %add3A_460 = arith.constant 7 : i32
        %add3A_461 = arith.addi %add3A_459, %add3A_460 : i32
        %get3A_462 = arith.index_cast %add3A_461 : i32 to index
        %get3A_463 = arith.constant 32 : index
        %get3A_464 = tpu.vector_load %arg9[%get3A_462, %get3A_463] {strides = array<i32>} : memref<128x64xf32, #tpu.memory_space<vmem>>, vector<1x16xf32>,
        %get3A_465 = vector.shape_cast %get3A_464 : vector<1x16xf32> to vector<16xf32>
        %mul3A_466 = vector.broadcast %squeeze3A_435 : f32 to vector<16xf32>
        %mul3A_467 = arith.mulf %get3A_465, %mul3A_466 : vector<16xf32>
        %add3A_468 = arith.addf %add3A_422, %mul3A_467 : vector<16xf32>
        %add3A_469 = arith.constant 0 : i32
        %add3A_470 = arith.addi %mul3A_100, %add3A_469 : i32
        %add3A_471 = arith.constant 7 : i32
        %add3A_472 = arith.addi %add3A_470, %add3A_471 : i32
        %get3A_473 = arith.index_cast %add3A_472 : i32 to index
        %get3A_474 = arith.constant 48 : index
        %get3A_475 = tpu.vector_load %arg9[%get3A_473, %get3A_474] {strides = array<i32>} : memref<128x64xf32, #tpu.memory_space<vmem>>, vector<1x16xf32>,
        %get3A_476 = vector.shape_cast %get3A_475 : vector<1x16xf32> to vector<16xf32>
        %mul3A_477 = vector.broadcast %squeeze3A_435 : f32 to vector<16xf32>
        %mul3A_478 = arith.mulf %get3A_476, %mul3A_477 : vector<16xf32>
        %add3A_479 = arith.addf %add3A_433, %mul3A_478 : vector<16xf32>
        %add3A_480 = arith.constant 0 : i32
        %add3A_481 = arith.addi %add3A_106, %add3A_480 : i32
        %mul3A_482 = arith.constant 64 : i32
        %mul3A_483 = arith.muli %add3A_481, %mul3A_482 : i32
        %add3A_484 = arith.constant 0 : i32
        %add3A_485 = arith.addi %mul3A_483, %add3A_484 : i32
        %swap3A = arith.index_cast %add3A_485 : i32 to index
        %swap3A_486 = tpu.vector_load %arg11[%swap3A] {strides = array<i32>} : memref<40960xf32, #tpu.memory_space<vmem>>, vector<16xf32>,
        %swap3A_487 = vector.shape_cast %swap3A_486 : vector<16xf32> to vector<16xf32>
        %swap3A_488 = vector.shape_cast %add3A_446 : vector<16xf32> to vector<16xf32>
        tpu.vector_store %arg11[%swap3A], %swap3A_488 {strides = array<i32>} : memref<40960xf32, #tpu.memory_space<vmem>>, vector<16xf32>,
        %add3A_489 = arith.constant 0 : i32
        %add3A_490 = arith.addi %add3A_106, %add3A_489 : i32
        %mul3A_491 = arith.constant 64 : i32
        %mul3A_492 = arith.muli %add3A_490, %mul3A_491 : i32
        %add3A_493 = arith.constant 16 : i32
        %add3A_494 = arith.addi %mul3A_492, %add3A_493 : i32
        %swap3A_495 = arith.index_cast %add3A_494 : i32 to index
        %swap3A_496 = tpu.vector_load %arg11[%swap3A_495] {strides = array<i32>} : memref<40960xf32, #tpu.memory_space<vmem>>, vector<16xf32>,
        %swap3A_497 = vector.shape_cast %swap3A_496 : vector<16xf32> to vector<16xf32>
        %swap3A_498 = vector.shape_cast %add3A_457 : vector<16xf32> to vector<16xf32>
        tpu.vector_store %arg11[%swap3A_495], %swap3A_498 {strides = array<i32>} : memref<40960xf32, #tpu.memory_space<vmem>>, vector<16xf32>,
        %add3A_499 = arith.constant 0 : i32
        %add3A_500 = arith.addi %add3A_106, %add3A_499 : i32
        %mul3A_501 = arith.constant 64 : i32
        %mul3A_502 = arith.muli %add3A_500, %mul3A_501 : i32
        %add3A_503 = arith.constant 32 : i32
        %add3A_504 = arith.addi %mul3A_502, %add3A_503 : i32
        %swap3A_505 = arith.index_cast %add3A_504 : i32 to index
        %swap3A_506 = tpu.vector_load %arg11[%swap3A_505] {strides = array<i32>} : memref<40960xf32, #tpu.memory_space<vmem>>, vector<16xf32>,
        %swap3A_507 = vector.shape_cast %swap3A_506 : vector<16xf32> to vector<16xf32>
        %swap3A_508 = vector.shape_cast %add3A_468 : vector<16xf32> to vector<16xf32>
        tpu.vector_store %arg11[%swap3A_505], %swap3A_508 {strides = array<i32>} : memref<40960xf32, #tpu.memory_space<vmem>>, vector<16xf32>,
        %add3A_509 = arith.constant 0 : i32
        %add3A_510 = arith.addi %add3A_106, %add3A_509 : i32
        %mul3A_511 = arith.constant 64 : i32
        %mul3A_512 = arith.muli %add3A_510, %mul3A_511 : i32
        %add3A_513 = arith.constant 48 : i32
        %add3A_514 = arith.addi %mul3A_512, %add3A_513 : i32
        %swap3A_515 = arith.index_cast %add3A_514 : i32 to index
        %swap3A_516 = tpu.vector_load %arg11[%swap3A_515] {strides = array<i32>} : memref<40960xf32, #tpu.memory_space<vmem>>, vector<16xf32>,
        %swap3A_517 = vector.shape_cast %swap3A_516 : vector<16xf32> to vector<16xf32>
        %swap3A_518 = vector.shape_cast %add3A_479 : vector<16xf32> to vector<16xf32>
        tpu.vector_store %arg11[%swap3A_515], %swap3A_518 {strides = array<i32>} : memref<40960xf32, #tpu.memory_space<vmem>>, vector<16xf32>,
        %broadcast_in_dim3A_519 = arith.constant 0.000000e+00 : f32
        %broadcast_in_dim3A_520 = vector.broadcast %broadcast_in_dim3A_519 : f32 to vector<16xf32>
        %broadcast_in_dim3A_521 = arith.constant 0.000000e+00 : f32
        %broadcast_in_dim3A_522 = vector.broadcast %broadcast_in_dim3A_521 : f32 to vector<16xf32>
        %broadcast_in_dim3A_523 = arith.constant 0.000000e+00 : f32
        %broadcast_in_dim3A_524 = vector.broadcast %broadcast_in_dim3A_523 : f32 to vector<16xf32>
        %broadcast_in_dim3A_525 = arith.constant 0.000000e+00 : f32
        %broadcast_in_dim3A_526 = vector.broadcast %broadcast_in_dim3A_525 : f32 to vector<16xf32>
        %slice3A_527 = vector.extract_strided_slice %get3A_98 {offsets = [8], sizes = [1], strides = [1]} : vector<16xf32> to vector<1xf32>
        %squeeze3A_528 = vector.extract %slice3A_527[0] : f32 from vector<1xf32>
        %add3A_529 = arith.constant 8 : i32
        %add3A_530 = arith.addi %mul3A_100, %add3A_529 : i32
        %add3A_531 = arith.constant 0 : i32
        %add3A_532 = arith.addi %add3A_530, %add3A_531 : i32
        %get3A_533 = arith.index_cast %add3A_532 : i32 to index
        %get3A_534 = arith.constant 0 : index
        %get3A_535 = tpu.vector_load %arg9[%get3A_533, %get3A_534] {strides = array<i32>} : memref<128x64xf32, #tpu.memory_space<vmem>>, vector<1x16xf32>,
        %get3A_536 = vector.shape_cast %get3A_535 : vector<1x16xf32> to vector<16xf32>
        %mul3A_537 = vector.broadcast %squeeze3A_528 : f32 to vector<16xf32>
        %mul3A_538 = arith.mulf %get3A_536, %mul3A_537 : vector<16xf32>
        %add3A_539 = arith.addf %broadcast_in_dim3A_520, %mul3A_538 : vector<16xf32>
        %add3A_540 = arith.constant 8 : i32
        %add3A_541 = arith.addi %mul3A_100, %add3A_540 : i32
        %add3A_542 = arith.constant 0 : i32
        %add3A_543 = arith.addi %add3A_541, %add3A_542 : i32
        %get3A_544 = arith.index_cast %add3A_543 : i32 to index
        %get3A_545 = arith.constant 16 : index
        %get3A_546 = tpu.vector_load %arg9[%get3A_544, %get3A_545] {strides = array<i32>} : memref<128x64xf32, #tpu.memory_space<vmem>>, vector<1x16xf32>,
        %get3A_547 = vector.shape_cast %get3A_546 : vector<1x16xf32> to vector<16xf32>
        %mul3A_548 = vector.broadcast %squeeze3A_528 : f32 to vector<16xf32>
        %mul3A_549 = arith.mulf %get3A_547, %mul3A_548 : vector<16xf32>
        %add3A_550 = arith.addf %broadcast_in_dim3A_522, %mul3A_549 : vector<16xf32>
        %add3A_551 = arith.constant 8 : i32
        %add3A_552 = arith.addi %mul3A_100, %add3A_551 : i32
        %add3A_553 = arith.constant 0 : i32
        %add3A_554 = arith.addi %add3A_552, %add3A_553 : i32
        %get3A_555 = arith.index_cast %add3A_554 : i32 to index
        %get3A_556 = arith.constant 32 : index
        %get3A_557 = tpu.vector_load %arg9[%get3A_555, %get3A_556] {strides = array<i32>} : memref<128x64xf32, #tpu.memory_space<vmem>>, vector<1x16xf32>,
        %get3A_558 = vector.shape_cast %get3A_557 : vector<1x16xf32> to vector<16xf32>
        %mul3A_559 = vector.broadcast %squeeze3A_528 : f32 to vector<16xf32>
        %mul3A_560 = arith.mulf %get3A_558, %mul3A_559 : vector<16xf32>
        %add3A_561 = arith.addf %broadcast_in_dim3A_524, %mul3A_560 : vector<16xf32>
        %add3A_562 = arith.constant 8 : i32
        %add3A_563 = arith.addi %mul3A_100, %add3A_562 : i32
        %add3A_564 = arith.constant 0 : i32
        %add3A_565 = arith.addi %add3A_563, %add3A_564 : i32
        %get3A_566 = arith.index_cast %add3A_565 : i32 to index
        %get3A_567 = arith.constant 48 : index
        %get3A_568 = tpu.vector_load %arg9[%get3A_566, %get3A_567] {strides = array<i32>} : memref<128x64xf32, #tpu.memory_space<vmem>>, vector<1x16xf32>,
        %get3A_569 = vector.shape_cast %get3A_568 : vector<1x16xf32> to vector<16xf32>
        %mul3A_570 = vector.broadcast %squeeze3A_528 : f32 to vector<16xf32>
        %mul3A_571 = arith.mulf %get3A_569, %mul3A_570 : vector<16xf32>
        %add3A_572 = arith.addf %broadcast_in_dim3A_526, %mul3A_571 : vector<16xf32>
        %slice3A_573 = vector.extract_strided_slice %get3A_98 {offsets = [9], sizes = [1], strides = [1]} : vector<16xf32> to vector<1xf32>
        %squeeze3A_574 = vector.extract %slice3A_573[0] : f32 from vector<1xf32>
        %add3A_575 = arith.constant 8 : i32
        %add3A_576 = arith.addi %mul3A_100, %add3A_575 : i32
        %add3A_577 = arith.constant 1 : i32
        %add3A_578 = arith.addi %add3A_576, %add3A_577 : i32
        %get3A_579 = arith.index_cast %add3A_578 : i32 to index
        %get3A_580 = arith.constant 0 : index
        %get3A_581 = tpu.vector_load %arg9[%get3A_579, %get3A_580] {strides = array<i32>} : memref<128x64xf32, #tpu.memory_space<vmem>>, vector<1x16xf32>,
        %get3A_582 = vector.shape_cast %get3A_581 : vector<1x16xf32> to vector<16xf32>
        %mul3A_583 = vector.broadcast %squeeze3A_574 : f32 to vector<16xf32>
        %mul3A_584 = arith.mulf %get3A_582, %mul3A_583 : vector<16xf32>
        %add3A_585 = arith.addf %add3A_539, %mul3A_584 : vector<16xf32>
        %add3A_586 = arith.constant 8 : i32
        %add3A_587 = arith.addi %mul3A_100, %add3A_586 : i32
        %add3A_588 = arith.constant 1 : i32
        %add3A_589 = arith.addi %add3A_587, %add3A_588 : i32
        %get3A_590 = arith.index_cast %add3A_589 : i32 to index
        %get3A_591 = arith.constant 16 : index
        %get3A_592 = tpu.vector_load %arg9[%get3A_590, %get3A_591] {strides = array<i32>} : memref<128x64xf32, #tpu.memory_space<vmem>>, vector<1x16xf32>,
        %get3A_593 = vector.shape_cast %get3A_592 : vector<1x16xf32> to vector<16xf32>
        %mul3A_594 = vector.broadcast %squeeze3A_574 : f32 to vector<16xf32>
        %mul3A_595 = arith.mulf %get3A_593, %mul3A_594 : vector<16xf32>
        %add3A_596 = arith.addf %add3A_550, %mul3A_595 : vector<16xf32>
        %add3A_597 = arith.constant 8 : i32
        %add3A_598 = arith.addi %mul3A_100, %add3A_597 : i32
        %add3A_599 = arith.constant 1 : i32
        %add3A_600 = arith.addi %add3A_598, %add3A_599 : i32
        %get3A_601 = arith.index_cast %add3A_600 : i32 to index
        %get3A_602 = arith.constant 32 : index
        %get3A_603 = tpu.vector_load %arg9[%get3A_601, %get3A_602] {strides = array<i32>} : memref<128x64xf32, #tpu.memory_space<vmem>>, vector<1x16xf32>,
        %get3A_604 = vector.shape_cast %get3A_603 : vector<1x16xf32> to vector<16xf32>
        %mul3A_605 = vector.broadcast %squeeze3A_574 : f32 to vector<16xf32>
        %mul3A_606 = arith.mulf %get3A_604, %mul3A_605 : vector<16xf32>
        %add3A_607 = arith.addf %add3A_561, %mul3A_606 : vector<16xf32>
        %add3A_608 = arith.constant 8 : i32
        %add3A_609 = arith.addi %mul3A_100, %add3A_608 : i32
        %add3A_610 = arith.constant 1 : i32
        %add3A_611 = arith.addi %add3A_609, %add3A_610 : i32
        %get3A_612 = arith.index_cast %add3A_611 : i32 to index
        %get3A_613 = arith.constant 48 : index
        %get3A_614 = tpu.vector_load %arg9[%get3A_612, %get3A_613] {strides = array<i32>} : memref<128x64xf32, #tpu.memory_space<vmem>>, vector<1x16xf32>,
        %get3A_615 = vector.shape_cast %get3A_614 : vector<1x16xf32> to vector<16xf32>
        %mul3A_616 = vector.broadcast %squeeze3A_574 : f32 to vector<16xf32>
        %mul3A_617 = arith.mulf %get3A_615, %mul3A_616 : vector<16xf32>
        %add3A_618 = arith.addf %add3A_572, %mul3A_617 : vector<16xf32>
        %slice3A_619 = vector.extract_strided_slice %get3A_98 {offsets = [10], sizes = [1], strides = [1]} : vector<16xf32> to vector<1xf32>
        %squeeze3A_620 = vector.extract %slice3A_619[0] : f32 from vector<1xf32>
        %add3A_621 = arith.constant 8 : i32
        %add3A_622 = arith.addi %mul3A_100, %add3A_621 : i32
        %add3A_623 = arith.constant 2 : i32
        %add3A_624 = arith.addi %add3A_622, %add3A_623 : i32
        %get3A_625 = arith.index_cast %add3A_624 : i32 to index
        %get3A_626 = arith.constant 0 : index
        %get3A_627 = tpu.vector_load %arg9[%get3A_625, %get3A_626] {strides = array<i32>} : memref<128x64xf32, #tpu.memory_space<vmem>>, vector<1x16xf32>,
        %get3A_628 = vector.shape_cast %get3A_627 : vector<1x16xf32> to vector<16xf32>
        %mul3A_629 = vector.broadcast %squeeze3A_620 : f32 to vector<16xf32>
        %mul3A_630 = arith.mulf %get3A_628, %mul3A_629 : vector<16xf32>
        %add3A_631 = arith.addf %add3A_585, %mul3A_630 : vector<16xf32>
        %add3A_632 = arith.constant 8 : i32
        %add3A_633 = arith.addi %mul3A_100, %add3A_632 : i32
        %add3A_634 = arith.constant 2 : i32
        %add3A_635 = arith.addi %add3A_633, %add3A_634 : i32
        %get3A_636 = arith.index_cast %add3A_635 : i32 to index
        %get3A_637 = arith.constant 16 : index
        %get3A_638 = tpu.vector_load %arg9[%get3A_636, %get3A_637] {strides = array<i32>} : memref<128x64xf32, #tpu.memory_space<vmem>>, vector<1x16xf32>,
        %get3A_639 = vector.shape_cast %get3A_638 : vector<1x16xf32> to vector<16xf32>
        %mul3A_640 = vector.broadcast %squeeze3A_620 : f32 to vector<16xf32>
        %mul3A_641 = arith.mulf %get3A_639, %mul3A_640 : vector<16xf32>
        %add3A_642 = arith.addf %add3A_596, %mul3A_641 : vector<16xf32>
        %add3A_643 = arith.constant 8 : i32
        %add3A_644 = arith.addi %mul3A_100, %add3A_643 : i32
        %add3A_645 = arith.constant 2 : i32
        %add3A_646 = arith.addi %add3A_644, %add3A_645 : i32
        %get3A_647 = arith.index_cast %add3A_646 : i32 to index
        %get3A_648 = arith.constant 32 : index
        %get3A_649 = tpu.vector_load %arg9[%get3A_647, %get3A_648] {strides = array<i32>} : memref<128x64xf32, #tpu.memory_space<vmem>>, vector<1x16xf32>,
        %get3A_650 = vector.shape_cast %get3A_649 : vector<1x16xf32> to vector<16xf32>
        %mul3A_651 = vector.broadcast %squeeze3A_620 : f32 to vector<16xf32>
        %mul3A_652 = arith.mulf %get3A_650, %mul3A_651 : vector<16xf32>
        %add3A_653 = arith.addf %add3A_607, %mul3A_652 : vector<16xf32>
        %add3A_654 = arith.constant 8 : i32
        %add3A_655 = arith.addi %mul3A_100, %add3A_654 : i32
        %add3A_656 = arith.constant 2 : i32
        %add3A_657 = arith.addi %add3A_655, %add3A_656 : i32
        %get3A_658 = arith.index_cast %add3A_657 : i32 to index
        %get3A_659 = arith.constant 48 : index
        %get3A_660 = tpu.vector_load %arg9[%get3A_658, %get3A_659] {strides = array<i32>} : memref<128x64xf32, #tpu.memory_space<vmem>>, vector<1x16xf32>,
        %get3A_661 = vector.shape_cast %get3A_660 : vector<1x16xf32> to vector<16xf32>
        %mul3A_662 = vector.broadcast %squeeze3A_620 : f32 to vector<16xf32>
        %mul3A_663 = arith.mulf %get3A_661, %mul3A_662 : vector<16xf32>
        %add3A_664 = arith.addf %add3A_618, %mul3A_663 : vector<16xf32>
        %slice3A_665 = vector.extract_strided_slice %get3A_98 {offsets = [11], sizes = [1], strides = [1]} : vector<16xf32> to vector<1xf32>
        %squeeze3A_666 = vector.extract %slice3A_665[0] : f32 from vector<1xf32>
        %add3A_667 = arith.constant 8 : i32
        %add3A_668 = arith.addi %mul3A_100, %add3A_667 : i32
        %add3A_669 = arith.constant 3 : i32
        %add3A_670 = arith.addi %add3A_668, %add3A_669 : i32
        %get3A_671 = arith.index_cast %add3A_670 : i32 to index
        %get3A_672 = arith.constant 0 : index
        %get3A_673 = tpu.vector_load %arg9[%get3A_671, %get3A_672] {strides = array<i32>} : memref<128x64xf32, #tpu.memory_space<vmem>>, vector<1x16xf32>,
        %get3A_674 = vector.shape_cast %get3A_673 : vector<1x16xf32> to vector<16xf32>
        %mul3A_675 = vector.broadcast %squeeze3A_666 : f32 to vector<16xf32>
        %mul3A_676 = arith.mulf %get3A_674, %mul3A_675 : vector<16xf32>
        %add3A_677 = arith.addf %add3A_631, %mul3A_676 : vector<16xf32>
        %add3A_678 = arith.constant 8 : i32
        %add3A_679 = arith.addi %mul3A_100, %add3A_678 : i32
        %add3A_680 = arith.constant 3 : i32
        %add3A_681 = arith.addi %add3A_679, %add3A_680 : i32
        %get3A_682 = arith.index_cast %add3A_681 : i32 to index
        %get3A_683 = arith.constant 16 : index
        %get3A_684 = tpu.vector_load %arg9[%get3A_682, %get3A_683] {strides = array<i32>} : memref<128x64xf32, #tpu.memory_space<vmem>>, vector<1x16xf32>,
        %get3A_685 = vector.shape_cast %get3A_684 : vector<1x16xf32> to vector<16xf32>
        %mul3A_686 = vector.broadcast %squeeze3A_666 : f32 to vector<16xf32>
        %mul3A_687 = arith.mulf %get3A_685, %mul3A_686 : vector<16xf32>
        %add3A_688 = arith.addf %add3A_642, %mul3A_687 : vector<16xf32>
        %add3A_689 = arith.constant 8 : i32
        %add3A_690 = arith.addi %mul3A_100, %add3A_689 : i32
        %add3A_691 = arith.constant 3 : i32
        %add3A_692 = arith.addi %add3A_690, %add3A_691 : i32
        %get3A_693 = arith.index_cast %add3A_692 : i32 to index
        %get3A_694 = arith.constant 32 : index
        %get3A_695 = tpu.vector_load %arg9[%get3A_693, %get3A_694] {strides = array<i32>} : memref<128x64xf32, #tpu.memory_space<vmem>>, vector<1x16xf32>,
        %get3A_696 = vector.shape_cast %get3A_695 : vector<1x16xf32> to vector<16xf32>
        %mul3A_697 = vector.broadcast %squeeze3A_666 : f32 to vector<16xf32>
        %mul3A_698 = arith.mulf %get3A_696, %mul3A_697 : vector<16xf32>
        %add3A_699 = arith.addf %add3A_653, %mul3A_698 : vector<16xf32>
        %add3A_700 = arith.constant 8 : i32
        %add3A_701 = arith.addi %mul3A_100, %add3A_700 : i32
        %add3A_702 = arith.constant 3 : i32
        %add3A_703 = arith.addi %add3A_701, %add3A_702 : i32
        %get3A_704 = arith.index_cast %add3A_703 : i32 to index
        %get3A_705 = arith.constant 48 : index
        %get3A_706 = tpu.vector_load %arg9[%get3A_704, %get3A_705] {strides = array<i32>} : memref<128x64xf32, #tpu.memory_space<vmem>>, vector<1x16xf32>,
        %get3A_707 = vector.shape_cast %get3A_706 : vector<1x16xf32> to vector<16xf32>
        %mul3A_708 = vector.broadcast %squeeze3A_666 : f32 to vector<16xf32>
        %mul3A_709 = arith.mulf %get3A_707, %mul3A_708 : vector<16xf32>
        %add3A_710 = arith.addf %add3A_664, %mul3A_709 : vector<16xf32>
        %slice3A_711 = vector.extract_strided_slice %get3A_98 {offsets = [12], sizes = [1], strides = [1]} : vector<16xf32> to vector<1xf32>
        %squeeze3A_712 = vector.extract %slice3A_711[0] : f32 from vector<1xf32>
        %add3A_713 = arith.constant 8 : i32
        %add3A_714 = arith.addi %mul3A_100, %add3A_713 : i32
        %add3A_715 = arith.constant 4 : i32
        %add3A_716 = arith.addi %add3A_714, %add3A_715 : i32
        %get3A_717 = arith.index_cast %add3A_716 : i32 to index
        %get3A_718 = arith.constant 0 : index
        %get3A_719 = tpu.vector_load %arg9[%get3A_717, %get3A_718] {strides = array<i32>} : memref<128x64xf32, #tpu.memory_space<vmem>>, vector<1x16xf32>,
        %get3A_720 = vector.shape_cast %get3A_719 : vector<1x16xf32> to vector<16xf32>
        %mul3A_721 = vector.broadcast %squeeze3A_712 : f32 to vector<16xf32>
        %mul3A_722 = arith.mulf %get3A_720, %mul3A_721 : vector<16xf32>
        %add3A_723 = arith.addf %add3A_677, %mul3A_722 : vector<16xf32>
        %add3A_724 = arith.constant 8 : i32
        %add3A_725 = arith.addi %mul3A_100, %add3A_724 : i32
        %add3A_726 = arith.constant 4 : i32
        %add3A_727 = arith.addi %add3A_725, %add3A_726 : i32
        %get3A_728 = arith.index_cast %add3A_727 : i32 to index
        %get3A_729 = arith.constant 16 : index
        %get3A_730 = tpu.vector_load %arg9[%get3A_728, %get3A_729] {strides = array<i32>} : memref<128x64xf32, #tpu.memory_space<vmem>>, vector<1x16xf32>,
        %get3A_731 = vector.shape_cast %get3A_730 : vector<1x16xf32> to vector<16xf32>
        %mul3A_732 = vector.broadcast %squeeze3A_712 : f32 to vector<16xf32>
        %mul3A_733 = arith.mulf %get3A_731, %mul3A_732 : vector<16xf32>
        %add3A_734 = arith.addf %add3A_688, %mul3A_733 : vector<16xf32>
        %add3A_735 = arith.constant 8 : i32
        %add3A_736 = arith.addi %mul3A_100, %add3A_735 : i32
        %add3A_737 = arith.constant 4 : i32
        %add3A_738 = arith.addi %add3A_736, %add3A_737 : i32
        %get3A_739 = arith.index_cast %add3A_738 : i32 to index
        %get3A_740 = arith.constant 32 : index
        %get3A_741 = tpu.vector_load %arg9[%get3A_739, %get3A_740] {strides = array<i32>} : memref<128x64xf32, #tpu.memory_space<vmem>>, vector<1x16xf32>,
        %get3A_742 = vector.shape_cast %get3A_741 : vector<1x16xf32> to vector<16xf32>
        %mul3A_743 = vector.broadcast %squeeze3A_712 : f32 to vector<16xf32>
        %mul3A_744 = arith.mulf %get3A_742, %mul3A_743 : vector<16xf32>
        %add3A_745 = arith.addf %add3A_699, %mul3A_744 : vector<16xf32>
        %add3A_746 = arith.constant 8 : i32
        %add3A_747 = arith.addi %mul3A_100, %add3A_746 : i32
        %add3A_748 = arith.constant 4 : i32
        %add3A_749 = arith.addi %add3A_747, %add3A_748 : i32
        %get3A_750 = arith.index_cast %add3A_749 : i32 to index
        %get3A_751 = arith.constant 48 : index
        %get3A_752 = tpu.vector_load %arg9[%get3A_750, %get3A_751] {strides = array<i32>} : memref<128x64xf32, #tpu.memory_space<vmem>>, vector<1x16xf32>,
        %get3A_753 = vector.shape_cast %get3A_752 : vector<1x16xf32> to vector<16xf32>
        %mul3A_754 = vector.broadcast %squeeze3A_712 : f32 to vector<16xf32>
        %mul3A_755 = arith.mulf %get3A_753, %mul3A_754 : vector<16xf32>
        %add3A_756 = arith.addf %add3A_710, %mul3A_755 : vector<16xf32>
        %slice3A_757 = vector.extract_strided_slice %get3A_98 {offsets = [13], sizes = [1], strides = [1]} : vector<16xf32> to vector<1xf32>
        %squeeze3A_758 = vector.extract %slice3A_757[0] : f32 from vector<1xf32>
        %add3A_759 = arith.constant 8 : i32
        %add3A_760 = arith.addi %mul3A_100, %add3A_759 : i32
        %add3A_761 = arith.constant 5 : i32
        %add3A_762 = arith.addi %add3A_760, %add3A_761 : i32
        %get3A_763 = arith.index_cast %add3A_762 : i32 to index
        %get3A_764 = arith.constant 0 : index
        %get3A_765 = tpu.vector_load %arg9[%get3A_763, %get3A_764] {strides = array<i32>} : memref<128x64xf32, #tpu.memory_space<vmem>>, vector<1x16xf32>,
        %get3A_766 = vector.shape_cast %get3A_765 : vector<1x16xf32> to vector<16xf32>
        %mul3A_767 = vector.broadcast %squeeze3A_758 : f32 to vector<16xf32>
        %mul3A_768 = arith.mulf %get3A_766, %mul3A_767 : vector<16xf32>
        %add3A_769 = arith.addf %add3A_723, %mul3A_768 : vector<16xf32>
        %add3A_770 = arith.constant 8 : i32
        %add3A_771 = arith.addi %mul3A_100, %add3A_770 : i32
        %add3A_772 = arith.constant 5 : i32
        %add3A_773 = arith.addi %add3A_771, %add3A_772 : i32
        %get3A_774 = arith.index_cast %add3A_773 : i32 to index
        %get3A_775 = arith.constant 16 : index
        %get3A_776 = tpu.vector_load %arg9[%get3A_774, %get3A_775] {strides = array<i32>} : memref<128x64xf32, #tpu.memory_space<vmem>>, vector<1x16xf32>,
        %get3A_777 = vector.shape_cast %get3A_776 : vector<1x16xf32> to vector<16xf32>
        %mul3A_778 = vector.broadcast %squeeze3A_758 : f32 to vector<16xf32>
        %mul3A_779 = arith.mulf %get3A_777, %mul3A_778 : vector<16xf32>
        %add3A_780 = arith.addf %add3A_734, %mul3A_779 : vector<16xf32>
        %add3A_781 = arith.constant 8 : i32
        %add3A_782 = arith.addi %mul3A_100, %add3A_781 : i32
        %add3A_783 = arith.constant 5 : i32
        %add3A_784 = arith.addi %add3A_782, %add3A_783 : i32
        %get3A_785 = arith.index_cast %add3A_784 : i32 to index
        %get3A_786 = arith.constant 32 : index
        %get3A_787 = tpu.vector_load %arg9[%get3A_785, %get3A_786] {strides = array<i32>} : memref<128x64xf32, #tpu.memory_space<vmem>>, vector<1x16xf32>,
        %get3A_788 = vector.shape_cast %get3A_787 : vector<1x16xf32> to vector<16xf32>
        %mul3A_789 = vector.broadcast %squeeze3A_758 : f32 to vector<16xf32>
        %mul3A_790 = arith.mulf %get3A_788, %mul3A_789 : vector<16xf32>
        %add3A_791 = arith.addf %add3A_745, %mul3A_790 : vector<16xf32>
        %add3A_792 = arith.constant 8 : i32
        %add3A_793 = arith.addi %mul3A_100, %add3A_792 : i32
        %add3A_794 = arith.constant 5 : i32
        %add3A_795 = arith.addi %add3A_793, %add3A_794 : i32
        %get3A_796 = arith.index_cast %add3A_795 : i32 to index
        %get3A_797 = arith.constant 48 : index
        %get3A_798 = tpu.vector_load %arg9[%get3A_796, %get3A_797] {strides = array<i32>} : memref<128x64xf32, #tpu.memory_space<vmem>>, vector<1x16xf32>,
        %get3A_799 = vector.shape_cast %get3A_798 : vector<1x16xf32> to vector<16xf32>
        %mul3A_800 = vector.broadcast %squeeze3A_758 : f32 to vector<16xf32>
        %mul3A_801 = arith.mulf %get3A_799, %mul3A_800 : vector<16xf32>
        %add3A_802 = arith.addf %add3A_756, %mul3A_801 : vector<16xf32>
        %slice3A_803 = vector.extract_strided_slice %get3A_98 {offsets = [14], sizes = [1], strides = [1]} : vector<16xf32> to vector<1xf32>
        %squeeze3A_804 = vector.extract %slice3A_803[0] : f32 from vector<1xf32>
        %add3A_805 = arith.constant 8 : i32
        %add3A_806 = arith.addi %mul3A_100, %add3A_805 : i32
        %add3A_807 = arith.constant 6 : i32
        %add3A_808 = arith.addi %add3A_806, %add3A_807 : i32
        %get3A_809 = arith.index_cast %add3A_808 : i32 to index
        %get3A_810 = arith.constant 0 : index
        %get3A_811 = tpu.vector_load %arg9[%get3A_809, %get3A_810] {strides = array<i32>} : memref<128x64xf32, #tpu.memory_space<vmem>>, vector<1x16xf32>,
        %get3A_812 = vector.shape_cast %get3A_811 : vector<1x16xf32> to vector<16xf32>
        %mul3A_813 = vector.broadcast %squeeze3A_804 : f32 to vector<16xf32>
        %mul3A_814 = arith.mulf %get3A_812, %mul3A_813 : vector<16xf32>
        %add3A_815 = arith.addf %add3A_769, %mul3A_814 : vector<16xf32>
        %add3A_816 = arith.constant 8 : i32
        %add3A_817 = arith.addi %mul3A_100, %add3A_816 : i32
        %add3A_818 = arith.constant 6 : i32
        %add3A_819 = arith.addi %add3A_817, %add3A_818 : i32
        %get3A_820 = arith.index_cast %add3A_819 : i32 to index
        %get3A_821 = arith.constant 16 : index
        %get3A_822 = tpu.vector_load %arg9[%get3A_820, %get3A_821] {strides = array<i32>} : memref<128x64xf32, #tpu.memory_space<vmem>>, vector<1x16xf32>,
        %get3A_823 = vector.shape_cast %get3A_822 : vector<1x16xf32> to vector<16xf32>
        %mul3A_824 = vector.broadcast %squeeze3A_804 : f32 to vector<16xf32>
        %mul3A_825 = arith.mulf %get3A_823, %mul3A_824 : vector<16xf32>
        %add3A_826 = arith.addf %add3A_780, %mul3A_825 : vector<16xf32>
        %add3A_827 = arith.constant 8 : i32
        %add3A_828 = arith.addi %mul3A_100, %add3A_827 : i32
        %add3A_829 = arith.constant 6 : i32
        %add3A_830 = arith.addi %add3A_828, %add3A_829 : i32
        %get3A_831 = arith.index_cast %add3A_830 : i32 to index
        %get3A_832 = arith.constant 32 : index
        %get3A_833 = tpu.vector_load %arg9[%get3A_831, %get3A_832] {strides = array<i32>} : memref<128x64xf32, #tpu.memory_space<vmem>>, vector<1x16xf32>,
        %get3A_834 = vector.shape_cast %get3A_833 : vector<1x16xf32> to vector<16xf32>
        %mul3A_835 = vector.broadcast %squeeze3A_804 : f32 to vector<16xf32>
        %mul3A_836 = arith.mulf %get3A_834, %mul3A_835 : vector<16xf32>
        %add3A_837 = arith.addf %add3A_791, %mul3A_836 : vector<16xf32>
        %add3A_838 = arith.constant 8 : i32
        %add3A_839 = arith.addi %mul3A_100, %add3A_838 : i32
        %add3A_840 = arith.constant 6 : i32
        %add3A_841 = arith.addi %add3A_839, %add3A_840 : i32
        %get3A_842 = arith.index_cast %add3A_841 : i32 to index
        %get3A_843 = arith.constant 48 : index
        %get3A_844 = tpu.vector_load %arg9[%get3A_842, %get3A_843] {strides = array<i32>} : memref<128x64xf32, #tpu.memory_space<vmem>>, vector<1x16xf32>,
        %get3A_845 = vector.shape_cast %get3A_844 : vector<1x16xf32> to vector<16xf32>
        %mul3A_846 = vector.broadcast %squeeze3A_804 : f32 to vector<16xf32>
        %mul3A_847 = arith.mulf %get3A_845, %mul3A_846 : vector<16xf32>
        %add3A_848 = arith.addf %add3A_802, %mul3A_847 : vector<16xf32>
        %slice3A_849 = vector.extract_strided_slice %get3A_98 {offsets = [15], sizes = [1], strides = [1]} : vector<16xf32> to vector<1xf32>
        %squeeze3A_850 = vector.extract %slice3A_849[0] : f32 from vector<1xf32>
        %add3A_851 = arith.constant 8 : i32
        %add3A_852 = arith.addi %mul3A_100, %add3A_851 : i32
        %add3A_853 = arith.constant 7 : i32
        %add3A_854 = arith.addi %add3A_852, %add3A_853 : i32
        %get3A_855 = arith.index_cast %add3A_854 : i32 to index
        %get3A_856 = arith.constant 0 : index
        %get3A_857 = tpu.vector_load %arg9[%get3A_855, %get3A_856] {strides = array<i32>} : memref<128x64xf32, #tpu.memory_space<vmem>>, vector<1x16xf32>,
        %get3A_858 = vector.shape_cast %get3A_857 : vector<1x16xf32> to vector<16xf32>
        %mul3A_859 = vector.broadcast %squeeze3A_850 : f32 to vector<16xf32>
        %mul3A_860 = arith.mulf %get3A_858, %mul3A_859 : vector<16xf32>
        %add3A_861 = arith.addf %add3A_815, %mul3A_860 : vector<16xf32>
        %add3A_862 = arith.constant 8 : i32
        %add3A_863 = arith.addi %mul3A_100, %add3A_862 : i32
        %add3A_864 = arith.constant 7 : i32
        %add3A_865 = arith.addi %add3A_863, %add3A_864 : i32
        %get3A_866 = arith.index_cast %add3A_865 : i32 to index
        %get3A_867 = arith.constant 16 : index
        %get3A_868 = tpu.vector_load %arg9[%get3A_866, %get3A_867] {strides = array<i32>} : memref<128x64xf32, #tpu.memory_space<vmem>>, vector<1x16xf32>,
        %get3A_869 = vector.shape_cast %get3A_868 : vector<1x16xf32> to vector<16xf32>
        %mul3A_870 = vector.broadcast %squeeze3A_850 : f32 to vector<16xf32>
        %mul3A_871 = arith.mulf %get3A_869, %mul3A_870 : vector<16xf32>
        %add3A_872 = arith.addf %add3A_826, %mul3A_871 : vector<16xf32>
        %add3A_873 = arith.constant 8 : i32
        %add3A_874 = arith.addi %mul3A_100, %add3A_873 : i32
        %add3A_875 = arith.constant 7 : i32
        %add3A_876 = arith.addi %add3A_874, %add3A_875 : i32
        %get3A_877 = arith.index_cast %add3A_876 : i32 to index
        %get3A_878 = arith.constant 32 : index
        %get3A_879 = tpu.vector_load %arg9[%get3A_877, %get3A_878] {strides = array<i32>} : memref<128x64xf32, #tpu.memory_space<vmem>>, vector<1x16xf32>,
        %get3A_880 = vector.shape_cast %get3A_879 : vector<1x16xf32> to vector<16xf32>
        %mul3A_881 = vector.broadcast %squeeze3A_850 : f32 to vector<16xf32>
        %mul3A_882 = arith.mulf %get3A_880, %mul3A_881 : vector<16xf32>
        %add3A_883 = arith.addf %add3A_837, %mul3A_882 : vector<16xf32>
        %add3A_884 = arith.constant 8 : i32
        %add3A_885 = arith.addi %mul3A_100, %add3A_884 : i32
        %add3A_886 = arith.constant 7 : i32
        %add3A_887 = arith.addi %add3A_885, %add3A_886 : i32
        %get3A_888 = arith.index_cast %add3A_887 : i32 to index
        %get3A_889 = arith.constant 48 : index
        %get3A_890 = tpu.vector_load %arg9[%get3A_888, %get3A_889] {strides = array<i32>} : memref<128x64xf32, #tpu.memory_space<vmem>>, vector<1x16xf32>,
        %get3A_891 = vector.shape_cast %get3A_890 : vector<1x16xf32> to vector<16xf32>
        %mul3A_892 = vector.broadcast %squeeze3A_850 : f32 to vector<16xf32>
        %mul3A_893 = arith.mulf %get3A_891, %mul3A_892 : vector<16xf32>
        %add3A_894 = arith.addf %add3A_848, %mul3A_893 : vector<16xf32>
        %add3A_895 = arith.constant 1 : i32
        %add3A_896 = arith.addi %add3A_106, %add3A_895 : i32
        %mul3A_897 = arith.constant 64 : i32
        %mul3A_898 = arith.muli %add3A_896, %mul3A_897 : i32
        %add3A_899 = arith.constant 0 : i32
        %add3A_900 = arith.addi %mul3A_898, %add3A_899 : i32
        %swap3A_901 = arith.index_cast %add3A_900 : i32 to index
        %swap3A_902 = tpu.vector_load %arg11[%swap3A_901] {strides = array<i32>} : memref<40960xf32, #tpu.memory_space<vmem>>, vector<16xf32>,
        %swap3A_903 = vector.shape_cast %swap3A_902 : vector<16xf32> to vector<16xf32>
        %swap3A_904 = vector.shape_cast %add3A_861 : vector<16xf32> to vector<16xf32>
        tpu.vector_store %arg11[%swap3A_901], %swap3A_904 {strides = array<i32>} : memref<40960xf32, #tpu.memory_space<vmem>>, vector<16xf32>,
        %add3A_905 = arith.constant 1 : i32
        %add3A_906 = arith.addi %add3A_106, %add3A_905 : i32
        %mul3A_907 = arith.constant 64 : i32
        %mul3A_908 = arith.muli %add3A_906, %mul3A_907 : i32
        %add3A_909 = arith.constant 16 : i32
        %add3A_910 = arith.addi %mul3A_908, %add3A_909 : i32
        %swap3A_911 = arith.index_cast %add3A_910 : i32 to index
        %swap3A_912 = tpu.vector_load %arg11[%swap3A_911] {strides = array<i32>} : memref<40960xf32, #tpu.memory_space<vmem>>, vector<16xf32>,
        %swap3A_913 = vector.shape_cast %swap3A_912 : vector<16xf32> to vector<16xf32>
        %swap3A_914 = vector.shape_cast %add3A_872 : vector<16xf32> to vector<16xf32>
        tpu.vector_store %arg11[%swap3A_911], %swap3A_914 {strides = array<i32>} : memref<40960xf32, #tpu.memory_space<vmem>>, vector<16xf32>,
        %add3A_915 = arith.constant 1 : i32
        %add3A_916 = arith.addi %add3A_106, %add3A_915 : i32
        %mul3A_917 = arith.constant 64 : i32
        %mul3A_918 = arith.muli %add3A_916, %mul3A_917 : i32
        %add3A_919 = arith.constant 32 : i32
        %add3A_920 = arith.addi %mul3A_918, %add3A_919 : i32
        %swap3A_921 = arith.index_cast %add3A_920 : i32 to index
        %swap3A_922 = tpu.vector_load %arg11[%swap3A_921] {strides = array<i32>} : memref<40960xf32, #tpu.memory_space<vmem>>, vector<16xf32>,
        %swap3A_923 = vector.shape_cast %swap3A_922 : vector<16xf32> to vector<16xf32>
        %swap3A_924 = vector.shape_cast %add3A_883 : vector<16xf32> to vector<16xf32>
        tpu.vector_store %arg11[%swap3A_921], %swap3A_924 {strides = array<i32>} : memref<40960xf32, #tpu.memory_space<vmem>>, vector<16xf32>,
        %add3A_925 = arith.constant 1 : i32
        %add3A_926 = arith.addi %add3A_106, %add3A_925 : i32
        %mul3A_927 = arith.constant 64 : i32
        %mul3A_928 = arith.muli %add3A_926, %mul3A_927 : i32
        %add3A_929 = arith.constant 48 : i32
        %add3A_930 = arith.addi %mul3A_928, %add3A_929 : i32
        %swap3A_931 = arith.index_cast %add3A_930 : i32 to index
        %swap3A_932 = tpu.vector_load %arg11[%swap3A_931] {strides = array<i32>} : memref<40960xf32, #tpu.memory_space<vmem>>, vector<16xf32>,
        %swap3A_933 = vector.shape_cast %swap3A_932 : vector<16xf32> to vector<16xf32>
        %swap3A_934 = vector.shape_cast %add3A_894 : vector<16xf32> to vector<16xf32>
        tpu.vector_store %arg11[%swap3A_931], %swap3A_934 {strides = array<i32>} : memref<40960xf32, #tpu.memory_space<vmem>>, vector<16xf32>,
      }
      %scan3A_69 = arith.constant 8 : i32
      %lt3A_70 = arith.constant 19 : i32
      %lt3A_71 = arith.cmpi slt, %scan3A_46, %lt3A_70 : i32
      %convert_element_type3A_72 = arith.extui %lt3A_71 : i1 to i32
      %cond3A_73 = arith.constant 0 : i32
      %cond3A_74 = arith.cmpi ne, %convert_element_type3A_72, %cond3A_73 : i32
      scf.if %cond3A_74 {
        %add3A_91 = arith.constant 2 : i32
        %add3A_92 = arith.addi %add3A_50, %add3A_91 : i32
        %mul3A_93 = arith.constant 128 : i32
        %mul3A_94 = arith.muli %add3A_92, %mul3A_93 : i32
        %dma_start3A_95 = tpu.memref_slice %arg7[%mul3A_94] : memref<10240xi32, #tpu.memory_space<vmem>> -> memref<128xi32, #tpu.memory_space<vmem>>
        %dma_start3A_96 = arith.constant 0 : i32
        %dma_start3A_97 = arith.constant 0 : i32
        %dma_start3A_98 = tpu.memref_slice %arg6[%dma_start3A_96, %dma_start3A_97] : memref<10242x64xf32, #tpu.memory_space<vmem_shared>> -> memref<10242x64xf32, #tpu.memory_space<vmem_shared>>
        tpu.enqueue_indirect_dma source(%dma_start3A_98 : memref<10242x64xf32, #tpu.memory_space<vmem_shared>>) target(%arg9 : memref<128x64xf32, #tpu.memory_space<vmem>>) offsets(%dma_start3A_95 : memref<128xi32, #tpu.memory_space<vmem>>) semaphore(%arg13 : memref<!tpu.dma_semaphore, #tpu.memory_space<semaphore_mem>>)
      } else {
      }
      %add3A_75 = arith.constant 1 : i32
      %add3A_76 = arith.addi %add3A_50, %add3A_75 : i32
      %mul3A_77 = arith.constant 128 : i32
      %mul3A_78 = arith.muli %add3A_76, %mul3A_77 : i32
      %dma_wait3A_79 = tpu.memref_slice %arg7[%mul3A_78] : memref<10240xi32, #tpu.memory_space<vmem>> -> memref<128xi32, #tpu.memory_space<vmem>>
      %dma_wait3A_80 = arith.constant 0 : i32
      %dma_wait3A_81 = arith.constant 0 : i32
      %dma_wait3A_82 = tpu.memref_slice %arg6[%dma_wait3A_80, %dma_wait3A_81] : memref<10242x64xf32, #tpu.memory_space<vmem_shared>> -> memref<10242x64xf32, #tpu.memory_space<vmem_shared>>
      tpu.wait_indirect_dma semaphore(%arg14 : memref<!tpu.dma_semaphore, #tpu.memory_space<semaphore_mem>>) src(%dma_wait3A_82 : memref<10242x64xf32, #tpu.memory_space<vmem_shared>>) dst(%arg10 : memref<128x64xf32, #tpu.memory_space<vmem>>)
      %add3A_83 = arith.constant 1 : i32
      %add3A_84 = arith.addi %add3A_50, %add3A_83 : i32
      %scan3A_85 = arith.constant 0 : i32
      %scan3A_86 = arith.constant 0 : i32
      %scan3A_87 = arith.constant 8 : i32
      %scan3A_88 = arith.addi %scan3A_86, %scan3A_87 : i32
      %scan3A_89 = arith.constant 1 : i32
      scf.for %scan3A_91 = %scan3A_86 to %scan3A_88 step %scan3A_89  : i32 {
        %mul3A_92 = arith.constant 128 : i32
        %mul3A_93 = arith.muli %add3A_84, %mul3A_92 : i32
        %mul3A_94 = arith.constant 16 : i32
        %mul3A_95 = arith.muli %scan3A_91, %mul3A_94 : i32
        %add3A_96 = arith.addi %mul3A_93, %mul3A_95 : i32
        %get3A = arith.index_cast %add3A_96 : i32 to index
        %get3A_97 = tpu.vector_load %arg8[%get3A] {strides = array<i32>} : memref<10240xf32, #tpu.memory_space<vmem>>, vector<16xf32>,
        %get3A_98 = vector.shape_cast %get3A_97 : vector<16xf32> to vector<16xf32>
        %mul3A_99 = arith.constant 16 : i32
        %mul3A_100 = arith.muli %scan3A_91, %mul3A_99 : i32
        %sub3A = arith.constant 40 : i32
        %sub3A_101 = arith.subi %add3A_84, %sub3A : i32
        %mul3A_102 = arith.constant 16 : i32
        %mul3A_103 = arith.muli %sub3A_101, %mul3A_102 : i32
        %mul3A_104 = arith.constant 2 : i32
        %mul3A_105 = arith.muli %scan3A_91, %mul3A_104 : i32
        %add3A_106 = arith.addi %mul3A_103, %mul3A_105 : i32
        %broadcast_in_dim3A = arith.constant 0.000000e+00 : f32
        %broadcast_in_dim3A_107 = vector.broadcast %broadcast_in_dim3A : f32 to vector<16xf32>
        %broadcast_in_dim3A_108 = arith.constant 0.000000e+00 : f32
        %broadcast_in_dim3A_109 = vector.broadcast %broadcast_in_dim3A_108 : f32 to vector<16xf32>
        %broadcast_in_dim3A_110 = arith.constant 0.000000e+00 : f32
        %broadcast_in_dim3A_111 = vector.broadcast %broadcast_in_dim3A_110 : f32 to vector<16xf32>
        %broadcast_in_dim3A_112 = arith.constant 0.000000e+00 : f32
        %broadcast_in_dim3A_113 = vector.broadcast %broadcast_in_dim3A_112 : f32 to vector<16xf32>
        %slice3A = vector.extract_strided_slice %get3A_98 {offsets = [0], sizes = [1], strides = [1]} : vector<16xf32> to vector<1xf32>
        %squeeze3A = vector.extract %slice3A[0] : f32 from vector<1xf32>
        %add3A_114 = arith.constant 0 : i32
        %add3A_115 = arith.addi %mul3A_100, %add3A_114 : i32
        %add3A_116 = arith.constant 0 : i32
        %add3A_117 = arith.addi %add3A_115, %add3A_116 : i32
        %get3A_118 = arith.index_cast %add3A_117 : i32 to index
        %get3A_119 = arith.constant 0 : index
        %get3A_120 = tpu.vector_load %arg10[%get3A_118, %get3A_119] {strides = array<i32>} : memref<128x64xf32, #tpu.memory_space<vmem>>, vector<1x16xf32>,
        %get3A_121 = vector.shape_cast %get3A_120 : vector<1x16xf32> to vector<16xf32>
        %mul3A_122 = vector.broadcast %squeeze3A : f32 to vector<16xf32>
        %mul3A_123 = arith.mulf %get3A_121, %mul3A_122 : vector<16xf32>
        %add3A_124 = arith.addf %broadcast_in_dim3A_107, %mul3A_123 : vector<16xf32>
        %add3A_125 = arith.constant 0 : i32
        %add3A_126 = arith.addi %mul3A_100, %add3A_125 : i32
        %add3A_127 = arith.constant 0 : i32
        %add3A_128 = arith.addi %add3A_126, %add3A_127 : i32
        %get3A_129 = arith.index_cast %add3A_128 : i32 to index
        %get3A_130 = arith.constant 16 : index
        %get3A_131 = tpu.vector_load %arg10[%get3A_129, %get3A_130] {strides = array<i32>} : memref<128x64xf32, #tpu.memory_space<vmem>>, vector<1x16xf32>,
        %get3A_132 = vector.shape_cast %get3A_131 : vector<1x16xf32> to vector<16xf32>
        %mul3A_133 = vector.broadcast %squeeze3A : f32 to vector<16xf32>
        %mul3A_134 = arith.mulf %get3A_132, %mul3A_133 : vector<16xf32>
        %add3A_135 = arith.addf %broadcast_in_dim3A_109, %mul3A_134 : vector<16xf32>
        %add3A_136 = arith.constant 0 : i32
        %add3A_137 = arith.addi %mul3A_100, %add3A_136 : i32
        %add3A_138 = arith.constant 0 : i32
        %add3A_139 = arith.addi %add3A_137, %add3A_138 : i32
        %get3A_140 = arith.index_cast %add3A_139 : i32 to index
        %get3A_141 = arith.constant 32 : index
        %get3A_142 = tpu.vector_load %arg10[%get3A_140, %get3A_141] {strides = array<i32>} : memref<128x64xf32, #tpu.memory_space<vmem>>, vector<1x16xf32>,
        %get3A_143 = vector.shape_cast %get3A_142 : vector<1x16xf32> to vector<16xf32>
        %mul3A_144 = vector.broadcast %squeeze3A : f32 to vector<16xf32>
        %mul3A_145 = arith.mulf %get3A_143, %mul3A_144 : vector<16xf32>
        %add3A_146 = arith.addf %broadcast_in_dim3A_111, %mul3A_145 : vector<16xf32>
        %add3A_147 = arith.constant 0 : i32
        %add3A_148 = arith.addi %mul3A_100, %add3A_147 : i32
        %add3A_149 = arith.constant 0 : i32
        %add3A_150 = arith.addi %add3A_148, %add3A_149 : i32
        %get3A_151 = arith.index_cast %add3A_150 : i32 to index
        %get3A_152 = arith.constant 48 : index
        %get3A_153 = tpu.vector_load %arg10[%get3A_151, %get3A_152] {strides = array<i32>} : memref<128x64xf32, #tpu.memory_space<vmem>>, vector<1x16xf32>,
        %get3A_154 = vector.shape_cast %get3A_153 : vector<1x16xf32> to vector<16xf32>
        %mul3A_155 = vector.broadcast %squeeze3A : f32 to vector<16xf32>
        %mul3A_156 = arith.mulf %get3A_154, %mul3A_155 : vector<16xf32>
        %add3A_157 = arith.addf %broadcast_in_dim3A_113, %mul3A_156 : vector<16xf32>
        %slice3A_158 = vector.extract_strided_slice %get3A_98 {offsets = [1], sizes = [1], strides = [1]} : vector<16xf32> to vector<1xf32>
        %squeeze3A_159 = vector.extract %slice3A_158[0] : f32 from vector<1xf32>
        %add3A_160 = arith.constant 0 : i32
        %add3A_161 = arith.addi %mul3A_100, %add3A_160 : i32
        %add3A_162 = arith.constant 1 : i32
        %add3A_163 = arith.addi %add3A_161, %add3A_162 : i32
        %get3A_164 = arith.index_cast %add3A_163 : i32 to index
        %get3A_165 = arith.constant 0 : index
        %get3A_166 = tpu.vector_load %arg10[%get3A_164, %get3A_165] {strides = array<i32>} : memref<128x64xf32, #tpu.memory_space<vmem>>, vector<1x16xf32>,
        %get3A_167 = vector.shape_cast %get3A_166 : vector<1x16xf32> to vector<16xf32>
        %mul3A_168 = vector.broadcast %squeeze3A_159 : f32 to vector<16xf32>
        %mul3A_169 = arith.mulf %get3A_167, %mul3A_168 : vector<16xf32>
        %add3A_170 = arith.addf %add3A_124, %mul3A_169 : vector<16xf32>
        %add3A_171 = arith.constant 0 : i32
        %add3A_172 = arith.addi %mul3A_100, %add3A_171 : i32
        %add3A_173 = arith.constant 1 : i32
        %add3A_174 = arith.addi %add3A_172, %add3A_173 : i32
        %get3A_175 = arith.index_cast %add3A_174 : i32 to index
        %get3A_176 = arith.constant 16 : index
        %get3A_177 = tpu.vector_load %arg10[%get3A_175, %get3A_176] {strides = array<i32>} : memref<128x64xf32, #tpu.memory_space<vmem>>, vector<1x16xf32>,
        %get3A_178 = vector.shape_cast %get3A_177 : vector<1x16xf32> to vector<16xf32>
        %mul3A_179 = vector.broadcast %squeeze3A_159 : f32 to vector<16xf32>
        %mul3A_180 = arith.mulf %get3A_178, %mul3A_179 : vector<16xf32>
        %add3A_181 = arith.addf %add3A_135, %mul3A_180 : vector<16xf32>
        %add3A_182 = arith.constant 0 : i32
        %add3A_183 = arith.addi %mul3A_100, %add3A_182 : i32
        %add3A_184 = arith.constant 1 : i32
        %add3A_185 = arith.addi %add3A_183, %add3A_184 : i32
        %get3A_186 = arith.index_cast %add3A_185 : i32 to index
        %get3A_187 = arith.constant 32 : index
        %get3A_188 = tpu.vector_load %arg10[%get3A_186, %get3A_187] {strides = array<i32>} : memref<128x64xf32, #tpu.memory_space<vmem>>, vector<1x16xf32>,
        %get3A_189 = vector.shape_cast %get3A_188 : vector<1x16xf32> to vector<16xf32>
        %mul3A_190 = vector.broadcast %squeeze3A_159 : f32 to vector<16xf32>
        %mul3A_191 = arith.mulf %get3A_189, %mul3A_190 : vector<16xf32>
        %add3A_192 = arith.addf %add3A_146, %mul3A_191 : vector<16xf32>
        %add3A_193 = arith.constant 0 : i32
        %add3A_194 = arith.addi %mul3A_100, %add3A_193 : i32
        %add3A_195 = arith.constant 1 : i32
        %add3A_196 = arith.addi %add3A_194, %add3A_195 : i32
        %get3A_197 = arith.index_cast %add3A_196 : i32 to index
        %get3A_198 = arith.constant 48 : index
        %get3A_199 = tpu.vector_load %arg10[%get3A_197, %get3A_198] {strides = array<i32>} : memref<128x64xf32, #tpu.memory_space<vmem>>, vector<1x16xf32>,
        %get3A_200 = vector.shape_cast %get3A_199 : vector<1x16xf32> to vector<16xf32>
        %mul3A_201 = vector.broadcast %squeeze3A_159 : f32 to vector<16xf32>
        %mul3A_202 = arith.mulf %get3A_200, %mul3A_201 : vector<16xf32>
        %add3A_203 = arith.addf %add3A_157, %mul3A_202 : vector<16xf32>
        %slice3A_204 = vector.extract_strided_slice %get3A_98 {offsets = [2], sizes = [1], strides = [1]} : vector<16xf32> to vector<1xf32>
        %squeeze3A_205 = vector.extract %slice3A_204[0] : f32 from vector<1xf32>
        %add3A_206 = arith.constant 0 : i32
        %add3A_207 = arith.addi %mul3A_100, %add3A_206 : i32
        %add3A_208 = arith.constant 2 : i32
        %add3A_209 = arith.addi %add3A_207, %add3A_208 : i32
        %get3A_210 = arith.index_cast %add3A_209 : i32 to index
        %get3A_211 = arith.constant 0 : index
        %get3A_212 = tpu.vector_load %arg10[%get3A_210, %get3A_211] {strides = array<i32>} : memref<128x64xf32, #tpu.memory_space<vmem>>, vector<1x16xf32>,
        %get3A_213 = vector.shape_cast %get3A_212 : vector<1x16xf32> to vector<16xf32>
        %mul3A_214 = vector.broadcast %squeeze3A_205 : f32 to vector<16xf32>
        %mul3A_215 = arith.mulf %get3A_213, %mul3A_214 : vector<16xf32>
        %add3A_216 = arith.addf %add3A_170, %mul3A_215 : vector<16xf32>
        %add3A_217 = arith.constant 0 : i32
        %add3A_218 = arith.addi %mul3A_100, %add3A_217 : i32
        %add3A_219 = arith.constant 2 : i32
        %add3A_220 = arith.addi %add3A_218, %add3A_219 : i32
        %get3A_221 = arith.index_cast %add3A_220 : i32 to index
        %get3A_222 = arith.constant 16 : index
        %get3A_223 = tpu.vector_load %arg10[%get3A_221, %get3A_222] {strides = array<i32>} : memref<128x64xf32, #tpu.memory_space<vmem>>, vector<1x16xf32>,
        %get3A_224 = vector.shape_cast %get3A_223 : vector<1x16xf32> to vector<16xf32>
        %mul3A_225 = vector.broadcast %squeeze3A_205 : f32 to vector<16xf32>
        %mul3A_226 = arith.mulf %get3A_224, %mul3A_225 : vector<16xf32>
        %add3A_227 = arith.addf %add3A_181, %mul3A_226 : vector<16xf32>
        %add3A_228 = arith.constant 0 : i32
        %add3A_229 = arith.addi %mul3A_100, %add3A_228 : i32
        %add3A_230 = arith.constant 2 : i32
        %add3A_231 = arith.addi %add3A_229, %add3A_230 : i32
        %get3A_232 = arith.index_cast %add3A_231 : i32 to index
        %get3A_233 = arith.constant 32 : index
        %get3A_234 = tpu.vector_load %arg10[%get3A_232, %get3A_233] {strides = array<i32>} : memref<128x64xf32, #tpu.memory_space<vmem>>, vector<1x16xf32>,
        %get3A_235 = vector.shape_cast %get3A_234 : vector<1x16xf32> to vector<16xf32>
        %mul3A_236 = vector.broadcast %squeeze3A_205 : f32 to vector<16xf32>
        %mul3A_237 = arith.mulf %get3A_235, %mul3A_236 : vector<16xf32>
        %add3A_238 = arith.addf %add3A_192, %mul3A_237 : vector<16xf32>
        %add3A_239 = arith.constant 0 : i32
        %add3A_240 = arith.addi %mul3A_100, %add3A_239 : i32
        %add3A_241 = arith.constant 2 : i32
        %add3A_242 = arith.addi %add3A_240, %add3A_241 : i32
        %get3A_243 = arith.index_cast %add3A_242 : i32 to index
        %get3A_244 = arith.constant 48 : index
        %get3A_245 = tpu.vector_load %arg10[%get3A_243, %get3A_244] {strides = array<i32>} : memref<128x64xf32, #tpu.memory_space<vmem>>, vector<1x16xf32>,
        %get3A_246 = vector.shape_cast %get3A_245 : vector<1x16xf32> to vector<16xf32>
        %mul3A_247 = vector.broadcast %squeeze3A_205 : f32 to vector<16xf32>
        %mul3A_248 = arith.mulf %get3A_246, %mul3A_247 : vector<16xf32>
        %add3A_249 = arith.addf %add3A_203, %mul3A_248 : vector<16xf32>
        %slice3A_250 = vector.extract_strided_slice %get3A_98 {offsets = [3], sizes = [1], strides = [1]} : vector<16xf32> to vector<1xf32>
        %squeeze3A_251 = vector.extract %slice3A_250[0] : f32 from vector<1xf32>
        %add3A_252 = arith.constant 0 : i32
        %add3A_253 = arith.addi %mul3A_100, %add3A_252 : i32
        %add3A_254 = arith.constant 3 : i32
        %add3A_255 = arith.addi %add3A_253, %add3A_254 : i32
        %get3A_256 = arith.index_cast %add3A_255 : i32 to index
        %get3A_257 = arith.constant 0 : index
        %get3A_258 = tpu.vector_load %arg10[%get3A_256, %get3A_257] {strides = array<i32>} : memref<128x64xf32, #tpu.memory_space<vmem>>, vector<1x16xf32>,
        %get3A_259 = vector.shape_cast %get3A_258 : vector<1x16xf32> to vector<16xf32>
        %mul3A_260 = vector.broadcast %squeeze3A_251 : f32 to vector<16xf32>
        %mul3A_261 = arith.mulf %get3A_259, %mul3A_260 : vector<16xf32>
        %add3A_262 = arith.addf %add3A_216, %mul3A_261 : vector<16xf32>
        %add3A_263 = arith.constant 0 : i32
        %add3A_264 = arith.addi %mul3A_100, %add3A_263 : i32
        %add3A_265 = arith.constant 3 : i32
        %add3A_266 = arith.addi %add3A_264, %add3A_265 : i32
        %get3A_267 = arith.index_cast %add3A_266 : i32 to index
        %get3A_268 = arith.constant 16 : index
        %get3A_269 = tpu.vector_load %arg10[%get3A_267, %get3A_268] {strides = array<i32>} : memref<128x64xf32, #tpu.memory_space<vmem>>, vector<1x16xf32>,
        %get3A_270 = vector.shape_cast %get3A_269 : vector<1x16xf32> to vector<16xf32>
        %mul3A_271 = vector.broadcast %squeeze3A_251 : f32 to vector<16xf32>
        %mul3A_272 = arith.mulf %get3A_270, %mul3A_271 : vector<16xf32>
        %add3A_273 = arith.addf %add3A_227, %mul3A_272 : vector<16xf32>
        %add3A_274 = arith.constant 0 : i32
        %add3A_275 = arith.addi %mul3A_100, %add3A_274 : i32
        %add3A_276 = arith.constant 3 : i32
        %add3A_277 = arith.addi %add3A_275, %add3A_276 : i32
        %get3A_278 = arith.index_cast %add3A_277 : i32 to index
        %get3A_279 = arith.constant 32 : index
        %get3A_280 = tpu.vector_load %arg10[%get3A_278, %get3A_279] {strides = array<i32>} : memref<128x64xf32, #tpu.memory_space<vmem>>, vector<1x16xf32>,
        %get3A_281 = vector.shape_cast %get3A_280 : vector<1x16xf32> to vector<16xf32>
        %mul3A_282 = vector.broadcast %squeeze3A_251 : f32 to vector<16xf32>
        %mul3A_283 = arith.mulf %get3A_281, %mul3A_282 : vector<16xf32>
        %add3A_284 = arith.addf %add3A_238, %mul3A_283 : vector<16xf32>
        %add3A_285 = arith.constant 0 : i32
        %add3A_286 = arith.addi %mul3A_100, %add3A_285 : i32
        %add3A_287 = arith.constant 3 : i32
        %add3A_288 = arith.addi %add3A_286, %add3A_287 : i32
        %get3A_289 = arith.index_cast %add3A_288 : i32 to index
        %get3A_290 = arith.constant 48 : index
        %get3A_291 = tpu.vector_load %arg10[%get3A_289, %get3A_290] {strides = array<i32>} : memref<128x64xf32, #tpu.memory_space<vmem>>, vector<1x16xf32>,
        %get3A_292 = vector.shape_cast %get3A_291 : vector<1x16xf32> to vector<16xf32>
        %mul3A_293 = vector.broadcast %squeeze3A_251 : f32 to vector<16xf32>
        %mul3A_294 = arith.mulf %get3A_292, %mul3A_293 : vector<16xf32>
        %add3A_295 = arith.addf %add3A_249, %mul3A_294 : vector<16xf32>
        %slice3A_296 = vector.extract_strided_slice %get3A_98 {offsets = [4], sizes = [1], strides = [1]} : vector<16xf32> to vector<1xf32>
        %squeeze3A_297 = vector.extract %slice3A_296[0] : f32 from vector<1xf32>
        %add3A_298 = arith.constant 0 : i32
        %add3A_299 = arith.addi %mul3A_100, %add3A_298 : i32
        %add3A_300 = arith.constant 4 : i32
        %add3A_301 = arith.addi %add3A_299, %add3A_300 : i32
        %get3A_302 = arith.index_cast %add3A_301 : i32 to index
        %get3A_303 = arith.constant 0 : index
        %get3A_304 = tpu.vector_load %arg10[%get3A_302, %get3A_303] {strides = array<i32>} : memref<128x64xf32, #tpu.memory_space<vmem>>, vector<1x16xf32>,
        %get3A_305 = vector.shape_cast %get3A_304 : vector<1x16xf32> to vector<16xf32>
        %mul3A_306 = vector.broadcast %squeeze3A_297 : f32 to vector<16xf32>
        %mul3A_307 = arith.mulf %get3A_305, %mul3A_306 : vector<16xf32>
        %add3A_308 = arith.addf %add3A_262, %mul3A_307 : vector<16xf32>
        %add3A_309 = arith.constant 0 : i32
        %add3A_310 = arith.addi %mul3A_100, %add3A_309 : i32
        %add3A_311 = arith.constant 4 : i32
        %add3A_312 = arith.addi %add3A_310, %add3A_311 : i32
        %get3A_313 = arith.index_cast %add3A_312 : i32 to index
        %get3A_314 = arith.constant 16 : index
        %get3A_315 = tpu.vector_load %arg10[%get3A_313, %get3A_314] {strides = array<i32>} : memref<128x64xf32, #tpu.memory_space<vmem>>, vector<1x16xf32>,
        %get3A_316 = vector.shape_cast %get3A_315 : vector<1x16xf32> to vector<16xf32>
        %mul3A_317 = vector.broadcast %squeeze3A_297 : f32 to vector<16xf32>
        %mul3A_318 = arith.mulf %get3A_316, %mul3A_317 : vector<16xf32>
        %add3A_319 = arith.addf %add3A_273, %mul3A_318 : vector<16xf32>
        %add3A_320 = arith.constant 0 : i32
        %add3A_321 = arith.addi %mul3A_100, %add3A_320 : i32
        %add3A_322 = arith.constant 4 : i32
        %add3A_323 = arith.addi %add3A_321, %add3A_322 : i32
        %get3A_324 = arith.index_cast %add3A_323 : i32 to index
        %get3A_325 = arith.constant 32 : index
        %get3A_326 = tpu.vector_load %arg10[%get3A_324, %get3A_325] {strides = array<i32>} : memref<128x64xf32, #tpu.memory_space<vmem>>, vector<1x16xf32>,
        %get3A_327 = vector.shape_cast %get3A_326 : vector<1x16xf32> to vector<16xf32>
        %mul3A_328 = vector.broadcast %squeeze3A_297 : f32 to vector<16xf32>
        %mul3A_329 = arith.mulf %get3A_327, %mul3A_328 : vector<16xf32>
        %add3A_330 = arith.addf %add3A_284, %mul3A_329 : vector<16xf32>
        %add3A_331 = arith.constant 0 : i32
        %add3A_332 = arith.addi %mul3A_100, %add3A_331 : i32
        %add3A_333 = arith.constant 4 : i32
        %add3A_334 = arith.addi %add3A_332, %add3A_333 : i32
        %get3A_335 = arith.index_cast %add3A_334 : i32 to index
        %get3A_336 = arith.constant 48 : index
        %get3A_337 = tpu.vector_load %arg10[%get3A_335, %get3A_336] {strides = array<i32>} : memref<128x64xf32, #tpu.memory_space<vmem>>, vector<1x16xf32>,
        %get3A_338 = vector.shape_cast %get3A_337 : vector<1x16xf32> to vector<16xf32>
        %mul3A_339 = vector.broadcast %squeeze3A_297 : f32 to vector<16xf32>
        %mul3A_340 = arith.mulf %get3A_338, %mul3A_339 : vector<16xf32>
        %add3A_341 = arith.addf %add3A_295, %mul3A_340 : vector<16xf32>
        %slice3A_342 = vector.extract_strided_slice %get3A_98 {offsets = [5], sizes = [1], strides = [1]} : vector<16xf32> to vector<1xf32>
        %squeeze3A_343 = vector.extract %slice3A_342[0] : f32 from vector<1xf32>
        %add3A_344 = arith.constant 0 : i32
        %add3A_345 = arith.addi %mul3A_100, %add3A_344 : i32
        %add3A_346 = arith.constant 5 : i32
        %add3A_347 = arith.addi %add3A_345, %add3A_346 : i32
        %get3A_348 = arith.index_cast %add3A_347 : i32 to index
        %get3A_349 = arith.constant 0 : index
        %get3A_350 = tpu.vector_load %arg10[%get3A_348, %get3A_349] {strides = array<i32>} : memref<128x64xf32, #tpu.memory_space<vmem>>, vector<1x16xf32>,
        %get3A_351 = vector.shape_cast %get3A_350 : vector<1x16xf32> to vector<16xf32>
        %mul3A_352 = vector.broadcast %squeeze3A_343 : f32 to vector<16xf32>
        %mul3A_353 = arith.mulf %get3A_351, %mul3A_352 : vector<16xf32>
        %add3A_354 = arith.addf %add3A_308, %mul3A_353 : vector<16xf32>
        %add3A_355 = arith.constant 0 : i32
        %add3A_356 = arith.addi %mul3A_100, %add3A_355 : i32
        %add3A_357 = arith.constant 5 : i32
        %add3A_358 = arith.addi %add3A_356, %add3A_357 : i32
        %get3A_359 = arith.index_cast %add3A_358 : i32 to index
        %get3A_360 = arith.constant 16 : index
        %get3A_361 = tpu.vector_load %arg10[%get3A_359, %get3A_360] {strides = array<i32>} : memref<128x64xf32, #tpu.memory_space<vmem>>, vector<1x16xf32>,
        %get3A_362 = vector.shape_cast %get3A_361 : vector<1x16xf32> to vector<16xf32>
        %mul3A_363 = vector.broadcast %squeeze3A_343 : f32 to vector<16xf32>
        %mul3A_364 = arith.mulf %get3A_362, %mul3A_363 : vector<16xf32>
        %add3A_365 = arith.addf %add3A_319, %mul3A_364 : vector<16xf32>
        %add3A_366 = arith.constant 0 : i32
        %add3A_367 = arith.addi %mul3A_100, %add3A_366 : i32
        %add3A_368 = arith.constant 5 : i32
        %add3A_369 = arith.addi %add3A_367, %add3A_368 : i32
        %get3A_370 = arith.index_cast %add3A_369 : i32 to index
        %get3A_371 = arith.constant 32 : index
        %get3A_372 = tpu.vector_load %arg10[%get3A_370, %get3A_371] {strides = array<i32>} : memref<128x64xf32, #tpu.memory_space<vmem>>, vector<1x16xf32>,
        %get3A_373 = vector.shape_cast %get3A_372 : vector<1x16xf32> to vector<16xf32>
        %mul3A_374 = vector.broadcast %squeeze3A_343 : f32 to vector<16xf32>
        %mul3A_375 = arith.mulf %get3A_373, %mul3A_374 : vector<16xf32>
        %add3A_376 = arith.addf %add3A_330, %mul3A_375 : vector<16xf32>
        %add3A_377 = arith.constant 0 : i32
        %add3A_378 = arith.addi %mul3A_100, %add3A_377 : i32
        %add3A_379 = arith.constant 5 : i32
        %add3A_380 = arith.addi %add3A_378, %add3A_379 : i32
        %get3A_381 = arith.index_cast %add3A_380 : i32 to index
        %get3A_382 = arith.constant 48 : index
        %get3A_383 = tpu.vector_load %arg10[%get3A_381, %get3A_382] {strides = array<i32>} : memref<128x64xf32, #tpu.memory_space<vmem>>, vector<1x16xf32>,
        %get3A_384 = vector.shape_cast %get3A_383 : vector<1x16xf32> to vector<16xf32>
        %mul3A_385 = vector.broadcast %squeeze3A_343 : f32 to vector<16xf32>
        %mul3A_386 = arith.mulf %get3A_384, %mul3A_385 : vector<16xf32>
        %add3A_387 = arith.addf %add3A_341, %mul3A_386 : vector<16xf32>
        %slice3A_388 = vector.extract_strided_slice %get3A_98 {offsets = [6], sizes = [1], strides = [1]} : vector<16xf32> to vector<1xf32>
        %squeeze3A_389 = vector.extract %slice3A_388[0] : f32 from vector<1xf32>
        %add3A_390 = arith.constant 0 : i32
        %add3A_391 = arith.addi %mul3A_100, %add3A_390 : i32
        %add3A_392 = arith.constant 6 : i32
        %add3A_393 = arith.addi %add3A_391, %add3A_392 : i32
        %get3A_394 = arith.index_cast %add3A_393 : i32 to index
        %get3A_395 = arith.constant 0 : index
        %get3A_396 = tpu.vector_load %arg10[%get3A_394, %get3A_395] {strides = array<i32>} : memref<128x64xf32, #tpu.memory_space<vmem>>, vector<1x16xf32>,
        %get3A_397 = vector.shape_cast %get3A_396 : vector<1x16xf32> to vector<16xf32>
        %mul3A_398 = vector.broadcast %squeeze3A_389 : f32 to vector<16xf32>
        %mul3A_399 = arith.mulf %get3A_397, %mul3A_398 : vector<16xf32>
        %add3A_400 = arith.addf %add3A_354, %mul3A_399 : vector<16xf32>
        %add3A_401 = arith.constant 0 : i32
        %add3A_402 = arith.addi %mul3A_100, %add3A_401 : i32
        %add3A_403 = arith.constant 6 : i32
        %add3A_404 = arith.addi %add3A_402, %add3A_403 : i32
        %get3A_405 = arith.index_cast %add3A_404 : i32 to index
        %get3A_406 = arith.constant 16 : index
        %get3A_407 = tpu.vector_load %arg10[%get3A_405, %get3A_406] {strides = array<i32>} : memref<128x64xf32, #tpu.memory_space<vmem>>, vector<1x16xf32>,
        %get3A_408 = vector.shape_cast %get3A_407 : vector<1x16xf32> to vector<16xf32>
        %mul3A_409 = vector.broadcast %squeeze3A_389 : f32 to vector<16xf32>
        %mul3A_410 = arith.mulf %get3A_408, %mul3A_409 : vector<16xf32>
        %add3A_411 = arith.addf %add3A_365, %mul3A_410 : vector<16xf32>
        %add3A_412 = arith.constant 0 : i32
        %add3A_413 = arith.addi %mul3A_100, %add3A_412 : i32
        %add3A_414 = arith.constant 6 : i32
        %add3A_415 = arith.addi %add3A_413, %add3A_414 : i32
        %get3A_416 = arith.index_cast %add3A_415 : i32 to index
        %get3A_417 = arith.constant 32 : index
        %get3A_418 = tpu.vector_load %arg10[%get3A_416, %get3A_417] {strides = array<i32>} : memref<128x64xf32, #tpu.memory_space<vmem>>, vector<1x16xf32>,
        %get3A_419 = vector.shape_cast %get3A_418 : vector<1x16xf32> to vector<16xf32>
        %mul3A_420 = vector.broadcast %squeeze3A_389 : f32 to vector<16xf32>
        %mul3A_421 = arith.mulf %get3A_419, %mul3A_420 : vector<16xf32>
        %add3A_422 = arith.addf %add3A_376, %mul3A_421 : vector<16xf32>
        %add3A_423 = arith.constant 0 : i32
        %add3A_424 = arith.addi %mul3A_100, %add3A_423 : i32
        %add3A_425 = arith.constant 6 : i32
        %add3A_426 = arith.addi %add3A_424, %add3A_425 : i32
        %get3A_427 = arith.index_cast %add3A_426 : i32 to index
        %get3A_428 = arith.constant 48 : index
        %get3A_429 = tpu.vector_load %arg10[%get3A_427, %get3A_428] {strides = array<i32>} : memref<128x64xf32, #tpu.memory_space<vmem>>, vector<1x16xf32>,
        %get3A_430 = vector.shape_cast %get3A_429 : vector<1x16xf32> to vector<16xf32>
        %mul3A_431 = vector.broadcast %squeeze3A_389 : f32 to vector<16xf32>
        %mul3A_432 = arith.mulf %get3A_430, %mul3A_431 : vector<16xf32>
        %add3A_433 = arith.addf %add3A_387, %mul3A_432 : vector<16xf32>
        %slice3A_434 = vector.extract_strided_slice %get3A_98 {offsets = [7], sizes = [1], strides = [1]} : vector<16xf32> to vector<1xf32>
        %squeeze3A_435 = vector.extract %slice3A_434[0] : f32 from vector<1xf32>
        %add3A_436 = arith.constant 0 : i32
        %add3A_437 = arith.addi %mul3A_100, %add3A_436 : i32
        %add3A_438 = arith.constant 7 : i32
        %add3A_439 = arith.addi %add3A_437, %add3A_438 : i32
        %get3A_440 = arith.index_cast %add3A_439 : i32 to index
        %get3A_441 = arith.constant 0 : index
        %get3A_442 = tpu.vector_load %arg10[%get3A_440, %get3A_441] {strides = array<i32>} : memref<128x64xf32, #tpu.memory_space<vmem>>, vector<1x16xf32>,
        %get3A_443 = vector.shape_cast %get3A_442 : vector<1x16xf32> to vector<16xf32>
        %mul3A_444 = vector.broadcast %squeeze3A_435 : f32 to vector<16xf32>
        %mul3A_445 = arith.mulf %get3A_443, %mul3A_444 : vector<16xf32>
        %add3A_446 = arith.addf %add3A_400, %mul3A_445 : vector<16xf32>
        %add3A_447 = arith.constant 0 : i32
        %add3A_448 = arith.addi %mul3A_100, %add3A_447 : i32
        %add3A_449 = arith.constant 7 : i32
        %add3A_450 = arith.addi %add3A_448, %add3A_449 : i32
        %get3A_451 = arith.index_cast %add3A_450 : i32 to index
        %get3A_452 = arith.constant 16 : index
        %get3A_453 = tpu.vector_load %arg10[%get3A_451, %get3A_452] {strides = array<i32>} : memref<128x64xf32, #tpu.memory_space<vmem>>, vector<1x16xf32>,
        %get3A_454 = vector.shape_cast %get3A_453 : vector<1x16xf32> to vector<16xf32>
        %mul3A_455 = vector.broadcast %squeeze3A_435 : f32 to vector<16xf32>
        %mul3A_456 = arith.mulf %get3A_454, %mul3A_455 : vector<16xf32>
        %add3A_457 = arith.addf %add3A_411, %mul3A_456 : vector<16xf32>
        %add3A_458 = arith.constant 0 : i32
        %add3A_459 = arith.addi %mul3A_100, %add3A_458 : i32
        %add3A_460 = arith.constant 7 : i32
        %add3A_461 = arith.addi %add3A_459, %add3A_460 : i32
        %get3A_462 = arith.index_cast %add3A_461 : i32 to index
        %get3A_463 = arith.constant 32 : index
        %get3A_464 = tpu.vector_load %arg10[%get3A_462, %get3A_463] {strides = array<i32>} : memref<128x64xf32, #tpu.memory_space<vmem>>, vector<1x16xf32>,
        %get3A_465 = vector.shape_cast %get3A_464 : vector<1x16xf32> to vector<16xf32>
        %mul3A_466 = vector.broadcast %squeeze3A_435 : f32 to vector<16xf32>
        %mul3A_467 = arith.mulf %get3A_465, %mul3A_466 : vector<16xf32>
        %add3A_468 = arith.addf %add3A_422, %mul3A_467 : vector<16xf32>
        %add3A_469 = arith.constant 0 : i32
        %add3A_470 = arith.addi %mul3A_100, %add3A_469 : i32
        %add3A_471 = arith.constant 7 : i32
        %add3A_472 = arith.addi %add3A_470, %add3A_471 : i32
        %get3A_473 = arith.index_cast %add3A_472 : i32 to index
        %get3A_474 = arith.constant 48 : index
        %get3A_475 = tpu.vector_load %arg10[%get3A_473, %get3A_474] {strides = array<i32>} : memref<128x64xf32, #tpu.memory_space<vmem>>, vector<1x16xf32>,
        %get3A_476 = vector.shape_cast %get3A_475 : vector<1x16xf32> to vector<16xf32>
        %mul3A_477 = vector.broadcast %squeeze3A_435 : f32 to vector<16xf32>
        %mul3A_478 = arith.mulf %get3A_476, %mul3A_477 : vector<16xf32>
        %add3A_479 = arith.addf %add3A_433, %mul3A_478 : vector<16xf32>
        %add3A_480 = arith.constant 0 : i32
        %add3A_481 = arith.addi %add3A_106, %add3A_480 : i32
        %mul3A_482 = arith.constant 64 : i32
        %mul3A_483 = arith.muli %add3A_481, %mul3A_482 : i32
        %add3A_484 = arith.constant 0 : i32
        %add3A_485 = arith.addi %mul3A_483, %add3A_484 : i32
        %swap3A = arith.index_cast %add3A_485 : i32 to index
        %swap3A_486 = tpu.vector_load %arg11[%swap3A] {strides = array<i32>} : memref<40960xf32, #tpu.memory_space<vmem>>, vector<16xf32>,
        %swap3A_487 = vector.shape_cast %swap3A_486 : vector<16xf32> to vector<16xf32>
        %swap3A_488 = vector.shape_cast %add3A_446 : vector<16xf32> to vector<16xf32>
        tpu.vector_store %arg11[%swap3A], %swap3A_488 {strides = array<i32>} : memref<40960xf32, #tpu.memory_space<vmem>>, vector<16xf32>,
        %add3A_489 = arith.constant 0 : i32
        %add3A_490 = arith.addi %add3A_106, %add3A_489 : i32
        %mul3A_491 = arith.constant 64 : i32
        %mul3A_492 = arith.muli %add3A_490, %mul3A_491 : i32
        %add3A_493 = arith.constant 16 : i32
        %add3A_494 = arith.addi %mul3A_492, %add3A_493 : i32
        %swap3A_495 = arith.index_cast %add3A_494 : i32 to index
        %swap3A_496 = tpu.vector_load %arg11[%swap3A_495] {strides = array<i32>} : memref<40960xf32, #tpu.memory_space<vmem>>, vector<16xf32>,
        %swap3A_497 = vector.shape_cast %swap3A_496 : vector<16xf32> to vector<16xf32>
        %swap3A_498 = vector.shape_cast %add3A_457 : vector<16xf32> to vector<16xf32>
        tpu.vector_store %arg11[%swap3A_495], %swap3A_498 {strides = array<i32>} : memref<40960xf32, #tpu.memory_space<vmem>>, vector<16xf32>,
        %add3A_499 = arith.constant 0 : i32
        %add3A_500 = arith.addi %add3A_106, %add3A_499 : i32
        %mul3A_501 = arith.constant 64 : i32
        %mul3A_502 = arith.muli %add3A_500, %mul3A_501 : i32
        %add3A_503 = arith.constant 32 : i32
        %add3A_504 = arith.addi %mul3A_502, %add3A_503 : i32
        %swap3A_505 = arith.index_cast %add3A_504 : i32 to index
        %swap3A_506 = tpu.vector_load %arg11[%swap3A_505] {strides = array<i32>} : memref<40960xf32, #tpu.memory_space<vmem>>, vector<16xf32>,
        %swap3A_507 = vector.shape_cast %swap3A_506 : vector<16xf32> to vector<16xf32>
        %swap3A_508 = vector.shape_cast %add3A_468 : vector<16xf32> to vector<16xf32>
        tpu.vector_store %arg11[%swap3A_505], %swap3A_508 {strides = array<i32>} : memref<40960xf32, #tpu.memory_space<vmem>>, vector<16xf32>,
        %add3A_509 = arith.constant 0 : i32
        %add3A_510 = arith.addi %add3A_106, %add3A_509 : i32
        %mul3A_511 = arith.constant 64 : i32
        %mul3A_512 = arith.muli %add3A_510, %mul3A_511 : i32
        %add3A_513 = arith.constant 48 : i32
        %add3A_514 = arith.addi %mul3A_512, %add3A_513 : i32
        %swap3A_515 = arith.index_cast %add3A_514 : i32 to index
        %swap3A_516 = tpu.vector_load %arg11[%swap3A_515] {strides = array<i32>} : memref<40960xf32, #tpu.memory_space<vmem>>, vector<16xf32>,
        %swap3A_517 = vector.shape_cast %swap3A_516 : vector<16xf32> to vector<16xf32>
        %swap3A_518 = vector.shape_cast %add3A_479 : vector<16xf32> to vector<16xf32>
        tpu.vector_store %arg11[%swap3A_515], %swap3A_518 {strides = array<i32>} : memref<40960xf32, #tpu.memory_space<vmem>>, vector<16xf32>,
        %broadcast_in_dim3A_519 = arith.constant 0.000000e+00 : f32
        %broadcast_in_dim3A_520 = vector.broadcast %broadcast_in_dim3A_519 : f32 to vector<16xf32>
        %broadcast_in_dim3A_521 = arith.constant 0.000000e+00 : f32
        %broadcast_in_dim3A_522 = vector.broadcast %broadcast_in_dim3A_521 : f32 to vector<16xf32>
        %broadcast_in_dim3A_523 = arith.constant 0.000000e+00 : f32
        %broadcast_in_dim3A_524 = vector.broadcast %broadcast_in_dim3A_523 : f32 to vector<16xf32>
        %broadcast_in_dim3A_525 = arith.constant 0.000000e+00 : f32
        %broadcast_in_dim3A_526 = vector.broadcast %broadcast_in_dim3A_525 : f32 to vector<16xf32>
        %slice3A_527 = vector.extract_strided_slice %get3A_98 {offsets = [8], sizes = [1], strides = [1]} : vector<16xf32> to vector<1xf32>
        %squeeze3A_528 = vector.extract %slice3A_527[0] : f32 from vector<1xf32>
        %add3A_529 = arith.constant 8 : i32
        %add3A_530 = arith.addi %mul3A_100, %add3A_529 : i32
        %add3A_531 = arith.constant 0 : i32
        %add3A_532 = arith.addi %add3A_530, %add3A_531 : i32
        %get3A_533 = arith.index_cast %add3A_532 : i32 to index
        %get3A_534 = arith.constant 0 : index
        %get3A_535 = tpu.vector_load %arg10[%get3A_533, %get3A_534] {strides = array<i32>} : memref<128x64xf32, #tpu.memory_space<vmem>>, vector<1x16xf32>,
        %get3A_536 = vector.shape_cast %get3A_535 : vector<1x16xf32> to vector<16xf32>
        %mul3A_537 = vector.broadcast %squeeze3A_528 : f32 to vector<16xf32>
        %mul3A_538 = arith.mulf %get3A_536, %mul3A_537 : vector<16xf32>
        %add3A_539 = arith.addf %broadcast_in_dim3A_520, %mul3A_538 : vector<16xf32>
        %add3A_540 = arith.constant 8 : i32
        %add3A_541 = arith.addi %mul3A_100, %add3A_540 : i32
        %add3A_542 = arith.constant 0 : i32
        %add3A_543 = arith.addi %add3A_541, %add3A_542 : i32
        %get3A_544 = arith.index_cast %add3A_543 : i32 to index
        %get3A_545 = arith.constant 16 : index
        %get3A_546 = tpu.vector_load %arg10[%get3A_544, %get3A_545] {strides = array<i32>} : memref<128x64xf32, #tpu.memory_space<vmem>>, vector<1x16xf32>,
        %get3A_547 = vector.shape_cast %get3A_546 : vector<1x16xf32> to vector<16xf32>
        %mul3A_548 = vector.broadcast %squeeze3A_528 : f32 to vector<16xf32>
        %mul3A_549 = arith.mulf %get3A_547, %mul3A_548 : vector<16xf32>
        %add3A_550 = arith.addf %broadcast_in_dim3A_522, %mul3A_549 : vector<16xf32>
        %add3A_551 = arith.constant 8 : i32
        %add3A_552 = arith.addi %mul3A_100, %add3A_551 : i32
        %add3A_553 = arith.constant 0 : i32
        %add3A_554 = arith.addi %add3A_552, %add3A_553 : i32
        %get3A_555 = arith.index_cast %add3A_554 : i32 to index
        %get3A_556 = arith.constant 32 : index
        %get3A_557 = tpu.vector_load %arg10[%get3A_555, %get3A_556] {strides = array<i32>} : memref<128x64xf32, #tpu.memory_space<vmem>>, vector<1x16xf32>,
        %get3A_558 = vector.shape_cast %get3A_557 : vector<1x16xf32> to vector<16xf32>
        %mul3A_559 = vector.broadcast %squeeze3A_528 : f32 to vector<16xf32>
        %mul3A_560 = arith.mulf %get3A_558, %mul3A_559 : vector<16xf32>
        %add3A_561 = arith.addf %broadcast_in_dim3A_524, %mul3A_560 : vector<16xf32>
        %add3A_562 = arith.constant 8 : i32
        %add3A_563 = arith.addi %mul3A_100, %add3A_562 : i32
        %add3A_564 = arith.constant 0 : i32
        %add3A_565 = arith.addi %add3A_563, %add3A_564 : i32
        %get3A_566 = arith.index_cast %add3A_565 : i32 to index
        %get3A_567 = arith.constant 48 : index
        %get3A_568 = tpu.vector_load %arg10[%get3A_566, %get3A_567] {strides = array<i32>} : memref<128x64xf32, #tpu.memory_space<vmem>>, vector<1x16xf32>,
        %get3A_569 = vector.shape_cast %get3A_568 : vector<1x16xf32> to vector<16xf32>
        %mul3A_570 = vector.broadcast %squeeze3A_528 : f32 to vector<16xf32>
        %mul3A_571 = arith.mulf %get3A_569, %mul3A_570 : vector<16xf32>
        %add3A_572 = arith.addf %broadcast_in_dim3A_526, %mul3A_571 : vector<16xf32>
        %slice3A_573 = vector.extract_strided_slice %get3A_98 {offsets = [9], sizes = [1], strides = [1]} : vector<16xf32> to vector<1xf32>
        %squeeze3A_574 = vector.extract %slice3A_573[0] : f32 from vector<1xf32>
        %add3A_575 = arith.constant 8 : i32
        %add3A_576 = arith.addi %mul3A_100, %add3A_575 : i32
        %add3A_577 = arith.constant 1 : i32
        %add3A_578 = arith.addi %add3A_576, %add3A_577 : i32
        %get3A_579 = arith.index_cast %add3A_578 : i32 to index
        %get3A_580 = arith.constant 0 : index
        %get3A_581 = tpu.vector_load %arg10[%get3A_579, %get3A_580] {strides = array<i32>} : memref<128x64xf32, #tpu.memory_space<vmem>>, vector<1x16xf32>,
        %get3A_582 = vector.shape_cast %get3A_581 : vector<1x16xf32> to vector<16xf32>
        %mul3A_583 = vector.broadcast %squeeze3A_574 : f32 to vector<16xf32>
        %mul3A_584 = arith.mulf %get3A_582, %mul3A_583 : vector<16xf32>
        %add3A_585 = arith.addf %add3A_539, %mul3A_584 : vector<16xf32>
        %add3A_586 = arith.constant 8 : i32
        %add3A_587 = arith.addi %mul3A_100, %add3A_586 : i32
        %add3A_588 = arith.constant 1 : i32
        %add3A_589 = arith.addi %add3A_587, %add3A_588 : i32
        %get3A_590 = arith.index_cast %add3A_589 : i32 to index
        %get3A_591 = arith.constant 16 : index
        %get3A_592 = tpu.vector_load %arg10[%get3A_590, %get3A_591] {strides = array<i32>} : memref<128x64xf32, #tpu.memory_space<vmem>>, vector<1x16xf32>,
        %get3A_593 = vector.shape_cast %get3A_592 : vector<1x16xf32> to vector<16xf32>
        %mul3A_594 = vector.broadcast %squeeze3A_574 : f32 to vector<16xf32>
        %mul3A_595 = arith.mulf %get3A_593, %mul3A_594 : vector<16xf32>
        %add3A_596 = arith.addf %add3A_550, %mul3A_595 : vector<16xf32>
        %add3A_597 = arith.constant 8 : i32
        %add3A_598 = arith.addi %mul3A_100, %add3A_597 : i32
        %add3A_599 = arith.constant 1 : i32
        %add3A_600 = arith.addi %add3A_598, %add3A_599 : i32
        %get3A_601 = arith.index_cast %add3A_600 : i32 to index
        %get3A_602 = arith.constant 32 : index
        %get3A_603 = tpu.vector_load %arg10[%get3A_601, %get3A_602] {strides = array<i32>} : memref<128x64xf32, #tpu.memory_space<vmem>>, vector<1x16xf32>,
        %get3A_604 = vector.shape_cast %get3A_603 : vector<1x16xf32> to vector<16xf32>
        %mul3A_605 = vector.broadcast %squeeze3A_574 : f32 to vector<16xf32>
        %mul3A_606 = arith.mulf %get3A_604, %mul3A_605 : vector<16xf32>
        %add3A_607 = arith.addf %add3A_561, %mul3A_606 : vector<16xf32>
        %add3A_608 = arith.constant 8 : i32
        %add3A_609 = arith.addi %mul3A_100, %add3A_608 : i32
        %add3A_610 = arith.constant 1 : i32
        %add3A_611 = arith.addi %add3A_609, %add3A_610 : i32
        %get3A_612 = arith.index_cast %add3A_611 : i32 to index
        %get3A_613 = arith.constant 48 : index
        %get3A_614 = tpu.vector_load %arg10[%get3A_612, %get3A_613] {strides = array<i32>} : memref<128x64xf32, #tpu.memory_space<vmem>>, vector<1x16xf32>,
        %get3A_615 = vector.shape_cast %get3A_614 : vector<1x16xf32> to vector<16xf32>
        %mul3A_616 = vector.broadcast %squeeze3A_574 : f32 to vector<16xf32>
        %mul3A_617 = arith.mulf %get3A_615, %mul3A_616 : vector<16xf32>
        %add3A_618 = arith.addf %add3A_572, %mul3A_617 : vector<16xf32>
        %slice3A_619 = vector.extract_strided_slice %get3A_98 {offsets = [10], sizes = [1], strides = [1]} : vector<16xf32> to vector<1xf32>
        %squeeze3A_620 = vector.extract %slice3A_619[0] : f32 from vector<1xf32>
        %add3A_621 = arith.constant 8 : i32
        %add3A_622 = arith.addi %mul3A_100, %add3A_621 : i32
        %add3A_623 = arith.constant 2 : i32
        %add3A_624 = arith.addi %add3A_622, %add3A_623 : i32
        %get3A_625 = arith.index_cast %add3A_624 : i32 to index
        %get3A_626 = arith.constant 0 : index
        %get3A_627 = tpu.vector_load %arg10[%get3A_625, %get3A_626] {strides = array<i32>} : memref<128x64xf32, #tpu.memory_space<vmem>>, vector<1x16xf32>,
        %get3A_628 = vector.shape_cast %get3A_627 : vector<1x16xf32> to vector<16xf32>
        %mul3A_629 = vector.broadcast %squeeze3A_620 : f32 to vector<16xf32>
        %mul3A_630 = arith.mulf %get3A_628, %mul3A_629 : vector<16xf32>
        %add3A_631 = arith.addf %add3A_585, %mul3A_630 : vector<16xf32>
        %add3A_632 = arith.constant 8 : i32
        %add3A_633 = arith.addi %mul3A_100, %add3A_632 : i32
        %add3A_634 = arith.constant 2 : i32
        %add3A_635 = arith.addi %add3A_633, %add3A_634 : i32
        %get3A_636 = arith.index_cast %add3A_635 : i32 to index
        %get3A_637 = arith.constant 16 : index
        %get3A_638 = tpu.vector_load %arg10[%get3A_636, %get3A_637] {strides = array<i32>} : memref<128x64xf32, #tpu.memory_space<vmem>>, vector<1x16xf32>,
        %get3A_639 = vector.shape_cast %get3A_638 : vector<1x16xf32> to vector<16xf32>
        %mul3A_640 = vector.broadcast %squeeze3A_620 : f32 to vector<16xf32>
        %mul3A_641 = arith.mulf %get3A_639, %mul3A_640 : vector<16xf32>
        %add3A_642 = arith.addf %add3A_596, %mul3A_641 : vector<16xf32>
        %add3A_643 = arith.constant 8 : i32
        %add3A_644 = arith.addi %mul3A_100, %add3A_643 : i32
        %add3A_645 = arith.constant 2 : i32
        %add3A_646 = arith.addi %add3A_644, %add3A_645 : i32
        %get3A_647 = arith.index_cast %add3A_646 : i32 to index
        %get3A_648 = arith.constant 32 : index
        %get3A_649 = tpu.vector_load %arg10[%get3A_647, %get3A_648] {strides = array<i32>} : memref<128x64xf32, #tpu.memory_space<vmem>>, vector<1x16xf32>,
        %get3A_650 = vector.shape_cast %get3A_649 : vector<1x16xf32> to vector<16xf32>
        %mul3A_651 = vector.broadcast %squeeze3A_620 : f32 to vector<16xf32>
        %mul3A_652 = arith.mulf %get3A_650, %mul3A_651 : vector<16xf32>
        %add3A_653 = arith.addf %add3A_607, %mul3A_652 : vector<16xf32>
        %add3A_654 = arith.constant 8 : i32
        %add3A_655 = arith.addi %mul3A_100, %add3A_654 : i32
        %add3A_656 = arith.constant 2 : i32
        %add3A_657 = arith.addi %add3A_655, %add3A_656 : i32
        %get3A_658 = arith.index_cast %add3A_657 : i32 to index
        %get3A_659 = arith.constant 48 : index
        %get3A_660 = tpu.vector_load %arg10[%get3A_658, %get3A_659] {strides = array<i32>} : memref<128x64xf32, #tpu.memory_space<vmem>>, vector<1x16xf32>,
        %get3A_661 = vector.shape_cast %get3A_660 : vector<1x16xf32> to vector<16xf32>
        %mul3A_662 = vector.broadcast %squeeze3A_620 : f32 to vector<16xf32>
        %mul3A_663 = arith.mulf %get3A_661, %mul3A_662 : vector<16xf32>
        %add3A_664 = arith.addf %add3A_618, %mul3A_663 : vector<16xf32>
        %slice3A_665 = vector.extract_strided_slice %get3A_98 {offsets = [11], sizes = [1], strides = [1]} : vector<16xf32> to vector<1xf32>
        %squeeze3A_666 = vector.extract %slice3A_665[0] : f32 from vector<1xf32>
        %add3A_667 = arith.constant 8 : i32
        %add3A_668 = arith.addi %mul3A_100, %add3A_667 : i32
        %add3A_669 = arith.constant 3 : i32
        %add3A_670 = arith.addi %add3A_668, %add3A_669 : i32
        %get3A_671 = arith.index_cast %add3A_670 : i32 to index
        %get3A_672 = arith.constant 0 : index
        %get3A_673 = tpu.vector_load %arg10[%get3A_671, %get3A_672] {strides = array<i32>} : memref<128x64xf32, #tpu.memory_space<vmem>>, vector<1x16xf32>,
        %get3A_674 = vector.shape_cast %get3A_673 : vector<1x16xf32> to vector<16xf32>
        %mul3A_675 = vector.broadcast %squeeze3A_666 : f32 to vector<16xf32>
        %mul3A_676 = arith.mulf %get3A_674, %mul3A_675 : vector<16xf32>
        %add3A_677 = arith.addf %add3A_631, %mul3A_676 : vector<16xf32>
        %add3A_678 = arith.constant 8 : i32
        %add3A_679 = arith.addi %mul3A_100, %add3A_678 : i32
        %add3A_680 = arith.constant 3 : i32
        %add3A_681 = arith.addi %add3A_679, %add3A_680 : i32
        %get3A_682 = arith.index_cast %add3A_681 : i32 to index
        %get3A_683 = arith.constant 16 : index
        %get3A_684 = tpu.vector_load %arg10[%get3A_682, %get3A_683] {strides = array<i32>} : memref<128x64xf32, #tpu.memory_space<vmem>>, vector<1x16xf32>,
        %get3A_685 = vector.shape_cast %get3A_684 : vector<1x16xf32> to vector<16xf32>
        %mul3A_686 = vector.broadcast %squeeze3A_666 : f32 to vector<16xf32>
        %mul3A_687 = arith.mulf %get3A_685, %mul3A_686 : vector<16xf32>
        %add3A_688 = arith.addf %add3A_642, %mul3A_687 : vector<16xf32>
        %add3A_689 = arith.constant 8 : i32
        %add3A_690 = arith.addi %mul3A_100, %add3A_689 : i32
        %add3A_691 = arith.constant 3 : i32
        %add3A_692 = arith.addi %add3A_690, %add3A_691 : i32
        %get3A_693 = arith.index_cast %add3A_692 : i32 to index
        %get3A_694 = arith.constant 32 : index
        %get3A_695 = tpu.vector_load %arg10[%get3A_693, %get3A_694] {strides = array<i32>} : memref<128x64xf32, #tpu.memory_space<vmem>>, vector<1x16xf32>,
        %get3A_696 = vector.shape_cast %get3A_695 : vector<1x16xf32> to vector<16xf32>
        %mul3A_697 = vector.broadcast %squeeze3A_666 : f32 to vector<16xf32>
        %mul3A_698 = arith.mulf %get3A_696, %mul3A_697 : vector<16xf32>
        %add3A_699 = arith.addf %add3A_653, %mul3A_698 : vector<16xf32>
        %add3A_700 = arith.constant 8 : i32
        %add3A_701 = arith.addi %mul3A_100, %add3A_700 : i32
        %add3A_702 = arith.constant 3 : i32
        %add3A_703 = arith.addi %add3A_701, %add3A_702 : i32
        %get3A_704 = arith.index_cast %add3A_703 : i32 to index
        %get3A_705 = arith.constant 48 : index
        %get3A_706 = tpu.vector_load %arg10[%get3A_704, %get3A_705] {strides = array<i32>} : memref<128x64xf32, #tpu.memory_space<vmem>>, vector<1x16xf32>,
        %get3A_707 = vector.shape_cast %get3A_706 : vector<1x16xf32> to vector<16xf32>
        %mul3A_708 = vector.broadcast %squeeze3A_666 : f32 to vector<16xf32>
        %mul3A_709 = arith.mulf %get3A_707, %mul3A_708 : vector<16xf32>
        %add3A_710 = arith.addf %add3A_664, %mul3A_709 : vector<16xf32>
        %slice3A_711 = vector.extract_strided_slice %get3A_98 {offsets = [12], sizes = [1], strides = [1]} : vector<16xf32> to vector<1xf32>
        %squeeze3A_712 = vector.extract %slice3A_711[0] : f32 from vector<1xf32>
        %add3A_713 = arith.constant 8 : i32
        %add3A_714 = arith.addi %mul3A_100, %add3A_713 : i32
        %add3A_715 = arith.constant 4 : i32
        %add3A_716 = arith.addi %add3A_714, %add3A_715 : i32
        %get3A_717 = arith.index_cast %add3A_716 : i32 to index
        %get3A_718 = arith.constant 0 : index
        %get3A_719 = tpu.vector_load %arg10[%get3A_717, %get3A_718] {strides = array<i32>} : memref<128x64xf32, #tpu.memory_space<vmem>>, vector<1x16xf32>,
        %get3A_720 = vector.shape_cast %get3A_719 : vector<1x16xf32> to vector<16xf32>
        %mul3A_721 = vector.broadcast %squeeze3A_712 : f32 to vector<16xf32>
        %mul3A_722 = arith.mulf %get3A_720, %mul3A_721 : vector<16xf32>
        %add3A_723 = arith.addf %add3A_677, %mul3A_722 : vector<16xf32>
        %add3A_724 = arith.constant 8 : i32
        %add3A_725 = arith.addi %mul3A_100, %add3A_724 : i32
        %add3A_726 = arith.constant 4 : i32
        %add3A_727 = arith.addi %add3A_725, %add3A_726 : i32
        %get3A_728 = arith.index_cast %add3A_727 : i32 to index
        %get3A_729 = arith.constant 16 : index
        %get3A_730 = tpu.vector_load %arg10[%get3A_728, %get3A_729] {strides = array<i32>} : memref<128x64xf32, #tpu.memory_space<vmem>>, vector<1x16xf32>,
        %get3A_731 = vector.shape_cast %get3A_730 : vector<1x16xf32> to vector<16xf32>
        %mul3A_732 = vector.broadcast %squeeze3A_712 : f32 to vector<16xf32>
        %mul3A_733 = arith.mulf %get3A_731, %mul3A_732 : vector<16xf32>
        %add3A_734 = arith.addf %add3A_688, %mul3A_733 : vector<16xf32>
        %add3A_735 = arith.constant 8 : i32
        %add3A_736 = arith.addi %mul3A_100, %add3A_735 : i32
        %add3A_737 = arith.constant 4 : i32
        %add3A_738 = arith.addi %add3A_736, %add3A_737 : i32
        %get3A_739 = arith.index_cast %add3A_738 : i32 to index
        %get3A_740 = arith.constant 32 : index
        %get3A_741 = tpu.vector_load %arg10[%get3A_739, %get3A_740] {strides = array<i32>} : memref<128x64xf32, #tpu.memory_space<vmem>>, vector<1x16xf32>,
        %get3A_742 = vector.shape_cast %get3A_741 : vector<1x16xf32> to vector<16xf32>
        %mul3A_743 = vector.broadcast %squeeze3A_712 : f32 to vector<16xf32>
        %mul3A_744 = arith.mulf %get3A_742, %mul3A_743 : vector<16xf32>
        %add3A_745 = arith.addf %add3A_699, %mul3A_744 : vector<16xf32>
        %add3A_746 = arith.constant 8 : i32
        %add3A_747 = arith.addi %mul3A_100, %add3A_746 : i32
        %add3A_748 = arith.constant 4 : i32
        %add3A_749 = arith.addi %add3A_747, %add3A_748 : i32
        %get3A_750 = arith.index_cast %add3A_749 : i32 to index
        %get3A_751 = arith.constant 48 : index
        %get3A_752 = tpu.vector_load %arg10[%get3A_750, %get3A_751] {strides = array<i32>} : memref<128x64xf32, #tpu.memory_space<vmem>>, vector<1x16xf32>,
        %get3A_753 = vector.shape_cast %get3A_752 : vector<1x16xf32> to vector<16xf32>
        %mul3A_754 = vector.broadcast %squeeze3A_712 : f32 to vector<16xf32>
        %mul3A_755 = arith.mulf %get3A_753, %mul3A_754 : vector<16xf32>
        %add3A_756 = arith.addf %add3A_710, %mul3A_755 : vector<16xf32>
        %slice3A_757 = vector.extract_strided_slice %get3A_98 {offsets = [13], sizes = [1], strides = [1]} : vector<16xf32> to vector<1xf32>
        %squeeze3A_758 = vector.extract %slice3A_757[0] : f32 from vector<1xf32>
        %add3A_759 = arith.constant 8 : i32
        %add3A_760 = arith.addi %mul3A_100, %add3A_759 : i32
        %add3A_761 = arith.constant 5 : i32
        %add3A_762 = arith.addi %add3A_760, %add3A_761 : i32
        %get3A_763 = arith.index_cast %add3A_762 : i32 to index
        %get3A_764 = arith.constant 0 : index
        %get3A_765 = tpu.vector_load %arg10[%get3A_763, %get3A_764] {strides = array<i32>} : memref<128x64xf32, #tpu.memory_space<vmem>>, vector<1x16xf32>,
        %get3A_766 = vector.shape_cast %get3A_765 : vector<1x16xf32> to vector<16xf32>
        %mul3A_767 = vector.broadcast %squeeze3A_758 : f32 to vector<16xf32>
        %mul3A_768 = arith.mulf %get3A_766, %mul3A_767 : vector<16xf32>
        %add3A_769 = arith.addf %add3A_723, %mul3A_768 : vector<16xf32>
        %add3A_770 = arith.constant 8 : i32
        %add3A_771 = arith.addi %mul3A_100, %add3A_770 : i32
        %add3A_772 = arith.constant 5 : i32
        %add3A_773 = arith.addi %add3A_771, %add3A_772 : i32
        %get3A_774 = arith.index_cast %add3A_773 : i32 to index
        %get3A_775 = arith.constant 16 : index
        %get3A_776 = tpu.vector_load %arg10[%get3A_774, %get3A_775] {strides = array<i32>} : memref<128x64xf32, #tpu.memory_space<vmem>>, vector<1x16xf32>,
        %get3A_777 = vector.shape_cast %get3A_776 : vector<1x16xf32> to vector<16xf32>
        %mul3A_778 = vector.broadcast %squeeze3A_758 : f32 to vector<16xf32>
        %mul3A_779 = arith.mulf %get3A_777, %mul3A_778 : vector<16xf32>
        %add3A_780 = arith.addf %add3A_734, %mul3A_779 : vector<16xf32>
        %add3A_781 = arith.constant 8 : i32
        %add3A_782 = arith.addi %mul3A_100, %add3A_781 : i32
        %add3A_783 = arith.constant 5 : i32
        %add3A_784 = arith.addi %add3A_782, %add3A_783 : i32
        %get3A_785 = arith.index_cast %add3A_784 : i32 to index
        %get3A_786 = arith.constant 32 : index
        %get3A_787 = tpu.vector_load %arg10[%get3A_785, %get3A_786] {strides = array<i32>} : memref<128x64xf32, #tpu.memory_space<vmem>>, vector<1x16xf32>,
        %get3A_788 = vector.shape_cast %get3A_787 : vector<1x16xf32> to vector<16xf32>
        %mul3A_789 = vector.broadcast %squeeze3A_758 : f32 to vector<16xf32>
        %mul3A_790 = arith.mulf %get3A_788, %mul3A_789 : vector<16xf32>
        %add3A_791 = arith.addf %add3A_745, %mul3A_790 : vector<16xf32>
        %add3A_792 = arith.constant 8 : i32
        %add3A_793 = arith.addi %mul3A_100, %add3A_792 : i32
        %add3A_794 = arith.constant 5 : i32
        %add3A_795 = arith.addi %add3A_793, %add3A_794 : i32
        %get3A_796 = arith.index_cast %add3A_795 : i32 to index
        %get3A_797 = arith.constant 48 : index
        %get3A_798 = tpu.vector_load %arg10[%get3A_796, %get3A_797] {strides = array<i32>} : memref<128x64xf32, #tpu.memory_space<vmem>>, vector<1x16xf32>,
        %get3A_799 = vector.shape_cast %get3A_798 : vector<1x16xf32> to vector<16xf32>
        %mul3A_800 = vector.broadcast %squeeze3A_758 : f32 to vector<16xf32>
        %mul3A_801 = arith.mulf %get3A_799, %mul3A_800 : vector<16xf32>
        %add3A_802 = arith.addf %add3A_756, %mul3A_801 : vector<16xf32>
        %slice3A_803 = vector.extract_strided_slice %get3A_98 {offsets = [14], sizes = [1], strides = [1]} : vector<16xf32> to vector<1xf32>
        %squeeze3A_804 = vector.extract %slice3A_803[0] : f32 from vector<1xf32>
        %add3A_805 = arith.constant 8 : i32
        %add3A_806 = arith.addi %mul3A_100, %add3A_805 : i32
        %add3A_807 = arith.constant 6 : i32
        %add3A_808 = arith.addi %add3A_806, %add3A_807 : i32
        %get3A_809 = arith.index_cast %add3A_808 : i32 to index
        %get3A_810 = arith.constant 0 : index
        %get3A_811 = tpu.vector_load %arg10[%get3A_809, %get3A_810] {strides = array<i32>} : memref<128x64xf32, #tpu.memory_space<vmem>>, vector<1x16xf32>,
        %get3A_812 = vector.shape_cast %get3A_811 : vector<1x16xf32> to vector<16xf32>
        %mul3A_813 = vector.broadcast %squeeze3A_804 : f32 to vector<16xf32>
        %mul3A_814 = arith.mulf %get3A_812, %mul3A_813 : vector<16xf32>
        %add3A_815 = arith.addf %add3A_769, %mul3A_814 : vector<16xf32>
        %add3A_816 = arith.constant 8 : i32
        %add3A_817 = arith.addi %mul3A_100, %add3A_816 : i32
        %add3A_818 = arith.constant 6 : i32
        %add3A_819 = arith.addi %add3A_817, %add3A_818 : i32
        %get3A_820 = arith.index_cast %add3A_819 : i32 to index
        %get3A_821 = arith.constant 16 : index
        %get3A_822 = tpu.vector_load %arg10[%get3A_820, %get3A_821] {strides = array<i32>} : memref<128x64xf32, #tpu.memory_space<vmem>>, vector<1x16xf32>,
        %get3A_823 = vector.shape_cast %get3A_822 : vector<1x16xf32> to vector<16xf32>
        %mul3A_824 = vector.broadcast %squeeze3A_804 : f32 to vector<16xf32>
        %mul3A_825 = arith.mulf %get3A_823, %mul3A_824 : vector<16xf32>
        %add3A_826 = arith.addf %add3A_780, %mul3A_825 : vector<16xf32>
        %add3A_827 = arith.constant 8 : i32
        %add3A_828 = arith.addi %mul3A_100, %add3A_827 : i32
        %add3A_829 = arith.constant 6 : i32
        %add3A_830 = arith.addi %add3A_828, %add3A_829 : i32
        %get3A_831 = arith.index_cast %add3A_830 : i32 to index
        %get3A_832 = arith.constant 32 : index
        %get3A_833 = tpu.vector_load %arg10[%get3A_831, %get3A_832] {strides = array<i32>} : memref<128x64xf32, #tpu.memory_space<vmem>>, vector<1x16xf32>,
        %get3A_834 = vector.shape_cast %get3A_833 : vector<1x16xf32> to vector<16xf32>
        %mul3A_835 = vector.broadcast %squeeze3A_804 : f32 to vector<16xf32>
        %mul3A_836 = arith.mulf %get3A_834, %mul3A_835 : vector<16xf32>
        %add3A_837 = arith.addf %add3A_791, %mul3A_836 : vector<16xf32>
        %add3A_838 = arith.constant 8 : i32
        %add3A_839 = arith.addi %mul3A_100, %add3A_838 : i32
        %add3A_840 = arith.constant 6 : i32
        %add3A_841 = arith.addi %add3A_839, %add3A_840 : i32
        %get3A_842 = arith.index_cast %add3A_841 : i32 to index
        %get3A_843 = arith.constant 48 : index
        %get3A_844 = tpu.vector_load %arg10[%get3A_842, %get3A_843] {strides = array<i32>} : memref<128x64xf32, #tpu.memory_space<vmem>>, vector<1x16xf32>,
        %get3A_845 = vector.shape_cast %get3A_844 : vector<1x16xf32> to vector<16xf32>
        %mul3A_846 = vector.broadcast %squeeze3A_804 : f32 to vector<16xf32>
        %mul3A_847 = arith.mulf %get3A_845, %mul3A_846 : vector<16xf32>
        %add3A_848 = arith.addf %add3A_802, %mul3A_847 : vector<16xf32>
        %slice3A_849 = vector.extract_strided_slice %get3A_98 {offsets = [15], sizes = [1], strides = [1]} : vector<16xf32> to vector<1xf32>
        %squeeze3A_850 = vector.extract %slice3A_849[0] : f32 from vector<1xf32>
        %add3A_851 = arith.constant 8 : i32
        %add3A_852 = arith.addi %mul3A_100, %add3A_851 : i32
        %add3A_853 = arith.constant 7 : i32
        %add3A_854 = arith.addi %add3A_852, %add3A_853 : i32
        %get3A_855 = arith.index_cast %add3A_854 : i32 to index
        %get3A_856 = arith.constant 0 : index
        %get3A_857 = tpu.vector_load %arg10[%get3A_855, %get3A_856] {strides = array<i32>} : memref<128x64xf32, #tpu.memory_space<vmem>>, vector<1x16xf32>,
        %get3A_858 = vector.shape_cast %get3A_857 : vector<1x16xf32> to vector<16xf32>
        %mul3A_859 = vector.broadcast %squeeze3A_850 : f32 to vector<16xf32>
        %mul3A_860 = arith.mulf %get3A_858, %mul3A_859 : vector<16xf32>
        %add3A_861 = arith.addf %add3A_815, %mul3A_860 : vector<16xf32>
        %add3A_862 = arith.constant 8 : i32
        %add3A_863 = arith.addi %mul3A_100, %add3A_862 : i32
        %add3A_864 = arith.constant 7 : i32
        %add3A_865 = arith.addi %add3A_863, %add3A_864 : i32
        %get3A_866 = arith.index_cast %add3A_865 : i32 to index
        %get3A_867 = arith.constant 16 : index
        %get3A_868 = tpu.vector_load %arg10[%get3A_866, %get3A_867] {strides = array<i32>} : memref<128x64xf32, #tpu.memory_space<vmem>>, vector<1x16xf32>,
        %get3A_869 = vector.shape_cast %get3A_868 : vector<1x16xf32> to vector<16xf32>
        %mul3A_870 = vector.broadcast %squeeze3A_850 : f32 to vector<16xf32>
        %mul3A_871 = arith.mulf %get3A_869, %mul3A_870 : vector<16xf32>
        %add3A_872 = arith.addf %add3A_826, %mul3A_871 : vector<16xf32>
        %add3A_873 = arith.constant 8 : i32
        %add3A_874 = arith.addi %mul3A_100, %add3A_873 : i32
        %add3A_875 = arith.constant 7 : i32
        %add3A_876 = arith.addi %add3A_874, %add3A_875 : i32
        %get3A_877 = arith.index_cast %add3A_876 : i32 to index
        %get3A_878 = arith.constant 32 : index
        %get3A_879 = tpu.vector_load %arg10[%get3A_877, %get3A_878] {strides = array<i32>} : memref<128x64xf32, #tpu.memory_space<vmem>>, vector<1x16xf32>,
        %get3A_880 = vector.shape_cast %get3A_879 : vector<1x16xf32> to vector<16xf32>
        %mul3A_881 = vector.broadcast %squeeze3A_850 : f32 to vector<16xf32>
        %mul3A_882 = arith.mulf %get3A_880, %mul3A_881 : vector<16xf32>
        %add3A_883 = arith.addf %add3A_837, %mul3A_882 : vector<16xf32>
        %add3A_884 = arith.constant 8 : i32
        %add3A_885 = arith.addi %mul3A_100, %add3A_884 : i32
        %add3A_886 = arith.constant 7 : i32
        %add3A_887 = arith.addi %add3A_885, %add3A_886 : i32
        %get3A_888 = arith.index_cast %add3A_887 : i32 to index
        %get3A_889 = arith.constant 48 : index
        %get3A_890 = tpu.vector_load %arg10[%get3A_888, %get3A_889] {strides = array<i32>} : memref<128x64xf32, #tpu.memory_space<vmem>>, vector<1x16xf32>,
        %get3A_891 = vector.shape_cast %get3A_890 : vector<1x16xf32> to vector<16xf32>
        %mul3A_892 = vector.broadcast %squeeze3A_850 : f32 to vector<16xf32>
        %mul3A_893 = arith.mulf %get3A_891, %mul3A_892 : vector<16xf32>
        %add3A_894 = arith.addf %add3A_848, %mul3A_893 : vector<16xf32>
        %add3A_895 = arith.constant 1 : i32
        %add3A_896 = arith.addi %add3A_106, %add3A_895 : i32
        %mul3A_897 = arith.constant 64 : i32
        %mul3A_898 = arith.muli %add3A_896, %mul3A_897 : i32
        %add3A_899 = arith.constant 0 : i32
        %add3A_900 = arith.addi %mul3A_898, %add3A_899 : i32
        %swap3A_901 = arith.index_cast %add3A_900 : i32 to index
        %swap3A_902 = tpu.vector_load %arg11[%swap3A_901] {strides = array<i32>} : memref<40960xf32, #tpu.memory_space<vmem>>, vector<16xf32>,
        %swap3A_903 = vector.shape_cast %swap3A_902 : vector<16xf32> to vector<16xf32>
        %swap3A_904 = vector.shape_cast %add3A_861 : vector<16xf32> to vector<16xf32>
        tpu.vector_store %arg11[%swap3A_901], %swap3A_904 {strides = array<i32>} : memref<40960xf32, #tpu.memory_space<vmem>>, vector<16xf32>,
        %add3A_905 = arith.constant 1 : i32
        %add3A_906 = arith.addi %add3A_106, %add3A_905 : i32
        %mul3A_907 = arith.constant 64 : i32
        %mul3A_908 = arith.muli %add3A_906, %mul3A_907 : i32
        %add3A_909 = arith.constant 16 : i32
        %add3A_910 = arith.addi %mul3A_908, %add3A_909 : i32
        %swap3A_911 = arith.index_cast %add3A_910 : i32 to index
        %swap3A_912 = tpu.vector_load %arg11[%swap3A_911] {strides = array<i32>} : memref<40960xf32, #tpu.memory_space<vmem>>, vector<16xf32>,
        %swap3A_913 = vector.shape_cast %swap3A_912 : vector<16xf32> to vector<16xf32>
        %swap3A_914 = vector.shape_cast %add3A_872 : vector<16xf32> to vector<16xf32>
        tpu.vector_store %arg11[%swap3A_911], %swap3A_914 {strides = array<i32>} : memref<40960xf32, #tpu.memory_space<vmem>>, vector<16xf32>,
        %add3A_915 = arith.constant 1 : i32
        %add3A_916 = arith.addi %add3A_106, %add3A_915 : i32
        %mul3A_917 = arith.constant 64 : i32
        %mul3A_918 = arith.muli %add3A_916, %mul3A_917 : i32
        %add3A_919 = arith.constant 32 : i32
        %add3A_920 = arith.addi %mul3A_918, %add3A_919 : i32
        %swap3A_921 = arith.index_cast %add3A_920 : i32 to index
        %swap3A_922 = tpu.vector_load %arg11[%swap3A_921] {strides = array<i32>} : memref<40960xf32, #tpu.memory_space<vmem>>, vector<16xf32>,
        %swap3A_923 = vector.shape_cast %swap3A_922 : vector<16xf32> to vector<16xf32>
        %swap3A_924 = vector.shape_cast %add3A_883 : vector<16xf32> to vector<16xf32>
        tpu.vector_store %arg11[%swap3A_921], %swap3A_924 {strides = array<i32>} : memref<40960xf32, #tpu.memory_space<vmem>>, vector<16xf32>,
        %add3A_925 = arith.constant 1 : i32
        %add3A_926 = arith.addi %add3A_106, %add3A_925 : i32
        %mul3A_927 = arith.constant 64 : i32
        %mul3A_928 = arith.muli %add3A_926, %mul3A_927 : i32
        %add3A_929 = arith.constant 48 : i32
        %add3A_930 = arith.addi %mul3A_928, %add3A_929 : i32
        %swap3A_931 = arith.index_cast %add3A_930 : i32 to index
        %swap3A_932 = tpu.vector_load %arg11[%swap3A_931] {strides = array<i32>} : memref<40960xf32, #tpu.memory_space<vmem>>, vector<16xf32>,
        %swap3A_933 = vector.shape_cast %swap3A_932 : vector<16xf32> to vector<16xf32>
        %swap3A_934 = vector.shape_cast %add3A_894 : vector<16xf32> to vector<16xf32>
        tpu.vector_store %arg11[%swap3A_931], %swap3A_934 {strides = array<i32>} : memref<40960xf32, #tpu.memory_space<vmem>>, vector<16xf32>,
      }
      %scan3A_90 = arith.constant 8 : i32
    }
    %scan3A_36 = arith.constant 20 : i32
    %add3A_37 = arith.constant 640 : i32
    %add3A_38 = arith.addi %mul3A_2, %add3A_37 : i32
    %mul3A_39 = arith.constant 64 : i32
    %mul3A_40 = arith.muli %add3A_38, %mul3A_39 : i32
    "tpu.region"() ({
      %run_scoped3A = tpu.sem_alloc : memref<!tpu.dma_semaphore, #tpu.memory_space<semaphore_mem>>
      %dma_start3A_46 = tpu.memref_slice %arg5[%mul3A_40] : memref<2621568xf32, #tpu.memory_space<hbm>> -> memref<40960xf32, #tpu.memory_space<hbm>>
      %dma_start3A_47 = tpu.memref_slice %arg5[%mul3A_40] : memref<2621568xf32, #tpu.memory_space<hbm>> -> memref<40960xf32, #tpu.memory_space<hbm>>
      tpu.enqueue_dma source(%arg11 : memref<40960xf32, #tpu.memory_space<vmem>>) target(%dma_start3A_47 : memref<40960xf32, #tpu.memory_space<hbm>>) target_semaphore(%run_scoped3A : memref<!tpu.dma_semaphore, #tpu.memory_space<semaphore_mem>>)
      %dma_wait3A = tpu.memref_slice %arg5[%mul3A_40] : memref<2621568xf32, #tpu.memory_space<hbm>> -> memref<40960xf32, #tpu.memory_space<hbm>>
      %dma_wait3A_48 = tpu.memref_slice %arg5[%mul3A_40] : memref<2621568xf32, #tpu.memory_space<hbm>> -> memref<40960xf32, #tpu.memory_space<hbm>>
      tpu.wait_dma2 semaphore(%run_scoped3A : memref<!tpu.dma_semaphore, #tpu.memory_space<semaphore_mem>>) src(%arg11 : memref<40960xf32, #tpu.memory_space<vmem>>) dst(%dma_wait3A_48 : memref<40960xf32, #tpu.memory_space<hbm>>)
      tpu.yield
    }) : () -> ()
    %eq3A_41 = arith.constant 31 : i32
    %eq3A_42 = arith.cmpi eq, %add3A, %eq3A_41 : i32
    %convert_element_type3A_43 = arith.extui %eq3A_42 : i1 to i32
    %cond3A_44 = arith.constant 0 : i32
    %cond3A_45 = arith.cmpi ne, %convert_element_type3A_43, %cond3A_44 : i32
    scf.if %cond3A_45 {
      "tpu.region"() ({
        %run_scoped3A = tpu.sem_alloc : memref<!tpu.dma_semaphore, #tpu.memory_space<semaphore_mem>>
        %dma_start3A_651 = arith.constant 327680 : i32
        %dma_start3A_652 = tpu.memref_slice %arg3[%dma_start3A_651] : memref<327696xi32, #tpu.memory_space<hbm>> -> memref<16xi32, #tpu.memory_space<hbm>>
        %dma_start3A_653 = arith.constant 327680 : i32
        %dma_start3A_654 = tpu.memref_slice %arg3[%dma_start3A_653] : memref<327696xi32, #tpu.memory_space<hbm>> -> memref<16xi32, #tpu.memory_space<hbm>>
        tpu.enqueue_dma source(%dma_start3A_654 : memref<16xi32, #tpu.memory_space<hbm>>) target(%arg12 : memref<16xi32, #tpu.memory_space<vmem>>) target_semaphore(%run_scoped3A : memref<!tpu.dma_semaphore, #tpu.memory_space<semaphore_mem>>)
        %dma_wait3A_655 = arith.constant 327680 : i32
        %dma_wait3A_656 = tpu.memref_slice %arg3[%dma_wait3A_655] : memref<327696xi32, #tpu.memory_space<hbm>> -> memref<16xi32, #tpu.memory_space<hbm>>
        %dma_wait3A_657 = arith.constant 327680 : i32
        %dma_wait3A_658 = tpu.memref_slice %arg3[%dma_wait3A_657] : memref<327696xi32, #tpu.memory_space<hbm>> -> memref<16xi32, #tpu.memory_space<hbm>>
        tpu.wait_dma2 semaphore(%run_scoped3A : memref<!tpu.dma_semaphore, #tpu.memory_space<semaphore_mem>>) src(%dma_wait3A_658 : memref<16xi32, #tpu.memory_space<hbm>>) dst(%arg12 : memref<16xi32, #tpu.memory_space<vmem>>)
        tpu.yield
      }) : () -> ()
      %dma_start3A_46 = arith.constant 0 : i32
      %dma_start3A_47 = arith.constant 0 : i32
      %dma_start3A_48 = tpu.memref_slice %arg9[%dma_start3A_46, %dma_start3A_47] : memref<128x64xf32, #tpu.memory_space<vmem>> -> memref<16x64xf32, #tpu.memory_space<vmem>>
      %dma_start3A_49 = arith.constant 0 : i32
      %dma_start3A_50 = tpu.memref_slice %arg12[%dma_start3A_49] : memref<16xi32, #tpu.memory_space<vmem>> -> memref<16xi32, #tpu.memory_space<vmem>>
      %dma_start3A_51 = arith.constant 0 : i32
      %dma_start3A_52 = arith.constant 0 : i32
      %dma_start3A_53 = tpu.memref_slice %arg6[%dma_start3A_51, %dma_start3A_52] : memref<10242x64xf32, #tpu.memory_space<vmem_shared>> -> memref<10242x64xf32, #tpu.memory_space<vmem_shared>>
      tpu.enqueue_indirect_dma source(%dma_start3A_53 : memref<10242x64xf32, #tpu.memory_space<vmem_shared>>) target(%dma_start3A_48 : memref<16x64xf32, #tpu.memory_space<vmem>>) offsets(%dma_start3A_50 : memref<16xi32, #tpu.memory_space<vmem>>) semaphore(%arg13 : memref<!tpu.dma_semaphore, #tpu.memory_space<semaphore_mem>>)
      %dma_wait3A = arith.constant 0 : i32
      %dma_wait3A_54 = arith.constant 0 : i32
      %dma_wait3A_55 = tpu.memref_slice %arg9[%dma_wait3A, %dma_wait3A_54] : memref<128x64xf32, #tpu.memory_space<vmem>> -> memref<16x64xf32, #tpu.memory_space<vmem>>
      %dma_wait3A_56 = arith.constant 0 : i32
      %dma_wait3A_57 = tpu.memref_slice %arg12[%dma_wait3A_56] : memref<16xi32, #tpu.memory_space<vmem>> -> memref<16xi32, #tpu.memory_space<vmem>>
      %dma_wait3A_58 = arith.constant 0 : i32
      %dma_wait3A_59 = arith.constant 0 : i32
      %dma_wait3A_60 = tpu.memref_slice %arg6[%dma_wait3A_58, %dma_wait3A_59] : memref<10242x64xf32, #tpu.memory_space<vmem_shared>> -> memref<10242x64xf32, #tpu.memory_space<vmem_shared>>
      tpu.wait_indirect_dma semaphore(%arg13 : memref<!tpu.dma_semaphore, #tpu.memory_space<semaphore_mem>>) src(%dma_wait3A_60 : memref<10242x64xf32, #tpu.memory_space<vmem_shared>>) dst(%dma_wait3A_55 : memref<16x64xf32, #tpu.memory_space<vmem>>)
      "tpu.region"() ({
        %run_scoped3A = tpu.sem_alloc : memref<!tpu.dma_semaphore, #tpu.memory_space<semaphore_mem>>
        %dma_start3A_651 = arith.constant 0 : i32
        %dma_start3A_652 = tpu.memref_slice %arg8[%dma_start3A_651] : memref<10240xf32, #tpu.memory_space<vmem>> -> memref<16xf32, #tpu.memory_space<vmem>>
        %dma_start3A_653 = arith.constant 327680 : i32
        %dma_start3A_654 = tpu.memref_slice %arg4[%dma_start3A_653] : memref<327696xf32, #tpu.memory_space<hbm>> -> memref<16xf32, #tpu.memory_space<hbm>>
        %dma_start3A_655 = arith.constant 0 : i32
        %dma_start3A_656 = tpu.memref_slice %arg8[%dma_start3A_655] : memref<10240xf32, #tpu.memory_space<vmem>> -> memref<16xf32, #tpu.memory_space<vmem>>
        %dma_start3A_657 = arith.constant 327680 : i32
        %dma_start3A_658 = tpu.memref_slice %arg4[%dma_start3A_657] : memref<327696xf32, #tpu.memory_space<hbm>> -> memref<16xf32, #tpu.memory_space<hbm>>
        tpu.enqueue_dma source(%dma_start3A_658 : memref<16xf32, #tpu.memory_space<hbm>>) target(%dma_start3A_656 : memref<16xf32, #tpu.memory_space<vmem>>) target_semaphore(%run_scoped3A : memref<!tpu.dma_semaphore, #tpu.memory_space<semaphore_mem>>)
        %dma_wait3A_659 = arith.constant 0 : i32
        %dma_wait3A_660 = tpu.memref_slice %arg8[%dma_wait3A_659] : memref<10240xf32, #tpu.memory_space<vmem>> -> memref<16xf32, #tpu.memory_space<vmem>>
        %dma_wait3A_661 = arith.constant 327680 : i32
        %dma_wait3A_662 = tpu.memref_slice %arg4[%dma_wait3A_661] : memref<327696xf32, #tpu.memory_space<hbm>> -> memref<16xf32, #tpu.memory_space<hbm>>
        %dma_wait3A_663 = arith.constant 0 : i32
        %dma_wait3A_664 = tpu.memref_slice %arg8[%dma_wait3A_663] : memref<10240xf32, #tpu.memory_space<vmem>> -> memref<16xf32, #tpu.memory_space<vmem>>
        %dma_wait3A_665 = arith.constant 327680 : i32
        %dma_wait3A_666 = tpu.memref_slice %arg4[%dma_wait3A_665] : memref<327696xf32, #tpu.memory_space<hbm>> -> memref<16xf32, #tpu.memory_space<hbm>>
        tpu.wait_dma2 semaphore(%run_scoped3A : memref<!tpu.dma_semaphore, #tpu.memory_space<semaphore_mem>>) src(%dma_wait3A_666 : memref<16xf32, #tpu.memory_space<hbm>>) dst(%dma_wait3A_664 : memref<16xf32, #tpu.memory_space<vmem>>)
        tpu.yield
      }) : () -> ()
      %get3A = arith.constant 0 : index
      %get3A_61 = tpu.vector_load %arg8[%get3A] {strides = array<i32>} : memref<10240xf32, #tpu.memory_space<vmem>>, vector<16xf32>,
      %get3A_62 = vector.shape_cast %get3A_61 : vector<16xf32> to vector<16xf32>
      %broadcast_in_dim3A = arith.constant 0.000000e+00 : f32
      %broadcast_in_dim3A_63 = vector.broadcast %broadcast_in_dim3A : f32 to vector<16xf32>
      %broadcast_in_dim3A_64 = arith.constant 0.000000e+00 : f32
      %broadcast_in_dim3A_65 = vector.broadcast %broadcast_in_dim3A_64 : f32 to vector<16xf32>
      %broadcast_in_dim3A_66 = arith.constant 0.000000e+00 : f32
      %broadcast_in_dim3A_67 = vector.broadcast %broadcast_in_dim3A_66 : f32 to vector<16xf32>
      %broadcast_in_dim3A_68 = arith.constant 0.000000e+00 : f32
      %broadcast_in_dim3A_69 = vector.broadcast %broadcast_in_dim3A_68 : f32 to vector<16xf32>
      %slice3A = vector.extract_strided_slice %get3A_62 {offsets = [0], sizes = [1], strides = [1]} : vector<16xf32> to vector<1xf32>
      %squeeze3A = vector.extract %slice3A[0] : f32 from vector<1xf32>
      %get3A_70 = arith.constant 0 : i32
      %get3A_71 = arith.index_cast %get3A_70 : i32 to index
      %get3A_72 = arith.constant 0 : index
      %get3A_73 = tpu.vector_load %arg9[%get3A_71, %get3A_72] {strides = array<i32>} : memref<128x64xf32, #tpu.memory_space<vmem>>, vector<1x16xf32>,
      %get3A_74 = vector.shape_cast %get3A_73 : vector<1x16xf32> to vector<16xf32>
      %mul3A_75 = vector.broadcast %squeeze3A : f32 to vector<16xf32>
      %mul3A_76 = arith.mulf %get3A_74, %mul3A_75 : vector<16xf32>
      %add3A_77 = arith.addf %broadcast_in_dim3A_63, %mul3A_76 : vector<16xf32>
      %get3A_78 = arith.constant 0 : i32
      %get3A_79 = arith.index_cast %get3A_78 : i32 to index
      %get3A_80 = arith.constant 16 : index
      %get3A_81 = tpu.vector_load %arg9[%get3A_79, %get3A_80] {strides = array<i32>} : memref<128x64xf32, #tpu.memory_space<vmem>>, vector<1x16xf32>,
      %get3A_82 = vector.shape_cast %get3A_81 : vector<1x16xf32> to vector<16xf32>
      %mul3A_83 = vector.broadcast %squeeze3A : f32 to vector<16xf32>
      %mul3A_84 = arith.mulf %get3A_82, %mul3A_83 : vector<16xf32>
      %add3A_85 = arith.addf %broadcast_in_dim3A_65, %mul3A_84 : vector<16xf32>
      %get3A_86 = arith.constant 0 : i32
      %get3A_87 = arith.index_cast %get3A_86 : i32 to index
      %get3A_88 = arith.constant 32 : index
      %get3A_89 = tpu.vector_load %arg9[%get3A_87, %get3A_88] {strides = array<i32>} : memref<128x64xf32, #tpu.memory_space<vmem>>, vector<1x16xf32>,
      %get3A_90 = vector.shape_cast %get3A_89 : vector<1x16xf32> to vector<16xf32>
      %mul3A_91 = vector.broadcast %squeeze3A : f32 to vector<16xf32>
      %mul3A_92 = arith.mulf %get3A_90, %mul3A_91 : vector<16xf32>
      %add3A_93 = arith.addf %broadcast_in_dim3A_67, %mul3A_92 : vector<16xf32>
      %get3A_94 = arith.constant 0 : i32
      %get3A_95 = arith.index_cast %get3A_94 : i32 to index
      %get3A_96 = arith.constant 48 : index
      %get3A_97 = tpu.vector_load %arg9[%get3A_95, %get3A_96] {strides = array<i32>} : memref<128x64xf32, #tpu.memory_space<vmem>>, vector<1x16xf32>,
      %get3A_98 = vector.shape_cast %get3A_97 : vector<1x16xf32> to vector<16xf32>
      %mul3A_99 = vector.broadcast %squeeze3A : f32 to vector<16xf32>
      %mul3A_100 = arith.mulf %get3A_98, %mul3A_99 : vector<16xf32>
      %add3A_101 = arith.addf %broadcast_in_dim3A_69, %mul3A_100 : vector<16xf32>
      %slice3A_102 = vector.extract_strided_slice %get3A_62 {offsets = [1], sizes = [1], strides = [1]} : vector<16xf32> to vector<1xf32>
      %squeeze3A_103 = vector.extract %slice3A_102[0] : f32 from vector<1xf32>
      %get3A_104 = arith.constant 1 : i32
      %get3A_105 = arith.index_cast %get3A_104 : i32 to index
      %get3A_106 = arith.constant 0 : index
      %get3A_107 = tpu.vector_load %arg9[%get3A_105, %get3A_106] {strides = array<i32>} : memref<128x64xf32, #tpu.memory_space<vmem>>, vector<1x16xf32>,
      %get3A_108 = vector.shape_cast %get3A_107 : vector<1x16xf32> to vector<16xf32>
      %mul3A_109 = vector.broadcast %squeeze3A_103 : f32 to vector<16xf32>
      %mul3A_110 = arith.mulf %get3A_108, %mul3A_109 : vector<16xf32>
      %add3A_111 = arith.addf %add3A_77, %mul3A_110 : vector<16xf32>
      %get3A_112 = arith.constant 1 : i32
      %get3A_113 = arith.index_cast %get3A_112 : i32 to index
      %get3A_114 = arith.constant 16 : index
      %get3A_115 = tpu.vector_load %arg9[%get3A_113, %get3A_114] {strides = array<i32>} : memref<128x64xf32, #tpu.memory_space<vmem>>, vector<1x16xf32>,
      %get3A_116 = vector.shape_cast %get3A_115 : vector<1x16xf32> to vector<16xf32>
      %mul3A_117 = vector.broadcast %squeeze3A_103 : f32 to vector<16xf32>
      %mul3A_118 = arith.mulf %get3A_116, %mul3A_117 : vector<16xf32>
      %add3A_119 = arith.addf %add3A_85, %mul3A_118 : vector<16xf32>
      %get3A_120 = arith.constant 1 : i32
      %get3A_121 = arith.index_cast %get3A_120 : i32 to index
      %get3A_122 = arith.constant 32 : index
      %get3A_123 = tpu.vector_load %arg9[%get3A_121, %get3A_122] {strides = array<i32>} : memref<128x64xf32, #tpu.memory_space<vmem>>, vector<1x16xf32>,
      %get3A_124 = vector.shape_cast %get3A_123 : vector<1x16xf32> to vector<16xf32>
      %mul3A_125 = vector.broadcast %squeeze3A_103 : f32 to vector<16xf32>
      %mul3A_126 = arith.mulf %get3A_124, %mul3A_125 : vector<16xf32>
      %add3A_127 = arith.addf %add3A_93, %mul3A_126 : vector<16xf32>
      %get3A_128 = arith.constant 1 : i32
      %get3A_129 = arith.index_cast %get3A_128 : i32 to index
      %get3A_130 = arith.constant 48 : index
      %get3A_131 = tpu.vector_load %arg9[%get3A_129, %get3A_130] {strides = array<i32>} : memref<128x64xf32, #tpu.memory_space<vmem>>, vector<1x16xf32>,
      %get3A_132 = vector.shape_cast %get3A_131 : vector<1x16xf32> to vector<16xf32>
      %mul3A_133 = vector.broadcast %squeeze3A_103 : f32 to vector<16xf32>
      %mul3A_134 = arith.mulf %get3A_132, %mul3A_133 : vector<16xf32>
      %add3A_135 = arith.addf %add3A_101, %mul3A_134 : vector<16xf32>
      %slice3A_136 = vector.extract_strided_slice %get3A_62 {offsets = [2], sizes = [1], strides = [1]} : vector<16xf32> to vector<1xf32>
      %squeeze3A_137 = vector.extract %slice3A_136[0] : f32 from vector<1xf32>
      %get3A_138 = arith.constant 2 : i32
      %get3A_139 = arith.index_cast %get3A_138 : i32 to index
      %get3A_140 = arith.constant 0 : index
      %get3A_141 = tpu.vector_load %arg9[%get3A_139, %get3A_140] {strides = array<i32>} : memref<128x64xf32, #tpu.memory_space<vmem>>, vector<1x16xf32>,
      %get3A_142 = vector.shape_cast %get3A_141 : vector<1x16xf32> to vector<16xf32>
      %mul3A_143 = vector.broadcast %squeeze3A_137 : f32 to vector<16xf32>
      %mul3A_144 = arith.mulf %get3A_142, %mul3A_143 : vector<16xf32>
      %add3A_145 = arith.addf %add3A_111, %mul3A_144 : vector<16xf32>
      %get3A_146 = arith.constant 2 : i32
      %get3A_147 = arith.index_cast %get3A_146 : i32 to index
      %get3A_148 = arith.constant 16 : index
      %get3A_149 = tpu.vector_load %arg9[%get3A_147, %get3A_148] {strides = array<i32>} : memref<128x64xf32, #tpu.memory_space<vmem>>, vector<1x16xf32>,
      %get3A_150 = vector.shape_cast %get3A_149 : vector<1x16xf32> to vector<16xf32>
      %mul3A_151 = vector.broadcast %squeeze3A_137 : f32 to vector<16xf32>
      %mul3A_152 = arith.mulf %get3A_150, %mul3A_151 : vector<16xf32>
      %add3A_153 = arith.addf %add3A_119, %mul3A_152 : vector<16xf32>
      %get3A_154 = arith.constant 2 : i32
      %get3A_155 = arith.index_cast %get3A_154 : i32 to index
      %get3A_156 = arith.constant 32 : index
      %get3A_157 = tpu.vector_load %arg9[%get3A_155, %get3A_156] {strides = array<i32>} : memref<128x64xf32, #tpu.memory_space<vmem>>, vector<1x16xf32>,
      %get3A_158 = vector.shape_cast %get3A_157 : vector<1x16xf32> to vector<16xf32>
      %mul3A_159 = vector.broadcast %squeeze3A_137 : f32 to vector<16xf32>
      %mul3A_160 = arith.mulf %get3A_158, %mul3A_159 : vector<16xf32>
      %add3A_161 = arith.addf %add3A_127, %mul3A_160 : vector<16xf32>
      %get3A_162 = arith.constant 2 : i32
      %get3A_163 = arith.index_cast %get3A_162 : i32 to index
      %get3A_164 = arith.constant 48 : index
      %get3A_165 = tpu.vector_load %arg9[%get3A_163, %get3A_164] {strides = array<i32>} : memref<128x64xf32, #tpu.memory_space<vmem>>, vector<1x16xf32>,
      %get3A_166 = vector.shape_cast %get3A_165 : vector<1x16xf32> to vector<16xf32>
      %mul3A_167 = vector.broadcast %squeeze3A_137 : f32 to vector<16xf32>
      %mul3A_168 = arith.mulf %get3A_166, %mul3A_167 : vector<16xf32>
      %add3A_169 = arith.addf %add3A_135, %mul3A_168 : vector<16xf32>
      %slice3A_170 = vector.extract_strided_slice %get3A_62 {offsets = [3], sizes = [1], strides = [1]} : vector<16xf32> to vector<1xf32>
      %squeeze3A_171 = vector.extract %slice3A_170[0] : f32 from vector<1xf32>
      %get3A_172 = arith.constant 3 : i32
      %get3A_173 = arith.index_cast %get3A_172 : i32 to index
      %get3A_174 = arith.constant 0 : index
      %get3A_175 = tpu.vector_load %arg9[%get3A_173, %get3A_174] {strides = array<i32>} : memref<128x64xf32, #tpu.memory_space<vmem>>, vector<1x16xf32>,
      %get3A_176 = vector.shape_cast %get3A_175 : vector<1x16xf32> to vector<16xf32>
      %mul3A_177 = vector.broadcast %squeeze3A_171 : f32 to vector<16xf32>
      %mul3A_178 = arith.mulf %get3A_176, %mul3A_177 : vector<16xf32>
      %add3A_179 = arith.addf %add3A_145, %mul3A_178 : vector<16xf32>
      %get3A_180 = arith.constant 3 : i32
      %get3A_181 = arith.index_cast %get3A_180 : i32 to index
      %get3A_182 = arith.constant 16 : index
      %get3A_183 = tpu.vector_load %arg9[%get3A_181, %get3A_182] {strides = array<i32>} : memref<128x64xf32, #tpu.memory_space<vmem>>, vector<1x16xf32>,
      %get3A_184 = vector.shape_cast %get3A_183 : vector<1x16xf32> to vector<16xf32>
      %mul3A_185 = vector.broadcast %squeeze3A_171 : f32 to vector<16xf32>
      %mul3A_186 = arith.mulf %get3A_184, %mul3A_185 : vector<16xf32>
      %add3A_187 = arith.addf %add3A_153, %mul3A_186 : vector<16xf32>
      %get3A_188 = arith.constant 3 : i32
      %get3A_189 = arith.index_cast %get3A_188 : i32 to index
      %get3A_190 = arith.constant 32 : index
      %get3A_191 = tpu.vector_load %arg9[%get3A_189, %get3A_190] {strides = array<i32>} : memref<128x64xf32, #tpu.memory_space<vmem>>, vector<1x16xf32>,
      %get3A_192 = vector.shape_cast %get3A_191 : vector<1x16xf32> to vector<16xf32>
      %mul3A_193 = vector.broadcast %squeeze3A_171 : f32 to vector<16xf32>
      %mul3A_194 = arith.mulf %get3A_192, %mul3A_193 : vector<16xf32>
      %add3A_195 = arith.addf %add3A_161, %mul3A_194 : vector<16xf32>
      %get3A_196 = arith.constant 3 : i32
      %get3A_197 = arith.index_cast %get3A_196 : i32 to index
      %get3A_198 = arith.constant 48 : index
      %get3A_199 = tpu.vector_load %arg9[%get3A_197, %get3A_198] {strides = array<i32>} : memref<128x64xf32, #tpu.memory_space<vmem>>, vector<1x16xf32>,
      %get3A_200 = vector.shape_cast %get3A_199 : vector<1x16xf32> to vector<16xf32>
      %mul3A_201 = vector.broadcast %squeeze3A_171 : f32 to vector<16xf32>
      %mul3A_202 = arith.mulf %get3A_200, %mul3A_201 : vector<16xf32>
      %add3A_203 = arith.addf %add3A_169, %mul3A_202 : vector<16xf32>
      %slice3A_204 = vector.extract_strided_slice %get3A_62 {offsets = [4], sizes = [1], strides = [1]} : vector<16xf32> to vector<1xf32>
      %squeeze3A_205 = vector.extract %slice3A_204[0] : f32 from vector<1xf32>
      %get3A_206 = arith.constant 4 : i32
      %get3A_207 = arith.index_cast %get3A_206 : i32 to index
      %get3A_208 = arith.constant 0 : index
      %get3A_209 = tpu.vector_load %arg9[%get3A_207, %get3A_208] {strides = array<i32>} : memref<128x64xf32, #tpu.memory_space<vmem>>, vector<1x16xf32>,
      %get3A_210 = vector.shape_cast %get3A_209 : vector<1x16xf32> to vector<16xf32>
      %mul3A_211 = vector.broadcast %squeeze3A_205 : f32 to vector<16xf32>
      %mul3A_212 = arith.mulf %get3A_210, %mul3A_211 : vector<16xf32>
      %add3A_213 = arith.addf %add3A_179, %mul3A_212 : vector<16xf32>
      %get3A_214 = arith.constant 4 : i32
      %get3A_215 = arith.index_cast %get3A_214 : i32 to index
      %get3A_216 = arith.constant 16 : index
      %get3A_217 = tpu.vector_load %arg9[%get3A_215, %get3A_216] {strides = array<i32>} : memref<128x64xf32, #tpu.memory_space<vmem>>, vector<1x16xf32>,
      %get3A_218 = vector.shape_cast %get3A_217 : vector<1x16xf32> to vector<16xf32>
      %mul3A_219 = vector.broadcast %squeeze3A_205 : f32 to vector<16xf32>
      %mul3A_220 = arith.mulf %get3A_218, %mul3A_219 : vector<16xf32>
      %add3A_221 = arith.addf %add3A_187, %mul3A_220 : vector<16xf32>
      %get3A_222 = arith.constant 4 : i32
      %get3A_223 = arith.index_cast %get3A_222 : i32 to index
      %get3A_224 = arith.constant 32 : index
      %get3A_225 = tpu.vector_load %arg9[%get3A_223, %get3A_224] {strides = array<i32>} : memref<128x64xf32, #tpu.memory_space<vmem>>, vector<1x16xf32>,
      %get3A_226 = vector.shape_cast %get3A_225 : vector<1x16xf32> to vector<16xf32>
      %mul3A_227 = vector.broadcast %squeeze3A_205 : f32 to vector<16xf32>
      %mul3A_228 = arith.mulf %get3A_226, %mul3A_227 : vector<16xf32>
      %add3A_229 = arith.addf %add3A_195, %mul3A_228 : vector<16xf32>
      %get3A_230 = arith.constant 4 : i32
      %get3A_231 = arith.index_cast %get3A_230 : i32 to index
      %get3A_232 = arith.constant 48 : index
      %get3A_233 = tpu.vector_load %arg9[%get3A_231, %get3A_232] {strides = array<i32>} : memref<128x64xf32, #tpu.memory_space<vmem>>, vector<1x16xf32>,
      %get3A_234 = vector.shape_cast %get3A_233 : vector<1x16xf32> to vector<16xf32>
      %mul3A_235 = vector.broadcast %squeeze3A_205 : f32 to vector<16xf32>
      %mul3A_236 = arith.mulf %get3A_234, %mul3A_235 : vector<16xf32>
      %add3A_237 = arith.addf %add3A_203, %mul3A_236 : vector<16xf32>
      %slice3A_238 = vector.extract_strided_slice %get3A_62 {offsets = [5], sizes = [1], strides = [1]} : vector<16xf32> to vector<1xf32>
      %squeeze3A_239 = vector.extract %slice3A_238[0] : f32 from vector<1xf32>
      %get3A_240 = arith.constant 5 : i32
      %get3A_241 = arith.index_cast %get3A_240 : i32 to index
      %get3A_242 = arith.constant 0 : index
      %get3A_243 = tpu.vector_load %arg9[%get3A_241, %get3A_242] {strides = array<i32>} : memref<128x64xf32, #tpu.memory_space<vmem>>, vector<1x16xf32>,
      %get3A_244 = vector.shape_cast %get3A_243 : vector<1x16xf32> to vector<16xf32>
      %mul3A_245 = vector.broadcast %squeeze3A_239 : f32 to vector<16xf32>
      %mul3A_246 = arith.mulf %get3A_244, %mul3A_245 : vector<16xf32>
      %add3A_247 = arith.addf %add3A_213, %mul3A_246 : vector<16xf32>
      %get3A_248 = arith.constant 5 : i32
      %get3A_249 = arith.index_cast %get3A_248 : i32 to index
      %get3A_250 = arith.constant 16 : index
      %get3A_251 = tpu.vector_load %arg9[%get3A_249, %get3A_250] {strides = array<i32>} : memref<128x64xf32, #tpu.memory_space<vmem>>, vector<1x16xf32>,
      %get3A_252 = vector.shape_cast %get3A_251 : vector<1x16xf32> to vector<16xf32>
      %mul3A_253 = vector.broadcast %squeeze3A_239 : f32 to vector<16xf32>
      %mul3A_254 = arith.mulf %get3A_252, %mul3A_253 : vector<16xf32>
      %add3A_255 = arith.addf %add3A_221, %mul3A_254 : vector<16xf32>
      %get3A_256 = arith.constant 5 : i32
      %get3A_257 = arith.index_cast %get3A_256 : i32 to index
      %get3A_258 = arith.constant 32 : index
      %get3A_259 = tpu.vector_load %arg9[%get3A_257, %get3A_258] {strides = array<i32>} : memref<128x64xf32, #tpu.memory_space<vmem>>, vector<1x16xf32>,
      %get3A_260 = vector.shape_cast %get3A_259 : vector<1x16xf32> to vector<16xf32>
      %mul3A_261 = vector.broadcast %squeeze3A_239 : f32 to vector<16xf32>
      %mul3A_262 = arith.mulf %get3A_260, %mul3A_261 : vector<16xf32>
      %add3A_263 = arith.addf %add3A_229, %mul3A_262 : vector<16xf32>
      %get3A_264 = arith.constant 5 : i32
      %get3A_265 = arith.index_cast %get3A_264 : i32 to index
      %get3A_266 = arith.constant 48 : index
      %get3A_267 = tpu.vector_load %arg9[%get3A_265, %get3A_266] {strides = array<i32>} : memref<128x64xf32, #tpu.memory_space<vmem>>, vector<1x16xf32>,
      %get3A_268 = vector.shape_cast %get3A_267 : vector<1x16xf32> to vector<16xf32>
      %mul3A_269 = vector.broadcast %squeeze3A_239 : f32 to vector<16xf32>
      %mul3A_270 = arith.mulf %get3A_268, %mul3A_269 : vector<16xf32>
      %add3A_271 = arith.addf %add3A_237, %mul3A_270 : vector<16xf32>
      %slice3A_272 = vector.extract_strided_slice %get3A_62 {offsets = [6], sizes = [1], strides = [1]} : vector<16xf32> to vector<1xf32>
      %squeeze3A_273 = vector.extract %slice3A_272[0] : f32 from vector<1xf32>
      %get3A_274 = arith.constant 6 : i32
      %get3A_275 = arith.index_cast %get3A_274 : i32 to index
      %get3A_276 = arith.constant 0 : index
      %get3A_277 = tpu.vector_load %arg9[%get3A_275, %get3A_276] {strides = array<i32>} : memref<128x64xf32, #tpu.memory_space<vmem>>, vector<1x16xf32>,
      %get3A_278 = vector.shape_cast %get3A_277 : vector<1x16xf32> to vector<16xf32>
      %mul3A_279 = vector.broadcast %squeeze3A_273 : f32 to vector<16xf32>
      %mul3A_280 = arith.mulf %get3A_278, %mul3A_279 : vector<16xf32>
      %add3A_281 = arith.addf %add3A_247, %mul3A_280 : vector<16xf32>
      %get3A_282 = arith.constant 6 : i32
      %get3A_283 = arith.index_cast %get3A_282 : i32 to index
      %get3A_284 = arith.constant 16 : index
      %get3A_285 = tpu.vector_load %arg9[%get3A_283, %get3A_284] {strides = array<i32>} : memref<128x64xf32, #tpu.memory_space<vmem>>, vector<1x16xf32>,
      %get3A_286 = vector.shape_cast %get3A_285 : vector<1x16xf32> to vector<16xf32>
      %mul3A_287 = vector.broadcast %squeeze3A_273 : f32 to vector<16xf32>
      %mul3A_288 = arith.mulf %get3A_286, %mul3A_287 : vector<16xf32>
      %add3A_289 = arith.addf %add3A_255, %mul3A_288 : vector<16xf32>
      %get3A_290 = arith.constant 6 : i32
      %get3A_291 = arith.index_cast %get3A_290 : i32 to index
      %get3A_292 = arith.constant 32 : index
      %get3A_293 = tpu.vector_load %arg9[%get3A_291, %get3A_292] {strides = array<i32>} : memref<128x64xf32, #tpu.memory_space<vmem>>, vector<1x16xf32>,
      %get3A_294 = vector.shape_cast %get3A_293 : vector<1x16xf32> to vector<16xf32>
      %mul3A_295 = vector.broadcast %squeeze3A_273 : f32 to vector<16xf32>
      %mul3A_296 = arith.mulf %get3A_294, %mul3A_295 : vector<16xf32>
      %add3A_297 = arith.addf %add3A_263, %mul3A_296 : vector<16xf32>
      %get3A_298 = arith.constant 6 : i32
      %get3A_299 = arith.index_cast %get3A_298 : i32 to index
      %get3A_300 = arith.constant 48 : index
      %get3A_301 = tpu.vector_load %arg9[%get3A_299, %get3A_300] {strides = array<i32>} : memref<128x64xf32, #tpu.memory_space<vmem>>, vector<1x16xf32>,
      %get3A_302 = vector.shape_cast %get3A_301 : vector<1x16xf32> to vector<16xf32>
      %mul3A_303 = vector.broadcast %squeeze3A_273 : f32 to vector<16xf32>
      %mul3A_304 = arith.mulf %get3A_302, %mul3A_303 : vector<16xf32>
      %add3A_305 = arith.addf %add3A_271, %mul3A_304 : vector<16xf32>
      %slice3A_306 = vector.extract_strided_slice %get3A_62 {offsets = [7], sizes = [1], strides = [1]} : vector<16xf32> to vector<1xf32>
      %squeeze3A_307 = vector.extract %slice3A_306[0] : f32 from vector<1xf32>
      %get3A_308 = arith.constant 7 : i32
      %get3A_309 = arith.index_cast %get3A_308 : i32 to index
      %get3A_310 = arith.constant 0 : index
      %get3A_311 = tpu.vector_load %arg9[%get3A_309, %get3A_310] {strides = array<i32>} : memref<128x64xf32, #tpu.memory_space<vmem>>, vector<1x16xf32>,
      %get3A_312 = vector.shape_cast %get3A_311 : vector<1x16xf32> to vector<16xf32>
      %mul3A_313 = vector.broadcast %squeeze3A_307 : f32 to vector<16xf32>
      %mul3A_314 = arith.mulf %get3A_312, %mul3A_313 : vector<16xf32>
      %add3A_315 = arith.addf %add3A_281, %mul3A_314 : vector<16xf32>
      %get3A_316 = arith.constant 7 : i32
      %get3A_317 = arith.index_cast %get3A_316 : i32 to index
      %get3A_318 = arith.constant 16 : index
      %get3A_319 = tpu.vector_load %arg9[%get3A_317, %get3A_318] {strides = array<i32>} : memref<128x64xf32, #tpu.memory_space<vmem>>, vector<1x16xf32>,
      %get3A_320 = vector.shape_cast %get3A_319 : vector<1x16xf32> to vector<16xf32>
      %mul3A_321 = vector.broadcast %squeeze3A_307 : f32 to vector<16xf32>
      %mul3A_322 = arith.mulf %get3A_320, %mul3A_321 : vector<16xf32>
      %add3A_323 = arith.addf %add3A_289, %mul3A_322 : vector<16xf32>
      %get3A_324 = arith.constant 7 : i32
      %get3A_325 = arith.index_cast %get3A_324 : i32 to index
      %get3A_326 = arith.constant 32 : index
      %get3A_327 = tpu.vector_load %arg9[%get3A_325, %get3A_326] {strides = array<i32>} : memref<128x64xf32, #tpu.memory_space<vmem>>, vector<1x16xf32>,
      %get3A_328 = vector.shape_cast %get3A_327 : vector<1x16xf32> to vector<16xf32>
      %mul3A_329 = vector.broadcast %squeeze3A_307 : f32 to vector<16xf32>
      %mul3A_330 = arith.mulf %get3A_328, %mul3A_329 : vector<16xf32>
      %add3A_331 = arith.addf %add3A_297, %mul3A_330 : vector<16xf32>
      %get3A_332 = arith.constant 7 : i32
      %get3A_333 = arith.index_cast %get3A_332 : i32 to index
      %get3A_334 = arith.constant 48 : index
      %get3A_335 = tpu.vector_load %arg9[%get3A_333, %get3A_334] {strides = array<i32>} : memref<128x64xf32, #tpu.memory_space<vmem>>, vector<1x16xf32>,
      %get3A_336 = vector.shape_cast %get3A_335 : vector<1x16xf32> to vector<16xf32>
      %mul3A_337 = vector.broadcast %squeeze3A_307 : f32 to vector<16xf32>
      %mul3A_338 = arith.mulf %get3A_336, %mul3A_337 : vector<16xf32>
      %add3A_339 = arith.addf %add3A_305, %mul3A_338 : vector<16xf32>
      %swap3A = arith.constant 0 : index
      %swap3A_340 = tpu.vector_load %arg11[%swap3A] {strides = array<i32>} : memref<40960xf32, #tpu.memory_space<vmem>>, vector<16xf32>,
      %swap3A_341 = vector.shape_cast %swap3A_340 : vector<16xf32> to vector<16xf32>
      %swap3A_342 = vector.shape_cast %add3A_315 : vector<16xf32> to vector<16xf32>
      tpu.vector_store %arg11[%swap3A], %swap3A_342 {strides = array<i32>} : memref<40960xf32, #tpu.memory_space<vmem>>, vector<16xf32>,
      %swap3A_343 = arith.constant 16 : index
      %swap3A_344 = tpu.vector_load %arg11[%swap3A_343] {strides = array<i32>} : memref<40960xf32, #tpu.memory_space<vmem>>, vector<16xf32>,
      %swap3A_345 = vector.shape_cast %swap3A_344 : vector<16xf32> to vector<16xf32>
      %swap3A_346 = vector.shape_cast %add3A_323 : vector<16xf32> to vector<16xf32>
      tpu.vector_store %arg11[%swap3A_343], %swap3A_346 {strides = array<i32>} : memref<40960xf32, #tpu.memory_space<vmem>>, vector<16xf32>,
      %swap3A_347 = arith.constant 32 : index
      %swap3A_348 = tpu.vector_load %arg11[%swap3A_347] {strides = array<i32>} : memref<40960xf32, #tpu.memory_space<vmem>>, vector<16xf32>,
      %swap3A_349 = vector.shape_cast %swap3A_348 : vector<16xf32> to vector<16xf32>
      %swap3A_350 = vector.shape_cast %add3A_331 : vector<16xf32> to vector<16xf32>
      tpu.vector_store %arg11[%swap3A_347], %swap3A_350 {strides = array<i32>} : memref<40960xf32, #tpu.memory_space<vmem>>, vector<16xf32>,
      %swap3A_351 = arith.constant 48 : index
      %swap3A_352 = tpu.vector_load %arg11[%swap3A_351] {strides = array<i32>} : memref<40960xf32, #tpu.memory_space<vmem>>, vector<16xf32>,
      %swap3A_353 = vector.shape_cast %swap3A_352 : vector<16xf32> to vector<16xf32>
      %swap3A_354 = vector.shape_cast %add3A_339 : vector<16xf32> to vector<16xf32>
      tpu.vector_store %arg11[%swap3A_351], %swap3A_354 {strides = array<i32>} : memref<40960xf32, #tpu.memory_space<vmem>>, vector<16xf32>,
      %broadcast_in_dim3A_355 = arith.constant 0.000000e+00 : f32
      %broadcast_in_dim3A_356 = vector.broadcast %broadcast_in_dim3A_355 : f32 to vector<16xf32>
      %broadcast_in_dim3A_357 = arith.constant 0.000000e+00 : f32
      %broadcast_in_dim3A_358 = vector.broadcast %broadcast_in_dim3A_357 : f32 to vector<16xf32>
      %broadcast_in_dim3A_359 = arith.constant 0.000000e+00 : f32
      %broadcast_in_dim3A_360 = vector.broadcast %broadcast_in_dim3A_359 : f32 to vector<16xf32>
      %broadcast_in_dim3A_361 = arith.constant 0.000000e+00 : f32
      %broadcast_in_dim3A_362 = vector.broadcast %broadcast_in_dim3A_361 : f32 to vector<16xf32>
      %slice3A_363 = vector.extract_strided_slice %get3A_62 {offsets = [8], sizes = [1], strides = [1]} : vector<16xf32> to vector<1xf32>
      %squeeze3A_364 = vector.extract %slice3A_363[0] : f32 from vector<1xf32>
      %get3A_365 = arith.constant 8 : i32
      %get3A_366 = arith.index_cast %get3A_365 : i32 to index
      %get3A_367 = arith.constant 0 : index
      %get3A_368 = tpu.vector_load %arg9[%get3A_366, %get3A_367] {strides = array<i32>} : memref<128x64xf32, #tpu.memory_space<vmem>>, vector<1x16xf32>,
      %get3A_369 = vector.shape_cast %get3A_368 : vector<1x16xf32> to vector<16xf32>
      %mul3A_370 = vector.broadcast %squeeze3A_364 : f32 to vector<16xf32>
      %mul3A_371 = arith.mulf %get3A_369, %mul3A_370 : vector<16xf32>
      %add3A_372 = arith.addf %broadcast_in_dim3A_356, %mul3A_371 : vector<16xf32>
      %get3A_373 = arith.constant 8 : i32
      %get3A_374 = arith.index_cast %get3A_373 : i32 to index
      %get3A_375 = arith.constant 16 : index
      %get3A_376 = tpu.vector_load %arg9[%get3A_374, %get3A_375] {strides = array<i32>} : memref<128x64xf32, #tpu.memory_space<vmem>>, vector<1x16xf32>,
      %get3A_377 = vector.shape_cast %get3A_376 : vector<1x16xf32> to vector<16xf32>
      %mul3A_378 = vector.broadcast %squeeze3A_364 : f32 to vector<16xf32>
      %mul3A_379 = arith.mulf %get3A_377, %mul3A_378 : vector<16xf32>
      %add3A_380 = arith.addf %broadcast_in_dim3A_358, %mul3A_379 : vector<16xf32>
      %get3A_381 = arith.constant 8 : i32
      %get3A_382 = arith.index_cast %get3A_381 : i32 to index
      %get3A_383 = arith.constant 32 : index
      %get3A_384 = tpu.vector_load %arg9[%get3A_382, %get3A_383] {strides = array<i32>} : memref<128x64xf32, #tpu.memory_space<vmem>>, vector<1x16xf32>,
      %get3A_385 = vector.shape_cast %get3A_384 : vector<1x16xf32> to vector<16xf32>
      %mul3A_386 = vector.broadcast %squeeze3A_364 : f32 to vector<16xf32>
      %mul3A_387 = arith.mulf %get3A_385, %mul3A_386 : vector<16xf32>
      %add3A_388 = arith.addf %broadcast_in_dim3A_360, %mul3A_387 : vector<16xf32>
      %get3A_389 = arith.constant 8 : i32
      %get3A_390 = arith.index_cast %get3A_389 : i32 to index
      %get3A_391 = arith.constant 48 : index
      %get3A_392 = tpu.vector_load %arg9[%get3A_390, %get3A_391] {strides = array<i32>} : memref<128x64xf32, #tpu.memory_space<vmem>>, vector<1x16xf32>,
      %get3A_393 = vector.shape_cast %get3A_392 : vector<1x16xf32> to vector<16xf32>
      %mul3A_394 = vector.broadcast %squeeze3A_364 : f32 to vector<16xf32>
      %mul3A_395 = arith.mulf %get3A_393, %mul3A_394 : vector<16xf32>
      %add3A_396 = arith.addf %broadcast_in_dim3A_362, %mul3A_395 : vector<16xf32>
      %slice3A_397 = vector.extract_strided_slice %get3A_62 {offsets = [9], sizes = [1], strides = [1]} : vector<16xf32> to vector<1xf32>
      %squeeze3A_398 = vector.extract %slice3A_397[0] : f32 from vector<1xf32>
      %get3A_399 = arith.constant 9 : i32
      %get3A_400 = arith.index_cast %get3A_399 : i32 to index
      %get3A_401 = arith.constant 0 : index
      %get3A_402 = tpu.vector_load %arg9[%get3A_400, %get3A_401] {strides = array<i32>} : memref<128x64xf32, #tpu.memory_space<vmem>>, vector<1x16xf32>,
      %get3A_403 = vector.shape_cast %get3A_402 : vector<1x16xf32> to vector<16xf32>
      %mul3A_404 = vector.broadcast %squeeze3A_398 : f32 to vector<16xf32>
      %mul3A_405 = arith.mulf %get3A_403, %mul3A_404 : vector<16xf32>
      %add3A_406 = arith.addf %add3A_372, %mul3A_405 : vector<16xf32>
      %get3A_407 = arith.constant 9 : i32
      %get3A_408 = arith.index_cast %get3A_407 : i32 to index
      %get3A_409 = arith.constant 16 : index
      %get3A_410 = tpu.vector_load %arg9[%get3A_408, %get3A_409] {strides = array<i32>} : memref<128x64xf32, #tpu.memory_space<vmem>>, vector<1x16xf32>,
      %get3A_411 = vector.shape_cast %get3A_410 : vector<1x16xf32> to vector<16xf32>
      %mul3A_412 = vector.broadcast %squeeze3A_398 : f32 to vector<16xf32>
      %mul3A_413 = arith.mulf %get3A_411, %mul3A_412 : vector<16xf32>
      %add3A_414 = arith.addf %add3A_380, %mul3A_413 : vector<16xf32>
      %get3A_415 = arith.constant 9 : i32
      %get3A_416 = arith.index_cast %get3A_415 : i32 to index
      %get3A_417 = arith.constant 32 : index
      %get3A_418 = tpu.vector_load %arg9[%get3A_416, %get3A_417] {strides = array<i32>} : memref<128x64xf32, #tpu.memory_space<vmem>>, vector<1x16xf32>,
      %get3A_419 = vector.shape_cast %get3A_418 : vector<1x16xf32> to vector<16xf32>
      %mul3A_420 = vector.broadcast %squeeze3A_398 : f32 to vector<16xf32>
      %mul3A_421 = arith.mulf %get3A_419, %mul3A_420 : vector<16xf32>
      %add3A_422 = arith.addf %add3A_388, %mul3A_421 : vector<16xf32>
      %get3A_423 = arith.constant 9 : i32
      %get3A_424 = arith.index_cast %get3A_423 : i32 to index
      %get3A_425 = arith.constant 48 : index
      %get3A_426 = tpu.vector_load %arg9[%get3A_424, %get3A_425] {strides = array<i32>} : memref<128x64xf32, #tpu.memory_space<vmem>>, vector<1x16xf32>,
      %get3A_427 = vector.shape_cast %get3A_426 : vector<1x16xf32> to vector<16xf32>
      %mul3A_428 = vector.broadcast %squeeze3A_398 : f32 to vector<16xf32>
      %mul3A_429 = arith.mulf %get3A_427, %mul3A_428 : vector<16xf32>
      %add3A_430 = arith.addf %add3A_396, %mul3A_429 : vector<16xf32>
      %slice3A_431 = vector.extract_strided_slice %get3A_62 {offsets = [10], sizes = [1], strides = [1]} : vector<16xf32> to vector<1xf32>
      %squeeze3A_432 = vector.extract %slice3A_431[0] : f32 from vector<1xf32>
      %get3A_433 = arith.constant 10 : i32
      %get3A_434 = arith.index_cast %get3A_433 : i32 to index
      %get3A_435 = arith.constant 0 : index
      %get3A_436 = tpu.vector_load %arg9[%get3A_434, %get3A_435] {strides = array<i32>} : memref<128x64xf32, #tpu.memory_space<vmem>>, vector<1x16xf32>,
      %get3A_437 = vector.shape_cast %get3A_436 : vector<1x16xf32> to vector<16xf32>
      %mul3A_438 = vector.broadcast %squeeze3A_432 : f32 to vector<16xf32>
      %mul3A_439 = arith.mulf %get3A_437, %mul3A_438 : vector<16xf32>
      %add3A_440 = arith.addf %add3A_406, %mul3A_439 : vector<16xf32>
      %get3A_441 = arith.constant 10 : i32
      %get3A_442 = arith.index_cast %get3A_441 : i32 to index
      %get3A_443 = arith.constant 16 : index
      %get3A_444 = tpu.vector_load %arg9[%get3A_442, %get3A_443] {strides = array<i32>} : memref<128x64xf32, #tpu.memory_space<vmem>>, vector<1x16xf32>,
      %get3A_445 = vector.shape_cast %get3A_444 : vector<1x16xf32> to vector<16xf32>
      %mul3A_446 = vector.broadcast %squeeze3A_432 : f32 to vector<16xf32>
      %mul3A_447 = arith.mulf %get3A_445, %mul3A_446 : vector<16xf32>
      %add3A_448 = arith.addf %add3A_414, %mul3A_447 : vector<16xf32>
      %get3A_449 = arith.constant 10 : i32
      %get3A_450 = arith.index_cast %get3A_449 : i32 to index
      %get3A_451 = arith.constant 32 : index
      %get3A_452 = tpu.vector_load %arg9[%get3A_450, %get3A_451] {strides = array<i32>} : memref<128x64xf32, #tpu.memory_space<vmem>>, vector<1x16xf32>,
      %get3A_453 = vector.shape_cast %get3A_452 : vector<1x16xf32> to vector<16xf32>
      %mul3A_454 = vector.broadcast %squeeze3A_432 : f32 to vector<16xf32>
      %mul3A_455 = arith.mulf %get3A_453, %mul3A_454 : vector<16xf32>
      %add3A_456 = arith.addf %add3A_422, %mul3A_455 : vector<16xf32>
      %get3A_457 = arith.constant 10 : i32
      %get3A_458 = arith.index_cast %get3A_457 : i32 to index
      %get3A_459 = arith.constant 48 : index
      %get3A_460 = tpu.vector_load %arg9[%get3A_458, %get3A_459] {strides = array<i32>} : memref<128x64xf32, #tpu.memory_space<vmem>>, vector<1x16xf32>,
      %get3A_461 = vector.shape_cast %get3A_460 : vector<1x16xf32> to vector<16xf32>
      %mul3A_462 = vector.broadcast %squeeze3A_432 : f32 to vector<16xf32>
      %mul3A_463 = arith.mulf %get3A_461, %mul3A_462 : vector<16xf32>
      %add3A_464 = arith.addf %add3A_430, %mul3A_463 : vector<16xf32>
      %slice3A_465 = vector.extract_strided_slice %get3A_62 {offsets = [11], sizes = [1], strides = [1]} : vector<16xf32> to vector<1xf32>
      %squeeze3A_466 = vector.extract %slice3A_465[0] : f32 from vector<1xf32>
      %get3A_467 = arith.constant 11 : i32
      %get3A_468 = arith.index_cast %get3A_467 : i32 to index
      %get3A_469 = arith.constant 0 : index
      %get3A_470 = tpu.vector_load %arg9[%get3A_468, %get3A_469] {strides = array<i32>} : memref<128x64xf32, #tpu.memory_space<vmem>>, vector<1x16xf32>,
      %get3A_471 = vector.shape_cast %get3A_470 : vector<1x16xf32> to vector<16xf32>
      %mul3A_472 = vector.broadcast %squeeze3A_466 : f32 to vector<16xf32>
      %mul3A_473 = arith.mulf %get3A_471, %mul3A_472 : vector<16xf32>
      %add3A_474 = arith.addf %add3A_440, %mul3A_473 : vector<16xf32>
      %get3A_475 = arith.constant 11 : i32
      %get3A_476 = arith.index_cast %get3A_475 : i32 to index
      %get3A_477 = arith.constant 16 : index
      %get3A_478 = tpu.vector_load %arg9[%get3A_476, %get3A_477] {strides = array<i32>} : memref<128x64xf32, #tpu.memory_space<vmem>>, vector<1x16xf32>,
      %get3A_479 = vector.shape_cast %get3A_478 : vector<1x16xf32> to vector<16xf32>
      %mul3A_480 = vector.broadcast %squeeze3A_466 : f32 to vector<16xf32>
      %mul3A_481 = arith.mulf %get3A_479, %mul3A_480 : vector<16xf32>
      %add3A_482 = arith.addf %add3A_448, %mul3A_481 : vector<16xf32>
      %get3A_483 = arith.constant 11 : i32
      %get3A_484 = arith.index_cast %get3A_483 : i32 to index
      %get3A_485 = arith.constant 32 : index
      %get3A_486 = tpu.vector_load %arg9[%get3A_484, %get3A_485] {strides = array<i32>} : memref<128x64xf32, #tpu.memory_space<vmem>>, vector<1x16xf32>,
      %get3A_487 = vector.shape_cast %get3A_486 : vector<1x16xf32> to vector<16xf32>
      %mul3A_488 = vector.broadcast %squeeze3A_466 : f32 to vector<16xf32>
      %mul3A_489 = arith.mulf %get3A_487, %mul3A_488 : vector<16xf32>
      %add3A_490 = arith.addf %add3A_456, %mul3A_489 : vector<16xf32>
      %get3A_491 = arith.constant 11 : i32
      %get3A_492 = arith.index_cast %get3A_491 : i32 to index
      %get3A_493 = arith.constant 48 : index
      %get3A_494 = tpu.vector_load %arg9[%get3A_492, %get3A_493] {strides = array<i32>} : memref<128x64xf32, #tpu.memory_space<vmem>>, vector<1x16xf32>,
      %get3A_495 = vector.shape_cast %get3A_494 : vector<1x16xf32> to vector<16xf32>
      %mul3A_496 = vector.broadcast %squeeze3A_466 : f32 to vector<16xf32>
      %mul3A_497 = arith.mulf %get3A_495, %mul3A_496 : vector<16xf32>
      %add3A_498 = arith.addf %add3A_464, %mul3A_497 : vector<16xf32>
      %slice3A_499 = vector.extract_strided_slice %get3A_62 {offsets = [12], sizes = [1], strides = [1]} : vector<16xf32> to vector<1xf32>
      %squeeze3A_500 = vector.extract %slice3A_499[0] : f32 from vector<1xf32>
      %get3A_501 = arith.constant 12 : i32
      %get3A_502 = arith.index_cast %get3A_501 : i32 to index
      %get3A_503 = arith.constant 0 : index
      %get3A_504 = tpu.vector_load %arg9[%get3A_502, %get3A_503] {strides = array<i32>} : memref<128x64xf32, #tpu.memory_space<vmem>>, vector<1x16xf32>,
      %get3A_505 = vector.shape_cast %get3A_504 : vector<1x16xf32> to vector<16xf32>
      %mul3A_506 = vector.broadcast %squeeze3A_500 : f32 to vector<16xf32>
      %mul3A_507 = arith.mulf %get3A_505, %mul3A_506 : vector<16xf32>
      %add3A_508 = arith.addf %add3A_474, %mul3A_507 : vector<16xf32>
      %get3A_509 = arith.constant 12 : i32
      %get3A_510 = arith.index_cast %get3A_509 : i32 to index
      %get3A_511 = arith.constant 16 : index
      %get3A_512 = tpu.vector_load %arg9[%get3A_510, %get3A_511] {strides = array<i32>} : memref<128x64xf32, #tpu.memory_space<vmem>>, vector<1x16xf32>,
      %get3A_513 = vector.shape_cast %get3A_512 : vector<1x16xf32> to vector<16xf32>
      %mul3A_514 = vector.broadcast %squeeze3A_500 : f32 to vector<16xf32>
      %mul3A_515 = arith.mulf %get3A_513, %mul3A_514 : vector<16xf32>
      %add3A_516 = arith.addf %add3A_482, %mul3A_515 : vector<16xf32>
      %get3A_517 = arith.constant 12 : i32
      %get3A_518 = arith.index_cast %get3A_517 : i32 to index
      %get3A_519 = arith.constant 32 : index
      %get3A_520 = tpu.vector_load %arg9[%get3A_518, %get3A_519] {strides = array<i32>} : memref<128x64xf32, #tpu.memory_space<vmem>>, vector<1x16xf32>,
      %get3A_521 = vector.shape_cast %get3A_520 : vector<1x16xf32> to vector<16xf32>
      %mul3A_522 = vector.broadcast %squeeze3A_500 : f32 to vector<16xf32>
      %mul3A_523 = arith.mulf %get3A_521, %mul3A_522 : vector<16xf32>
      %add3A_524 = arith.addf %add3A_490, %mul3A_523 : vector<16xf32>
      %get3A_525 = arith.constant 12 : i32
      %get3A_526 = arith.index_cast %get3A_525 : i32 to index
      %get3A_527 = arith.constant 48 : index
      %get3A_528 = tpu.vector_load %arg9[%get3A_526, %get3A_527] {strides = array<i32>} : memref<128x64xf32, #tpu.memory_space<vmem>>, vector<1x16xf32>,
      %get3A_529 = vector.shape_cast %get3A_528 : vector<1x16xf32> to vector<16xf32>
      %mul3A_530 = vector.broadcast %squeeze3A_500 : f32 to vector<16xf32>
      %mul3A_531 = arith.mulf %get3A_529, %mul3A_530 : vector<16xf32>
      %add3A_532 = arith.addf %add3A_498, %mul3A_531 : vector<16xf32>
      %slice3A_533 = vector.extract_strided_slice %get3A_62 {offsets = [13], sizes = [1], strides = [1]} : vector<16xf32> to vector<1xf32>
      %squeeze3A_534 = vector.extract %slice3A_533[0] : f32 from vector<1xf32>
      %get3A_535 = arith.constant 13 : i32
      %get3A_536 = arith.index_cast %get3A_535 : i32 to index
      %get3A_537 = arith.constant 0 : index
      %get3A_538 = tpu.vector_load %arg9[%get3A_536, %get3A_537] {strides = array<i32>} : memref<128x64xf32, #tpu.memory_space<vmem>>, vector<1x16xf32>,
      %get3A_539 = vector.shape_cast %get3A_538 : vector<1x16xf32> to vector<16xf32>
      %mul3A_540 = vector.broadcast %squeeze3A_534 : f32 to vector<16xf32>
      %mul3A_541 = arith.mulf %get3A_539, %mul3A_540 : vector<16xf32>
      %add3A_542 = arith.addf %add3A_508, %mul3A_541 : vector<16xf32>
      %get3A_543 = arith.constant 13 : i32
      %get3A_544 = arith.index_cast %get3A_543 : i32 to index
      %get3A_545 = arith.constant 16 : index
      %get3A_546 = tpu.vector_load %arg9[%get3A_544, %get3A_545] {strides = array<i32>} : memref<128x64xf32, #tpu.memory_space<vmem>>, vector<1x16xf32>,
      %get3A_547 = vector.shape_cast %get3A_546 : vector<1x16xf32> to vector<16xf32>
      %mul3A_548 = vector.broadcast %squeeze3A_534 : f32 to vector<16xf32>
      %mul3A_549 = arith.mulf %get3A_547, %mul3A_548 : vector<16xf32>
      %add3A_550 = arith.addf %add3A_516, %mul3A_549 : vector<16xf32>
      %get3A_551 = arith.constant 13 : i32
      %get3A_552 = arith.index_cast %get3A_551 : i32 to index
      %get3A_553 = arith.constant 32 : index
      %get3A_554 = tpu.vector_load %arg9[%get3A_552, %get3A_553] {strides = array<i32>} : memref<128x64xf32, #tpu.memory_space<vmem>>, vector<1x16xf32>,
      %get3A_555 = vector.shape_cast %get3A_554 : vector<1x16xf32> to vector<16xf32>
      %mul3A_556 = vector.broadcast %squeeze3A_534 : f32 to vector<16xf32>
      %mul3A_557 = arith.mulf %get3A_555, %mul3A_556 : vector<16xf32>
      %add3A_558 = arith.addf %add3A_524, %mul3A_557 : vector<16xf32>
      %get3A_559 = arith.constant 13 : i32
      %get3A_560 = arith.index_cast %get3A_559 : i32 to index
      %get3A_561 = arith.constant 48 : index
      %get3A_562 = tpu.vector_load %arg9[%get3A_560, %get3A_561] {strides = array<i32>} : memref<128x64xf32, #tpu.memory_space<vmem>>, vector<1x16xf32>,
      %get3A_563 = vector.shape_cast %get3A_562 : vector<1x16xf32> to vector<16xf32>
      %mul3A_564 = vector.broadcast %squeeze3A_534 : f32 to vector<16xf32>
      %mul3A_565 = arith.mulf %get3A_563, %mul3A_564 : vector<16xf32>
      %add3A_566 = arith.addf %add3A_532, %mul3A_565 : vector<16xf32>
      %slice3A_567 = vector.extract_strided_slice %get3A_62 {offsets = [14], sizes = [1], strides = [1]} : vector<16xf32> to vector<1xf32>
      %squeeze3A_568 = vector.extract %slice3A_567[0] : f32 from vector<1xf32>
      %get3A_569 = arith.constant 14 : i32
      %get3A_570 = arith.index_cast %get3A_569 : i32 to index
      %get3A_571 = arith.constant 0 : index
      %get3A_572 = tpu.vector_load %arg9[%get3A_570, %get3A_571] {strides = array<i32>} : memref<128x64xf32, #tpu.memory_space<vmem>>, vector<1x16xf32>,
      %get3A_573 = vector.shape_cast %get3A_572 : vector<1x16xf32> to vector<16xf32>
      %mul3A_574 = vector.broadcast %squeeze3A_568 : f32 to vector<16xf32>
      %mul3A_575 = arith.mulf %get3A_573, %mul3A_574 : vector<16xf32>
      %add3A_576 = arith.addf %add3A_542, %mul3A_575 : vector<16xf32>
      %get3A_577 = arith.constant 14 : i32
      %get3A_578 = arith.index_cast %get3A_577 : i32 to index
      %get3A_579 = arith.constant 16 : index
      %get3A_580 = tpu.vector_load %arg9[%get3A_578, %get3A_579] {strides = array<i32>} : memref<128x64xf32, #tpu.memory_space<vmem>>, vector<1x16xf32>,
      %get3A_581 = vector.shape_cast %get3A_580 : vector<1x16xf32> to vector<16xf32>
      %mul3A_582 = vector.broadcast %squeeze3A_568 : f32 to vector<16xf32>
      %mul3A_583 = arith.mulf %get3A_581, %mul3A_582 : vector<16xf32>
      %add3A_584 = arith.addf %add3A_550, %mul3A_583 : vector<16xf32>
      %get3A_585 = arith.constant 14 : i32
      %get3A_586 = arith.index_cast %get3A_585 : i32 to index
      %get3A_587 = arith.constant 32 : index
      %get3A_588 = tpu.vector_load %arg9[%get3A_586, %get3A_587] {strides = array<i32>} : memref<128x64xf32, #tpu.memory_space<vmem>>, vector<1x16xf32>,
      %get3A_589 = vector.shape_cast %get3A_588 : vector<1x16xf32> to vector<16xf32>
      %mul3A_590 = vector.broadcast %squeeze3A_568 : f32 to vector<16xf32>
      %mul3A_591 = arith.mulf %get3A_589, %mul3A_590 : vector<16xf32>
      %add3A_592 = arith.addf %add3A_558, %mul3A_591 : vector<16xf32>
      %get3A_593 = arith.constant 14 : i32
      %get3A_594 = arith.index_cast %get3A_593 : i32 to index
      %get3A_595 = arith.constant 48 : index
      %get3A_596 = tpu.vector_load %arg9[%get3A_594, %get3A_595] {strides = array<i32>} : memref<128x64xf32, #tpu.memory_space<vmem>>, vector<1x16xf32>,
      %get3A_597 = vector.shape_cast %get3A_596 : vector<1x16xf32> to vector<16xf32>
      %mul3A_598 = vector.broadcast %squeeze3A_568 : f32 to vector<16xf32>
      %mul3A_599 = arith.mulf %get3A_597, %mul3A_598 : vector<16xf32>
      %add3A_600 = arith.addf %add3A_566, %mul3A_599 : vector<16xf32>
      %slice3A_601 = vector.extract_strided_slice %get3A_62 {offsets = [15], sizes = [1], strides = [1]} : vector<16xf32> to vector<1xf32>
      %squeeze3A_602 = vector.extract %slice3A_601[0] : f32 from vector<1xf32>
      %get3A_603 = arith.constant 15 : i32
      %get3A_604 = arith.index_cast %get3A_603 : i32 to index
      %get3A_605 = arith.constant 0 : index
      %get3A_606 = tpu.vector_load %arg9[%get3A_604, %get3A_605] {strides = array<i32>} : memref<128x64xf32, #tpu.memory_space<vmem>>, vector<1x16xf32>,
      %get3A_607 = vector.shape_cast %get3A_606 : vector<1x16xf32> to vector<16xf32>
      %mul3A_608 = vector.broadcast %squeeze3A_602 : f32 to vector<16xf32>
      %mul3A_609 = arith.mulf %get3A_607, %mul3A_608 : vector<16xf32>
      %add3A_610 = arith.addf %add3A_576, %mul3A_609 : vector<16xf32>
      %get3A_611 = arith.constant 15 : i32
      %get3A_612 = arith.index_cast %get3A_611 : i32 to index
      %get3A_613 = arith.constant 16 : index
      %get3A_614 = tpu.vector_load %arg9[%get3A_612, %get3A_613] {strides = array<i32>} : memref<128x64xf32, #tpu.memory_space<vmem>>, vector<1x16xf32>,
      %get3A_615 = vector.shape_cast %get3A_614 : vector<1x16xf32> to vector<16xf32>
      %mul3A_616 = vector.broadcast %squeeze3A_602 : f32 to vector<16xf32>
      %mul3A_617 = arith.mulf %get3A_615, %mul3A_616 : vector<16xf32>
      %add3A_618 = arith.addf %add3A_584, %mul3A_617 : vector<16xf32>
      %get3A_619 = arith.constant 15 : i32
      %get3A_620 = arith.index_cast %get3A_619 : i32 to index
      %get3A_621 = arith.constant 32 : index
      %get3A_622 = tpu.vector_load %arg9[%get3A_620, %get3A_621] {strides = array<i32>} : memref<128x64xf32, #tpu.memory_space<vmem>>, vector<1x16xf32>,
      %get3A_623 = vector.shape_cast %get3A_622 : vector<1x16xf32> to vector<16xf32>
      %mul3A_624 = vector.broadcast %squeeze3A_602 : f32 to vector<16xf32>
      %mul3A_625 = arith.mulf %get3A_623, %mul3A_624 : vector<16xf32>
      %add3A_626 = arith.addf %add3A_592, %mul3A_625 : vector<16xf32>
      %get3A_627 = arith.constant 15 : i32
      %get3A_628 = arith.index_cast %get3A_627 : i32 to index
      %get3A_629 = arith.constant 48 : index
      %get3A_630 = tpu.vector_load %arg9[%get3A_628, %get3A_629] {strides = array<i32>} : memref<128x64xf32, #tpu.memory_space<vmem>>, vector<1x16xf32>,
      %get3A_631 = vector.shape_cast %get3A_630 : vector<1x16xf32> to vector<16xf32>
      %mul3A_632 = vector.broadcast %squeeze3A_602 : f32 to vector<16xf32>
      %mul3A_633 = arith.mulf %get3A_631, %mul3A_632 : vector<16xf32>
      %add3A_634 = arith.addf %add3A_600, %mul3A_633 : vector<16xf32>
      %swap3A_635 = arith.constant 64 : index
      %swap3A_636 = tpu.vector_load %arg11[%swap3A_635] {strides = array<i32>} : memref<40960xf32, #tpu.memory_space<vmem>>, vector<16xf32>,
      %swap3A_637 = vector.shape_cast %swap3A_636 : vector<16xf32> to vector<16xf32>
      %swap3A_638 = vector.shape_cast %add3A_610 : vector<16xf32> to vector<16xf32>
      tpu.vector_store %arg11[%swap3A_635], %swap3A_638 {strides = array<i32>} : memref<40960xf32, #tpu.memory_space<vmem>>, vector<16xf32>,
      %swap3A_639 = arith.constant 80 : index
      %swap3A_640 = tpu.vector_load %arg11[%swap3A_639] {strides = array<i32>} : memref<40960xf32, #tpu.memory_space<vmem>>, vector<16xf32>,
      %swap3A_641 = vector.shape_cast %swap3A_640 : vector<16xf32> to vector<16xf32>
      %swap3A_642 = vector.shape_cast %add3A_618 : vector<16xf32> to vector<16xf32>
      tpu.vector_store %arg11[%swap3A_639], %swap3A_642 {strides = array<i32>} : memref<40960xf32, #tpu.memory_space<vmem>>, vector<16xf32>,
      %swap3A_643 = arith.constant 96 : index
      %swap3A_644 = tpu.vector_load %arg11[%swap3A_643] {strides = array<i32>} : memref<40960xf32, #tpu.memory_space<vmem>>, vector<16xf32>,
      %swap3A_645 = vector.shape_cast %swap3A_644 : vector<16xf32> to vector<16xf32>
      %swap3A_646 = vector.shape_cast %add3A_626 : vector<16xf32> to vector<16xf32>
      tpu.vector_store %arg11[%swap3A_643], %swap3A_646 {strides = array<i32>} : memref<40960xf32, #tpu.memory_space<vmem>>, vector<16xf32>,
      %swap3A_647 = arith.constant 112 : index
      %swap3A_648 = tpu.vector_load %arg11[%swap3A_647] {strides = array<i32>} : memref<40960xf32, #tpu.memory_space<vmem>>, vector<16xf32>,
      %swap3A_649 = vector.shape_cast %swap3A_648 : vector<16xf32> to vector<16xf32>
      %swap3A_650 = vector.shape_cast %add3A_634 : vector<16xf32> to vector<16xf32>
      tpu.vector_store %arg11[%swap3A_647], %swap3A_650 {strides = array<i32>} : memref<40960xf32, #tpu.memory_space<vmem>>, vector<16xf32>,
      "tpu.region"() ({
        %run_scoped3A = tpu.sem_alloc : memref<!tpu.dma_semaphore, #tpu.memory_space<semaphore_mem>>
        %dma_start3A_651 = arith.constant 0 : i32
        %dma_start3A_652 = tpu.memref_slice %arg11[%dma_start3A_651] : memref<40960xf32, #tpu.memory_space<vmem>> -> memref<128xf32, #tpu.memory_space<vmem>>
        %dma_start3A_653 = arith.constant 2621440 : i32
        %dma_start3A_654 = tpu.memref_slice %arg5[%dma_start3A_653] : memref<2621568xf32, #tpu.memory_space<hbm>> -> memref<128xf32, #tpu.memory_space<hbm>>
        %dma_start3A_655 = arith.constant 2621440 : i32
        %dma_start3A_656 = tpu.memref_slice %arg5[%dma_start3A_655] : memref<2621568xf32, #tpu.memory_space<hbm>> -> memref<128xf32, #tpu.memory_space<hbm>>
        %dma_start3A_657 = arith.constant 0 : i32
        %dma_start3A_658 = tpu.memref_slice %arg11[%dma_start3A_657] : memref<40960xf32, #tpu.memory_space<vmem>> -> memref<128xf32, #tpu.memory_space<vmem>>
        tpu.enqueue_dma source(%dma_start3A_658 : memref<128xf32, #tpu.memory_space<vmem>>) target(%dma_start3A_656 : memref<128xf32, #tpu.memory_space<hbm>>) target_semaphore(%run_scoped3A : memref<!tpu.dma_semaphore, #tpu.memory_space<semaphore_mem>>)
        %dma_wait3A_659 = arith.constant 0 : i32
        %dma_wait3A_660 = tpu.memref_slice %arg11[%dma_wait3A_659] : memref<40960xf32, #tpu.memory_space<vmem>> -> memref<128xf32, #tpu.memory_space<vmem>>
        %dma_wait3A_661 = arith.constant 2621440 : i32
        %dma_wait3A_662 = tpu.memref_slice %arg5[%dma_wait3A_661] : memref<2621568xf32, #tpu.memory_space<hbm>> -> memref<128xf32, #tpu.memory_space<hbm>>
        %dma_wait3A_663 = arith.constant 2621440 : i32
        %dma_wait3A_664 = tpu.memref_slice %arg5[%dma_wait3A_663] : memref<2621568xf32, #tpu.memory_space<hbm>> -> memref<128xf32, #tpu.memory_space<hbm>>
        %dma_wait3A_665 = arith.constant 0 : i32
        %dma_wait3A_666 = tpu.memref_slice %arg11[%dma_wait3A_665] : memref<40960xf32, #tpu.memory_space<vmem>> -> memref<128xf32, #tpu.memory_space<vmem>>
        tpu.wait_dma2 semaphore(%run_scoped3A : memref<!tpu.dma_semaphore, #tpu.memory_space<semaphore_mem>>) src(%dma_wait3A_666 : memref<128xf32, #tpu.memory_space<vmem>>) dst(%dma_wait3A_664 : memref<128xf32, #tpu.memory_space<hbm>>)
        tpu.yield
      }) : () -> ()
    } else {
    }
    return
  }
}

</mosaic_0001>

<sc_bundles>
// kernel: _sc_interp.3.cloned.1.call-start
scs
__scs_entry_jumppad:
0x0: {  	(pc) =	sbr.rel $0x88, $3  }
0x1: {  	(tag) =	ssettag $0x0;
	lr =	simm.s32 $0x1  }
0x2: {  	[smem:$0x3F9E] =	sst lr;
	_ =	strace $0xD0000000  }
0x3: {  	_ = 	snop  }
0x4: {  	_ = 	snop  }
0x5: {  	_ = 	snop  }
0x6: {  	_ = 	snop  }
0x7: {  	_ = 	snop  }
__scs_overlays_trampoline_lowered:
0x8: {  	[smem:$0x3FAD] =	sst s0  }
0x9: {  	[smem:$0x3FAE] =	sst s1  }
0xa: {  	[smem:$0x3FAF] =	sst s2  }
0xb: {  	[smem:$0x3FB0] =	sst s3  }
0xc: {  	[smem:$0x3FB1] =	sst s4  }
0xd: {  	[smem:$0x3FB2] =	sst s5  }
0xe: {  	[smem:$0x3FB3] =	sst s6  }
0xf: {  	[smem:$0x3FB4] =	sst s7  }
0x10: {  	[smem:$0x3FB5] =	sst s8  }
0x11: {  	[smem:$0x3FB6] =	sst s9;
	s0 =	simm.s32 @!p0 $0x0  }
0x12: {  	s1 =	sld [smem:$0x3F9C];
	s0 =	simm.s32 @p0 $0x1  }
0x13: {  	[smem:$0x3FB7] =	sst s0;
	s0 =	simm.s32 @!p1 $0x0  }
0x14: {  	s2 =	sld [smem:$0x3F9B];
	s0 =	simm.s32 @p1 $0x1  }
0x15: {  	[smem:$0x3FB8] =	sst s0;
	s0 =	simm.s32 @!p2 $0x0  }
0x16: {  	s3 =	sld [smem:$0x3FDB];
	s0 =	simm.s32 @p2 $0x1  }
0x17: {  	s4 =	simm.s32 $0x1BF5;
	[smem:$0x3FBA] =	sst s0  }
0x18: {  	s0 =	sld [smem:$0x3F9D];
	_ =	swait.ge [sflag:s4], $0x0  }
0x19: {  	s7 =	sld [smem:$0x3F9E]  }
0x1a: {  	s8 =	sadd.s32 $0xFFFFE003, lr  }
0x1b: {  	s9 =	sadd.s32 $0xFFFFFEF7, lr;
	s5 =	simm.s32 $0xFFFFFFFF;
	p2 =	slt.u32 s8, $0xFFFFF086  }
0x1c: {  	p1 =	slt.u32 s9, $0xF7A;
	s5 =	simm.s32 @!p2 $0x0  }
0x1d: {  	s5 =	simm.s32 @p1 $0x1;
	p0 =	seq.s32 s7, s2  }
0x1e: {  	s7 =	smul.u32 @!p0 $0xF7A, s2;
	p2 =	seq.s32 @!p0 s5, $0x0  }
0x1f: {  	s9 =	smul.u32 $0xF7A, s1;
	s8 =	simm.s32 @!p0 $0x1BF5;
	p2 =	por !p2, p0  }
0x20: {  	[sflag:s8] =	ssyncset.s32 @!p0 $0xFFFFF086;
	s6 =	sadd.s32 @!p0 s3, s7;
	s7 =	simm.s32 @!p0 $0x108  }
0x21: {  	s3 =	sadd.s32 s3, s9;
	s6 =	sadd.s32 @!p0 $0x88, s6;
	s7 =	simm.s32 @p2 $0x1082  }
0x22: {  	[simem:s7], [sflag:s8] =	dma.local @!p0 [hbm:s6], $0xF7A  }
0x23: {  	s9 =	sor.u32 $0xD0000000, s2;
	s6 =	simm.s32 $0x108;
	_ =	swait.ge @!p0 [sflag:s8], $0x0  }
0x24: {  	s3 =	sadd.s32 $0x88, s3;
	s6 =	simm.s32 @!p1 $0x1082;
	[sflag:s4] =	ssyncset.s32 $0xFFFFF086  }
0x25: {  	[simem:s6], [sflag:s4] =	dma.local [hbm:s3], $0xF7A  }
0x26: {  	[smem:$0x3F9E] =	sst s1;
	(tag) =	ssettag s2;
	_ =	strace s9  }
0x27: {  	s1 =	sld [smem:$0x3FAE]  }
0x28: {  	s2 =	sld [smem:$0x3FAF]  }
0x29: {  	s4 =	sld [smem:$0x3FB1]  }
0x2a: {  	p0 =	seq.s32 s5, $0x0;
	s5 =	sld [smem:$0x3FB2]  }
0x2b: {  	s6 =	sld [smem:$0x3FB3]  }
0x2c: {  	s7 =	sld [smem:$0x3FB4]  }
0x2d: {  	s3 =	simm.s32 $0x108;
	s8 =	sld [smem:$0x3FB5]  }
0x2e: {  	s3 =	simm.s32 @!p0 $0x1082;
	s9 =	sld [smem:$0x3FB6]  }
0x2f: {  	lr =	sadd.s32 s0, s3;
	s0 =	sld [smem:$0x3FAD]  }
0x30: {  	s3 =	sld [smem:$0x3FB0]  }
0x31: {  	[smem:$0x3FB9] =	sst s10  }
0x32: {  	s10 =	sld [smem:$0x3FB7];
	_ =	sdelay $0x3  }
0x33: {  	p0 =	seq.s32 s10, $0x1;
	s10 =	sld [smem:$0x3FB9];
	_ =	sdelay $0x3  }
0x34: {  	[smem:$0x3FB9] =	sst s10  }
0x35: {  	s10 =	sld [smem:$0x3FB8];
	_ =	sdelay $0x3  }
0x36: {  	p1 =	seq.s32 s10, $0x1;
	s10 =	sld [smem:$0x3FB9];
	_ =	sdelay $0x3  }
0x37: {  	[smem:$0x3FB9] =	sst s10  }
0x38: {  	s10 =	sld [smem:$0x3FBA]  }
0x39: {  	_ = 	snop;
	(pc) =	sbr.ind lr, $3  }
0x3a: {  	_ = 	snop  }
0x3b: {  	_ = 	snop  }
0x3c: {  	p2 =	seq.s32 s10, $0x1;
	s10 =	sld [smem:$0x3FB9]  }
0x3d: {  	_ =	shalt  }
0x3e: {  	_ =	shalt  }
0x3f: {  	_ =	shalt  }
0x40: {  	_ =	shalt  }
0x41: {  	_ =	shalt  }
0x42: {  	_ =	shalt  }
0x43: {  	_ =	shalt  }
0x44: {  	_ =	shalt  }
0x45: {  	_ =	shalt  }
0x46: {  	_ =	shalt  }
0x47: {  	_ =	shalt  }
0x48: {  	_ =	shalt  }
0x49: {  	_ =	shalt  }
0x4a: {  	_ =	shalt  }
0x4b: {  	_ =	shalt  }
0x4c: {  	_ =	shalt  }
0x4d: {  	_ =	shalt  }
0x4e: {  	_ =	shalt  }
0x4f: {  	_ =	shalt  }
0x50: {  	_ =	shalt  }
0x51: {  	_ =	shalt  }
0x52: {  	_ =	shalt  }
0x53: {  	_ =	shalt  }
0x54: {  	_ =	shalt  }
0x55: {  	_ =	shalt  }
0x56: {  	_ =	shalt  }
0x57: {  	_ =	shalt  }
0x58: {  	_ =	shalt  }
0x59: {  	_ =	shalt  }
0x5a: {  	_ =	shalt  }
0x5b: {  	_ =	shalt  }
0x5c: {  	_ =	shalt  }
0x5d: {  	_ =	shalt  }
0x5e: {  	_ =	shalt  }
0x5f: {  	_ =	shalt  }
0x60: {  	_ =	shalt  }
0x61: {  	_ =	shalt  }
0x62: {  	_ =	shalt  }
0x63: {  	_ =	shalt  }
0x64: {  	_ =	shalt  }
0x65: {  	_ =	shalt  }
0x66: {  	_ =	shalt  }
0x67: {  	_ =	shalt  }
0x68: {  	_ =	shalt  }
0x69: {  	_ =	shalt  }
0x6a: {  	_ =	shalt  }
0x6b: {  	_ =	shalt  }
0x6c: {  	_ =	shalt  }
0x6d: {  	_ =	shalt  }
0x6e: {  	_ =	shalt  }
0x6f: {  	_ =	shalt  }
0x70: {  	_ =	shalt  }
0x71: {  	_ =	shalt  }
0x72: {  	_ =	shalt  }
0x73: {  	_ =	shalt  }
0x74: {  	_ =	shalt  }
0x75: {  	_ =	shalt  }
0x76: {  	_ =	shalt  }
0x77: {  	_ =	shalt  }
0x78: {  	_ =	shalt  }
0x79: {  	_ =	shalt  }
0x7a: {  	_ =	shalt  }
0x7b: {  	_ =	shalt  }
0x7c: {  	_ =	shalt  }
0x7d: {  	_ =	shalt  }
0x7e: {  	_ =	shalt  }
0x7f: {  	_ =	shalt  }
0x80: {  	_ =	shalt  }
0x81: {  	_ =	shalt  }
0x82: {  	_ =	shalt  }
0x83: {  	_ =	shalt  }
0x84: {  	_ =	shalt  }
0x85: {  	_ =	shalt  }
0x86: {  	_ =	shalt  }
0x87: {  	_ =	shalt  }
.Lfunc_end0:
.L_simem_size_0:
called_computation_lowered:
.L_overlay_start_0:
0x88: {  	s2 =	sld [smem:$0x3FD9]  }
0x89: {  	s3 =	sld [smem:$0x3FFE];
	_ =	sdelay $0x1  }
0x8a: {  	s1 =	srdreg.scid  }
0x8b: {  	s0 =	sand.u32 $0x1, s1  }
0x8c: {  	s17 =	sshll.u32 s0, $0xA;
	s2 =	sadd.s32 s3, s2  }
0x8d: {  	s2 =	sadd.s32 s2, s17  }
0x8e: {  	[smem:$0x3FC5] =	sst s2  }
0x8f: {  	_ = 	snop  }
0x90: {  	s2 =	sld [smem:$0x3FC8]  }
0x91: {  	s18 =	sld [smem:$0x3FC7]  }
0x92: {  	s4 =	sld [smem:$0x3FD0];
	(tm) =	ssettm $0x1  }
0x93: {  	s5 =	sld [smem:$0x3FFB];
	_ =	sdelay $0x3  }
0x94: {  	_ =	strace s5  }
0x95: {  	s5 =	sld [smem:$0x3FFC];
	_ =	sdelay $0x3  }
0x96: {  	_ =	strace s5  }
0x97: {  	s5 =	sld [smem:$0x3FFD];
	_ =	sdelay $0x3  }
0x98: {  	_ =	strace s5  }
0x99: {  	_ =	strace $0x8FFFFFFF  }
0x9a: {  	s19 =	sld [smem:$0x3FDB];
	_ =	sdelay $0x1  }
0x9b: {  	s6 =	simm.s32 $_scs_section_size  }
0x9c: {  	s7 =	simm.s32 $_size__tile_overlayer_lowered;
	s8 =	simm.s32 $_tile_overlayer_lowered  }
0x9d: {  	s22 =	simm.s32 $0x1BFF;
	s21 =	sshll.u32 s8, $0x1;
	s5 =	sadd.s32 s6, s19  }
0x9e: {  	s9 =	simm.s32 $0x0;
	s20 =	sshll.u32 s7, $0x1;
	s7 =	sadd.s32 s21, s5  }
0x9f: {  	[timem:s9], [sflag:s22] =	dma.local [hbm:s7], s20  }
0xa0: {  	_ =	swait.ge [sflag:s22], s20  }
0xa1: {  	s6 =	ssub.s32 $0x0, s20;
	[sflag:s22] =	ssyncset.done $0x0  }
0xa2: {  	[sflag:s22] =	ssyncadd.s32 s6;
	_ =	sdelay $0x1  }
0xa3: {  	s23 =	simm.s32 $0x1B8B  }
0xa4: {  	_ =	swait.ge [sflag:s23], $0x1  }
0xa5: {  	[sflag:s23] =	ssyncset.done $0x0  }
0xa6: {  	s25 =	simm.s32 $0x1B8E;
	s24 =	sld [smem:$0x3FFE];
	[sflag:s23] =	ssyncadd.s32 $0xFFFFFFFF  }
0xa7: {  	s26 =	simm.s32 $execute0_lowered;
	[smem:$0x3FD2] =	sst s25  }
0xa8: {  	s7 =	sshll.u32 s26, $0x1;
	_ =	strace $0x80000046;
	[dreg:$0x1] =	wrdreg $0xFFFFFFFF  }
0xa9: {  	s28 =	simm.s32 $_size_execute0_lowered;
	s5 =	sadd.s32 s5, s7;
	[dreg:$0x0] =	wrdreg $0x0  }
0xaa: {  	s7 =	sshll.u32 s28, $0x1;
	[dreg:$0x2] =	wrdreg s5  }
0xab: {  	[dreg:$0x3] =	wrdreg s7  }
0xac: {  	[dreg:$0x4] =	wrdreg $0xC0  }
0xad: {  	_ =	task [dreg:s9], $0x5FFFF  }
0xae: {  	[dreg:$0x1] =	wrdreg $0xFFFFFFFF  }
0xaf: {  	[dreg:$0x0] =	wrdreg $0x60  }
0xb0: {  	[dreg:$0x2] =	wrdreg s24  }
0xb1: {  	[dreg:$0x3] =	wrdreg s2  }
0xb2: {  	[dreg:$0x4] =	wrdreg s18  }
0xb3: {  	[dreg:$0x5] =	wrdreg s4  }
0xb4: {  	[dreg:$0x6] =	wrdreg $0x0  }
0xb5: {  	[dreg:$0x7] =	wrdreg $0x9  }
0xb6: {  	_ =	task.clear_ibuf [dreg:s9], $0x8FFFF;
	_ =	strace $0x90000046  }
0xb7: {  	s29 =	simm.s32 $0x9;
	_ =	strace $0x80000048  }
0xb8: {  	_ =	swait.ge [sflag:s29], $0x1  }
0xb9: {  	[sflag:s29] =	ssyncadd.s32 $0xFFFFFFFF  }
0xba: {  	_ =	strace $0x90000048  }
0xbb: {  	_ =	sfence  }
0xbc: {  	s30 =	sld [smem:$0x0];
	_ =	sdelay $0x2  }
0xbd: {  	s31 =	sshll.u32 s1, $0xD;
	s1 =	sshrl.u32 s1, $0x2  }
0xbe: {  	s3 =	sand.u32 $0x4000, s31;
	s1 =	sadd.s32 s1, s30  }
0xbf: {  	s0 =	sor.u32 s3, s0;
	s1 =	sshll.u32 s1, $0x11  }
0xc0: {  	s0 =	sor.u32 s1, s0  }
0xc1: {  	s0 =	sadd.s32 $0x8F2B, s0  }
0xc2: {  	[sflag:s0] =	ssyncadd.remote.s32 $0x1  }
0xc3: {  	_ =	sfence.sel $0xFFFF  }
0xc4: {  	[dreg:$0x0] =	wrdreg $0xFFFFFFFF;
	(pc) =	sbr.abs _section_cstart, $3  }
0xc5: {  	[dreg:$0x1] =	wrdreg $0xFFFFFFFF  }
0xc6: {  	_ =	task.clear_ibuf [dreg:s9], $0x2FFFF;
	_ =	strace $0x9FFFFFFF  }
0xc7: {  	(tm) =	ssettm $0x7FFFFFFF  }
tec
execute0_lowered:
.L_overlay_start_1:
0x0: {  	(tag) =	ssettag $0x1  }
0x1: {  	s0 =	rddreg [dreg:$0x0]  }
0x2: {  	s1 =	rddreg [dreg:$0x1]  }
0x3: {  	s4 =	rddreg [dreg:$0x2]  }
0x4: {  	s10 =	rddreg [dreg:$0x3]  }
0x5: {  	s2 =	rddreg [dreg:$0x4];
	s3 =	simm.s32 $0x0;
	s13 =	stileid.u32  }
0x6: {  	s6 =	srdreg.scid;
	s18 =	simm.s32 $0x3;
	s19 =	simm.s32 $0x80  }
0x7: {  	s30 =	simm.s32 $0x0;
	[smem:$0x7FF] =	sst s3;
	s5 =	smul.u32 $0xA000, s13  }
0x8: {  	s6 =	sand.u32 $0x1, s6;
	s7 =	sshll.u32 s13, $0x1;
	s14 =	sadd.s32 $0x96000, s2  }
0x9: {  	s28 =	sadd.s32 $0xA000, s1;
	p0 =	seq.s32 s13, $0xF;
	s29 =	sadd.s32 $0xA000, s4  }
0xa: {  	s31 =	sadd.s32 $0x50000, s10;
	_ =	strace $0x80000047;
	[dreg:$0x7] =	wrdreg s28  }
0xb: {  	s9 =	ssub.s32 $0x2, s6;
	s11 =	sor.u32 s6, s7;
	[dreg:$0x8] =	wrdreg s29  }
0xc: {  	[dreg:$0x9] =	wrdreg s31;
	s14 =	sshrl.u32 @p0 s14, $0x3;
	s22 =	smul.u32 $0x500, s11  }
0xd: {  	s8 =	sshrl.u32 s5, $0x3;
	s21 =	sshrl.u32 s9, $0x1;
	s23 =	smul.u32 $0x14000, s11  }
0xe: {  	s16 =	sadd.s32 s5, s2;
	s25 =	smul.u32 $0x2800, s11;
	s5 =	sadd.s32 $0x13000, s0  }
0xf: {  	p1 =	sne.s32 s11, $0x1F;
	s20 =	sadd.s32 s8, s0;
	s12 =	ssub.s32 s9, s21  }
0x10: {  	s16 =	sshrl.u32 @!p0 s16, $0x3;
	s21 =	simm.s32 $0x11008;
	s24 =	sadd.s32 $0x400, s20  }
.Ltmp0:
0x11: {  	s6 =	sadd.s32 s1, s22;
	s26 =	sshrl.u32 s23, $0x3;
	(pc) =	sbr.rel .LBB2_1-.Ltmp0, $4  }
0x12: {  	s7 =	sadd.s32 s4, s22;
	s8 =	sadd.s32 s10, s25;
	s20 =	simm.s32 $0xF008  }
0x13: {  	s22 =	simm.s32 $0x1;
	s23 =	simm.s32 $0x2;
	s0 =	sadd.s32 s10, s26  }
0x14: {  	[dreg:$0x6] =	wrdreg s24;
	s9 =	sadd.s32 $0x1400, s0;
	s0 =	sshll.u32 @!p0 s13, $0x6  }
0x15: {  	s24 =	simm.s32 $0x13008;
	s13 =	smax.u32 s12, $0x1;
	s15 =	sor.u32 @!p0 $0x1C03, s0  }
.LBB2_15:
0x16: {  	s30 =	sadd.s32 $0x1, s30  }
0x17: {  	p2 =	sne.s32 s30, s13  }
.Ltmp1:
0x18: {  	_ = 	snop;
	(pc) =	sbr.rel @!p2 .LBB2_16-.Ltmp1, $1  }
0x19: {  	_ =	sdelay $0x3  }
.LBB2_1:
0x1a: {  	s0 =	simm.s32 @p0 $0x1FC3  }
0x1b: {  	[spmem:s14], [sflag:s0] =	dma.local @p0 [hbm:s5], $0x1410  }
0x1c: {  	s0 =	simm.s32 @p0 $0x3  }
0x1d: {  	_ =	swait.ge @p0 [sflag:s0], $0x1410  }
0x1e: {  	[sflag:s0] =	ssyncset.done @p0 $0x0  }
0x1f: {  	[sflag:s0] =	ssyncadd.s32 @p0 $0xFFFFEBF0;
	s0 =	rddreg [dreg:$0x6]  }
0x20: {  	[spmem:s16], [sflag:s15] =	dma.local @!p0 [hbm:s0], $0x1400  }
0x21: {  	s0 =	simm.s32 @!p0 $0x3  }
0x22: {  	_ =	swait.ge @!p0 [sflag:s0], $0x1400  }
0x23: {  	[sflag:s0] =	ssyncset.done @!p0 $0x0  }
0x24: {  	s31 =	simm.s32 $0xA008;
	[sflag:s0] =	ssyncadd.s32 @!p0 $0xFFFFEC00  }
0x25: {  	[tilespmem:s31], [sflag:$0x3] =	stream.linear.gather [hbm4b:s6+s3], $0x2800, $0x38;
	[tilespmem:$0x1D018] =	vst v63  }
0x26: {  	_ =	swait.ge [sflag:s18], $0x2800  }
0x27: {  	[sflag:s18] =	ssyncset.done $0x0  }
0x28: {  	s1 =	simm.s32 $0xC808;
	[sflag:s18] =	ssyncadd.s32 $0xFFFFD800  }
0x29: {  	[tilespmem:s1], [sflag:$0x3] =	stream.linear.gather [hbm4b:s7+s3], $0x2800, $0x38;
	[tilespmem:$0x1D018] =	vst v63  }
0x2a: {  	_ =	swait.ge [sflag:s18], $0x2800  }
0x2b: {  	s29 =	simm.s32 $0x13048;
	[sflag:s18] =	ssyncset.done $0x0  }
0x2c: {  	s28 =	simm.s32 $0xC808;
	s25 =	simm.s32 $0x0;
	[sflag:s18] =	ssyncadd.s32 $0xFFFFD800  }
0x2d: {  	s0 =	simm.s32 $0xC888;
	s1 =	simm.s32 $0x13478;
	[bflag:$0x0] =	sbarrier.arrive $0xFFFF  }
0x2e: {  	[tilespmem:s20], [sflag:$0x1] =	stream.indirect.gather [spmem:s2], $0x40, s31, s19, $0xb8;
	[tilespmem:$0x1D018] =	vst v63  }
.LBB2_2:
0x2f: {  	s4 =	sshll.u32 s25, $0x8  }
0x30: {  	s4 =	sadd.s32 $0xA088, s4  }
0x31: {  	[tilespmem:s21], [sflag:$0x2] =	stream.indirect.gather [spmem:s2], $0x40, s4, s19, $0xb8;
	[tilespmem:$0x1D018] =	vst v63  }
0x32: {  	_ =	swait.ge [sflag:s22], $0x2000  }
0x33: {  	[sflag:s22] =	ssyncset.done $0x0  }
0x34: {  	s26 =	simm.s32 $0xF208;
	[sflag:s22] =	ssyncadd.s32 $0xFFFFE000  }
0x35: {  	v0 =	vmov s28;
	v2 =	vld [tilespmem:s26+$0xFFFFFF60]  }
0x36: {  	v3 =	vld [tilespmem:s26+$0xFFFFFF10]  }
0x37: {  	v5 =	vld [tilespmem:s26+$0xFFFFFF00]  }
0x38: {  	v6 =	vld [tilespmem:s26+$0xFFFFFEB0]  }
0x39: {  	s17 =	simm.s32 $0x0;
	v7 =	vld [tilespmem:s26+$0xFFFFFEF0]  }
0x3a: {  	v1 =	vld.idx.msk [tilespmem:v0+s17+$0x0 ss:$0x1], $0xffff  }
0x3b: {  	v8 =	vld [tilespmem:s26+$0xFFFFFE80]  }
0x3c: {  	v9 =	vld [tilespmem:s26+$0xFFFFFEC0]  }
0x3d: {  	v10 =	vld [tilespmem:s26+$0xFFFFFE00]  }
0x3e: {  	v11 =	vld [tilespmem:s26+$0xFFFFFE20]  }
0x3f: {  	v12 =	vld [tilespmem:s26+$0xFFFFFEA0]  }
0x40: {  	v14 =	vld [tilespmem:s26+$0xFFFFFE30];
	v13 =	vbroadcast v1, $0x0  }
0x41: {  	v16 =	vld [tilespmem:s26+$0xFFFFFE70];
	v15 =	vbroadcast v1, $0x7;
	v17 =	vbroadcast v1, $0x2  }
0x42: {  	v19 =	vld [tilespmem:s26+$0xFFFFFE10];
	v18 =	vbroadcast v1, $0x5;
	v20 =	vbroadcast v1, $0x6  }
0x43: {  	v21 =	vld [tilespmem:s26+$0xFFFFFE50];
	v22 =	vbroadcast v1, $0x4;
	v24 =	vbroadcast v1, $0x3  }
0x44: {  	v23 =	vld [tilespmem:s26+$0xFFFFFE60];
	v26 =	vbroadcast v1, $0x1;
	v10 =	vmul.f32 v13, v10  }
0x45: {  	v25 =	vld [tilespmem:s26+$0xFFFFFE40];
	v11 =	vmul.f32 v11, v13;
	v12 =	vmul.f32 v12, v17  }
0x46: {  	v27 =	vld [tilespmem:s26+$0xFFFFFED0];
	v14 =	vmul.f32 v14, v13;
	v8 =	vmul.f32 v8, v17  }
0x47: {  	v4 =	vld [tilespmem:s26+$0xFFFFFF30];
	v9 =	vmul.f32 v9, v24;
	v13 =	vmul.f32 v19, v13  }
0x48: {  	v28 =	vld [tilespmem:s26+$0xFFFFFEE0];
	v7 =	vmul.f32 v7, v24;
	v21 =	vmul.f32 v21, v26  }
0x49: {  	v19 =	vld [tilespmem:s26+$0xFFFFFE90];
	v23 =	vmul.f32 v23, v26;
	v16 =	vmul.f32 v16, v26  }
0x4a: {  	v29 =	vld [tilespmem:s26+$0xFFFFFF80];
	v6 =	vmul.f32 v6, v17;
	v25 =	vmul.f32 v25, v26;
	v14 =	vadd.f32 $0.0e+00, v14  }
0x4b: {  	v59 =	vld [tilespmem:s26+$0xFFFFFF70];
	v5 =	vmul.f32 v5, v22;
	v60 =	vmul.f32 v27, v24;
	v11 =	vadd.f32 $0.0e+00, v11  }
0x4c: {  	v4 =	vmul.f32 v4, v22;
	v10 =	vadd.f32 $0.0e+00, v10;
	v14 =	vadd.f32 v16, v14;
	v16 =	vld [tilespmem:s26+$0xFFFFFF20]  }
0x4d: {  	v61 =	vld [tilespmem:s26+$0xFFFFFF40];
	v3 =	vmul.f32 v3, v22;
	v2 =	vmul.f32 v2, v18;
	v11 =	vadd.f32 v23, v11  }
0x4e: {  	v13 =	vadd.f32 $0.0e+00, v13;
	v10 =	vadd.f32 v25, v10;
	v17 =	vmul.f32 v19, v17;
	v19 =	vld [tilespmem:s26+$0xFFFFFFB0]  }
0x4f: {  	v62 =	vld [tilespmem:s26+$0xFFFFFFA0];
	v6 =	vadd.f32 v6, v14;
	v14 =	vmul.f32 v28, v24;
	v11 =	vadd.f32 v12, v11  }
0x50: {  	v63 =	vld [tilespmem:s26+$0xFFFFFFF0];
	v13 =	vadd.f32 v21, v13;
	v8 =	vadd.f32 v8, v10;
	v10 =	vmul.f32 v29, v20  }
0x51: {  	v6 =	vadd.f32 v7, v6;
	v7 =	vld [tilespmem:s26+$0xFFFFFF50];
	v11 =	vadd.f32 v14, v11;
	v16 =	vmul.f32 v16, v22  }
0x52: {  	v12 =	vmul.f32 v59, v18;
	v8 =	vadd.f32 v9, v8;
	v9 =	vadd.f32 v17, v13;
	v13 =	vld [tilespmem:s26+$0xFFFFFFE0]  }
0x53: {  	v14 =	vld [tilespmem:s26+$0xFFFFFF90];
	v4 =	vadd.f32 v4, v6;
	v6 =	vmul.f32 v19, v20;
	v11 =	vadd.f32 v16, v11  }
0x54: {  	v5 =	vadd.f32 v5, v8;
	v8 =	vmul.f32 v61, v18;
	v9 =	vadd.f32 v60, v9;
	v16 =	vld [tilespmem:s26+$0xFFFFFFC0]  }
0x55: {  	v4 =	vadd.f32 v12, v4;
	v12 =	vmul.f32 v62, v20;
	v2 =	vadd.f32 v2, v11;
	v11 =	vld [tilespmem:s26+$0xFFFFFFD0]  }
0x56: {  	v5 =	vadd.f32 v8, v5;
	v3 =	vadd.f32 v3, v9;
	v7 =	vmul.f32 v7, v18  }
0x57: {  	v8 =	vmul.f32 v63, v15;
	v4 =	vadd.f32 v6, v4;
	v6 =	vmul.f32 v13, v15  }
0x58: {  	v2 =	vadd.f32 v12, v2;
	v3 =	vadd.f32 v7, v3;
	v7 =	vmul.f32 v14, v20  }
0x59: {  	v5 =	vadd.f32 v10, v5;
	v9 =	vmul.f32 v16, v15;
	v4 =	vadd.f32 v8, v4  }
0x5a: {  	v2 =	vadd.f32 v6, v2;
	v3 =	vadd.f32 v7, v3;
	v6 =	vmul.f32 v11, v15  }
0x5b: {  	v5 =	vadd.f32 v9, v5;
	[tilespmem:s29+$0xFFFFFFF0] =	vst v4  }
0x5c: {  	[tilespmem:s29+$0xFFFFFFE0] =	vst v2;
	v2 =	vadd.f32 v6, v3  }
0x5d: {  	[tilespmem:s29+$0xFFFFFFC0] =	vst v5  }
0x5e: {  	[tilespmem:s29+$0xFFFFFFD0] =	vst v2  }
0x5f: {  	v6 =	vld [tilespmem:s26+$0x90]  }
0x60: {  	v7 =	vld [tilespmem:s26+$0xC0]  }
0x61: {  	v9 =	vld [tilespmem:s26+$0x120]  }
0x62: {  	v11 =	vld [tilespmem:s26+$0x1E0]  }
0x63: {  	v8 =	vld [tilespmem:s26+$0x80]  }
0x64: {  	v2 =	vld [tilespmem:s26+$0xD0]  }
0x65: {  	v3 =	vld [tilespmem:s26+$0xE0]  }
0x66: {  	v14 =	vld [tilespmem:s26+$0xA0]  }
0x67: {  	v17 =	vld [tilespmem:s26+$0xF0]  }
0x68: {  	v10 =	vbroadcast v1, $0xB;
	v15 =	vld [tilespmem:s26+$0xB0]  }
0x69: {  	v13 =	vld [tilespmem:s26+$0x40]  }
0x6a: {  	s10 =	sshll.u32 s25, $0xA;
	s12 =	simm.s32 $0x40;
	v5 =	vbroadcast v1, $0xA;
	v16 =	vld [tilespmem:s26+$0x60];
	v4 =	vmul.f32 v3, v10  }
0x6b: {  	s11 =	smov.u32 s29;
	s31 =	smov.u32 s29;
	s17 =	simm.s32 $0xF208;
	v12 =	vld [tilespmem:s26+$0x70];
	v3 =	vmul.f32 v2, v10;
	v2 =	vbroadcast v1, $0xE  }
.LBB2_3:
0x6c: {  	p2 =	sne.s32 s12, $0x1C0;
	v18 =	vld [tilespmem:s26+$0x20];
	v19 =	vbroadcast v1, $0xC;
	v20 =	vbroadcast v1, $0xF;
	s11 =	sadd.s32 $0x80, s11;
	s17 =	sadd.s32 $0x400, s17  }
0x6d: {  	v22 =	vbroadcast v1, $0x9;
	v17 =	vmul.f32 v17, v10;
	s4 =	smov.u32 s12;
	s12 =	sadd.s32 $0x40, s12;
	v21 =	vld [tilespmem:s26+$0x0]  }
0x6e: {  	v14 =	vmul.f32 v14, v5;
	v15 =	vmul.f32 v15, v5;
	v23 =	vld [tilespmem:s26+$0x30]  }
0x6f: {  	v11 =	vmul.f32 v11, v20;
	v24 =	vld [tilespmem:s26+$0x50];
	v16 =	vmul.f32 v16, v22  }
0x70: {  	v25 =	vbroadcast v1, $0x8;
	v13 =	vmul.f32 v13, v22;
	v26 =	vld [tilespmem:s26+$0x10]  }
0x71: {  	v1 =	vbroadcast v1, $0xD;
	v9 =	vmul.f32 v9, v19;
	v27 =	vld [tilespmem:s26+$0x100]  }
0x72: {  	v8 =	vmul.f32 v8, v5;
	v18 =	vmul.f32 v18, v25;
	v28 =	vld [tilespmem:s26+$0x160]  }
0x73: {  	v12 =	vmul.f32 v12, v22;
	v23 =	vmul.f32 v23, v25;
	v29 =	vld [tilespmem:s26+$0x140]  }
0x74: {  	v7 =	vmul.f32 v7, v10;
	v22 =	vmul.f32 v24, v22;
	v10 =	vld [tilespmem:s26+$0x110]  }
0x75: {  	v5 =	vmul.f32 v6, v5;
	v24 =	vmul.f32 v26, v25;
	v23 =	vadd.f32 $0.0e+00, v23;
	v6 =	vld [tilespmem:s26+$0x130]  }
0x76: {  	v21 =	vmul.f32 v21, v25;
	v25 =	vmul.f32 v27, v19;
	v26 =	vld [tilespmem:s26+$0x1A0]  }
0x77: {  	v18 =	vadd.f32 $0.0e+00, v18;
	v12 =	vadd.f32 v12, v23;
	v23 =	vmul.f32 v28, v1;
	v27 =	vld [tilespmem:s26+$0x170]  }
0x78: {  	v21 =	vadd.f32 $0.0e+00, v21;
	v24 =	vadd.f32 $0.0e+00, v24;
	v28 =	vmul.f32 v29, v1;
	v29 =	vld [tilespmem:s26+$0x150]  }
0x79: {  	v16 =	vadd.f32 v16, v18;
	v12 =	vadd.f32 v15, v12;
	v10 =	vmul.f32 v10, v19;
	v15 =	vld [tilespmem:s26+$0x180]  }
0x7a: {  	v13 =	vadd.f32 v13, v21;
	v18 =	vadd.f32 v22, v24;
	v6 =	vmul.f32 v6, v19;
	v19 =	vld [tilespmem:s26+$0x190]  }
0x7b: {  	v14 =	vadd.f32 v14, v16;
	v12 =	vadd.f32 v17, v12;
	v16 =	vmul.f32 v26, v2;
	v17 =	vld [tilespmem:s26+$0x1B0]  }
0x7c: {  	v8 =	vadd.f32 v8, v13;
	v5 =	vadd.f32 v5, v18;
	v13 =	vmul.f32 v27, v1  }
0x7d: {  	v4 =	vadd.f32 v4, v14;
	v6 =	vadd.f32 v6, v12;
	v1 =	vmul.f32 v29, v1;
	v12 =	vld [tilespmem:s26+$0x1F0]  }
0x7e: {  	v7 =	vadd.f32 v7, v8;
	v3 =	vadd.f32 v3, v5;
	v5 =	vmul.f32 v15, v2  }
0x7f: {  	v4 =	vadd.f32 v9, v4;
	v6 =	vadd.f32 v13, v6;
	v8 =	vmul.f32 v19, v2;
	v9 =	vld [tilespmem:s26+$0x1C0]  }
0x80: {  	v7 =	vadd.f32 v25, v7;
	v3 =	vadd.f32 v10, v3;
	v2 =	vmul.f32 v17, v2;
	v10 =	vld [tilespmem:s26+$0x1D0];
	s26 =	smov.u32 s17  }
0x81: {  	v4 =	vadd.f32 v23, v4  }
0x82: {  	v7 =	vadd.f32 v28, v7;
	v2 =	vadd.f32 v2, v6;
	v6 =	vmul.f32 v12, v20  }
0x83: {  	v1 =	vadd.f32 v1, v3;
	v3 =	vadd.f32 v16, v4  }
0x84: {  	v4 =	vadd.f32 v5, v7;
	v5 =	vmul.f32 v9, v20;
	v2 =	vadd.f32 v6, v2  }
0x85: {  	v1 =	vadd.f32 v8, v1;
	v3 =	vadd.f32 v11, v3;
	v6 =	vmul.f32 v10, v20  }
0x86: {  	v4 =	vadd.f32 v5, v4;
	[tilespmem:s31+$0x30] =	vst v2  }
0x87: {  	v1 =	vadd.f32 v6, v1;
	[tilespmem:s31+$0x20] =	vst v3  }
0x88: {  	[tilespmem:s31+$0x0] =	vst v4  }
0x89: {  	[tilespmem:s31+$0x10] =	vst v1;
	s31 =	smov.u32 s11  }
0x8a: {  	v2 =	vld [tilespmem:s17+$0xFFFFFF60]  }
0x8b: {  	v3 =	vld [tilespmem:s17+$0xFFFFFF10]  }
0x8c: {  	v4 =	vld [tilespmem:s17+$0xFFFFFF30]  }
0x8d: {  	v5 =	vld [tilespmem:s17+$0xFFFFFF00]  }
0x8e: {  	v6 =	vld [tilespmem:s17+$0xFFFFFEB0]  }
0x8f: {  	s4 =	sshra.s32 s4, $0x2;
	v7 =	vld [tilespmem:s17+$0xFFFFFEF0]  }
0x90: {  	v1 =	vld.idx.msk [tilespmem:v0+s4+$0x0 ss:$0x1], $0xffff  }
0x91: {  	v8 =	vld [tilespmem:s17+$0xFFFFFE80]  }
0x92: {  	v9 =	vld [tilespmem:s17+$0xFFFFFEC0]  }
0x93: {  	v10 =	vld [tilespmem:s17+$0xFFFFFE00]  }
0x94: {  	v11 =	vld [tilespmem:s17+$0xFFFFFE20]  }
0x95: {  	v12 =	vld [tilespmem:s17+$0xFFFFFEA0]  }
0x96: {  	v13 =	vbroadcast v1, $0x0;
	v15 =	vbroadcast v1, $0x7;
	v14 =	vld [tilespmem:s17+$0xFFFFFE30]  }
0x97: {  	v17 =	vbroadcast v1, $0x2;
	v18 =	vbroadcast v1, $0x5;
	v16 =	vld [tilespmem:s17+$0xFFFFFE70]  }
0x98: {  	v20 =	vbroadcast v1, $0x6;
	v10 =	vmul.f32 v13, v10;
	v19 =	vld [tilespmem:s17+$0xFFFFFE10]  }
0x99: {  	v22 =	vbroadcast v1, $0x4;
	v11 =	vmul.f32 v11, v13;
	v21 =	vld [tilespmem:s17+$0xFFFFFE50]  }
0x9a: {  	v24 =	vbroadcast v1, $0x3;
	v10 =	vadd.f32 $0.0e+00, v10;
	v23 =	vld [tilespmem:s17+$0xFFFFFE60];
	v12 =	vmul.f32 v12, v17  }
0x9b: {  	v26 =	vbroadcast v1, $0x1;
	v11 =	vadd.f32 $0.0e+00, v11;
	v14 =	vmul.f32 v14, v13;
	v25 =	vld [tilespmem:s17+$0xFFFFFE40]  }
0x9c: {  	v8 =	vmul.f32 v8, v17;
	v9 =	vmul.f32 v9, v24;
	v27 =	vld [tilespmem:s17+$0xFFFFFED0]  }
0x9d: {  	v7 =	vmul.f32 v7, v24;
	v13 =	vmul.f32 v19, v13;
	v14 =	vadd.f32 $0.0e+00, v14;
	v19 =	vld [tilespmem:s17+$0xFFFFFE90]  }
0x9e: {  	v6 =	vmul.f32 v6, v17;
	v21 =	vmul.f32 v21, v26;
	v28 =	vld [tilespmem:s17+$0xFFFFFEE0]  }
0x9f: {  	v16 =	vmul.f32 v16, v26;
	v13 =	vadd.f32 $0.0e+00, v13;
	v23 =	vmul.f32 v23, v26;
	v29 =	vld [tilespmem:s17+$0xFFFFFF80]  }
0xa0: {  	v5 =	vmul.f32 v5, v22;
	v25 =	vmul.f32 v25, v26;
	v26 =	vld [tilespmem:s17+$0xFFFFFF70]  }
0xa1: {  	v14 =	vadd.f32 v16, v14;
	v11 =	vadd.f32 v23, v11;
	v16 =	vmul.f32 v27, v24;
	v23 =	vld [tilespmem:s17+$0xFFFFFF20]  }
0xa2: {  	v4 =	vmul.f32 v4, v22;
	v10 =	vadd.f32 v25, v10;
	v17 =	vmul.f32 v19, v17;
	v19 =	vld [tilespmem:s17+$0xFFFFFFB0]  }
0xa3: {  	v3 =	vmul.f32 v3, v22;
	v6 =	vadd.f32 v6, v14;
	v14 =	vmul.f32 v28, v24;
	v24 =	vld [tilespmem:s17+$0xFFFFFF40]  }
0xa4: {  	v13 =	vadd.f32 v21, v13;
	v8 =	vadd.f32 v8, v10;
	v10 =	vmul.f32 v29, v20;
	v21 =	vld [tilespmem:s17+$0xFFFFFFA0]  }
0xa5: {  	v11 =	vadd.f32 v12, v11;
	v6 =	vadd.f32 v7, v6;
	v7 =	vld [tilespmem:s17+$0xFFFFFF50];
	v12 =	vmul.f32 v26, v18  }
0xa6: {  	v2 =	vmul.f32 v2, v18;
	v8 =	vadd.f32 v9, v8;
	v9 =	vmul.f32 v23, v22;
	v22 =	vld [tilespmem:s17+$0xFFFFFFF0]  }
0xa7: {  	v11 =	vadd.f32 v14, v11;
	v4 =	vadd.f32 v4, v6;
	v6 =	vmul.f32 v19, v20;
	v14 =	vld [tilespmem:s17+$0xFFFFFFC0]  }
0xa8: {  	v13 =	vadd.f32 v17, v13;
	v5 =	vadd.f32 v5, v8;
	v8 =	vmul.f32 v24, v18;
	v17 =	vld [tilespmem:s17+$0xFFFFFFE0]  }
0xa9: {  	v4 =	vadd.f32 v12, v4;
	v9 =	vadd.f32 v9, v11;
	v11 =	vld [tilespmem:s17+$0xFFFFFF90];
	v12 =	vmul.f32 v21, v20  }
0xaa: {  	v13 =	vadd.f32 v16, v13;
	v5 =	vadd.f32 v8, v5;
	v7 =	vmul.f32 v7, v18  }
0xab: {  	v4 =	vadd.f32 v6, v4;
	v2 =	vadd.f32 v2, v9;
	v6 =	vld [tilespmem:s17+$0xFFFFFFD0];
	v8 =	vmul.f32 v22, v15  }
0xac: {  	v3 =	vadd.f32 v3, v13;
	v5 =	vadd.f32 v10, v5;
	v9 =	vmul.f32 v14, v15  }
0xad: {  	v2 =	vadd.f32 v12, v2;
	v10 =	vmul.f32 v17, v15;
	v4 =	vadd.f32 v8, v4  }
0xae: {  	v3 =	vadd.f32 v7, v3;
	v7 =	vmul.f32 v11, v20;
	v8 =	vadd.f32 v9, v5  }
0xaf: {  	v5 =	vbroadcast v1, $0xA;
	v2 =	vadd.f32 v10, v2  }
0xb0: {  	v3 =	vadd.f32 v7, v3;
	v6 =	vmul.f32 v6, v15  }
0xb1: {  	[tilespmem:s11+$0xFFFFFFE0] =	vst v2  }
0xb2: {  	v2 =	vadd.f32 v6, v3;
	[tilespmem:s11+$0xFFFFFFF0] =	vst v4  }
0xb3: {  	[tilespmem:s11+$0xFFFFFFC0] =	vst v8  }
0xb4: {  	[tilespmem:s11+$0xFFFFFFD0] =	vst v2  }
0xb5: {  	v6 =	vld [tilespmem:s17+$0x90]  }
0xb6: {  	v7 =	vld [tilespmem:s17+$0xC0]  }
0xb7: {  	v9 =	vld [tilespmem:s17+$0x120]  }
0xb8: {  	v11 =	vld [tilespmem:s17+$0x1E0]  }
0xb9: {  	v8 =	vld [tilespmem:s17+$0x80]  }
0xba: {  	v2 =	vld [tilespmem:s17+$0xD0]  }
0xbb: {  	v3 =	vld [tilespmem:s17+$0xE0]  }
0xbc: {  	v14 =	vld [tilespmem:s17+$0xA0]  }
.Ltmp2:
0xbd: {  	v17 =	vld [tilespmem:s17+$0xF0];
	(pc) =	sbr.rel @p2 .LBB2_3-.Ltmp2, $4  }
0xbe: {  	v10 =	vbroadcast v1, $0xB;
	v15 =	vld [tilespmem:s17+$0xB0]  }
0xbf: {  	v13 =	vld [tilespmem:s17+$0x40]  }
0xc0: {  	v16 =	vld [tilespmem:s17+$0x60];
	v4 =	vmul.f32 v3, v10  }
0xc1: {  	v3 =	vmul.f32 v2, v10;
	v2 =	vbroadcast v1, $0xE;
	v12 =	vld [tilespmem:s17+$0x70]  }
0xc2: {  	v0 =	vbroadcast v1, $0xC  }
0xc3: {  	v18 =	vld [tilespmem:s26+$0x20];
	v19 =	vbroadcast v1, $0xF;
	v20 =	vbroadcast v1, $0x9  }
0xc4: {  	v17 =	vmul.f32 v17, v10;
	v21 =	vld [tilespmem:s26+$0x30];
	v14 =	vmul.f32 v14, v5  }
0xc5: {  	v22 =	vld [tilespmem:s26+$0x50];
	v24 =	vbroadcast v1, $0x8;
	v1 =	vbroadcast v1, $0xD  }
0xc6: {  	v23 =	vld [tilespmem:s26+$0x0];
	v8 =	vmul.f32 v8, v5;
	v7 =	vmul.f32 v7, v10  }
0xc7: {  	v25 =	vld [tilespmem:s26+$0x10];
	v15 =	vmul.f32 v15, v5;
	v5 =	vmul.f32 v6, v5  }
0xc8: {  	v26 =	vld [tilespmem:s26+$0x100];
	v11 =	vmul.f32 v11, v19;
	v13 =	vmul.f32 v13, v20  }
0xc9: {  	v27 =	vld [tilespmem:s26+$0x160];
	v9 =	vmul.f32 v9, v0;
	v21 =	vmul.f32 v21, v24  }
0xca: {  	v10 =	vld [tilespmem:s26+$0x110];
	v16 =	vmul.f32 v16, v20;
	v18 =	vmul.f32 v18, v24  }
0xcb: {  	v6 =	vld [tilespmem:s26+$0x130];
	v12 =	vmul.f32 v12, v20;
	v41 =	vmul.f32 v23, v24;
	v21 =	vadd.f32 $0.0e+00, v21  }
0xcc: {  	v28 =	vld [tilespmem:s26+$0x140];
	v20 =	vmul.f32 v22, v20;
	v42 =	vmul.f32 v25, v24;
	v18 =	vadd.f32 $0.0e+00, v18  }
0xcd: {  	v44 =	vld [tilespmem:s26+$0x1A0];
	v43 =	vmul.f32 v26, v0;
	v45 =	vadd.f32 $0.0e+00, v41;
	v12 =	vadd.f32 v12, v21  }
0xce: {  	v47 =	vld [tilespmem:s26+$0x170];
	v46 =	vmul.f32 v27, v1;
	v23 =	vadd.f32 $0.0e+00, v42;
	v16 =	vadd.f32 v16, v18  }
0xcf: {  	v48 =	vld [tilespmem:s26+$0x150];
	v10 =	vmul.f32 v10, v0;
	v13 =	vadd.f32 v13, v45;
	v12 =	vadd.f32 v15, v12  }
0xd0: {  	v0 =	vmul.f32 v6, v0;
	v15 =	vadd.f32 v20, v23;
	v14 =	vadd.f32 v14, v16;
	v16 =	vld [tilespmem:s26+$0x1B0]  }
0xd1: {  	v49 =	vld [tilespmem:s26+$0x180];
	v18 =	vmul.f32 v28, v1;
	v8 =	vadd.f32 v8, v13;
	v6 =	vadd.f32 v17, v12  }
0xd2: {  	v13 =	vld [tilespmem:s26+$0x1F0];
	v12 =	vmul.f32 v44, v2;
	v5 =	vadd.f32 v5, v15;
	v4 =	vadd.f32 v4, v14  }
0xd3: {  	v14 =	vld [tilespmem:s26+$0x190];
	v15 =	vmul.f32 v47, v1;
	v0 =	vadd.f32 v0, v6;
	v6 =	vadd.f32 v7, v8  }
0xd4: {  	v1 =	vmul.f32 v48, v1;
	v3 =	vadd.f32 v3, v5;
	v4 =	vadd.f32 v9, v4;
	v5 =	vld [tilespmem:s26+$0x1C0]  }
0xd5: {  	v8 =	vld [tilespmem:s26+$0x1D0];
	v7 =	vmul.f32 v16, v2;
	v0 =	vadd.f32 v15, v0;
	v6 =	vadd.f32 v43, v6  }
0xd6: {  	v9 =	vmul.f32 v49, v2;
	v3 =	vadd.f32 v10, v3;
	v4 =	vadd.f32 v46, v4  }
0xd7: {  	v6 =	vadd.f32 v18, v6;
	v0 =	vadd.f32 v7, v0;
	v7 =	vmul.f32 v13, v19  }
0xd8: {  	v2 =	vmul.f32 v14, v2;
	v1 =	vadd.f32 v1, v3;
	v3 =	vadd.f32 v12, v4  }
0xd9: {  	v5 =	vmul.f32 v5, v19;
	v4 =	vadd.f32 v9, v6;
	v0 =	vadd.f32 v7, v0  }
0xda: {  	v1 =	vadd.f32 v2, v1;
	v2 =	vmul.f32 v8, v19;
	v3 =	vadd.f32 v11, v3  }
0xdb: {  	v4 =	vadd.f32 v5, v4;
	[tilespmem:s31+$0x30] =	vst v0  }
0xdc: {  	p2 =	seq.s32 s25, $0x13;
	v0 =	vadd.f32 v2, v1;
	[tilespmem:s31+$0x20] =	vst v3  }
0xdd: {  	s4 =	sshrl.u32 @!p2 s10, $0x2;
	[tilespmem:s31+$0x0] =	vst v4  }
0xde: {  	s10 =	simm.s32 @!p2 $0x80;
	s11 =	simm.s32 @!p2 $0xF008;
	s4 =	sadd.s32 @!p2 $0xA108, s4;
	[tilespmem:s31+$0x10] =	vst v0  }
0xdf: {  	[tilespmem:s11], [sflag:$0x1] =	stream.indirect.gather @!p2 [spmem:s2], $0x40, s4, s10, $0xb8;
	[tilespmem:$0x1D018] =	vst v63  }
0xe0: {  	_ =	swait.ge [sflag:s23], $0x2000  }
0xe1: {  	[sflag:s23] =	ssyncset.done $0x0  }
0xe2: {  	s26 =	simm.s32 $0x11208;
	[sflag:s23] =	ssyncadd.s32 $0xFFFFE000  }
0xe3: {  	v0 =	vmov s0;
	v2 =	vld [tilespmem:s26+$0xFFFFFF60]  }
0xe4: {  	v3 =	vld [tilespmem:s26+$0xFFFFFF10]  }
0xe5: {  	v5 =	vld [tilespmem:s26+$0xFFFFFF00]  }
0xe6: {  	v6 =	vld [tilespmem:s26+$0xFFFFFEB0]  }
0xe7: {  	s31 =	simm.s32 $0x0;
	v7 =	vld [tilespmem:s26+$0xFFFFFEF0]  }
0xe8: {  	v1 =	vld.idx.msk [tilespmem:v0+s31+$0x0 ss:$0x1], $0xffff  }
0xe9: {  	v8 =	vld [tilespmem:s26+$0xFFFFFE80]  }
0xea: {  	v9 =	vld [tilespmem:s26+$0xFFFFFEC0]  }
0xeb: {  	v10 =	vld [tilespmem:s26+$0xFFFFFE00]  }
0xec: {  	v11 =	vld [tilespmem:s26+$0xFFFFFE20]  }
0xed: {  	v12 =	vld [tilespmem:s26+$0xFFFFFEA0]  }
0xee: {  	v14 =	vld [tilespmem:s26+$0xFFFFFE30];
	v13 =	vbroadcast v1, $0x0  }
0xef: {  	v16 =	vld [tilespmem:s26+$0xFFFFFE70];
	v15 =	vbroadcast v1, $0x7;
	v17 =	vbroadcast v1, $0x2  }
0xf0: {  	v19 =	vld [tilespmem:s26+$0xFFFFFE10];
	v18 =	vbroadcast v1, $0x5;
	v50 =	vbroadcast v1, $0x6  }
0xf1: {  	v51 =	vld [tilespmem:s26+$0xFFFFFE50];
	v52 =	vbroadcast v1, $0x4;
	v54 =	vbroadcast v1, $0x3  }
0xf2: {  	v53 =	vld [tilespmem:s26+$0xFFFFFE60];
	v56 =	vbroadcast v1, $0x1;
	v10 =	vmul.f32 v13, v10  }
0xf3: {  	v55 =	vld [tilespmem:s26+$0xFFFFFE40];
	v11 =	vmul.f32 v11, v13;
	v12 =	vmul.f32 v12, v17  }
0xf4: {  	v57 =	vld [tilespmem:s26+$0xFFFFFED0];
	v14 =	vmul.f32 v14, v13;
	v8 =	vmul.f32 v8, v17  }
0xf5: {  	v4 =	vld [tilespmem:s26+$0xFFFFFF30];
	v9 =	vmul.f32 v9, v54;
	v13 =	vmul.f32 v19, v13  }
0xf6: {  	v58 =	vld [tilespmem:s26+$0xFFFFFEE0];
	v7 =	vmul.f32 v7, v54;
	v21 =	vmul.f32 v51, v56  }
0xf7: {  	v19 =	vld [tilespmem:s26+$0xFFFFFE90];
	v23 =	vmul.f32 v53, v56;
	v16 =	vmul.f32 v16, v56  }
0xf8: {  	v29 =	vld [tilespmem:s26+$0xFFFFFF80];
	v6 =	vmul.f32 v6, v17;
	v25 =	vmul.f32 v55, v56;
	v14 =	vadd.f32 $0.0e+00, v14  }
0xf9: {  	v59 =	vld [tilespmem:s26+$0xFFFFFF70];
	v5 =	vmul.f32 v5, v52;
	v60 =	vmul.f32 v57, v54;
	v11 =	vadd.f32 $0.0e+00, v11  }
0xfa: {  	v4 =	vmul.f32 v4, v52;
	v10 =	vadd.f32 $0.0e+00, v10;
	v14 =	vadd.f32 v16, v14;
	v16 =	vld [tilespmem:s26+$0xFFFFFF20]  }
0xfb: {  	v61 =	vld [tilespmem:s26+$0xFFFFFF40];
	v3 =	vmul.f32 v3, v52;
	v2 =	vmul.f32 v2, v18;
	v11 =	vadd.f32 v23, v11  }
0xfc: {  	v13 =	vadd.f32 $0.0e+00, v13;
	v10 =	vadd.f32 v25, v10;
	v17 =	vmul.f32 v19, v17;
	v19 =	vld [tilespmem:s26+$0xFFFFFFB0]  }
0xfd: {  	v62 =	vld [tilespmem:s26+$0xFFFFFFA0];
	v6 =	vadd.f32 v6, v14;
	v14 =	vmul.f32 v58, v54;
	v11 =	vadd.f32 v12, v11  }
0xfe: {  	v63 =	vld [tilespmem:s26+$0xFFFFFFF0];
	v13 =	vadd.f32 v21, v13;
	v8 =	vadd.f32 v8, v10;
	v10 =	vmul.f32 v29, v50  }
0xff: {  	v6 =	vadd.f32 v7, v6;
	v7 =	vld [tilespmem:s26+$0xFFFFFF50];
	v11 =	vadd.f32 v14, v11;
	v16 =	vmul.f32 v16, v52  }
0x100: {  	v12 =	vmul.f32 v59, v18;
	v8 =	vadd.f32 v9, v8;
	v9 =	vadd.f32 v17, v13;
	v13 =	vld [tilespmem:s26+$0xFFFFFFE0]  }
0x101: {  	v14 =	vld [tilespmem:s26+$0xFFFFFF90];
	v4 =	vadd.f32 v4, v6;
	v6 =	vmul.f32 v19, v50;
	v11 =	vadd.f32 v16, v11  }
0x102: {  	v5 =	vadd.f32 v5, v8;
	v8 =	vmul.f32 v61, v18;
	v9 =	vadd.f32 v60, v9;
	v16 =	vld [tilespmem:s26+$0xFFFFFFC0]  }
0x103: {  	v4 =	vadd.f32 v12, v4;
	v12 =	vmul.f32 v62, v50;
	v2 =	vadd.f32 v2, v11;
	v11 =	vld [tilespmem:s26+$0xFFFFFFD0]  }
0x104: {  	v5 =	vadd.f32 v8, v5;
	v3 =	vadd.f32 v3, v9;
	v7 =	vmul.f32 v7, v18  }
0x105: {  	v8 =	vmul.f32 v63, v15;
	v4 =	vadd.f32 v6, v4;
	v6 =	vmul.f32 v13, v15  }
0x106: {  	v2 =	vadd.f32 v12, v2;
	v3 =	vadd.f32 v7, v3;
	v7 =	vmul.f32 v14, v50  }
0x107: {  	v5 =	vadd.f32 v10, v5;
	v9 =	vmul.f32 v16, v15;
	v4 =	vadd.f32 v8, v4  }
0x108: {  	v2 =	vadd.f32 v6, v2;
	v3 =	vadd.f32 v7, v3;
	v6 =	vmul.f32 v11, v15  }
0x109: {  	v5 =	vadd.f32 v9, v5;
	[tilespmem:s1+$0xFFFFFFC0] =	vst v4  }
0x10a: {  	[tilespmem:s1+$0xFFFFFFB0] =	vst v2;
	v2 =	vadd.f32 v6, v3  }
0x10b: {  	[tilespmem:s1+$0xFFFFFF90] =	vst v5  }
0x10c: {  	[tilespmem:s1+$0xFFFFFFA0] =	vst v2  }
0x10d: {  	v6 =	vld [tilespmem:s26+$0x90]  }
0x10e: {  	v7 =	vld [tilespmem:s26+$0xC0]  }
0x10f: {  	v9 =	vld [tilespmem:s26+$0x120]  }
0x110: {  	v11 =	vld [tilespmem:s26+$0x1E0]  }
0x111: {  	v8 =	vld [tilespmem:s26+$0x80]  }
0x112: {  	v2 =	vld [tilespmem:s26+$0xD0]  }
0x113: {  	v3 =	vld [tilespmem:s26+$0xE0]  }
0x114: {  	v14 =	vld [tilespmem:s26+$0xA0]  }
0x115: {  	v17 =	vld [tilespmem:s26+$0xF0]  }
0x116: {  	v10 =	vbroadcast v1, $0xB;
	v15 =	vld [tilespmem:s26+$0xB0]  }
0x117: {  	v13 =	vld [tilespmem:s26+$0x40]  }
0x118: {  	s12 =	simm.s32 $0x40;
	v5 =	vbroadcast v1, $0xA;
	v16 =	vld [tilespmem:s26+$0x60];
	v4 =	vmul.f32 v3, v10  }
0x119: {  	s17 =	simm.s32 $0x11208;
	s11 =	smov.u32 s1;
	s10 =	smov.u32 s1;
	v12 =	vld [tilespmem:s26+$0x70];
	v3 =	vmul.f32 v2, v10;
	v2 =	vbroadcast v1, $0xE  }
.LBB2_5:
0x11a: {  	p2 =	sne.s32 s12, $0x1C0;
	v18 =	vld [tilespmem:s26+$0x20];
	v19 =	vbroadcast v1, $0xC;
	v20 =	vbroadcast v1, $0xF;
	s11 =	sadd.s32 $0x80, s11;
	s17 =	sadd.s32 $0x400, s17  }
0x11b: {  	v22 =	vbroadcast v1, $0x9;
	v17 =	vmul.f32 v17, v10;
	s4 =	smov.u32 s12;
	s12 =	sadd.s32 $0x40, s12;
	v21 =	vld [tilespmem:s26+$0x0]  }
0x11c: {  	v14 =	vmul.f32 v14, v5;
	v15 =	vmul.f32 v15, v5;
	v23 =	vld [tilespmem:s26+$0x30]  }
0x11d: {  	v11 =	vmul.f32 v11, v20;
	v24 =	vld [tilespmem:s26+$0x50];
	v16 =	vmul.f32 v16, v22  }
0x11e: {  	v25 =	vbroadcast v1, $0x8;
	v13 =	vmul.f32 v13, v22;
	v26 =	vld [tilespmem:s26+$0x10]  }
0x11f: {  	v1 =	vbroadcast v1, $0xD;
	v9 =	vmul.f32 v9, v19;
	v27 =	vld [tilespmem:s26+$0x100]  }
0x120: {  	v8 =	vmul.f32 v8, v5;
	v18 =	vmul.f32 v18, v25;
	v28 =	vld [tilespmem:s26+$0x160]  }
0x121: {  	v12 =	vmul.f32 v12, v22;
	v23 =	vmul.f32 v23, v25;
	v29 =	vld [tilespmem:s26+$0x140]  }
0x122: {  	v7 =	vmul.f32 v7, v10;
	v22 =	vmul.f32 v24, v22;
	v10 =	vld [tilespmem:s26+$0x110]  }
0x123: {  	v5 =	vmul.f32 v6, v5;
	v24 =	vmul.f32 v26, v25;
	v23 =	vadd.f32 $0.0e+00, v23;
	v6 =	vld [tilespmem:s26+$0x130]  }
0x124: {  	v21 =	vmul.f32 v21, v25;
	v25 =	vmul.f32 v27, v19;
	v26 =	vld [tilespmem:s26+$0x1A0]  }
0x125: {  	v18 =	vadd.f32 $0.0e+00, v18;
	v12 =	vadd.f32 v12, v23;
	v23 =	vmul.f32 v28, v1;
	v27 =	vld [tilespmem:s26+$0x170]  }
0x126: {  	v21 =	vadd.f32 $0.0e+00, v21;
	v24 =	vadd.f32 $0.0e+00, v24;
	v28 =	vmul.f32 v29, v1;
	v29 =	vld [tilespmem:s26+$0x150]  }
0x127: {  	v16 =	vadd.f32 v16, v18;
	v12 =	vadd.f32 v15, v12;
	v10 =	vmul.f32 v10, v19;
	v15 =	vld [tilespmem:s26+$0x180]  }
0x128: {  	v13 =	vadd.f32 v13, v21;
	v18 =	vadd.f32 v22, v24;
	v6 =	vmul.f32 v6, v19;
	v19 =	vld [tilespmem:s26+$0x190]  }
0x129: {  	v14 =	vadd.f32 v14, v16;
	v12 =	vadd.f32 v17, v12;
	v16 =	vmul.f32 v26, v2;
	v17 =	vld [tilespmem:s26+$0x1B0]  }
0x12a: {  	v8 =	vadd.f32 v8, v13;
	v5 =	vadd.f32 v5, v18;
	v13 =	vmul.f32 v27, v1  }
0x12b: {  	v4 =	vadd.f32 v4, v14;
	v6 =	vadd.f32 v6, v12;
	v1 =	vmul.f32 v29, v1;
	v12 =	vld [tilespmem:s26+$0x1F0]  }
0x12c: {  	v7 =	vadd.f32 v7, v8;
	v3 =	vadd.f32 v3, v5;
	v5 =	vmul.f32 v15, v2  }
0x12d: {  	v4 =	vadd.f32 v9, v4;
	v6 =	vadd.f32 v13, v6;
	v8 =	vmul.f32 v19, v2;
	v9 =	vld [tilespmem:s26+$0x1C0]  }
0x12e: {  	v7 =	vadd.f32 v25, v7;
	v3 =	vadd.f32 v10, v3;
	v2 =	vmul.f32 v17, v2;
	v10 =	vld [tilespmem:s26+$0x1D0];
	s26 =	smov.u32 s17  }
0x12f: {  	v4 =	vadd.f32 v23, v4  }
0x130: {  	v7 =	vadd.f32 v28, v7;
	v2 =	vadd.f32 v2, v6;
	v6 =	vmul.f32 v12, v20  }
0x131: {  	v1 =	vadd.f32 v1, v3;
	v3 =	vadd.f32 v16, v4  }
0x132: {  	v4 =	vadd.f32 v5, v7;
	v5 =	vmul.f32 v9, v20;
	v2 =	vadd.f32 v6, v2  }
0x133: {  	v1 =	vadd.f32 v8, v1;
	v3 =	vadd.f32 v11, v3;
	v6 =	vmul.f32 v10, v20  }
0x134: {  	v4 =	vadd.f32 v5, v4;
	[tilespmem:s10+$0x0] =	vst v2  }
0x135: {  	v1 =	vadd.f32 v6, v1;
	[tilespmem:s10+$0xFFFFFFF0] =	vst v3  }
0x136: {  	[tilespmem:s10+$0xFFFFFFD0] =	vst v4  }
0x137: {  	[tilespmem:s10+$0xFFFFFFE0] =	vst v1;
	s10 =	smov.u32 s11  }
0x138: {  	v2 =	vld [tilespmem:s17+$0xFFFFFF60]  }
0x139: {  	v3 =	vld [tilespmem:s17+$0xFFFFFF10]  }
0x13a: {  	v4 =	vld [tilespmem:s17+$0xFFFFFF30]  }
0x13b: {  	v5 =	vld [tilespmem:s17+$0xFFFFFF00]  }
0x13c: {  	v6 =	vld [tilespmem:s17+$0xFFFFFEB0]  }
0x13d: {  	s4 =	sshra.s32 s4, $0x2;
	v7 =	vld [tilespmem:s17+$0xFFFFFEF0]  }
0x13e: {  	v1 =	vld.idx.msk [tilespmem:v0+s4+$0x0 ss:$0x1], $0xffff  }
0x13f: {  	v8 =	vld [tilespmem:s17+$0xFFFFFE80]  }
0x140: {  	v9 =	vld [tilespmem:s17+$0xFFFFFEC0]  }
0x141: {  	v10 =	vld [tilespmem:s17+$0xFFFFFE00]  }
0x142: {  	v11 =	vld [tilespmem:s17+$0xFFFFFE20]  }
0x143: {  	v12 =	vld [tilespmem:s17+$0xFFFFFEA0]  }
0x144: {  	v13 =	vbroadcast v1, $0x0;
	v15 =	vbroadcast v1, $0x7;
	v14 =	vld [tilespmem:s17+$0xFFFFFE30]  }
0x145: {  	v17 =	vbroadcast v1, $0x2;
	v18 =	vbroadcast v1, $0x5;
	v16 =	vld [tilespmem:s17+$0xFFFFFE70]  }
0x146: {  	v20 =	vbroadcast v1, $0x6;
	v10 =	vmul.f32 v13, v10;
	v19 =	vld [tilespmem:s17+$0xFFFFFE10]  }
0x147: {  	v22 =	vbroadcast v1, $0x4;
	v11 =	vmul.f32 v11, v13;
	v21 =	vld [tilespmem:s17+$0xFFFFFE50]  }
0x148: {  	v24 =	vbroadcast v1, $0x3;
	v10 =	vadd.f32 $0.0e+00, v10;
	v23 =	vld [tilespmem:s17+$0xFFFFFE60];
	v12 =	vmul.f32 v12, v17  }
0x149: {  	v26 =	vbroadcast v1, $0x1;
	v11 =	vadd.f32 $0.0e+00, v11;
	v14 =	vmul.f32 v14, v13;
	v25 =	vld [tilespmem:s17+$0xFFFFFE40]  }
0x14a: {  	v8 =	vmul.f32 v8, v17;
	v9 =	vmul.f32 v9, v24;
	v27 =	vld [tilespmem:s17+$0xFFFFFED0]  }
0x14b: {  	v7 =	vmul.f32 v7, v24;
	v13 =	vmul.f32 v19, v13;
	v14 =	vadd.f32 $0.0e+00, v14;
	v19 =	vld [tilespmem:s17+$0xFFFFFE90]  }
0x14c: {  	v6 =	vmul.f32 v6, v17;
	v21 =	vmul.f32 v21, v26;
	v28 =	vld [tilespmem:s17+$0xFFFFFEE0]  }
0x14d: {  	v16 =	vmul.f32 v16, v26;
	v13 =	vadd.f32 $0.0e+00, v13;
	v23 =	vmul.f32 v23, v26;
	v29 =	vld [tilespmem:s17+$0xFFFFFF80]  }
0x14e: {  	v5 =	vmul.f32 v5, v22;
	v25 =	vmul.f32 v25, v26;
	v26 =	vld [tilespmem:s17+$0xFFFFFF70]  }
0x14f: {  	v14 =	vadd.f32 v16, v14;
	v11 =	vadd.f32 v23, v11;
	v16 =	vmul.f32 v27, v24;
	v23 =	vld [tilespmem:s17+$0xFFFFFF20]  }
0x150: {  	v4 =	vmul.f32 v4, v22;
	v10 =	vadd.f32 v25, v10;
	v17 =	vmul.f32 v19, v17;
	v19 =	vld [tilespmem:s17+$0xFFFFFFB0]  }
0x151: {  	v3 =	vmul.f32 v3, v22;
	v6 =	vadd.f32 v6, v14;
	v14 =	vmul.f32 v28, v24;
	v24 =	vld [tilespmem:s17+$0xFFFFFF40]  }
0x152: {  	v13 =	vadd.f32 v21, v13;
	v8 =	vadd.f32 v8, v10;
	v10 =	vmul.f32 v29, v20;
	v21 =	vld [tilespmem:s17+$0xFFFFFFA0]  }
0x153: {  	v11 =	vadd.f32 v12, v11;
	v6 =	vadd.f32 v7, v6;
	v7 =	vld [tilespmem:s17+$0xFFFFFF50];
	v12 =	vmul.f32 v26, v18  }
0x154: {  	v2 =	vmul.f32 v2, v18;
	v8 =	vadd.f32 v9, v8;
	v9 =	vmul.f32 v23, v22;
	v22 =	vld [tilespmem:s17+$0xFFFFFFF0]  }
0x155: {  	v11 =	vadd.f32 v14, v11;
	v4 =	vadd.f32 v4, v6;
	v6 =	vmul.f32 v19, v20;
	v14 =	vld [tilespmem:s17+$0xFFFFFFC0]  }
0x156: {  	v13 =	vadd.f32 v17, v13;
	v5 =	vadd.f32 v5, v8;
	v8 =	vmul.f32 v24, v18;
	v17 =	vld [tilespmem:s17+$0xFFFFFFE0]  }
0x157: {  	v4 =	vadd.f32 v12, v4;
	v9 =	vadd.f32 v9, v11;
	v11 =	vld [tilespmem:s17+$0xFFFFFF90];
	v12 =	vmul.f32 v21, v20  }
0x158: {  	v13 =	vadd.f32 v16, v13;
	v5 =	vadd.f32 v8, v5;
	v7 =	vmul.f32 v7, v18  }
0x159: {  	v4 =	vadd.f32 v6, v4;
	v2 =	vadd.f32 v2, v9;
	v6 =	vld [tilespmem:s17+$0xFFFFFFD0];
	v8 =	vmul.f32 v22, v15  }
0x15a: {  	v3 =	vadd.f32 v3, v13;
	v5 =	vadd.f32 v10, v5;
	v9 =	vmul.f32 v14, v15  }
0x15b: {  	v2 =	vadd.f32 v12, v2;
	v10 =	vmul.f32 v17, v15;
	v4 =	vadd.f32 v8, v4  }
0x15c: {  	v3 =	vadd.f32 v7, v3;
	v7 =	vmul.f32 v11, v20;
	v8 =	vadd.f32 v9, v5  }
0x15d: {  	v5 =	vbroadcast v1, $0xA;
	v2 =	vadd.f32 v10, v2  }
0x15e: {  	v3 =	vadd.f32 v7, v3;
	v6 =	vmul.f32 v6, v15  }
0x15f: {  	[tilespmem:s11+$0xFFFFFFB0] =	vst v2  }
0x160: {  	v2 =	vadd.f32 v6, v3;
	[tilespmem:s11+$0xFFFFFFC0] =	vst v4  }
0x161: {  	[tilespmem:s11+$0xFFFFFF90] =	vst v8  }
0x162: {  	[tilespmem:s11+$0xFFFFFFA0] =	vst v2  }
0x163: {  	v6 =	vld [tilespmem:s17+$0x90]  }
0x164: {  	v7 =	vld [tilespmem:s17+$0xC0]  }
0x165: {  	v9 =	vld [tilespmem:s17+$0x120]  }
0x166: {  	v11 =	vld [tilespmem:s17+$0x1E0]  }
0x167: {  	v8 =	vld [tilespmem:s17+$0x80]  }
0x168: {  	v2 =	vld [tilespmem:s17+$0xD0]  }
0x169: {  	v3 =	vld [tilespmem:s17+$0xE0]  }
0x16a: {  	v14 =	vld [tilespmem:s17+$0xA0]  }
.Ltmp3:
0x16b: {  	v17 =	vld [tilespmem:s17+$0xF0];
	(pc) =	sbr.rel @p2 .LBB2_5-.Ltmp3, $4  }
0x16c: {  	v10 =	vbroadcast v1, $0xB;
	v15 =	vld [tilespmem:s17+$0xB0]  }
0x16d: {  	v13 =	vld [tilespmem:s17+$0x40]  }
0x16e: {  	v16 =	vld [tilespmem:s17+$0x60];
	v4 =	vmul.f32 v3, v10  }
0x16f: {  	v3 =	vmul.f32 v2, v10;
	v2 =	vbroadcast v1, $0xE;
	v12 =	vld [tilespmem:s17+$0x70]  }
0x170: {  	v0 =	vbroadcast v1, $0xC  }
0x171: {  	v18 =	vld [tilespmem:s26+$0x20];
	v19 =	vbroadcast v1, $0xF;
	v20 =	vbroadcast v1, $0x9  }
0x172: {  	v17 =	vmul.f32 v17, v10;
	v21 =	vld [tilespmem:s26+$0x30];
	v14 =	vmul.f32 v14, v5  }
0x173: {  	v22 =	vld [tilespmem:s26+$0x50];
	v24 =	vbroadcast v1, $0x8;
	v32 =	vbroadcast v1, $0xD  }
0x174: {  	v23 =	vld [tilespmem:s26+$0x0];
	v8 =	vmul.f32 v8, v5;
	v7 =	vmul.f32 v7, v10  }
0x175: {  	v25 =	vld [tilespmem:s26+$0x10];
	v36 =	vmul.f32 v6, v5;
	v15 =	vmul.f32 v15, v5  }
0x176: {  	v26 =	vld [tilespmem:s26+$0x100];
	v11 =	vmul.f32 v11, v19;
	v13 =	vmul.f32 v13, v20  }
0x177: {  	v27 =	vld [tilespmem:s26+$0x160];
	v9 =	vmul.f32 v9, v0;
	v21 =	vmul.f32 v21, v24  }
0x178: {  	v28 =	vld [tilespmem:s26+$0x140];
	v16 =	vmul.f32 v16, v20;
	v18 =	vmul.f32 v18, v24  }
0x179: {  	v33 =	vld [tilespmem:s26+$0x110];
	v12 =	vmul.f32 v12, v20;
	v34 =	vmul.f32 v23, v24;
	v21 =	vadd.f32 $0.0e+00, v21  }
0x17a: {  	v37 =	vld [tilespmem:s26+$0x130];
	v20 =	vmul.f32 v22, v20;
	v35 =	vmul.f32 v25, v24;
	v18 =	vadd.f32 $0.0e+00, v18  }
0x17b: {  	v39 =	vld [tilespmem:s26+$0x1A0];
	v38 =	vmul.f32 v26, v0;
	v40 =	vadd.f32 $0.0e+00, v34;
	v12 =	vadd.f32 v12, v21  }
0x17c: {  	v42 =	vld [tilespmem:s26+$0x170];
	v41 =	vmul.f32 v27, v32;
	v23 =	vadd.f32 $0.0e+00, v35;
	v16 =	vadd.f32 v16, v18  }
0x17d: {  	v44 =	vld [tilespmem:s26+$0x150];
	v43 =	vmul.f32 v28, v32;
	v13 =	vadd.f32 v13, v40;
	v12 =	vadd.f32 v15, v12  }
0x17e: {  	v46 =	vld [tilespmem:s26+$0x1B0];
	v10 =	vmul.f32 v33, v0;
	v45 =	vadd.f32 v20, v23;
	v14 =	vadd.f32 v14, v16  }
0x17f: {  	v47 =	vld [tilespmem:s26+$0x180];
	v0 =	vmul.f32 v37, v0;
	v8 =	vadd.f32 v8, v13;
	v48 =	vadd.f32 v17, v12  }
0x180: {  	v50 =	vld [tilespmem:s26+$0x1F0];
	v49 =	vmul.f32 v39, v2;
	v5 =	vadd.f32 v36, v45;
	v4 =	vadd.f32 v4, v14  }
0x181: {  	v51 =	vld [tilespmem:s26+$0x190];
	v52 =	vmul.f32 v42, v32;
	v53 =	vadd.f32 v7, v8;
	v0 =	vadd.f32 v0, v48  }
0x182: {  	v54 =	vld [tilespmem:s26+$0x1C0];
	v1 =	vmul.f32 v44, v32;
	v3 =	vadd.f32 v3, v5;
	v4 =	vadd.f32 v9, v4  }
0x183: {  	v56 =	vld [tilespmem:s26+$0x1D0];
	v55 =	vmul.f32 v46, v2;
	v6 =	vadd.f32 v38, v53;
	v0 =	vadd.f32 v52, v0  }
0x184: {  	v57 =	vmul.f32 v47, v2;
	v3 =	vadd.f32 v10, v3;
	v4 =	vadd.f32 v41, v4  }
0x185: {  	v58 =	vmul.f32 v50, v19;
	v6 =	vadd.f32 v43, v6;
	v0 =	vadd.f32 v55, v0  }
0x186: {  	s25 =	sadd.s32 $0x1, s25;
	v59 =	vmul.f32 v51, v2;
	v1 =	vadd.f32 v1, v3;
	v60 =	vadd.f32 v49, v4  }
0x187: {  	p2 =	sne.s32 s25, $0x14;
	v5 =	vmul.f32 v54, v19;
	v61 =	vadd.f32 v57, v6;
	v0 =	vadd.f32 v58, v0  }
.Ltmp4:
0x188: {  	v62 =	vmul.f32 v56, v19;
	v1 =	vadd.f32 v59, v1;
	v3 =	vadd.f32 v11, v60;
	(pc) =	sbr.rel @p2 .LBB2_2-.Ltmp4, $4  }
0x189: {  	v4 =	vadd.f32 v5, v61;
	[tilespmem:s10+$0x0] =	vst v0  }
0x18a: {  	v63 =	vadd.f32 v62, v1;
	[tilespmem:s10+$0xFFFFFFF0] =	vst v3  }
0x18b: {  	s28 =	sadd.s32 $0x100, s28;
	[tilespmem:s10+$0xFFFFFFD0] =	vst v4  }
0x18c: {  	s29 =	sadd.s32 $0x800, s29;
	s0 =	sadd.s32 $0x100, s0;
	s1 =	sadd.s32 $0x800, s1;
	[tilespmem:s10+$0xFFFFFFE0] =	vst v63  }
0x18d: {  	s31 =	simm.s32 $0x0  }
0x18e: {  	[hbm4b:s8+s31] =	stream.linear.scatter [tilespmem:s24], [sflag:$0x3], $0xA000, $0x38;
	[tilespmem:$0x1D018] =	vst v63  }
0x18f: {  	_ =	swait.ge [sflag:s18], $0xA000  }
0x190: {  	[sflag:s18] =	ssyncset.done $0x0  }
0x191: {  	s0 =	simm.s32 $0xB408;
	s1 =	simm.s32 $0x13048;
	[sflag:s18] =	ssyncadd.s32 $0xFFFF6000  }
0x192: {  	[tilespmem:s20], [sflag:$0x1] =	stream.indirect.gather [spmem:s2], $0x40, s0, s19, $0xb8;
	[tilespmem:$0x1D018] =	vst v63  }
0x193: {  	s28 =	simm.s32 $0xDC88;
	s25 =	simm.s32 $0x13478;
	s0 =	simm.s32 $0xDC08  }
.LBB2_8:
0x194: {  	s4 =	sshll.u32 s31, $0x8  }
0x195: {  	s4 =	sadd.s32 $0xB488, s4  }
0x196: {  	[tilespmem:s21], [sflag:$0x2] =	stream.indirect.gather [spmem:s2], $0x40, s4, s19, $0xb8;
	[tilespmem:$0x1D018] =	vst v63  }
0x197: {  	_ =	swait.ge [sflag:s22], $0x2000  }
0x198: {  	[sflag:s22] =	ssyncset.done $0x0  }
0x199: {  	s26 =	simm.s32 $0xF208;
	[sflag:s22] =	ssyncadd.s32 $0xFFFFE000  }
0x19a: {  	v0 =	vmov s0;
	v2 =	vld [tilespmem:s26+$0xFFFFFF60]  }
0x19b: {  	v3 =	vld [tilespmem:s26+$0xFFFFFF10]  }
0x19c: {  	v5 =	vld [tilespmem:s26+$0xFFFFFF00]  }
0x19d: {  	v6 =	vld [tilespmem:s26+$0xFFFFFEB0]  }
0x19e: {  	s17 =	simm.s32 $0x0;
	v7 =	vld [tilespmem:s26+$0xFFFFFEF0]  }
0x19f: {  	v1 =	vld.idx.msk [tilespmem:v0+s17+$0x0 ss:$0x1], $0xffff  }
0x1a0: {  	v8 =	vld [tilespmem:s26+$0xFFFFFE80]  }
0x1a1: {  	v9 =	vld [tilespmem:s26+$0xFFFFFEC0]  }
0x1a2: {  	v10 =	vld [tilespmem:s26+$0xFFFFFE00]  }
0x1a3: {  	v11 =	vld [tilespmem:s26+$0xFFFFFE20]  }
0x1a4: {  	v12 =	vld [tilespmem:s26+$0xFFFFFEA0]  }
0x1a5: {  	v14 =	vld [tilespmem:s26+$0xFFFFFE30];
	v13 =	vbroadcast v1, $0x0  }
0x1a6: {  	v16 =	vld [tilespmem:s26+$0xFFFFFE70];
	v15 =	vbroadcast v1, $0x7;
	v17 =	vbroadcast v1, $0x2  }
0x1a7: {  	v19 =	vld [tilespmem:s26+$0xFFFFFE10];
	v18 =	vbroadcast v1, $0x5;
	v20 =	vbroadcast v1, $0x6  }
0x1a8: {  	v21 =	vld [tilespmem:s26+$0xFFFFFE50];
	v22 =	vbroadcast v1, $0x4;
	v24 =	vbroadcast v1, $0x3  }
0x1a9: {  	v23 =	vld [tilespmem:s26+$0xFFFFFE60];
	v26 =	vbroadcast v1, $0x1;
	v10 =	vmul.f32 v13, v10  }
0x1aa: {  	v25 =	vld [tilespmem:s26+$0xFFFFFE40];
	v11 =	vmul.f32 v11, v13;
	v12 =	vmul.f32 v12, v17  }
0x1ab: {  	v27 =	vld [tilespmem:s26+$0xFFFFFED0];
	v14 =	vmul.f32 v14, v13;
	v8 =	vmul.f32 v8, v17  }
0x1ac: {  	v4 =	vld [tilespmem:s26+$0xFFFFFF30];
	v9 =	vmul.f32 v9, v24;
	v13 =	vmul.f32 v19, v13  }
0x1ad: {  	v28 =	vld [tilespmem:s26+$0xFFFFFEE0];
	v7 =	vmul.f32 v7, v24;
	v21 =	vmul.f32 v21, v26  }
0x1ae: {  	v19 =	vld [tilespmem:s26+$0xFFFFFE90];
	v23 =	vmul.f32 v23, v26;
	v16 =	vmul.f32 v16, v26  }
0x1af: {  	v29 =	vld [tilespmem:s26+$0xFFFFFF80];
	v6 =	vmul.f32 v6, v17;
	v25 =	vmul.f32 v25, v26;
	v14 =	vadd.f32 $0.0e+00, v14  }
0x1b0: {  	v59 =	vld [tilespmem:s26+$0xFFFFFF70];
	v5 =	vmul.f32 v5, v22;
	v60 =	vmul.f32 v27, v24;
	v11 =	vadd.f32 $0.0e+00, v11  }
0x1b1: {  	v4 =	vmul.f32 v4, v22;
	v10 =	vadd.f32 $0.0e+00, v10;
	v14 =	vadd.f32 v16, v14;
	v16 =	vld [tilespmem:s26+$0xFFFFFF20]  }
0x1b2: {  	v61 =	vld [tilespmem:s26+$0xFFFFFF40];
	v3 =	vmul.f32 v3, v22;
	v2 =	vmul.f32 v2, v18;
	v11 =	vadd.f32 v23, v11  }
0x1b3: {  	v13 =	vadd.f32 $0.0e+00, v13;
	v10 =	vadd.f32 v25, v10;
	v17 =	vmul.f32 v19, v17;
	v19 =	vld [tilespmem:s26+$0xFFFFFFB0]  }
0x1b4: {  	v62 =	vld [tilespmem:s26+$0xFFFFFFA0];
	v6 =	vadd.f32 v6, v14;
	v14 =	vmul.f32 v28, v24;
	v11 =	vadd.f32 v12, v11  }
0x1b5: {  	v63 =	vld [tilespmem:s26+$0xFFFFFFF0];
	v13 =	vadd.f32 v21, v13;
	v8 =	vadd.f32 v8, v10;
	v10 =	vmul.f32 v29, v20  }
0x1b6: {  	v6 =	vadd.f32 v7, v6;
	v7 =	vld [tilespmem:s26+$0xFFFFFF50];
	v11 =	vadd.f32 v14, v11;
	v16 =	vmul.f32 v16, v22  }
0x1b7: {  	v12 =	vmul.f32 v59, v18;
	v8 =	vadd.f32 v9, v8;
	v9 =	vadd.f32 v17, v13;
	v13 =	vld [tilespmem:s26+$0xFFFFFFE0]  }
0x1b8: {  	v14 =	vld [tilespmem:s26+$0xFFFFFF90];
	v4 =	vadd.f32 v4, v6;
	v6 =	vmul.f32 v19, v20;
	v11 =	vadd.f32 v16, v11  }
0x1b9: {  	v5 =	vadd.f32 v5, v8;
	v8 =	vmul.f32 v61, v18;
	v9 =	vadd.f32 v60, v9;
	v16 =	vld [tilespmem:s26+$0xFFFFFFC0]  }
0x1ba: {  	v4 =	vadd.f32 v12, v4;
	v12 =	vmul.f32 v62, v20;
	v2 =	vadd.f32 v2, v11;
	v11 =	vld [tilespmem:s26+$0xFFFFFFD0]  }
0x1bb: {  	v5 =	vadd.f32 v8, v5;
	v3 =	vadd.f32 v3, v9;
	v7 =	vmul.f32 v7, v18  }
0x1bc: {  	v8 =	vmul.f32 v63, v15;
	v4 =	vadd.f32 v6, v4;
	v6 =	vmul.f32 v13, v15  }
0x1bd: {  	v2 =	vadd.f32 v12, v2;
	v3 =	vadd.f32 v7, v3;
	v7 =	vmul.f32 v14, v20  }
0x1be: {  	v5 =	vadd.f32 v10, v5;
	v9 =	vmul.f32 v16, v15;
	v4 =	vadd.f32 v8, v4  }
0x1bf: {  	v2 =	vadd.f32 v6, v2;
	v3 =	vadd.f32 v7, v3;
	v6 =	vmul.f32 v11, v15  }
0x1c0: {  	v5 =	vadd.f32 v9, v5;
	[tilespmem:s1+$0xFFFFFFF0] =	vst v4  }
0x1c1: {  	[tilespmem:s1+$0xFFFFFFE0] =	vst v2;
	v2 =	vadd.f32 v6, v3  }
0x1c2: {  	[tilespmem:s1+$0xFFFFFFC0] =	vst v5  }
0x1c3: {  	[tilespmem:s1+$0xFFFFFFD0] =	vst v2  }
0x1c4: {  	v6 =	vld [tilespmem:s26+$0x90]  }
0x1c5: {  	v7 =	vld [tilespmem:s26+$0xC0]  }
0x1c6: {  	v9 =	vld [tilespmem:s26+$0x120]  }
0x1c7: {  	v11 =	vld [tilespmem:s26+$0x1E0]  }
0x1c8: {  	v8 =	vld [tilespmem:s26+$0x80]  }
0x1c9: {  	v2 =	vld [tilespmem:s26+$0xD0]  }
0x1ca: {  	v3 =	vld [tilespmem:s26+$0xE0]  }
0x1cb: {  	v14 =	vld [tilespmem:s26+$0xA0]  }
0x1cc: {  	v17 =	vld [tilespmem:s26+$0xF0]  }
0x1cd: {  	v10 =	vbroadcast v1, $0xB;
	v15 =	vld [tilespmem:s26+$0xB0]  }
0x1ce: {  	v13 =	vld [tilespmem:s26+$0x40]  }
0x1cf: {  	s10 =	sshll.u32 s31, $0xA;
	s12 =	simm.s32 $0x40;
	v5 =	vbroadcast v1, $0xA;
	v16 =	vld [tilespmem:s26+$0x60];
	v4 =	vmul.f32 v3, v10  }
0x1d0: {  	s29 =	smov.u32 s1;
	s11 =	smov.u32 s1;
	s17 =	simm.s32 $0xF208;
	v12 =	vld [tilespmem:s26+$0x70];
	v3 =	vmul.f32 v2, v10;
	v2 =	vbroadcast v1, $0xE  }
.LBB2_9:
0x1d1: {  	p2 =	sne.s32 s12, $0x1C0;
	v18 =	vld [tilespmem:s26+$0x20];
	v19 =	vbroadcast v1, $0xC;
	v20 =	vbroadcast v1, $0xF;
	s29 =	sadd.s32 $0x80, s29;
	s17 =	sadd.s32 $0x400, s17  }
0x1d2: {  	v22 =	vbroadcast v1, $0x9;
	v17 =	vmul.f32 v17, v10;
	s4 =	smov.u32 s12;
	s12 =	sadd.s32 $0x40, s12;
	v21 =	vld [tilespmem:s26+$0x0]  }
0x1d3: {  	v14 =	vmul.f32 v14, v5;
	v15 =	vmul.f32 v15, v5;
	v23 =	vld [tilespmem:s26+$0x30]  }
0x1d4: {  	v11 =	vmul.f32 v11, v20;
	v24 =	vld [tilespmem:s26+$0x50];
	v16 =	vmul.f32 v16, v22  }
0x1d5: {  	v25 =	vbroadcast v1, $0x8;
	v13 =	vmul.f32 v13, v22;
	v26 =	vld [tilespmem:s26+$0x10]  }
0x1d6: {  	v1 =	vbroadcast v1, $0xD;
	v9 =	vmul.f32 v9, v19;
	v27 =	vld [tilespmem:s26+$0x100]  }
0x1d7: {  	v8 =	vmul.f32 v8, v5;
	v18 =	vmul.f32 v18, v25;
	v28 =	vld [tilespmem:s26+$0x160]  }
0x1d8: {  	v12 =	vmul.f32 v12, v22;
	v23 =	vmul.f32 v23, v25;
	v29 =	vld [tilespmem:s26+$0x140]  }
0x1d9: {  	v7 =	vmul.f32 v7, v10;
	v22 =	vmul.f32 v24, v22;
	v10 =	vld [tilespmem:s26+$0x110]  }
0x1da: {  	v5 =	vmul.f32 v6, v5;
	v24 =	vmul.f32 v26, v25;
	v23 =	vadd.f32 $0.0e+00, v23;
	v6 =	vld [tilespmem:s26+$0x130]  }
0x1db: {  	v21 =	vmul.f32 v21, v25;
	v25 =	vmul.f32 v27, v19;
	v26 =	vld [tilespmem:s26+$0x1A0]  }
0x1dc: {  	v18 =	vadd.f32 $0.0e+00, v18;
	v12 =	vadd.f32 v12, v23;
	v23 =	vmul.f32 v28, v1;
	v27 =	vld [tilespmem:s26+$0x170]  }
0x1dd: {  	v21 =	vadd.f32 $0.0e+00, v21;
	v24 =	vadd.f32 $0.0e+00, v24;
	v28 =	vmul.f32 v29, v1;
	v29 =	vld [tilespmem:s26+$0x150]  }
0x1de: {  	v16 =	vadd.f32 v16, v18;
	v12 =	vadd.f32 v15, v12;
	v10 =	vmul.f32 v10, v19;
	v15 =	vld [tilespmem:s26+$0x180]  }
0x1df: {  	v13 =	vadd.f32 v13, v21;
	v18 =	vadd.f32 v22, v24;
	v6 =	vmul.f32 v6, v19;
	v19 =	vld [tilespmem:s26+$0x190]  }
0x1e0: {  	v14 =	vadd.f32 v14, v16;
	v12 =	vadd.f32 v17, v12;
	v16 =	vmul.f32 v26, v2;
	v17 =	vld [tilespmem:s26+$0x1B0]  }
0x1e1: {  	v8 =	vadd.f32 v8, v13;
	v5 =	vadd.f32 v5, v18;
	v13 =	vmul.f32 v27, v1  }
0x1e2: {  	v4 =	vadd.f32 v4, v14;
	v6 =	vadd.f32 v6, v12;
	v1 =	vmul.f32 v29, v1;
	v12 =	vld [tilespmem:s26+$0x1F0]  }
0x1e3: {  	v7 =	vadd.f32 v7, v8;
	v3 =	vadd.f32 v3, v5;
	v5 =	vmul.f32 v15, v2  }
0x1e4: {  	v4 =	vadd.f32 v9, v4;
	v6 =	vadd.f32 v13, v6;
	v8 =	vmul.f32 v19, v2;
	v9 =	vld [tilespmem:s26+$0x1C0]  }
0x1e5: {  	v7 =	vadd.f32 v25, v7;
	v3 =	vadd.f32 v10, v3;
	v2 =	vmul.f32 v17, v2;
	v10 =	vld [tilespmem:s26+$0x1D0];
	s26 =	smov.u32 s17  }
0x1e6: {  	v4 =	vadd.f32 v23, v4  }
0x1e7: {  	v7 =	vadd.f32 v28, v7;
	v2 =	vadd.f32 v2, v6;
	v6 =	vmul.f32 v12, v20  }
0x1e8: {  	v1 =	vadd.f32 v1, v3;
	v3 =	vadd.f32 v16, v4  }
0x1e9: {  	v4 =	vadd.f32 v5, v7;
	v5 =	vmul.f32 v9, v20;
	v2 =	vadd.f32 v6, v2  }
0x1ea: {  	v1 =	vadd.f32 v8, v1;
	v3 =	vadd.f32 v11, v3;
	v6 =	vmul.f32 v10, v20  }
0x1eb: {  	v4 =	vadd.f32 v5, v4;
	[tilespmem:s11+$0x30] =	vst v2  }
0x1ec: {  	v1 =	vadd.f32 v6, v1;
	[tilespmem:s11+$0x20] =	vst v3  }
0x1ed: {  	[tilespmem:s11+$0x0] =	vst v4  }
0x1ee: {  	[tilespmem:s11+$0x10] =	vst v1;
	s11 =	smov.u32 s29  }
0x1ef: {  	v2 =	vld [tilespmem:s17+$0xFFFFFF60]  }
0x1f0: {  	v3 =	vld [tilespmem:s17+$0xFFFFFF10]  }
0x1f1: {  	v4 =	vld [tilespmem:s17+$0xFFFFFF30]  }
0x1f2: {  	v5 =	vld [tilespmem:s17+$0xFFFFFF00]  }
0x1f3: {  	v6 =	vld [tilespmem:s17+$0xFFFFFEB0]  }
0x1f4: {  	s4 =	sshra.s32 s4, $0x2;
	v7 =	vld [tilespmem:s17+$0xFFFFFEF0]  }
0x1f5: {  	v1 =	vld.idx.msk [tilespmem:v0+s4+$0x0 ss:$0x1], $0xffff  }
0x1f6: {  	v8 =	vld [tilespmem:s17+$0xFFFFFE80]  }
0x1f7: {  	v9 =	vld [tilespmem:s17+$0xFFFFFEC0]  }
0x1f8: {  	v10 =	vld [tilespmem:s17+$0xFFFFFE00]  }
0x1f9: {  	v11 =	vld [tilespmem:s17+$0xFFFFFE20]  }
0x1fa: {  	v12 =	vld [tilespmem:s17+$0xFFFFFEA0]  }
0x1fb: {  	v13 =	vbroadcast v1, $0x0;
	v15 =	vbroadcast v1, $0x7;
	v14 =	vld [tilespmem:s17+$0xFFFFFE30]  }
0x1fc: {  	v17 =	vbroadcast v1, $0x2;
	v18 =	vbroadcast v1, $0x5;
	v16 =	vld [tilespmem:s17+$0xFFFFFE70]  }
0x1fd: {  	v20 =	vbroadcast v1, $0x6;
	v10 =	vmul.f32 v13, v10;
	v19 =	vld [tilespmem:s17+$0xFFFFFE10]  }
0x1fe: {  	v22 =	vbroadcast v1, $0x4;
	v11 =	vmul.f32 v11, v13;
	v21 =	vld [tilespmem:s17+$0xFFFFFE50]  }
0x1ff: {  	v24 =	vbroadcast v1, $0x3;
	v10 =	vadd.f32 $0.0e+00, v10;
	v23 =	vld [tilespmem:s17+$0xFFFFFE60];
	v12 =	vmul.f32 v12, v17  }
0x200: {  	v26 =	vbroadcast v1, $0x1;
	v11 =	vadd.f32 $0.0e+00, v11;
	v14 =	vmul.f32 v14, v13;
	v25 =	vld [tilespmem:s17+$0xFFFFFE40]  }
0x201: {  	v8 =	vmul.f32 v8, v17;
	v9 =	vmul.f32 v9, v24;
	v27 =	vld [tilespmem:s17+$0xFFFFFED0]  }
0x202: {  	v7 =	vmul.f32 v7, v24;
	v13 =	vmul.f32 v19, v13;
	v14 =	vadd.f32 $0.0e+00, v14;
	v19 =	vld [tilespmem:s17+$0xFFFFFE90]  }
0x203: {  	v6 =	vmul.f32 v6, v17;
	v21 =	vmul.f32 v21, v26;
	v28 =	vld [tilespmem:s17+$0xFFFFFEE0]  }
0x204: {  	v16 =	vmul.f32 v16, v26;
	v13 =	vadd.f32 $0.0e+00, v13;
	v23 =	vmul.f32 v23, v26;
	v29 =	vld [tilespmem:s17+$0xFFFFFF80]  }
0x205: {  	v5 =	vmul.f32 v5, v22;
	v25 =	vmul.f32 v25, v26;
	v26 =	vld [tilespmem:s17+$0xFFFFFF70]  }
0x206: {  	v14 =	vadd.f32 v16, v14;
	v11 =	vadd.f32 v23, v11;
	v16 =	vmul.f32 v27, v24;
	v23 =	vld [tilespmem:s17+$0xFFFFFF20]  }
0x207: {  	v4 =	vmul.f32 v4, v22;
	v10 =	vadd.f32 v25, v10;
	v17 =	vmul.f32 v19, v17;
	v19 =	vld [tilespmem:s17+$0xFFFFFFB0]  }
0x208: {  	v3 =	vmul.f32 v3, v22;
	v6 =	vadd.f32 v6, v14;
	v14 =	vmul.f32 v28, v24;
	v24 =	vld [tilespmem:s17+$0xFFFFFF40]  }
0x209: {  	v13 =	vadd.f32 v21, v13;
	v8 =	vadd.f32 v8, v10;
	v10 =	vmul.f32 v29, v20;
	v21 =	vld [tilespmem:s17+$0xFFFFFFA0]  }
0x20a: {  	v11 =	vadd.f32 v12, v11;
	v6 =	vadd.f32 v7, v6;
	v7 =	vld [tilespmem:s17+$0xFFFFFF50];
	v12 =	vmul.f32 v26, v18  }
0x20b: {  	v2 =	vmul.f32 v2, v18;
	v8 =	vadd.f32 v9, v8;
	v9 =	vmul.f32 v23, v22;
	v22 =	vld [tilespmem:s17+$0xFFFFFFF0]  }
0x20c: {  	v11 =	vadd.f32 v14, v11;
	v4 =	vadd.f32 v4, v6;
	v6 =	vmul.f32 v19, v20;
	v14 =	vld [tilespmem:s17+$0xFFFFFFC0]  }
0x20d: {  	v13 =	vadd.f32 v17, v13;
	v5 =	vadd.f32 v5, v8;
	v8 =	vmul.f32 v24, v18;
	v17 =	vld [tilespmem:s17+$0xFFFFFFE0]  }
0x20e: {  	v4 =	vadd.f32 v12, v4;
	v9 =	vadd.f32 v9, v11;
	v11 =	vld [tilespmem:s17+$0xFFFFFF90];
	v12 =	vmul.f32 v21, v20  }
0x20f: {  	v13 =	vadd.f32 v16, v13;
	v5 =	vadd.f32 v8, v5;
	v7 =	vmul.f32 v7, v18  }
0x210: {  	v4 =	vadd.f32 v6, v4;
	v2 =	vadd.f32 v2, v9;
	v6 =	vld [tilespmem:s17+$0xFFFFFFD0];
	v8 =	vmul.f32 v22, v15  }
0x211: {  	v3 =	vadd.f32 v3, v13;
	v5 =	vadd.f32 v10, v5;
	v9 =	vmul.f32 v14, v15  }
0x212: {  	v2 =	vadd.f32 v12, v2;
	v10 =	vmul.f32 v17, v15;
	v4 =	vadd.f32 v8, v4  }
0x213: {  	v3 =	vadd.f32 v7, v3;
	v7 =	vmul.f32 v11, v20;
	v8 =	vadd.f32 v9, v5  }
0x214: {  	v5 =	vbroadcast v1, $0xA;
	v2 =	vadd.f32 v10, v2  }
0x215: {  	v3 =	vadd.f32 v7, v3;
	v6 =	vmul.f32 v6, v15  }
0x216: {  	[tilespmem:s29+$0xFFFFFFE0] =	vst v2  }
0x217: {  	v2 =	vadd.f32 v6, v3;
	[tilespmem:s29+$0xFFFFFFF0] =	vst v4  }
0x218: {  	[tilespmem:s29+$0xFFFFFFC0] =	vst v8  }
0x219: {  	[tilespmem:s29+$0xFFFFFFD0] =	vst v2  }
0x21a: {  	v6 =	vld [tilespmem:s17+$0x90]  }
0x21b: {  	v7 =	vld [tilespmem:s17+$0xC0]  }
0x21c: {  	v9 =	vld [tilespmem:s17+$0x120]  }
0x21d: {  	v11 =	vld [tilespmem:s17+$0x1E0]  }
0x21e: {  	v8 =	vld [tilespmem:s17+$0x80]  }
0x21f: {  	v2 =	vld [tilespmem:s17+$0xD0]  }
0x220: {  	v3 =	vld [tilespmem:s17+$0xE0]  }
0x221: {  	v14 =	vld [tilespmem:s17+$0xA0]  }
.Ltmp5:
0x222: {  	v17 =	vld [tilespmem:s17+$0xF0];
	(pc) =	sbr.rel @p2 .LBB2_9-.Ltmp5, $4  }
0x223: {  	v10 =	vbroadcast v1, $0xB;
	v15 =	vld [tilespmem:s17+$0xB0]  }
0x224: {  	v13 =	vld [tilespmem:s17+$0x40]  }
0x225: {  	v16 =	vld [tilespmem:s17+$0x60];
	v4 =	vmul.f32 v3, v10  }
0x226: {  	v3 =	vmul.f32 v2, v10;
	v2 =	vbroadcast v1, $0xE;
	v12 =	vld [tilespmem:s17+$0x70]  }
0x227: {  	v0 =	vbroadcast v1, $0xC  }
0x228: {  	v18 =	vld [tilespmem:s26+$0x20];
	v19 =	vbroadcast v1, $0xF;
	v20 =	vbroadcast v1, $0x9  }
0x229: {  	v17 =	vmul.f32 v17, v10;
	v21 =	vld [tilespmem:s26+$0x30];
	v14 =	vmul.f32 v14, v5  }
0x22a: {  	v22 =	vld [tilespmem:s26+$0x50];
	v24 =	vbroadcast v1, $0x8;
	v1 =	vbroadcast v1, $0xD  }
0x22b: {  	v23 =	vld [tilespmem:s26+$0x0];
	v8 =	vmul.f32 v8, v5;
	v7 =	vmul.f32 v7, v10  }
0x22c: {  	v25 =	vld [tilespmem:s26+$0x10];
	v15 =	vmul.f32 v15, v5;
	v5 =	vmul.f32 v6, v5  }
0x22d: {  	v26 =	vld [tilespmem:s26+$0x100];
	v11 =	vmul.f32 v11, v19;
	v13 =	vmul.f32 v13, v20  }
0x22e: {  	v27 =	vld [tilespmem:s26+$0x160];
	v9 =	vmul.f32 v9, v0;
	v21 =	vmul.f32 v21, v24  }
0x22f: {  	v10 =	vld [tilespmem:s26+$0x110];
	v16 =	vmul.f32 v16, v20;
	v18 =	vmul.f32 v18, v24  }
0x230: {  	v6 =	vld [tilespmem:s26+$0x130];
	v12 =	vmul.f32 v12, v20;
	v41 =	vmul.f32 v23, v24;
	v21 =	vadd.f32 $0.0e+00, v21  }
0x231: {  	v28 =	vld [tilespmem:s26+$0x140];
	v20 =	vmul.f32 v22, v20;
	v42 =	vmul.f32 v25, v24;
	v18 =	vadd.f32 $0.0e+00, v18  }
0x232: {  	v44 =	vld [tilespmem:s26+$0x1A0];
	v43 =	vmul.f32 v26, v0;
	v45 =	vadd.f32 $0.0e+00, v41;
	v12 =	vadd.f32 v12, v21  }
0x233: {  	v47 =	vld [tilespmem:s26+$0x170];
	v46 =	vmul.f32 v27, v1;
	v23 =	vadd.f32 $0.0e+00, v42;
	v16 =	vadd.f32 v16, v18  }
0x234: {  	v48 =	vld [tilespmem:s26+$0x150];
	v10 =	vmul.f32 v10, v0;
	v13 =	vadd.f32 v13, v45;
	v12 =	vadd.f32 v15, v12  }
0x235: {  	v0 =	vmul.f32 v6, v0;
	v15 =	vadd.f32 v20, v23;
	v14 =	vadd.f32 v14, v16;
	v16 =	vld [tilespmem:s26+$0x1B0]  }
0x236: {  	v49 =	vld [tilespmem:s26+$0x180];
	v18 =	vmul.f32 v28, v1;
	v8 =	vadd.f32 v8, v13;
	v6 =	vadd.f32 v17, v12  }
0x237: {  	v13 =	vld [tilespmem:s26+$0x1F0];
	v12 =	vmul.f32 v44, v2;
	v5 =	vadd.f32 v5, v15;
	v4 =	vadd.f32 v4, v14  }
0x238: {  	v14 =	vld [tilespmem:s26+$0x190];
	v15 =	vmul.f32 v47, v1;
	v0 =	vadd.f32 v0, v6;
	v6 =	vadd.f32 v7, v8  }
0x239: {  	v1 =	vmul.f32 v48, v1;
	v3 =	vadd.f32 v3, v5;
	v4 =	vadd.f32 v9, v4;
	v5 =	vld [tilespmem:s26+$0x1C0]  }
0x23a: {  	v8 =	vld [tilespmem:s26+$0x1D0];
	v7 =	vmul.f32 v16, v2;
	v0 =	vadd.f32 v15, v0;
	v6 =	vadd.f32 v43, v6  }
0x23b: {  	v9 =	vmul.f32 v49, v2;
	v3 =	vadd.f32 v10, v3;
	v4 =	vadd.f32 v46, v4  }
0x23c: {  	v6 =	vadd.f32 v18, v6;
	v0 =	vadd.f32 v7, v0;
	v7 =	vmul.f32 v13, v19  }
0x23d: {  	v2 =	vmul.f32 v14, v2;
	v1 =	vadd.f32 v1, v3;
	v3 =	vadd.f32 v12, v4  }
0x23e: {  	v5 =	vmul.f32 v5, v19;
	v4 =	vadd.f32 v9, v6;
	v0 =	vadd.f32 v7, v0  }
0x23f: {  	v1 =	vadd.f32 v2, v1;
	v2 =	vmul.f32 v8, v19;
	v3 =	vadd.f32 v11, v3  }
0x240: {  	v4 =	vadd.f32 v5, v4;
	[tilespmem:s11+$0x30] =	vst v0  }
0x241: {  	p2 =	seq.s32 s31, $0x13;
	v0 =	vadd.f32 v2, v1;
	[tilespmem:s11+$0x20] =	vst v3  }
0x242: {  	s4 =	sshrl.u32 @!p2 s10, $0x2;
	[tilespmem:s11+$0x0] =	vst v4  }
0x243: {  	s10 =	simm.s32 @!p2 $0x80;
	s4 =	sadd.s32 @!p2 $0xB508, s4;
	[tilespmem:s11+$0x10] =	vst v0;
	s11 =	simm.s32 @!p2 $0xF008  }
0x244: {  	[tilespmem:s11], [sflag:$0x1] =	stream.indirect.gather @!p2 [spmem:s2], $0x40, s4, s10, $0xb8;
	[tilespmem:$0x1D018] =	vst v63  }
0x245: {  	_ =	swait.ge [sflag:s23], $0x2000  }
0x246: {  	[sflag:s23] =	ssyncset.done $0x0  }
0x247: {  	s26 =	simm.s32 $0x11208;
	[sflag:s23] =	ssyncadd.s32 $0xFFFFE000  }
0x248: {  	v0 =	vmov s28;
	v2 =	vld [tilespmem:s26+$0xFFFFFF60]  }
0x249: {  	v3 =	vld [tilespmem:s26+$0xFFFFFF10]  }
0x24a: {  	v5 =	vld [tilespmem:s26+$0xFFFFFF00]  }
0x24b: {  	v6 =	vld [tilespmem:s26+$0xFFFFFEB0]  }
0x24c: {  	s29 =	simm.s32 $0x0;
	v7 =	vld [tilespmem:s26+$0xFFFFFEF0]  }
0x24d: {  	v1 =	vld.idx.msk [tilespmem:v0+s29+$0x0 ss:$0x1], $0xffff  }
0x24e: {  	v8 =	vld [tilespmem:s26+$0xFFFFFE80]  }
0x24f: {  	v9 =	vld [tilespmem:s26+$0xFFFFFEC0]  }
0x250: {  	v10 =	vld [tilespmem:s26+$0xFFFFFE00]  }
0x251: {  	v11 =	vld [tilespmem:s26+$0xFFFFFE20]  }
0x252: {  	v12 =	vld [tilespmem:s26+$0xFFFFFEA0]  }
0x253: {  	v14 =	vld [tilespmem:s26+$0xFFFFFE30];
	v13 =	vbroadcast v1, $0x0  }
0x254: {  	v16 =	vld [tilespmem:s26+$0xFFFFFE70];
	v15 =	vbroadcast v1, $0x7;
	v17 =	vbroadcast v1, $0x2  }
0x255: {  	v19 =	vld [tilespmem:s26+$0xFFFFFE10];
	v18 =	vbroadcast v1, $0x5;
	v50 =	vbroadcast v1, $0x6  }
0x256: {  	v51 =	vld [tilespmem:s26+$0xFFFFFE50];
	v52 =	vbroadcast v1, $0x4;
	v54 =	vbroadcast v1, $0x3  }
0x257: {  	v53 =	vld [tilespmem:s26+$0xFFFFFE60];
	v56 =	vbroadcast v1, $0x1;
	v10 =	vmul.f32 v13, v10  }
0x258: {  	v55 =	vld [tilespmem:s26+$0xFFFFFE40];
	v11 =	vmul.f32 v11, v13;
	v12 =	vmul.f32 v12, v17  }
0x259: {  	v57 =	vld [tilespmem:s26+$0xFFFFFED0];
	v14 =	vmul.f32 v14, v13;
	v8 =	vmul.f32 v8, v17  }
0x25a: {  	v4 =	vld [tilespmem:s26+$0xFFFFFF30];
	v9 =	vmul.f32 v9, v54;
	v13 =	vmul.f32 v19, v13  }
0x25b: {  	v58 =	vld [tilespmem:s26+$0xFFFFFEE0];
	v7 =	vmul.f32 v7, v54;
	v21 =	vmul.f32 v51, v56  }
0x25c: {  	v19 =	vld [tilespmem:s26+$0xFFFFFE90];
	v23 =	vmul.f32 v53, v56;
	v16 =	vmul.f32 v16, v56  }
0x25d: {  	v29 =	vld [tilespmem:s26+$0xFFFFFF80];
	v6 =	vmul.f32 v6, v17;
	v25 =	vmul.f32 v55, v56;
	v14 =	vadd.f32 $0.0e+00, v14  }
0x25e: {  	v59 =	vld [tilespmem:s26+$0xFFFFFF70];
	v5 =	vmul.f32 v5, v52;
	v60 =	vmul.f32 v57, v54;
	v11 =	vadd.f32 $0.0e+00, v11  }
0x25f: {  	v4 =	vmul.f32 v4, v52;
	v10 =	vadd.f32 $0.0e+00, v10;
	v14 =	vadd.f32 v16, v14;
	v16 =	vld [tilespmem:s26+$0xFFFFFF20]  }
0x260: {  	v61 =	vld [tilespmem:s26+$0xFFFFFF40];
	v3 =	vmul.f32 v3, v52;
	v2 =	vmul.f32 v2, v18;
	v11 =	vadd.f32 v23, v11  }
0x261: {  	v13 =	vadd.f32 $0.0e+00, v13;
	v10 =	vadd.f32 v25, v10;
	v17 =	vmul.f32 v19, v17;
	v19 =	vld [tilespmem:s26+$0xFFFFFFB0]  }
0x262: {  	v62 =	vld [tilespmem:s26+$0xFFFFFFA0];
	v6 =	vadd.f32 v6, v14;
	v14 =	vmul.f32 v58, v54;
	v11 =	vadd.f32 v12, v11  }
0x263: {  	v63 =	vld [tilespmem:s26+$0xFFFFFFF0];
	v13 =	vadd.f32 v21, v13;
	v8 =	vadd.f32 v8, v10;
	v10 =	vmul.f32 v29, v50  }
0x264: {  	v6 =	vadd.f32 v7, v6;
	v7 =	vld [tilespmem:s26+$0xFFFFFF50];
	v11 =	vadd.f32 v14, v11;
	v16 =	vmul.f32 v16, v52  }
0x265: {  	v12 =	vmul.f32 v59, v18;
	v8 =	vadd.f32 v9, v8;
	v9 =	vadd.f32 v17, v13;
	v13 =	vld [tilespmem:s26+$0xFFFFFFE0]  }
0x266: {  	v14 =	vld [tilespmem:s26+$0xFFFFFF90];
	v4 =	vadd.f32 v4, v6;
	v6 =	vmul.f32 v19, v50;
	v11 =	vadd.f32 v16, v11  }
0x267: {  	v5 =	vadd.f32 v5, v8;
	v8 =	vmul.f32 v61, v18;
	v9 =	vadd.f32 v60, v9;
	v16 =	vld [tilespmem:s26+$0xFFFFFFC0]  }
0x268: {  	v4 =	vadd.f32 v12, v4;
	v12 =	vmul.f32 v62, v50;
	v2 =	vadd.f32 v2, v11;
	v11 =	vld [tilespmem:s26+$0xFFFFFFD0]  }
0x269: {  	v5 =	vadd.f32 v8, v5;
	v3 =	vadd.f32 v3, v9;
	v7 =	vmul.f32 v7, v18  }
0x26a: {  	v8 =	vmul.f32 v63, v15;
	v4 =	vadd.f32 v6, v4;
	v6 =	vmul.f32 v13, v15  }
0x26b: {  	v2 =	vadd.f32 v12, v2;
	v3 =	vadd.f32 v7, v3;
	v7 =	vmul.f32 v14, v50  }
0x26c: {  	v5 =	vadd.f32 v10, v5;
	v9 =	vmul.f32 v16, v15;
	v4 =	vadd.f32 v8, v4  }
0x26d: {  	v2 =	vadd.f32 v6, v2;
	v3 =	vadd.f32 v7, v3;
	v6 =	vmul.f32 v11, v15  }
0x26e: {  	v5 =	vadd.f32 v9, v5;
	[tilespmem:s25+$0xFFFFFFC0] =	vst v4  }
0x26f: {  	[tilespmem:s25+$0xFFFFFFB0] =	vst v2;
	v2 =	vadd.f32 v6, v3  }
0x270: {  	[tilespmem:s25+$0xFFFFFF90] =	vst v5  }
0x271: {  	[tilespmem:s25+$0xFFFFFFA0] =	vst v2  }
0x272: {  	v6 =	vld [tilespmem:s26+$0x90]  }
0x273: {  	v7 =	vld [tilespmem:s26+$0xC0]  }
0x274: {  	v9 =	vld [tilespmem:s26+$0x120]  }
0x275: {  	v11 =	vld [tilespmem:s26+$0x1E0]  }
0x276: {  	v8 =	vld [tilespmem:s26+$0x80]  }
0x277: {  	v2 =	vld [tilespmem:s26+$0xD0]  }
0x278: {  	v3 =	vld [tilespmem:s26+$0xE0]  }
0x279: {  	v14 =	vld [tilespmem:s26+$0xA0]  }
0x27a: {  	v17 =	vld [tilespmem:s26+$0xF0]  }
0x27b: {  	v10 =	vbroadcast v1, $0xB;
	v15 =	vld [tilespmem:s26+$0xB0]  }
0x27c: {  	v13 =	vld [tilespmem:s26+$0x40]  }
0x27d: {  	s12 =	smov.u32 s25;
	v5 =	vbroadcast v1, $0xA;
	v16 =	vld [tilespmem:s26+$0x60];
	v4 =	vmul.f32 v3, v10  }
0x27e: {  	s17 =	simm.s32 $0x11208;
	s11 =	simm.s32 $0x40;
	s10 =	smov.u32 s25;
	v12 =	vld [tilespmem:s26+$0x70];
	v3 =	vmul.f32 v2, v10;
	v2 =	vbroadcast v1, $0xE  }
.LBB2_11:
0x27f: {  	p2 =	sne.s32 s11, $0x1C0;
	v18 =	vld [tilespmem:s26+$0x20];
	v19 =	vbroadcast v1, $0xC;
	v20 =	vbroadcast v1, $0xF;
	s12 =	sadd.s32 $0x80, s12;
	s17 =	sadd.s32 $0x400, s17  }
0x280: {  	v22 =	vbroadcast v1, $0x9;
	v17 =	vmul.f32 v17, v10;
	s4 =	smov.u32 s11;
	s11 =	sadd.s32 $0x40, s11;
	v21 =	vld [tilespmem:s26+$0x0]  }
0x281: {  	v14 =	vmul.f32 v14, v5;
	v15 =	vmul.f32 v15, v5;
	v23 =	vld [tilespmem:s26+$0x30]  }
0x282: {  	v11 =	vmul.f32 v11, v20;
	v24 =	vld [tilespmem:s26+$0x50];
	v16 =	vmul.f32 v16, v22  }
0x283: {  	v25 =	vbroadcast v1, $0x8;
	v13 =	vmul.f32 v13, v22;
	v26 =	vld [tilespmem:s26+$0x10]  }
0x284: {  	v1 =	vbroadcast v1, $0xD;
	v9 =	vmul.f32 v9, v19;
	v27 =	vld [tilespmem:s26+$0x100]  }
0x285: {  	v8 =	vmul.f32 v8, v5;
	v18 =	vmul.f32 v18, v25;
	v28 =	vld [tilespmem:s26+$0x160]  }
0x286: {  	v12 =	vmul.f32 v12, v22;
	v23 =	vmul.f32 v23, v25;
	v29 =	vld [tilespmem:s26+$0x140]  }
0x287: {  	v7 =	vmul.f32 v7, v10;
	v22 =	vmul.f32 v24, v22;
	v10 =	vld [tilespmem:s26+$0x110]  }
0x288: {  	v5 =	vmul.f32 v6, v5;
	v24 =	vmul.f32 v26, v25;
	v23 =	vadd.f32 $0.0e+00, v23;
	v6 =	vld [tilespmem:s26+$0x130]  }
0x289: {  	v21 =	vmul.f32 v21, v25;
	v25 =	vmul.f32 v27, v19;
	v26 =	vld [tilespmem:s26+$0x1A0]  }
0x28a: {  	v18 =	vadd.f32 $0.0e+00, v18;
	v12 =	vadd.f32 v12, v23;
	v23 =	vmul.f32 v28, v1;
	v27 =	vld [tilespmem:s26+$0x170]  }
0x28b: {  	v21 =	vadd.f32 $0.0e+00, v21;
	v24 =	vadd.f32 $0.0e+00, v24;
	v28 =	vmul.f32 v29, v1;
	v29 =	vld [tilespmem:s26+$0x150]  }
0x28c: {  	v16 =	vadd.f32 v16, v18;
	v12 =	vadd.f32 v15, v12;
	v10 =	vmul.f32 v10, v19;
	v15 =	vld [tilespmem:s26+$0x180]  }
0x28d: {  	v13 =	vadd.f32 v13, v21;
	v18 =	vadd.f32 v22, v24;
	v6 =	vmul.f32 v6, v19;
	v19 =	vld [tilespmem:s26+$0x190]  }
0x28e: {  	v14 =	vadd.f32 v14, v16;
	v12 =	vadd.f32 v17, v12;
	v16 =	vmul.f32 v26, v2;
	v17 =	vld [tilespmem:s26+$0x1B0]  }
0x28f: {  	v8 =	vadd.f32 v8, v13;
	v5 =	vadd.f32 v5, v18;
	v13 =	vmul.f32 v27, v1  }
0x290: {  	v4 =	vadd.f32 v4, v14;
	v6 =	vadd.f32 v6, v12;
	v1 =	vmul.f32 v29, v1;
	v12 =	vld [tilespmem:s26+$0x1F0]  }
0x291: {  	v7 =	vadd.f32 v7, v8;
	v3 =	vadd.f32 v3, v5;
	v5 =	vmul.f32 v15, v2  }
0x292: {  	v4 =	vadd.f32 v9, v4;
	v6 =	vadd.f32 v13, v6;
	v8 =	vmul.f32 v19, v2;
	v9 =	vld [tilespmem:s26+$0x1C0]  }
0x293: {  	v7 =	vadd.f32 v25, v7;
	v3 =	vadd.f32 v10, v3;
	v2 =	vmul.f32 v17, v2;
	v10 =	vld [tilespmem:s26+$0x1D0];
	s26 =	smov.u32 s17  }
0x294: {  	v4 =	vadd.f32 v23, v4  }
0x295: {  	v7 =	vadd.f32 v28, v7;
	v2 =	vadd.f32 v2, v6;
	v6 =	vmul.f32 v12, v20  }
0x296: {  	v1 =	vadd.f32 v1, v3;
	v3 =	vadd.f32 v16, v4  }
0x297: {  	v4 =	vadd.f32 v5, v7;
	v5 =	vmul.f32 v9, v20;
	v2 =	vadd.f32 v6, v2  }
0x298: {  	v1 =	vadd.f32 v8, v1;
	v3 =	vadd.f32 v11, v3;
	v6 =	vmul.f32 v10, v20  }
0x299: {  	v4 =	vadd.f32 v5, v4;
	[tilespmem:s10+$0x0] =	vst v2  }
0x29a: {  	v1 =	vadd.f32 v6, v1;
	[tilespmem:s10+$0xFFFFFFF0] =	vst v3  }
0x29b: {  	[tilespmem:s10+$0xFFFFFFD0] =	vst v4  }
0x29c: {  	[tilespmem:s10+$0xFFFFFFE0] =	vst v1;
	s10 =	smov.u32 s12  }
0x29d: {  	v2 =	vld [tilespmem:s17+$0xFFFFFF60]  }
0x29e: {  	v3 =	vld [tilespmem:s17+$0xFFFFFF10]  }
0x29f: {  	v4 =	vld [tilespmem:s17+$0xFFFFFF30]  }
0x2a0: {  	v5 =	vld [tilespmem:s17+$0xFFFFFF00]  }
0x2a1: {  	v6 =	vld [tilespmem:s17+$0xFFFFFEB0]  }
0x2a2: {  	s4 =	sshra.s32 s4, $0x2;
	v7 =	vld [tilespmem:s17+$0xFFFFFEF0]  }
0x2a3: {  	v1 =	vld.idx.msk [tilespmem:v0+s4+$0x0 ss:$0x1], $0xffff  }
0x2a4: {  	v8 =	vld [tilespmem:s17+$0xFFFFFE80]  }
0x2a5: {  	v9 =	vld [tilespmem:s17+$0xFFFFFEC0]  }
0x2a6: {  	v10 =	vld [tilespmem:s17+$0xFFFFFE00]  }
0x2a7: {  	v11 =	vld [tilespmem:s17+$0xFFFFFE20]  }
0x2a8: {  	v12 =	vld [tilespmem:s17+$0xFFFFFEA0]  }
0x2a9: {  	v13 =	vbroadcast v1, $0x0;
	v15 =	vbroadcast v1, $0x7;
	v14 =	vld [tilespmem:s17+$0xFFFFFE30]  }
0x2aa: {  	v17 =	vbroadcast v1, $0x2;
	v18 =	vbroadcast v1, $0x5;
	v16 =	vld [tilespmem:s17+$0xFFFFFE70]  }
0x2ab: {  	v20 =	vbroadcast v1, $0x6;
	v10 =	vmul.f32 v13, v10;
	v19 =	vld [tilespmem:s17+$0xFFFFFE10]  }
0x2ac: {  	v22 =	vbroadcast v1, $0x4;
	v11 =	vmul.f32 v11, v13;
	v21 =	vld [tilespmem:s17+$0xFFFFFE50]  }
0x2ad: {  	v24 =	vbroadcast v1, $0x3;
	v10 =	vadd.f32 $0.0e+00, v10;
	v23 =	vld [tilespmem:s17+$0xFFFFFE60];
	v12 =	vmul.f32 v12, v17  }
0x2ae: {  	v26 =	vbroadcast v1, $0x1;
	v11 =	vadd.f32 $0.0e+00, v11;
	v14 =	vmul.f32 v14, v13;
	v25 =	vld [tilespmem:s17+$0xFFFFFE40]  }
0x2af: {  	v8 =	vmul.f32 v8, v17;
	v9 =	vmul.f32 v9, v24;
	v27 =	vld [tilespmem:s17+$0xFFFFFED0]  }
0x2b0: {  	v7 =	vmul.f32 v7, v24;
	v13 =	vmul.f32 v19, v13;
	v14 =	vadd.f32 $0.0e+00, v14;
	v19 =	vld [tilespmem:s17+$0xFFFFFE90]  }
0x2b1: {  	v6 =	vmul.f32 v6, v17;
	v21 =	vmul.f32 v21, v26;
	v28 =	vld [tilespmem:s17+$0xFFFFFEE0]  }
0x2b2: {  	v16 =	vmul.f32 v16, v26;
	v13 =	vadd.f32 $0.0e+00, v13;
	v23 =	vmul.f32 v23, v26;
	v29 =	vld [tilespmem:s17+$0xFFFFFF80]  }
0x2b3: {  	v5 =	vmul.f32 v5, v22;
	v25 =	vmul.f32 v25, v26;
	v26 =	vld [tilespmem:s17+$0xFFFFFF70]  }
0x2b4: {  	v14 =	vadd.f32 v16, v14;
	v11 =	vadd.f32 v23, v11;
	v16 =	vmul.f32 v27, v24;
	v23 =	vld [tilespmem:s17+$0xFFFFFF20]  }
0x2b5: {  	v4 =	vmul.f32 v4, v22;
	v10 =	vadd.f32 v25, v10;
	v17 =	vmul.f32 v19, v17;
	v19 =	vld [tilespmem:s17+$0xFFFFFFB0]  }
0x2b6: {  	v3 =	vmul.f32 v3, v22;
	v6 =	vadd.f32 v6, v14;
	v14 =	vmul.f32 v28, v24;
	v24 =	vld [tilespmem:s17+$0xFFFFFF40]  }
0x2b7: {  	v13 =	vadd.f32 v21, v13;
	v8 =	vadd.f32 v8, v10;
	v10 =	vmul.f32 v29, v20;
	v21 =	vld [tilespmem:s17+$0xFFFFFFA0]  }
0x2b8: {  	v11 =	vadd.f32 v12, v11;
	v6 =	vadd.f32 v7, v6;
	v7 =	vld [tilespmem:s17+$0xFFFFFF50];
	v12 =	vmul.f32 v26, v18  }
0x2b9: {  	v2 =	vmul.f32 v2, v18;
	v8 =	vadd.f32 v9, v8;
	v9 =	vmul.f32 v23, v22;
	v22 =	vld [tilespmem:s17+$0xFFFFFFF0]  }
0x2ba: {  	v11 =	vadd.f32 v14, v11;
	v4 =	vadd.f32 v4, v6;
	v6 =	vmul.f32 v19, v20;
	v14 =	vld [tilespmem:s17+$0xFFFFFFC0]  }
0x2bb: {  	v13 =	vadd.f32 v17, v13;
	v5 =	vadd.f32 v5, v8;
	v8 =	vmul.f32 v24, v18;
	v17 =	vld [tilespmem:s17+$0xFFFFFFE0]  }
0x2bc: {  	v4 =	vadd.f32 v12, v4;
	v9 =	vadd.f32 v9, v11;
	v11 =	vld [tilespmem:s17+$0xFFFFFF90];
	v12 =	vmul.f32 v21, v20  }
0x2bd: {  	v13 =	vadd.f32 v16, v13;
	v5 =	vadd.f32 v8, v5;
	v7 =	vmul.f32 v7, v18  }
0x2be: {  	v4 =	vadd.f32 v6, v4;
	v2 =	vadd.f32 v2, v9;
	v6 =	vld [tilespmem:s17+$0xFFFFFFD0];
	v8 =	vmul.f32 v22, v15  }
0x2bf: {  	v3 =	vadd.f32 v3, v13;
	v5 =	vadd.f32 v10, v5;
	v9 =	vmul.f32 v14, v15  }
0x2c0: {  	v2 =	vadd.f32 v12, v2;
	v10 =	vmul.f32 v17, v15;
	v4 =	vadd.f32 v8, v4  }
0x2c1: {  	v3 =	vadd.f32 v7, v3;
	v7 =	vmul.f32 v11, v20;
	v8 =	vadd.f32 v9, v5  }
0x2c2: {  	v5 =	vbroadcast v1, $0xA;
	v2 =	vadd.f32 v10, v2  }
0x2c3: {  	v3 =	vadd.f32 v7, v3;
	v6 =	vmul.f32 v6, v15  }
0x2c4: {  	[tilespmem:s12+$0xFFFFFFB0] =	vst v2  }
0x2c5: {  	v2 =	vadd.f32 v6, v3;
	[tilespmem:s12+$0xFFFFFFC0] =	vst v4  }
0x2c6: {  	[tilespmem:s12+$0xFFFFFF90] =	vst v8  }
0x2c7: {  	[tilespmem:s12+$0xFFFFFFA0] =	vst v2  }
0x2c8: {  	v6 =	vld [tilespmem:s17+$0x90]  }
0x2c9: {  	v7 =	vld [tilespmem:s17+$0xC0]  }
0x2ca: {  	v9 =	vld [tilespmem:s17+$0x120]  }
0x2cb: {  	v11 =	vld [tilespmem:s17+$0x1E0]  }
0x2cc: {  	v8 =	vld [tilespmem:s17+$0x80]  }
0x2cd: {  	v2 =	vld [tilespmem:s17+$0xD0]  }
0x2ce: {  	v3 =	vld [tilespmem:s17+$0xE0]  }
0x2cf: {  	v14 =	vld [tilespmem:s17+$0xA0]  }
.Ltmp6:
0x2d0: {  	v17 =	vld [tilespmem:s17+$0xF0];
	(pc) =	sbr.rel @p2 .LBB2_11-.Ltmp6, $4  }
0x2d1: {  	v10 =	vbroadcast v1, $0xB;
	v15 =	vld [tilespmem:s17+$0xB0]  }
0x2d2: {  	v13 =	vld [tilespmem:s17+$0x40]  }
0x2d3: {  	v16 =	vld [tilespmem:s17+$0x60];
	v4 =	vmul.f32 v3, v10  }
0x2d4: {  	v3 =	vmul.f32 v2, v10;
	v2 =	vbroadcast v1, $0xE;
	v12 =	vld [tilespmem:s17+$0x70]  }
0x2d5: {  	v0 =	vbroadcast v1, $0xC  }
0x2d6: {  	v18 =	vld [tilespmem:s26+$0x20];
	v19 =	vbroadcast v1, $0xF;
	v20 =	vbroadcast v1, $0x9  }
0x2d7: {  	v17 =	vmul.f32 v17, v10;
	v21 =	vld [tilespmem:s26+$0x30];
	v14 =	vmul.f32 v14, v5  }
0x2d8: {  	v22 =	vld [tilespmem:s26+$0x50];
	v24 =	vbroadcast v1, $0x8;
	v32 =	vbroadcast v1, $0xD  }
0x2d9: {  	v23 =	vld [tilespmem:s26+$0x0];
	v8 =	vmul.f32 v8, v5;
	v7 =	vmul.f32 v7, v10  }
0x2da: {  	v25 =	vld [tilespmem:s26+$0x10];
	v36 =	vmul.f32 v6, v5;
	v15 =	vmul.f32 v15, v5  }
0x2db: {  	v26 =	vld [tilespmem:s26+$0x100];
	v11 =	vmul.f32 v11, v19;
	v13 =	vmul.f32 v13, v20  }
0x2dc: {  	v27 =	vld [tilespmem:s26+$0x160];
	v9 =	vmul.f32 v9, v0;
	v21 =	vmul.f32 v21, v24  }
0x2dd: {  	v28 =	vld [tilespmem:s26+$0x140];
	v16 =	vmul.f32 v16, v20;
	v18 =	vmul.f32 v18, v24  }
0x2de: {  	v33 =	vld [tilespmem:s26+$0x110];
	v12 =	vmul.f32 v12, v20;
	v34 =	vmul.f32 v23, v24;
	v21 =	vadd.f32 $0.0e+00, v21  }
0x2df: {  	v37 =	vld [tilespmem:s26+$0x130];
	v20 =	vmul.f32 v22, v20;
	v35 =	vmul.f32 v25, v24;
	v18 =	vadd.f32 $0.0e+00, v18  }
0x2e0: {  	v39 =	vld [tilespmem:s26+$0x1A0];
	v38 =	vmul.f32 v26, v0;
	v40 =	vadd.f32 $0.0e+00, v34;
	v12 =	vadd.f32 v12, v21  }
0x2e1: {  	v42 =	vld [tilespmem:s26+$0x170];
	v41 =	vmul.f32 v27, v32;
	v23 =	vadd.f32 $0.0e+00, v35;
	v16 =	vadd.f32 v16, v18  }
0x2e2: {  	v44 =	vld [tilespmem:s26+$0x150];
	v43 =	vmul.f32 v28, v32;
	v13 =	vadd.f32 v13, v40;
	v12 =	vadd.f32 v15, v12  }
0x2e3: {  	v46 =	vld [tilespmem:s26+$0x1B0];
	v10 =	vmul.f32 v33, v0;
	v45 =	vadd.f32 v20, v23;
	v14 =	vadd.f32 v14, v16  }
0x2e4: {  	v47 =	vld [tilespmem:s26+$0x180];
	v0 =	vmul.f32 v37, v0;
	v8 =	vadd.f32 v8, v13;
	v48 =	vadd.f32 v17, v12  }
0x2e5: {  	v50 =	vld [tilespmem:s26+$0x1F0];
	v49 =	vmul.f32 v39, v2;
	v5 =	vadd.f32 v36, v45;
	v4 =	vadd.f32 v4, v14  }
0x2e6: {  	v51 =	vld [tilespmem:s26+$0x190];
	v52 =	vmul.f32 v42, v32;
	v53 =	vadd.f32 v7, v8;
	v0 =	vadd.f32 v0, v48  }
0x2e7: {  	v54 =	vld [tilespmem:s26+$0x1C0];
	v1 =	vmul.f32 v44, v32;
	v3 =	vadd.f32 v3, v5;
	v4 =	vadd.f32 v9, v4  }
0x2e8: {  	v56 =	vld [tilespmem:s26+$0x1D0];
	v55 =	vmul.f32 v46, v2;
	v6 =	vadd.f32 v38, v53;
	v0 =	vadd.f32 v52, v0  }
0x2e9: {  	v57 =	vmul.f32 v47, v2;
	v3 =	vadd.f32 v10, v3;
	v4 =	vadd.f32 v41, v4  }
0x2ea: {  	v58 =	vmul.f32 v50, v19;
	v6 =	vadd.f32 v43, v6;
	v0 =	vadd.f32 v55, v0  }
0x2eb: {  	s31 =	sadd.s32 $0x1, s31;
	v59 =	vmul.f32 v51, v2;
	v1 =	vadd.f32 v1, v3;
	v60 =	vadd.f32 v49, v4  }
0x2ec: {  	p2 =	sne.s32 s31, $0x14;
	v5 =	vmul.f32 v54, v19;
	v61 =	vadd.f32 v57, v6;
	v0 =	vadd.f32 v58, v0  }
.Ltmp7:
0x2ed: {  	v62 =	vmul.f32 v56, v19;
	v1 =	vadd.f32 v59, v1;
	v3 =	vadd.f32 v11, v60;
	(pc) =	sbr.rel @p2 .LBB2_8-.Ltmp7, $4  }
0x2ee: {  	v4 =	vadd.f32 v5, v61;
	[tilespmem:s10+$0x0] =	vst v0  }
0x2ef: {  	v63 =	vadd.f32 v62, v1;
	[tilespmem:s10+$0xFFFFFFF0] =	vst v3  }
0x2f0: {  	s0 =	sadd.s32 $0x100, s0;
	[tilespmem:s10+$0xFFFFFFD0] =	vst v4  }
0x2f1: {  	s1 =	sadd.s32 $0x800, s1;
	s28 =	sadd.s32 $0x100, s28;
	s25 =	sadd.s32 $0x800, s25;
	[tilespmem:s10+$0xFFFFFFE0] =	vst v63  }
.Ltmp8:
0x2f2: {  	(pc) =	sbr.rel @p1 .LBB2_15-.Ltmp8, $4  }
0x2f3: {  	[hbm4b:s9+s3] =	stream.linear.scatter [tilespmem:s24], [sflag:$0x3], $0xA000, $0x38;
	[tilespmem:$0x1D018] =	vst v63  }
0x2f4: {  	_ =	swait.ge [sflag:s18], $0xA000  }
0x2f5: {  	[sflag:s18] =	ssyncset.done $0x0  }
0x2f6: {  	[sflag:s18] =	ssyncadd.s32 $0xFFFF6000  }
0x2f7: {  	s0 =	rddreg [dreg:$0x7];
	s1 =	simm.s32 $0x1D008  }
0x2f8: {  	[tilespmem:s1], [sflag:$0x3] =	stream.linear.gather [hbm4b:s0+s3], $0x10, $0x38;
	[tilespmem:$0x1D018] =	vst v63  }
0x2f9: {  	_ =	swait.ge [sflag:s18], $0x10  }
0x2fa: {  	[sflag:s18] =	ssyncset.done $0x0  }
0x2fb: {  	s26 =	simm.s32 $0x10;
	[sflag:s18] =	ssyncadd.s32 $0xFFFFFFF0  }
0x2fc: {  	[tilespmem:s20], [sflag:$0x1] =	stream.indirect.gather [spmem:s2], $0x40, s1, s26, $0xb8;
	[tilespmem:$0x1D018] =	vst v63  }
0x2fd: {  	_ =	swait.ge [sflag:s22], $0x400  }
0x2fe: {  	[sflag:s22] =	ssyncset.done $0x0  }
0x2ff: {  	s29 =	simm.s32 $0xC808;
	s28 =	rddreg [dreg:$0x8];
	[sflag:s22] =	ssyncadd.s32 $0xFFFFFC00  }
0x300: {  	[tilespmem:s29], [sflag:$0x3] =	stream.linear.gather [hbm4b:s28+s3], $0x10, $0x38;
	[tilespmem:$0x1D018] =	vst v63  }
0x301: {  	_ =	swait.ge [sflag:s18], $0x10  }
0x302: {  	[sflag:s18] =	ssyncset.done $0x0  }
0x303: {  	[sflag:s18] =	ssyncadd.s32 $0xFFFFFFF0  }
0x304: {  	v0 =	vld [tilespmem:$0xC808]  }
0x305: {  	v1 =	vld [tilespmem:$0xF008]  }
0x306: {  	v2 =	vld [tilespmem:$0xF018]  }
0x307: {  	v3 =	vld [tilespmem:$0xF028]  }
0x308: {  	v4 =	vld [tilespmem:$0xF038]  }
0x309: {  	v5 =	vld [tilespmem:$0xF048]  }
0x30a: {  	v6 =	vld [tilespmem:$0xF058]  }
0x30b: {  	v7 =	vld [tilespmem:$0xF068]  }
0x30c: {  	v8 =	vld [tilespmem:$0xF078]  }
0x30d: {  	v9 =	vld [tilespmem:$0xF088]  }
0x30e: {  	v10 =	vld [tilespmem:$0xF098]  }
0x30f: {  	v11 =	vld [tilespmem:$0xF0A8]  }
0x310: {  	v12 =	vld [tilespmem:$0xF0B8]  }
0x311: {  	v13 =	vld [tilespmem:$0xF0C8]  }
0x312: {  	v14 =	vld [tilespmem:$0xF0D8]  }
0x313: {  	v15 =	vld [tilespmem:$0xF0E8]  }
0x314: {  	v16 =	vld [tilespmem:$0xF0F8]  }
0x315: {  	v17 =	vld [tilespmem:$0xF108];
	v20 =	vbroadcast v0, $0x0;
	v24 =	vbroadcast v0, $0x1  }
0x316: {  	v18 =	vld [tilespmem:$0xF118];
	v27 =	vbroadcast v0, $0x2;
	v45 =	vbroadcast v0, $0x3  }
0x317: {  	v19 =	vld [tilespmem:$0xF128];
	v52 =	vbroadcast v0, $0x4;
	v60 =	vbroadcast v0, $0x5  }
0x318: {  	v21 =	vld [tilespmem:$0xF138];
	v30 =	vbroadcast v0, $0x6;
	v1 =	vmul.f32 v20, v1  }
0x319: {  	v22 =	vld [tilespmem:$0xF148];
	v2 =	vmul.f32 v2, v20;
	v3 =	vmul.f32 v3, v20  }
0x31a: {  	v23 =	vld [tilespmem:$0xF158];
	v4 =	vmul.f32 v4, v20;
	v5 =	vmul.f32 v5, v24  }
0x31b: {  	v25 =	vld [tilespmem:$0xF168];
	v6 =	vmul.f32 v6, v24;
	v38 =	vmul.f32 v7, v24  }
0x31c: {  	v37 =	vld [tilespmem:$0xF178];
	v39 =	vmul.f32 v8, v24;
	v41 =	vmul.f32 v9, v27  }
0x31d: {  	v26 =	vld [tilespmem:$0xF188];
	v42 =	vmul.f32 v10, v27;
	v44 =	vmul.f32 v11, v27  }
0x31e: {  	v28 =	vld [tilespmem:$0xF198];
	v47 =	vmul.f32 v12, v27;
	v49 =	vmul.f32 v13, v45  }
0x31f: {  	v40 =	vld [tilespmem:$0xF1A8];
	v51 =	vmul.f32 v14, v45;
	v54 =	vmul.f32 v15, v45  }
0x320: {  	v43 =	vld [tilespmem:$0xF1B8];
	v11 =	vmul.f32 v16, v45;
	v56 =	vmul.f32 v17, v52  }
0x321: {  	v46 =	vld [tilespmem:$0xF1C8];
	v57 =	vmul.f32 v18, v52;
	v59 =	vmul.f32 v19, v52  }
0x322: {  	v61 =	vld [tilespmem:$0xF228];
	v62 =	vmul.f32 v21, v52;
	v22 =	vmul.f32 v22, v60  }
0x323: {  	v63 =	vld [tilespmem:$0xF238];
	v29 =	vmul.f32 v23, v60;
	v32 =	vmul.f32 v25, v60  }
0x324: {  	v48 =	vld [tilespmem:$0xF1D8];
	v17 =	vmul.f32 v37, v60;
	v34 =	vmul.f32 v26, v30  }
0x325: {  	v50 =	vld [tilespmem:$0xF1E8];
	v35 =	vmul.f32 v28, v30;
	v45 =	vbroadcast v0, $0x8  }
0x326: {  	v53 =	vld [tilespmem:$0xF1F8];
	v37 =	vmul.f32 v40, v30;
	v1 =	vadd.f32 $0.0e+00, v1;
	v2 =	vadd.f32 $0.0e+00, v2  }
0x327: {  	v55 =	vld [tilespmem:$0xF208];
	v3 =	vadd.f32 $0.0e+00, v3;
	v4 =	vadd.f32 $0.0e+00, v4;
	v52 =	vmul.f32 v61, v45  }
0x328: {  	v58 =	vld [tilespmem:$0xF218];
	v7 =	vmul.f32 v63, v45;
	v1 =	vadd.f32 v5, v1;
	v2 =	vadd.f32 v6, v2  }
0x329: {  	v31 =	vld [tilespmem:$0xF258];
	v40 =	vmul.f32 v43, v30;
	v3 =	vadd.f32 v38, v3;
	v4 =	vadd.f32 v39, v4  }
0x32a: {  	v33 =	vld [tilespmem:$0xF268];
	v38 =	vbroadcast v0, $0x7;
	v5 =	vadd.f32 $0.0e+00, v52;
	v7 =	vadd.f32 $0.0e+00, v7  }
0x32b: {  	v27 =	vld [tilespmem:$0xF248];
	v26 =	vbroadcast v0, $0xB;
	v1 =	vadd.f32 v41, v1;
	v2 =	vadd.f32 v42, v2  }
0x32c: {  	v36 =	vld [tilespmem:$0xF278];
	v3 =	vadd.f32 v44, v3;
	v42 =	vmul.f32 v46, v38;
	v44 =	vmul.f32 v48, v38  }
0x32d: {  	v43 =	vld [tilespmem:$0xF2A8];
	v4 =	vadd.f32 v47, v4;
	v47 =	vmul.f32 v50, v38;
	v8 =	vmul.f32 v53, v38  }
0x32e: {  	v30 =	vld [tilespmem:$0xF368];
	v50 =	vmul.f32 v58, v45;
	v53 =	vbroadcast v0, $0x9;
	v1 =	vadd.f32 v49, v1  }
0x32f: {  	v61 =	vld [tilespmem:$0xF328];
	v58 =	vbroadcast v0, $0xA;
	v2 =	vadd.f32 v51, v2;
	v3 =	vadd.f32 v54, v3  }
0x330: {  	v39 =	vld [tilespmem:$0xF288];
	v4 =	vadd.f32 v11, v4;
	v49 =	vmul.f32 v55, v45;
	v12 =	vmul.f32 v27, v53  }
0x331: {  	v46 =	vld [tilespmem:$0xF2B8];
	v60 =	vmul.f32 v33, v53;
	v1 =	vadd.f32 v56, v1;
	v2 =	vadd.f32 v57, v2  }
0x332: {  	v41 =	vld [tilespmem:$0xF298];
	v16 =	vmul.f32 v36, v53;
	v3 =	vadd.f32 v59, v3;
	v4 =	vadd.f32 v62, v4  }
0x333: {  	v48 =	vld [tilespmem:$0xF2C8];
	v19 =	vmul.f32 v31, v53;
	v6 =	vadd.f32 $0.0e+00, v49;
	v56 =	vadd.f32 $0.0e+00, v50  }
0x334: {  	v63 =	vld [tilespmem:$0xF338];
	v25 =	vmul.f32 v43, v58;
	v5 =	vadd.f32 v60, v5;
	v7 =	vadd.f32 v16, v7  }
0x335: {  	v51 =	vld [tilespmem:$0xF2D8];
	v62 =	vmul.f32 v39, v58;
	v1 =	vadd.f32 v22, v1;
	v2 =	vadd.f32 v29, v2  }
0x336: {  	v54 =	vld [tilespmem:$0xF2E8];
	v28 =	vmul.f32 v46, v58;
	v3 =	vadd.f32 v32, v3;
	v4 =	vadd.f32 v17, v4  }
0x337: {  	v57 =	vld [tilespmem:$0xF308];
	v10 =	vmul.f32 v41, v58;
	v6 =	vadd.f32 v12, v6;
	v11 =	vadd.f32 v19, v56  }
0x338: {  	v59 =	vld [tilespmem:$0xF318];
	v9 =	vmul.f32 v48, v26;
	v5 =	vadd.f32 v25, v5;
	v7 =	vadd.f32 v28, v7  }
0x339: {  	v55 =	vld [tilespmem:$0xF2F8];
	v32 =	vbroadcast v0, $0xC;
	v1 =	vadd.f32 v34, v1;
	v2 =	vadd.f32 v35, v2  }
0x33a: {  	v27 =	vld [tilespmem:$0xF348];
	v31 =	vmul.f32 v51, v26;
	v3 =	vadd.f32 v37, v3;
	v4 =	vadd.f32 v40, v4  }
0x33b: {  	v38 =	vld [tilespmem:$0xF398];
	v6 =	vadd.f32 v62, v6;
	v34 =	vmul.f32 v54, v26;
	v39 =	vmul.f32 v61, v32  }
0x33c: {  	v33 =	vld [tilespmem:$0xF378];
	v10 =	vadd.f32 v10, v11;
	v40 =	vbroadcast v0, $0xD;
	v36 =	vmul.f32 v57, v32  }
0x33d: {  	v29 =	vld [tilespmem:$0xF358];
	v37 =	vmul.f32 v59, v32;
	v1 =	vadd.f32 v42, v1;
	v2 =	vadd.f32 v44, v2  }
0x33e: {  	v41 =	vld [tilespmem:$0xF3A8];
	v3 =	vadd.f32 v47, v3;
	v4 =	vadd.f32 v8, v4;
	v8 =	vmul.f32 v55, v26  }
0x33f: {  	v35 =	vld [tilespmem:$0xF388];
	v6 =	vadd.f32 v9, v6;
	v42 =	vmul.f32 v63, v32;
	v44 =	vmul.f32 v27, v40  }
0x340: {  	v45 =	vld [tilespmem:$0xF3C8];
	v10 =	vadd.f32 v31, v10;
	v47 =	vbroadcast v0, $0xE;
	v49 =	vmul.f32 v30, v40  }
0x341: {  	v43 =	vld [tilespmem:$0xF3B8];
	v5 =	vadd.f32 v34, v5;
	v50 =	vmul.f32 v33, v40;
	v0 =	vbroadcast v0, $0xF  }
0x342: {  	v48 =	vld [tilespmem:$0xF3D8];
	v46 =	vmul.f32 v29, v40;
	v7 =	vadd.f32 v8, v7;
	v6 =	vadd.f32 v36, v6  }
0x343: {  	v51 =	vld [tilespmem:$0xF3E8];
	v10 =	vadd.f32 v37, v10;
	v5 =	vadd.f32 v39, v5;
	v54 =	vmul.f32 v38, v47  }
0x344: {  	v53 =	vld [tilespmem:$0xF3F8];
	v56 =	vmul.f32 v41, v47;
	v52 =	vmul.f32 v35, v47;
	v6 =	vadd.f32 v44, v6  }
0x345: {  	v57 =	vmul.f32 v45, v0;
	v7 =	vadd.f32 v42, v7;
	v8 =	vadd.f32 v46, v10  }
0x346: {  	[tilespmem:$0x13008] =	vst v1;
	v59 =	vmul.f32 v43, v47;
	v5 =	vadd.f32 v49, v5;
	v55 =	vadd.f32 v52, v6  }
0x347: {  	[tilespmem:$0x13018] =	vst v2;
	v60 =	vmul.f32 v48, v0;
	v7 =	vadd.f32 v50, v7;
	v58 =	vadd.f32 v54, v8  }
0x348: {  	[tilespmem:$0x13028] =	vst v3;
	v62 =	vmul.f32 v51, v0;
	v61 =	vadd.f32 v56, v5;
	v1 =	vadd.f32 v57, v55  }
0x349: {  	[tilespmem:$0x13038] =	vst v4;
	v0 =	vmul.f32 v53, v0;
	v63 =	vadd.f32 v59, v7;
	v2 =	vadd.f32 v60, v58  }
0x34a: {  	v3 =	vadd.f32 v62, v61;
	[tilespmem:$0x13048] =	vst v1  }
0x34b: {  	v0 =	vadd.f32 v0, v63;
	[tilespmem:$0x13058] =	vst v2  }
0x34c: {  	[tilespmem:$0x13068] =	vst v3  }
.Ltmp9:
0x34d: {  	s31 =	rddreg [dreg:$0x9];
	[tilespmem:$0x13078] =	vst v0;
	(pc) =	sbr.rel .LBB2_15-.Ltmp9, $4  }
0x34e: {  	[hbm4b:s31+s3] =	stream.linear.scatter [tilespmem:s24], [sflag:$0x3], $0x80, $0x38;
	[tilespmem:$0x1D018] =	vst v63  }
0x34f: {  	_ =	swait.ge [sflag:s18], $0x80  }
0x350: {  	[sflag:s18] =	ssyncset.done $0x0  }
0x351: {  	[sflag:s18] =	ssyncadd.s32 $0xFFFFFF80  }
.LBB2_16:
0x352: {  	_ =	sfence.sel $0x180000  }
0x353: {  	[bflag:$0x0] =	sbarrier.arrive $0xFFFF  }
0x354: {  	_ =	strace $0x90000047  }
0x355: {  	s0 =	stileid.u32;
	[bflag:$0x2] =	sbarrier.arrive $0xFFFF  }
0x356: {  	p0 =	sne.s32 s0, $0x0;
	s0 =	rddreg [dreg:$0x5]  }
0x357: {  	s0 =	sadd.s32 @!p0 $0x100000, s0  }
0x358: {  	[sflag:s0] =	ssyncadd.tile.s32 @!p0 $0x1;
	_ =	shalt  }
.Lfunc_end2:
_tile_overlayer_lowered:
.L_overlay_start_2:
0x359: {  	(tag) =	ssettag $0x2  }
0x35a: {  	s0 =	rddreg [dreg:$0x0];
	s2 =	stileid.u32  }
0x35b: {  	s1 =	rddreg [dreg:$0x1];
	p0 =	sne.s32 s2, $0x0  }
0x35c: {  	s3 =	rddreg [dreg:$0x2];
	[bflag:$0x3] =	sbarrier.arrive $0xFFFF;
	s2 =	simm.s32 @!p0 $0x1C03  }
0x35d: {  	[timem:s3], [sflag:s2] =	dma.local @!p0 [hbm:s0], s1  }
0x35e: {  	s0 =	simm.s32 @!p0 $0x3  }
0x35f: {  	_ =	swait.ge @!p0 [sflag:s0], s1  }
0x360: {  	s1 =	ssub.s32 @!p0 $0x0, s1;
	[sflag:s0] =	ssyncset.done @!p0 $0x0  }
0x361: {  	[sflag:s0] =	ssyncadd.s32 @!p0 s1  }
0x362: {  	[bflag:$0x3] =	sbarrier.arrive $0xFFFF  }
0x363: {  	_ =	shalt  }

</sc_bundles>
